<compile_context>
chip_gen: v7x
topology: tpu7x:2x2x1
jax: 0.10.2.dev20260603
libtpu: 0.0.44.dev20260713+nightly
codegen_flags: <defaults>
</compile_context>

<pallas_src>
import functools
import math

import jax
import jax.numpy as jnp
from jax import lax
from jax.experimental import pallas as pl
from jax.experimental.pallas import tpu as pltpu, tpu_sc as plsc

_ALPHA = -8.0
_ENTRIES = 1 << 16
_BITS = 16
_LOG2DENOM = int(math.ceil(math.log2((0.0 - _ALPHA) / (_ENTRIES - 1))))
_INV_DENOM = float(2.0 ** (-_LOG2DENOM))
_BETA = _ALPHA + (2.0 ** _LOG2DENOM) * (_ENTRIES - 1)
_O_OUT = _BITS - int(math.ceil(math.log2(math.exp(_BETA))))
_SCALE = float(2.0 ** (-_O_OUT))

_COLS = 2048
_ROWS = 2 * 8192 * 2048 // _COLS
_NW = 32
_WROWS = _ROWS // _NW
_CROWS = 8
_NCHUNK = _WROWS // _CROWS
_NSLOT = 3

_mesh = plsc.VectorSubcoreMesh(core_axis_name="c", subcore_axis_name="s")


@functools.partial(
    pl.kernel,
    out_type=jax.ShapeDtypeStruct((_ROWS, _COLS), jnp.float32),
    mesh=_mesh,
    scratch_types=(
        [pltpu.VMEM((_ENTRIES,), jnp.float32)]
        + [pltpu.VMEM((_CROWS, _COLS), jnp.float32)] * _NSLOT
        + [pltpu.SemaphoreType.DMA] * (1 + 2 * _NSLOT)
    ),
    compiler_params=pltpu.CompilerParams(needs_layout_passes=False),
)
def _lut_sc(t_hbm, table_hbm, out_hbm, table_v, *bufs_and_sems):
    buf = bufs_and_sems[:_NSLOT]
    sem_tab = bufs_and_sems[_NSLOT]
    sem_t = bufs_and_sems[_NSLOT + 1:_NSLOT + 1 + _NSLOT]
    sem_o = bufs_and_sems[_NSLOT + 1 + _NSLOT:]

    wid = lax.axis_index("s") * 2 + lax.axis_index("c")
    base = wid * _WROWS

    tab_cp = pltpu.async_copy(table_hbm, table_v, sem_tab)

    def start_t(g, b):
        pltpu.async_copy(
            t_hbm.at[pl.ds(base + g * _CROWS, _CROWS), :], buf[b], sem_t[b])

    def wait_t(b):
        pltpu.make_async_copy(
            t_hbm.at[pl.ds(0, _CROWS), :], buf[b], sem_t[b]).wait()

    def wait_o(b):
        pltpu.make_async_copy(
            buf[b], out_hbm.at[pl.ds(0, _CROWS), :], sem_o[b]).wait()

    start_t(0, 0)
    start_t(1, 1)
    tab_cp.wait()

    def do_chunk(g, b):
        wait_t(b)
        tb = buf[b]
        half = _CROWS // 2

        for h in range(2):
            @plsc.parallel_loop(0, _COLS, step=16, unroll=2)
            def _(i, _h=h):
                for r in range(_h * half, (_h + 1) * half):
                    x = tb[r, pl.ds(i, 16)]
                    u = (x - _ALPHA) * _INV_DENOM
                    u = jnp.minimum(jnp.maximum(u, 0.0), float(_ENTRIES - 1))
                    idx = u.astype(jnp.int32)
                    tb[r, pl.ds(i, 16)] = plsc.load_gather(table_v, [idx])

            pltpu.async_copy(
                tb.at[pl.ds(h * half, half), :],
                out_hbm.at[pl.ds(base + g * _CROWS + h * half, half), :],
                sem_o[b])

    def outer(gq, carry):
        for b in range(_NSLOT):
            g = gq * _NSLOT + b
            do_chunk(g, b)
            nxt = (b + 2) % _NSLOT
            if b == 0:
                @pl.when(g >= 1)
                def _():
                    wait_o(nxt)
                start_t(g + 2, nxt)
            elif b == 1:
                wait_o(nxt)
                start_t(g + 2, nxt)
            else:
                @pl.when(g + 2 < _NCHUNK)
                def _():
                    wait_o(nxt)
                    start_t(g + 2, nxt)
        return carry

    lax.fori_loop(0, _NCHUNK // _NSLOT, outer, 0)
    do_chunk(_NCHUNK - 1, (_NCHUNK - 1) % _NSLOT)
    for b in range(_NSLOT):
        wait_o(b)


def kernel(t, table):
    table_f = table.astype(jnp.float32) * jnp.float32(_SCALE)
    out = _lut_sc(t.reshape(_ROWS, _COLS), table_f)
    return out.reshape(t.shape)

# --- scband reference (transcript-rebuilt; emitter-appended) ---
"""Pipeline reference for scband-int-lut-49615462204002 (READ-ONLY COPY).

The authoritative reference and input builder live on the scoring server;
editing this copy changes nothing except your own understanding.
"""

import jax, jax.numpy as jnp
import numpy as np
import math

ALPHA = -8.0
BETA0 = 0.0
ADDRWIDTH = 16
ENTRIES = 2 ** ADDRWIDTH
BITS = 16
_denom0 = (BETA0 - ALPHA) / (ENTRIES - 1)
LOG2DENOM = int(math.ceil(math.log2(_denom0)))  # = -12 (note: ceil of negative log2 inflates range, faithful to torch)
DENOM = 2.0 ** LOG2DENOM
BETA = ALPHA + DENOM * (ENTRIES - 1)


def _build_table():
    idxs = np.arange(ENTRIES, dtype=np.float64)
    x = idxs * DENOM + ALPHA
    tab = np.exp(x)  # fn = exp
    o_out = BITS - int(np.ceil(np.log2(tab.max())))
    tab_i = np.clip(np.round(tab * (1 << o_out)), 0, 2 ** BITS - 1).astype(np.int64)
    return jnp.asarray(tab_i), o_out

TABLE, O_OUT = _build_table()


def setup_inputs(seed: int = 0) -> dict:
    key = jax.random.key(seed)
    t = jax.random.normal(key, (2, 8192, 2048), dtype=jnp.float32)
    return {"t": t, "table": TABLE}


def reference(t, table):
    t = t.astype(jnp.float32)
    indices = jnp.floor((t - ALPHA) / DENOM).astype(jnp.int64)
    indices = jnp.clip(indices, 0, ENTRIES - 1)
    out = jnp.take(table, indices, axis=0)
    out = out / (2 ** O_OUT)
    return out.astype(jnp.float32)

if __name__ == "__main__":
    import jax
    _d = setup_inputs()
    print(jax.jit(kernel)(*tuple(_d.values())))

</pallas_src>

<mosaic_0001>
#map = affine_map<(d0, d1) -> (0, 0)>
#map1 = affine_map<(d0, d1) -> (0)>
module attributes {stable_mosaic.version = 14 : i64} {
  func.func @_lut_sc(%arg0: i32, %arg1: i32, %arg2: memref<16384x2048xf32, #tpu.memory_space<hbm>>, %arg3: memref<65536xf32, #tpu.memory_space<hbm>>, %arg4: memref<16384x2048xf32, #tpu.memory_space<hbm>>, %arg5: memref<65536xf32, #tpu.memory_space<vmem>>, %arg6: memref<8x2048xf32, #tpu.memory_space<vmem>>, %arg7: memref<8x2048xf32, #tpu.memory_space<vmem>>, %arg8: memref<8x2048xf32, #tpu.memory_space<vmem>>, %arg9: memref<!tpu.dma_semaphore, #tpu.memory_space<semaphore_mem>>, %arg10: memref<!tpu.dma_semaphore, #tpu.memory_space<semaphore_mem>>, %arg11: memref<!tpu.dma_semaphore, #tpu.memory_space<semaphore_mem>>, %arg12: memref<!tpu.dma_semaphore, #tpu.memory_space<semaphore_mem>>, %arg13: memref<!tpu.dma_semaphore, #tpu.memory_space<semaphore_mem>>, %arg14: memref<!tpu.dma_semaphore, #tpu.memory_space<semaphore_mem>>, %arg15: memref<!tpu.dma_semaphore, #tpu.memory_space<semaphore_mem>>) attributes {dimension_semantics = [#tpu.dimension_semantics<core_parallel>, #tpu.dimension_semantics<subcore_parallel>], iteration_bounds = array<i64: 2, 16>, scalar_prefetch = 0 : i64, scratch_operands = 11 : i64, tpu.core_type = #tpu.core_type<sc_vector_subcore>, window_params = [{transform_indices = #map}, {transform_indices = #map1}, {transform_indices = #map}]} {
    %mul3A = arith.constant 2 : i32
    %mul3A_0 = arith.muli %arg1, %mul3A : i32
    %add3A = arith.addi %mul3A_0, %arg0 : i32
    %mul3A_1 = arith.constant 512 : i32
    %mul3A_2 = arith.muli %add3A, %mul3A_1 : i32
    tpu.enqueue_dma source(%arg3 : memref<65536xf32, #tpu.memory_space<hbm>>) target(%arg5 : memref<65536xf32, #tpu.memory_space<vmem>>) target_semaphore(%arg9 : memref<!tpu.dma_semaphore, #tpu.memory_space<semaphore_mem>>)
    %add3A_3 = arith.constant 0 : i32
    %add3A_4 = arith.addi %mul3A_2, %add3A_3 : i32
    %dma_start3A = arith.constant 0 : i32
    %dma_start3A_5 = tpu.memref_slice %arg2[%add3A_4, %dma_start3A] : memref<16384x2048xf32, #tpu.memory_space<hbm>> -> memref<8x2048xf32, #tpu.memory_space<hbm>>
    %dma_start3A_6 = arith.constant 0 : i32
    %dma_start3A_7 = tpu.memref_slice %arg2[%add3A_4, %dma_start3A_6] : memref<16384x2048xf32, #tpu.memory_space<hbm>> -> memref<8x2048xf32, #tpu.memory_space<hbm>>
    tpu.enqueue_dma source(%dma_start3A_7 : memref<8x2048xf32, #tpu.memory_space<hbm>>) target(%arg6 : memref<8x2048xf32, #tpu.memory_space<vmem>>) target_semaphore(%arg10 : memref<!tpu.dma_semaphore, #tpu.memory_space<semaphore_mem>>)
    %add3A_8 = arith.constant 8 : i32
    %add3A_9 = arith.addi %mul3A_2, %add3A_8 : i32
    %dma_start3A_10 = arith.constant 0 : i32
    %dma_start3A_11 = tpu.memref_slice %arg2[%add3A_9, %dma_start3A_10] : memref<16384x2048xf32, #tpu.memory_space<hbm>> -> memref<8x2048xf32, #tpu.memory_space<hbm>>
    %dma_start3A_12 = arith.constant 0 : i32
    %dma_start3A_13 = tpu.memref_slice %arg2[%add3A_9, %dma_start3A_12] : memref<16384x2048xf32, #tpu.memory_space<hbm>> -> memref<8x2048xf32, #tpu.memory_space<hbm>>
    tpu.enqueue_dma source(%dma_start3A_13 : memref<8x2048xf32, #tpu.memory_space<hbm>>) target(%arg7 : memref<8x2048xf32, #tpu.memory_space<vmem>>) target_semaphore(%arg11 : memref<!tpu.dma_semaphore, #tpu.memory_space<semaphore_mem>>)
    tpu.wait_dma2 semaphore(%arg9 : memref<!tpu.dma_semaphore, #tpu.memory_space<semaphore_mem>>) src(%arg3 : memref<65536xf32, #tpu.memory_space<hbm>>) dst(%arg5 : memref<65536xf32, #tpu.memory_space<vmem>>)
    %scan3A = arith.constant 0 : i32
    %scan3A_14 = arith.constant 0 : i32
    %scan3A_15 = arith.constant 21 : i32
    %scan3A_16 = arith.addi %scan3A_14, %scan3A_15 : i32
    %scan3A_17 = arith.constant 1 : i32
    scf.for %scan3A_75 = %scan3A_14 to %scan3A_16 step %scan3A_17  : i32 {
      %mul3A_76 = arith.constant 3 : i32
      %mul3A_77 = arith.muli %scan3A_75, %mul3A_76 : i32
      %add3A_78 = arith.constant 0 : i32
      %add3A_79 = arith.addi %mul3A_77, %add3A_78 : i32
      %dma_wait3A_80 = arith.constant 0 : i32
      %dma_wait3A_81 = arith.constant 0 : i32
      %dma_wait3A_82 = tpu.memref_slice %arg2[%dma_wait3A_80, %dma_wait3A_81] : memref<16384x2048xf32, #tpu.memory_space<hbm>> -> memref<8x2048xf32, #tpu.memory_space<hbm>>
      %dma_wait3A_83 = arith.constant 0 : i32
      %dma_wait3A_84 = arith.constant 0 : i32
      %dma_wait3A_85 = tpu.memref_slice %arg2[%dma_wait3A_83, %dma_wait3A_84] : memref<16384x2048xf32, #tpu.memory_space<hbm>> -> memref<8x2048xf32, #tpu.memory_space<hbm>>
      tpu.wait_dma2 semaphore(%arg10 : memref<!tpu.dma_semaphore, #tpu.memory_space<semaphore_mem>>) src(%dma_wait3A_85 : memref<8x2048xf32, #tpu.memory_space<hbm>>) dst(%arg6 : memref<8x2048xf32, #tpu.memory_space<vmem>>)
      %parallel_loop3A_86 = arith.constant 0 : i32
      %parallel_loop3A_87 = arith.constant 2048 : i32
      %parallel_loop3A_88 = arith.constant 16 : i32
      scf.for %parallel_loop3A_246 = %parallel_loop3A_86 to %parallel_loop3A_87 step %parallel_loop3A_88  : i32 {
        %parallel_loop3A_247 = arith.constant 0 : i32
        %parallel_loop3A_248 = arith.index_cast %parallel_loop3A_247 : i32 to index
        %parallel_loop3A_249 = arith.index_cast %parallel_loop3A_246 : i32 to index
        %parallel_loop3A_250 = tpu.vector_load %arg6[%parallel_loop3A_248, %parallel_loop3A_249] {strides = array<i32>} : memref<8x2048xf32, #tpu.memory_space<vmem>>, vector<16xf32>,
        %parallel_loop3A_251 = arith.constant -8.000000e+00 : f32
        %parallel_loop3A_252 = vector.broadcast %parallel_loop3A_251 : f32 to vector<16xf32>
        %parallel_loop3A_253 = arith.subf %parallel_loop3A_250, %parallel_loop3A_252 : vector<16xf32>
        %parallel_loop3A_254 = arith.constant 4.096000e+03 : f32
        %parallel_loop3A_255 = vector.broadcast %parallel_loop3A_254 : f32 to vector<16xf32>
        %parallel_loop3A_256 = arith.mulf %parallel_loop3A_253, %parallel_loop3A_255 : vector<16xf32>
        %parallel_loop3A_257 = arith.constant 0.000000e+00 : f32
        %parallel_loop3A_258 = vector.broadcast %parallel_loop3A_257 : f32 to vector<16xf32>
        %parallel_loop3A_259 = arith.maximumf %parallel_loop3A_256, %parallel_loop3A_258 : vector<16xf32>
        %parallel_loop3A_260 = arith.constant 6.553500e+04 : f32
        %parallel_loop3A_261 = vector.broadcast %parallel_loop3A_260 : f32 to vector<16xf32>
        %parallel_loop3A_262 = arith.minimumf %parallel_loop3A_259, %parallel_loop3A_261 : vector<16xf32>
        %parallel_loop3A_263 = arith.fptosi %parallel_loop3A_262 : vector<16xf32> to vector<16xi32>
        %parallel_loop3A_264 = tpu.vector_load_idx %arg5[%parallel_loop3A_263] : memref<65536xf32, #tpu.memory_space<vmem>>[vector<16xi32>], vector<16xf32>,
        %parallel_loop3A_265 = arith.constant 0 : i32
        %parallel_loop3A_266 = arith.index_cast %parallel_loop3A_265 : i32 to index
        %parallel_loop3A_267 = arith.index_cast %parallel_loop3A_246 : i32 to index
        %parallel_loop3A_268 = tpu.vector_load %arg6[%parallel_loop3A_266, %parallel_loop3A_267] {strides = array<i32>} : memref<8x2048xf32, #tpu.memory_space<vmem>>, vector<16xf32>,
        tpu.vector_store %arg6[%parallel_loop3A_266, %parallel_loop3A_267], %parallel_loop3A_264 {strides = array<i32>} : memref<8x2048xf32, #tpu.memory_space<vmem>>, vector<16xf32>,
        %parallel_loop3A_269 = arith.constant 1 : i32
        %parallel_loop3A_270 = arith.index_cast %parallel_loop3A_269 : i32 to index
        %parallel_loop3A_271 = arith.index_cast %parallel_loop3A_246 : i32 to index
        %parallel_loop3A_272 = tpu.vector_load %arg6[%parallel_loop3A_270, %parallel_loop3A_271] {strides = array<i32>} : memref<8x2048xf32, #tpu.memory_space<vmem>>, vector<16xf32>,
        %parallel_loop3A_273 = arith.constant -8.000000e+00 : f32
        %parallel_loop3A_274 = vector.broadcast %parallel_loop3A_273 : f32 to vector<16xf32>
        %parallel_loop3A_275 = arith.subf %parallel_loop3A_272, %parallel_loop3A_274 : vector<16xf32>
        %parallel_loop3A_276 = arith.constant 4.096000e+03 : f32
        %parallel_loop3A_277 = vector.broadcast %parallel_loop3A_276 : f32 to vector<16xf32>
        %parallel_loop3A_278 = arith.mulf %parallel_loop3A_275, %parallel_loop3A_277 : vector<16xf32>
        %parallel_loop3A_279 = arith.constant 0.000000e+00 : f32
        %parallel_loop3A_280 = vector.broadcast %parallel_loop3A_279 : f32 to vector<16xf32>
        %parallel_loop3A_281 = arith.maximumf %parallel_loop3A_278, %parallel_loop3A_280 : vector<16xf32>
        %parallel_loop3A_282 = arith.constant 6.553500e+04 : f32
        %parallel_loop3A_283 = vector.broadcast %parallel_loop3A_282 : f32 to vector<16xf32>
        %parallel_loop3A_284 = arith.minimumf %parallel_loop3A_281, %parallel_loop3A_283 : vector<16xf32>
        %parallel_loop3A_285 = arith.fptosi %parallel_loop3A_284 : vector<16xf32> to vector<16xi32>
        %parallel_loop3A_286 = tpu.vector_load_idx %arg5[%parallel_loop3A_285] : memref<65536xf32, #tpu.memory_space<vmem>>[vector<16xi32>], vector<16xf32>,
        %parallel_loop3A_287 = arith.constant 1 : i32
        %parallel_loop3A_288 = arith.index_cast %parallel_loop3A_287 : i32 to index
        %parallel_loop3A_289 = arith.index_cast %parallel_loop3A_246 : i32 to index
        %parallel_loop3A_290 = tpu.vector_load %arg6[%parallel_loop3A_288, %parallel_loop3A_289] {strides = array<i32>} : memref<8x2048xf32, #tpu.memory_space<vmem>>, vector<16xf32>,
        tpu.vector_store %arg6[%parallel_loop3A_288, %parallel_loop3A_289], %parallel_loop3A_286 {strides = array<i32>} : memref<8x2048xf32, #tpu.memory_space<vmem>>, vector<16xf32>,
        %parallel_loop3A_291 = arith.constant 2 : i32
        %parallel_loop3A_292 = arith.index_cast %parallel_loop3A_291 : i32 to index
        %parallel_loop3A_293 = arith.index_cast %parallel_loop3A_246 : i32 to index
        %parallel_loop3A_294 = tpu.vector_load %arg6[%parallel_loop3A_292, %parallel_loop3A_293] {strides = array<i32>} : memref<8x2048xf32, #tpu.memory_space<vmem>>, vector<16xf32>,
        %parallel_loop3A_295 = arith.constant -8.000000e+00 : f32
        %parallel_loop3A_296 = vector.broadcast %parallel_loop3A_295 : f32 to vector<16xf32>
        %parallel_loop3A_297 = arith.subf %parallel_loop3A_294, %parallel_loop3A_296 : vector<16xf32>
        %parallel_loop3A_298 = arith.constant 4.096000e+03 : f32
        %parallel_loop3A_299 = vector.broadcast %parallel_loop3A_298 : f32 to vector<16xf32>
        %parallel_loop3A_300 = arith.mulf %parallel_loop3A_297, %parallel_loop3A_299 : vector<16xf32>
        %parallel_loop3A_301 = arith.constant 0.000000e+00 : f32
        %parallel_loop3A_302 = vector.broadcast %parallel_loop3A_301 : f32 to vector<16xf32>
        %parallel_loop3A_303 = arith.maximumf %parallel_loop3A_300, %parallel_loop3A_302 : vector<16xf32>
        %parallel_loop3A_304 = arith.constant 6.553500e+04 : f32
        %parallel_loop3A_305 = vector.broadcast %parallel_loop3A_304 : f32 to vector<16xf32>
        %parallel_loop3A_306 = arith.minimumf %parallel_loop3A_303, %parallel_loop3A_305 : vector<16xf32>
        %parallel_loop3A_307 = arith.fptosi %parallel_loop3A_306 : vector<16xf32> to vector<16xi32>
        %parallel_loop3A_308 = tpu.vector_load_idx %arg5[%parallel_loop3A_307] : memref<65536xf32, #tpu.memory_space<vmem>>[vector<16xi32>], vector<16xf32>,
        %parallel_loop3A_309 = arith.constant 2 : i32
        %parallel_loop3A_310 = arith.index_cast %parallel_loop3A_309 : i32 to index
        %parallel_loop3A_311 = arith.index_cast %parallel_loop3A_246 : i32 to index
        %parallel_loop3A_312 = tpu.vector_load %arg6[%parallel_loop3A_310, %parallel_loop3A_311] {strides = array<i32>} : memref<8x2048xf32, #tpu.memory_space<vmem>>, vector<16xf32>,
        tpu.vector_store %arg6[%parallel_loop3A_310, %parallel_loop3A_311], %parallel_loop3A_308 {strides = array<i32>} : memref<8x2048xf32, #tpu.memory_space<vmem>>, vector<16xf32>,
        %parallel_loop3A_313 = arith.constant 3 : i32
        %parallel_loop3A_314 = arith.index_cast %parallel_loop3A_313 : i32 to index
        %parallel_loop3A_315 = arith.index_cast %parallel_loop3A_246 : i32 to index
        %parallel_loop3A_316 = tpu.vector_load %arg6[%parallel_loop3A_314, %parallel_loop3A_315] {strides = array<i32>} : memref<8x2048xf32, #tpu.memory_space<vmem>>, vector<16xf32>,
        %parallel_loop3A_317 = arith.constant -8.000000e+00 : f32
        %parallel_loop3A_318 = vector.broadcast %parallel_loop3A_317 : f32 to vector<16xf32>
        %parallel_loop3A_319 = arith.subf %parallel_loop3A_316, %parallel_loop3A_318 : vector<16xf32>
        %parallel_loop3A_320 = arith.constant 4.096000e+03 : f32
        %parallel_loop3A_321 = vector.broadcast %parallel_loop3A_320 : f32 to vector<16xf32>
        %parallel_loop3A_322 = arith.mulf %parallel_loop3A_319, %parallel_loop3A_321 : vector<16xf32>
        %parallel_loop3A_323 = arith.constant 0.000000e+00 : f32
        %parallel_loop3A_324 = vector.broadcast %parallel_loop3A_323 : f32 to vector<16xf32>
        %parallel_loop3A_325 = arith.maximumf %parallel_loop3A_322, %parallel_loop3A_324 : vector<16xf32>
        %parallel_loop3A_326 = arith.constant 6.553500e+04 : f32
        %parallel_loop3A_327 = vector.broadcast %parallel_loop3A_326 : f32 to vector<16xf32>
        %parallel_loop3A_328 = arith.minimumf %parallel_loop3A_325, %parallel_loop3A_327 : vector<16xf32>
        %parallel_loop3A_329 = arith.fptosi %parallel_loop3A_328 : vector<16xf32> to vector<16xi32>
        %parallel_loop3A_330 = tpu.vector_load_idx %arg5[%parallel_loop3A_329] : memref<65536xf32, #tpu.memory_space<vmem>>[vector<16xi32>], vector<16xf32>,
        %parallel_loop3A_331 = arith.constant 3 : i32
        %parallel_loop3A_332 = arith.index_cast %parallel_loop3A_331 : i32 to index
        %parallel_loop3A_333 = arith.index_cast %parallel_loop3A_246 : i32 to index
        %parallel_loop3A_334 = tpu.vector_load %arg6[%parallel_loop3A_332, %parallel_loop3A_333] {strides = array<i32>} : memref<8x2048xf32, #tpu.memory_space<vmem>>, vector<16xf32>,
        tpu.vector_store %arg6[%parallel_loop3A_332, %parallel_loop3A_333], %parallel_loop3A_330 {strides = array<i32>} : memref<8x2048xf32, #tpu.memory_space<vmem>>, vector<16xf32>,
      } {sc.loop_unroll_factor = 2 : i64, sc.parallel_access}
      %mul3A_89 = arith.constant 8 : i32
      %mul3A_90 = arith.muli %add3A_79, %mul3A_89 : i32
      %add3A_91 = arith.addi %mul3A_2, %mul3A_90 : i32
      %add3A_92 = arith.constant 0 : i32
      %add3A_93 = arith.addi %add3A_91, %add3A_92 : i32
      %dma_start3A_94 = arith.constant 0 : i32
      %dma_start3A_95 = arith.constant 0 : i32
      %dma_start3A_96 = tpu.memref_slice %arg6[%dma_start3A_94, %dma_start3A_95] : memref<8x2048xf32, #tpu.memory_space<vmem>> -> memref<4x2048xf32, #tpu.memory_space<vmem>>
      %dma_start3A_97 = arith.constant 0 : i32
      %dma_start3A_98 = tpu.memref_slice %arg4[%add3A_93, %dma_start3A_97] : memref<16384x2048xf32, #tpu.memory_space<hbm>> -> memref<4x2048xf32, #tpu.memory_space<hbm>>
      %dma_start3A_99 = arith.constant 0 : i32
      %dma_start3A_100 = tpu.memref_slice %arg4[%add3A_93, %dma_start3A_99] : memref<16384x2048xf32, #tpu.memory_space<hbm>> -> memref<4x2048xf32, #tpu.memory_space<hbm>>
      %dma_start3A_101 = arith.constant 0 : i32
      %dma_start3A_102 = arith.constant 0 : i32
      %dma_start3A_103 = tpu.memref_slice %arg6[%dma_start3A_101, %dma_start3A_102] : memref<8x2048xf32, #tpu.memory_space<vmem>> -> memref<4x2048xf32, #tpu.memory_space<vmem>>
      tpu.enqueue_dma source(%dma_start3A_103 : memref<4x2048xf32, #tpu.memory_space<vmem>>) target(%dma_start3A_100 : memref<4x2048xf32, #tpu.memory_space<hbm>>) target_semaphore(%arg13 : memref<!tpu.dma_semaphore, #tpu.memory_space<semaphore_mem>>)
      %parallel_loop3A_104 = arith.constant 0 : i32
      %parallel_loop3A_105 = arith.constant 2048 : i32
      %parallel_loop3A_106 = arith.constant 16 : i32
      scf.for %parallel_loop3A_246 = %parallel_loop3A_104 to %parallel_loop3A_105 step %parallel_loop3A_106  : i32 {
        %parallel_loop3A_247 = arith.constant 4 : i32
        %parallel_loop3A_248 = arith.index_cast %parallel_loop3A_247 : i32 to index
        %parallel_loop3A_249 = arith.index_cast %parallel_loop3A_246 : i32 to index
        %parallel_loop3A_250 = tpu.vector_load %arg6[%parallel_loop3A_248, %parallel_loop3A_249] {strides = array<i32>} : memref<8x2048xf32, #tpu.memory_space<vmem>>, vector<16xf32>,
        %parallel_loop3A_251 = arith.constant -8.000000e+00 : f32
        %parallel_loop3A_252 = vector.broadcast %parallel_loop3A_251 : f32 to vector<16xf32>
        %parallel_loop3A_253 = arith.subf %parallel_loop3A_250, %parallel_loop3A_252 : vector<16xf32>
        %parallel_loop3A_254 = arith.constant 4.096000e+03 : f32
        %parallel_loop3A_255 = vector.broadcast %parallel_loop3A_254 : f32 to vector<16xf32>
        %parallel_loop3A_256 = arith.mulf %parallel_loop3A_253, %parallel_loop3A_255 : vector<16xf32>
        %parallel_loop3A_257 = arith.constant 0.000000e+00 : f32
        %parallel_loop3A_258 = vector.broadcast %parallel_loop3A_257 : f32 to vector<16xf32>
        %parallel_loop3A_259 = arith.maximumf %parallel_loop3A_256, %parallel_loop3A_258 : vector<16xf32>
        %parallel_loop3A_260 = arith.constant 6.553500e+04 : f32
        %parallel_loop3A_261 = vector.broadcast %parallel_loop3A_260 : f32 to vector<16xf32>
        %parallel_loop3A_262 = arith.minimumf %parallel_loop3A_259, %parallel_loop3A_261 : vector<16xf32>
        %parallel_loop3A_263 = arith.fptosi %parallel_loop3A_262 : vector<16xf32> to vector<16xi32>
        %parallel_loop3A_264 = tpu.vector_load_idx %arg5[%parallel_loop3A_263] : memref<65536xf32, #tpu.memory_space<vmem>>[vector<16xi32>], vector<16xf32>,
        %parallel_loop3A_265 = arith.constant 4 : i32
        %parallel_loop3A_266 = arith.index_cast %parallel_loop3A_265 : i32 to index
        %parallel_loop3A_267 = arith.index_cast %parallel_loop3A_246 : i32 to index
        %parallel_loop3A_268 = tpu.vector_load %arg6[%parallel_loop3A_266, %parallel_loop3A_267] {strides = array<i32>} : memref<8x2048xf32, #tpu.memory_space<vmem>>, vector<16xf32>,
        tpu.vector_store %arg6[%parallel_loop3A_266, %parallel_loop3A_267], %parallel_loop3A_264 {strides = array<i32>} : memref<8x2048xf32, #tpu.memory_space<vmem>>, vector<16xf32>,
        %parallel_loop3A_269 = arith.constant 5 : i32
        %parallel_loop3A_270 = arith.index_cast %parallel_loop3A_269 : i32 to index
        %parallel_loop3A_271 = arith.index_cast %parallel_loop3A_246 : i32 to index
        %parallel_loop3A_272 = tpu.vector_load %arg6[%parallel_loop3A_270, %parallel_loop3A_271] {strides = array<i32>} : memref<8x2048xf32, #tpu.memory_space<vmem>>, vector<16xf32>,
        %parallel_loop3A_273 = arith.constant -8.000000e+00 : f32
        %parallel_loop3A_274 = vector.broadcast %parallel_loop3A_273 : f32 to vector<16xf32>
        %parallel_loop3A_275 = arith.subf %parallel_loop3A_272, %parallel_loop3A_274 : vector<16xf32>
        %parallel_loop3A_276 = arith.constant 4.096000e+03 : f32
        %parallel_loop3A_277 = vector.broadcast %parallel_loop3A_276 : f32 to vector<16xf32>
        %parallel_loop3A_278 = arith.mulf %parallel_loop3A_275, %parallel_loop3A_277 : vector<16xf32>
        %parallel_loop3A_279 = arith.constant 0.000000e+00 : f32
        %parallel_loop3A_280 = vector.broadcast %parallel_loop3A_279 : f32 to vector<16xf32>
        %parallel_loop3A_281 = arith.maximumf %parallel_loop3A_278, %parallel_loop3A_280 : vector<16xf32>
        %parallel_loop3A_282 = arith.constant 6.553500e+04 : f32
        %parallel_loop3A_283 = vector.broadcast %parallel_loop3A_282 : f32 to vector<16xf32>
        %parallel_loop3A_284 = arith.minimumf %parallel_loop3A_281, %parallel_loop3A_283 : vector<16xf32>
        %parallel_loop3A_285 = arith.fptosi %parallel_loop3A_284 : vector<16xf32> to vector<16xi32>
        %parallel_loop3A_286 = tpu.vector_load_idx %arg5[%parallel_loop3A_285] : memref<65536xf32, #tpu.memory_space<vmem>>[vector<16xi32>], vector<16xf32>,
        %parallel_loop3A_287 = arith.constant 5 : i32
        %parallel_loop3A_288 = arith.index_cast %parallel_loop3A_287 : i32 to index
        %parallel_loop3A_289 = arith.index_cast %parallel_loop3A_246 : i32 to index
        %parallel_loop3A_290 = tpu.vector_load %arg6[%parallel_loop3A_288, %parallel_loop3A_289] {strides = array<i32>} : memref<8x2048xf32, #tpu.memory_space<vmem>>, vector<16xf32>,
        tpu.vector_store %arg6[%parallel_loop3A_288, %parallel_loop3A_289], %parallel_loop3A_286 {strides = array<i32>} : memref<8x2048xf32, #tpu.memory_space<vmem>>, vector<16xf32>,
        %parallel_loop3A_291 = arith.constant 6 : i32
        %parallel_loop3A_292 = arith.index_cast %parallel_loop3A_291 : i32 to index
        %parallel_loop3A_293 = arith.index_cast %parallel_loop3A_246 : i32 to index
        %parallel_loop3A_294 = tpu.vector_load %arg6[%parallel_loop3A_292, %parallel_loop3A_293] {strides = array<i32>} : memref<8x2048xf32, #tpu.memory_space<vmem>>, vector<16xf32>,
        %parallel_loop3A_295 = arith.constant -8.000000e+00 : f32
        %parallel_loop3A_296 = vector.broadcast %parallel_loop3A_295 : f32 to vector<16xf32>
        %parallel_loop3A_297 = arith.subf %parallel_loop3A_294, %parallel_loop3A_296 : vector<16xf32>
        %parallel_loop3A_298 = arith.constant 4.096000e+03 : f32
        %parallel_loop3A_299 = vector.broadcast %parallel_loop3A_298 : f32 to vector<16xf32>
        %parallel_loop3A_300 = arith.mulf %parallel_loop3A_297, %parallel_loop3A_299 : vector<16xf32>
        %parallel_loop3A_301 = arith.constant 0.000000e+00 : f32
        %parallel_loop3A_302 = vector.broadcast %parallel_loop3A_301 : f32 to vector<16xf32>
        %parallel_loop3A_303 = arith.maximumf %parallel_loop3A_300, %parallel_loop3A_302 : vector<16xf32>
        %parallel_loop3A_304 = arith.constant 6.553500e+04 : f32
        %parallel_loop3A_305 = vector.broadcast %parallel_loop3A_304 : f32 to vector<16xf32>
        %parallel_loop3A_306 = arith.minimumf %parallel_loop3A_303, %parallel_loop3A_305 : vector<16xf32>
        %parallel_loop3A_307 = arith.fptosi %parallel_loop3A_306 : vector<16xf32> to vector<16xi32>
        %parallel_loop3A_308 = tpu.vector_load_idx %arg5[%parallel_loop3A_307] : memref<65536xf32, #tpu.memory_space<vmem>>[vector<16xi32>], vector<16xf32>,
        %parallel_loop3A_309 = arith.constant 6 : i32
        %parallel_loop3A_310 = arith.index_cast %parallel_loop3A_309 : i32 to index
        %parallel_loop3A_311 = arith.index_cast %parallel_loop3A_246 : i32 to index
        %parallel_loop3A_312 = tpu.vector_load %arg6[%parallel_loop3A_310, %parallel_loop3A_311] {strides = array<i32>} : memref<8x2048xf32, #tpu.memory_space<vmem>>, vector<16xf32>,
        tpu.vector_store %arg6[%parallel_loop3A_310, %parallel_loop3A_311], %parallel_loop3A_308 {strides = array<i32>} : memref<8x2048xf32, #tpu.memory_space<vmem>>, vector<16xf32>,
        %parallel_loop3A_313 = arith.constant 7 : i32
        %parallel_loop3A_314 = arith.index_cast %parallel_loop3A_313 : i32 to index
        %parallel_loop3A_315 = arith.index_cast %parallel_loop3A_246 : i32 to index
        %parallel_loop3A_316 = tpu.vector_load %arg6[%parallel_loop3A_314, %parallel_loop3A_315] {strides = array<i32>} : memref<8x2048xf32, #tpu.memory_space<vmem>>, vector<16xf32>,
        %parallel_loop3A_317 = arith.constant -8.000000e+00 : f32
        %parallel_loop3A_318 = vector.broadcast %parallel_loop3A_317 : f32 to vector<16xf32>
        %parallel_loop3A_319 = arith.subf %parallel_loop3A_316, %parallel_loop3A_318 : vector<16xf32>
        %parallel_loop3A_320 = arith.constant 4.096000e+03 : f32
        %parallel_loop3A_321 = vector.broadcast %parallel_loop3A_320 : f32 to vector<16xf32>
        %parallel_loop3A_322 = arith.mulf %parallel_loop3A_319, %parallel_loop3A_321 : vector<16xf32>
        %parallel_loop3A_323 = arith.constant 0.000000e+00 : f32
        %parallel_loop3A_324 = vector.broadcast %parallel_loop3A_323 : f32 to vector<16xf32>
        %parallel_loop3A_325 = arith.maximumf %parallel_loop3A_322, %parallel_loop3A_324 : vector<16xf32>
        %parallel_loop3A_326 = arith.constant 6.553500e+04 : f32
        %parallel_loop3A_327 = vector.broadcast %parallel_loop3A_326 : f32 to vector<16xf32>
        %parallel_loop3A_328 = arith.minimumf %parallel_loop3A_325, %parallel_loop3A_327 : vector<16xf32>
        %parallel_loop3A_329 = arith.fptosi %parallel_loop3A_328 : vector<16xf32> to vector<16xi32>
        %parallel_loop3A_330 = tpu.vector_load_idx %arg5[%parallel_loop3A_329] : memref<65536xf32, #tpu.memory_space<vmem>>[vector<16xi32>], vector<16xf32>,
        %parallel_loop3A_331 = arith.constant 7 : i32
        %parallel_loop3A_332 = arith.index_cast %parallel_loop3A_331 : i32 to index
        %parallel_loop3A_333 = arith.index_cast %parallel_loop3A_246 : i32 to index
        %parallel_loop3A_334 = tpu.vector_load %arg6[%parallel_loop3A_332, %parallel_loop3A_333] {strides = array<i32>} : memref<8x2048xf32, #tpu.memory_space<vmem>>, vector<16xf32>,
        tpu.vector_store %arg6[%parallel_loop3A_332, %parallel_loop3A_333], %parallel_loop3A_330 {strides = array<i32>} : memref<8x2048xf32, #tpu.memory_space<vmem>>, vector<16xf32>,
      } {sc.loop_unroll_factor = 2 : i64, sc.parallel_access}
      %mul3A_107 = arith.constant 8 : i32
      %mul3A_108 = arith.muli %add3A_79, %mul3A_107 : i32
      %add3A_109 = arith.addi %mul3A_2, %mul3A_108 : i32
      %add3A_110 = arith.constant 4 : i32
      %add3A_111 = arith.addi %add3A_109, %add3A_110 : i32
      %dma_start3A_112 = arith.constant 4 : i32
      %dma_start3A_113 = arith.constant 0 : i32
      %dma_start3A_114 = tpu.memref_slice %arg6[%dma_start3A_112, %dma_start3A_113] : memref<8x2048xf32, #tpu.memory_space<vmem>> -> memref<4x2048xf32, #tpu.memory_space<vmem>>
      %dma_start3A_115 = arith.constant 0 : i32
      %dma_start3A_116 = tpu.memref_slice %arg4[%add3A_111, %dma_start3A_115] : memref<16384x2048xf32, #tpu.memory_space<hbm>> -> memref<4x2048xf32, #tpu.memory_space<hbm>>
      %dma_start3A_117 = arith.constant 0 : i32
      %dma_start3A_118 = tpu.memref_slice %arg4[%add3A_111, %dma_start3A_117] : memref<16384x2048xf32, #tpu.memory_space<hbm>> -> memref<4x2048xf32, #tpu.memory_space<hbm>>
      %dma_start3A_119 = arith.constant 4 : i32
      %dma_start3A_120 = arith.constant 0 : i32
      %dma_start3A_121 = tpu.memref_slice %arg6[%dma_start3A_119, %dma_start3A_120] : memref<8x2048xf32, #tpu.memory_space<vmem>> -> memref<4x2048xf32, #tpu.memory_space<vmem>>
      tpu.enqueue_dma source(%dma_start3A_121 : memref<4x2048xf32, #tpu.memory_space<vmem>>) target(%dma_start3A_118 : memref<4x2048xf32, #tpu.memory_space<hbm>>) target_semaphore(%arg13 : memref<!tpu.dma_semaphore, #tpu.memory_space<semaphore_mem>>)
      %ge3A = arith.constant 1 : i32
      %ge3A_122 = arith.cmpi sge, %add3A_79, %ge3A : i32
      %convert_element_type3A = arith.extui %ge3A_122 : i1 to i32
      %cond3A = arith.constant 0 : i32
      %cond3A_123 = arith.cmpi ne, %convert_element_type3A, %cond3A : i32
      scf.if %cond3A_123 {
        %dma_wait3A_246 = arith.constant 0 : i32
        %dma_wait3A_247 = arith.constant 0 : i32
        %dma_wait3A_248 = tpu.memref_slice %arg4[%dma_wait3A_246, %dma_wait3A_247] : memref<16384x2048xf32, #tpu.memory_space<hbm>> -> memref<8x2048xf32, #tpu.memory_space<hbm>>
        %dma_wait3A_249 = arith.constant 0 : i32
        %dma_wait3A_250 = arith.constant 0 : i32
        %dma_wait3A_251 = tpu.memref_slice %arg4[%dma_wait3A_249, %dma_wait3A_250] : memref<16384x2048xf32, #tpu.memory_space<hbm>> -> memref<8x2048xf32, #tpu.memory_space<hbm>>
        tpu.wait_dma2 semaphore(%arg15 : memref<!tpu.dma_semaphore, #tpu.memory_space<semaphore_mem>>) src(%arg8 : memref<8x2048xf32, #tpu.memory_space<vmem>>) dst(%dma_wait3A_251 : memref<8x2048xf32, #tpu.memory_space<hbm>>)
      } else {
      }
      %add3A_124 = arith.constant 2 : i32
      %add3A_125 = arith.addi %add3A_79, %add3A_124 : i32
      %mul3A_126 = arith.constant 8 : i32
      %mul3A_127 = arith.muli %add3A_125, %mul3A_126 : i32
      %add3A_128 = arith.addi %mul3A_2, %mul3A_127 : i32
      %dma_start3A_129 = arith.constant 0 : i32
      %dma_start3A_130 = tpu.memref_slice %arg2[%add3A_128, %dma_start3A_129] : memref<16384x2048xf32, #tpu.memory_space<hbm>> -> memref<8x2048xf32, #tpu.memory_space<hbm>>
      %dma_start3A_131 = arith.constant 0 : i32
      %dma_start3A_132 = tpu.memref_slice %arg2[%add3A_128, %dma_start3A_131] : memref<16384x2048xf32, #tpu.memory_space<hbm>> -> memref<8x2048xf32, #tpu.memory_space<hbm>>
      tpu.enqueue_dma source(%dma_start3A_132 : memref<8x2048xf32, #tpu.memory_space<hbm>>) target(%arg8 : memref<8x2048xf32, #tpu.memory_space<vmem>>) target_semaphore(%arg12 : memref<!tpu.dma_semaphore, #tpu.memory_space<semaphore_mem>>)
      %mul3A_133 = arith.constant 3 : i32
      %mul3A_134 = arith.muli %scan3A_75, %mul3A_133 : i32
      %add3A_135 = arith.constant 1 : i32
      %add3A_136 = arith.addi %mul3A_134, %add3A_135 : i32
      %dma_wait3A_137 = arith.constant 0 : i32
      %dma_wait3A_138 = arith.constant 0 : i32
      %dma_wait3A_139 = tpu.memref_slice %arg2[%dma_wait3A_137, %dma_wait3A_138] : memref<16384x2048xf32, #tpu.memory_space<hbm>> -> memref<8x2048xf32, #tpu.memory_space<hbm>>
      %dma_wait3A_140 = arith.constant 0 : i32
      %dma_wait3A_141 = arith.constant 0 : i32
      %dma_wait3A_142 = tpu.memref_slice %arg2[%dma_wait3A_140, %dma_wait3A_141] : memref<16384x2048xf32, #tpu.memory_space<hbm>> -> memref<8x2048xf32, #tpu.memory_space<hbm>>
      tpu.wait_dma2 semaphore(%arg11 : memref<!tpu.dma_semaphore, #tpu.memory_space<semaphore_mem>>) src(%dma_wait3A_142 : memref<8x2048xf32, #tpu.memory_space<hbm>>) dst(%arg7 : memref<8x2048xf32, #tpu.memory_space<vmem>>)
      %parallel_loop3A_143 = arith.constant 0 : i32
      %parallel_loop3A_144 = arith.constant 2048 : i32
      %parallel_loop3A_145 = arith.constant 16 : i32
      scf.for %parallel_loop3A_246 = %parallel_loop3A_143 to %parallel_loop3A_144 step %parallel_loop3A_145  : i32 {
        %parallel_loop3A_247 = arith.constant 0 : i32
        %parallel_loop3A_248 = arith.index_cast %parallel_loop3A_247 : i32 to index
        %parallel_loop3A_249 = arith.index_cast %parallel_loop3A_246 : i32 to index
        %parallel_loop3A_250 = tpu.vector_load %arg7[%parallel_loop3A_248, %parallel_loop3A_249] {strides = array<i32>} : memref<8x2048xf32, #tpu.memory_space<vmem>>, vector<16xf32>,
        %parallel_loop3A_251 = arith.constant -8.000000e+00 : f32
        %parallel_loop3A_252 = vector.broadcast %parallel_loop3A_251 : f32 to vector<16xf32>
        %parallel_loop3A_253 = arith.subf %parallel_loop3A_250, %parallel_loop3A_252 : vector<16xf32>
        %parallel_loop3A_254 = arith.constant 4.096000e+03 : f32
        %parallel_loop3A_255 = vector.broadcast %parallel_loop3A_254 : f32 to vector<16xf32>
        %parallel_loop3A_256 = arith.mulf %parallel_loop3A_253, %parallel_loop3A_255 : vector<16xf32>
        %parallel_loop3A_257 = arith.constant 0.000000e+00 : f32
        %parallel_loop3A_258 = vector.broadcast %parallel_loop3A_257 : f32 to vector<16xf32>
        %parallel_loop3A_259 = arith.maximumf %parallel_loop3A_256, %parallel_loop3A_258 : vector<16xf32>
        %parallel_loop3A_260 = arith.constant 6.553500e+04 : f32
        %parallel_loop3A_261 = vector.broadcast %parallel_loop3A_260 : f32 to vector<16xf32>
        %parallel_loop3A_262 = arith.minimumf %parallel_loop3A_259, %parallel_loop3A_261 : vector<16xf32>
        %parallel_loop3A_263 = arith.fptosi %parallel_loop3A_262 : vector<16xf32> to vector<16xi32>
        %parallel_loop3A_264 = tpu.vector_load_idx %arg5[%parallel_loop3A_263] : memref<65536xf32, #tpu.memory_space<vmem>>[vector<16xi32>], vector<16xf32>,
        %parallel_loop3A_265 = arith.constant 0 : i32
        %parallel_loop3A_266 = arith.index_cast %parallel_loop3A_265 : i32 to index
        %parallel_loop3A_267 = arith.index_cast %parallel_loop3A_246 : i32 to index
        %parallel_loop3A_268 = tpu.vector_load %arg7[%parallel_loop3A_266, %parallel_loop3A_267] {strides = array<i32>} : memref<8x2048xf32, #tpu.memory_space<vmem>>, vector<16xf32>,
        tpu.vector_store %arg7[%parallel_loop3A_266, %parallel_loop3A_267], %parallel_loop3A_264 {strides = array<i32>} : memref<8x2048xf32, #tpu.memory_space<vmem>>, vector<16xf32>,
        %parallel_loop3A_269 = arith.constant 1 : i32
        %parallel_loop3A_270 = arith.index_cast %parallel_loop3A_269 : i32 to index
        %parallel_loop3A_271 = arith.index_cast %parallel_loop3A_246 : i32 to index
        %parallel_loop3A_272 = tpu.vector_load %arg7[%parallel_loop3A_270, %parallel_loop3A_271] {strides = array<i32>} : memref<8x2048xf32, #tpu.memory_space<vmem>>, vector<16xf32>,
        %parallel_loop3A_273 = arith.constant -8.000000e+00 : f32
        %parallel_loop3A_274 = vector.broadcast %parallel_loop3A_273 : f32 to vector<16xf32>
        %parallel_loop3A_275 = arith.subf %parallel_loop3A_272, %parallel_loop3A_274 : vector<16xf32>
        %parallel_loop3A_276 = arith.constant 4.096000e+03 : f32
        %parallel_loop3A_277 = vector.broadcast %parallel_loop3A_276 : f32 to vector<16xf32>
        %parallel_loop3A_278 = arith.mulf %parallel_loop3A_275, %parallel_loop3A_277 : vector<16xf32>
        %parallel_loop3A_279 = arith.constant 0.000000e+00 : f32
        %parallel_loop3A_280 = vector.broadcast %parallel_loop3A_279 : f32 to vector<16xf32>
        %parallel_loop3A_281 = arith.maximumf %parallel_loop3A_278, %parallel_loop3A_280 : vector<16xf32>
        %parallel_loop3A_282 = arith.constant 6.553500e+04 : f32
        %parallel_loop3A_283 = vector.broadcast %parallel_loop3A_282 : f32 to vector<16xf32>
        %parallel_loop3A_284 = arith.minimumf %parallel_loop3A_281, %parallel_loop3A_283 : vector<16xf32>
        %parallel_loop3A_285 = arith.fptosi %parallel_loop3A_284 : vector<16xf32> to vector<16xi32>
        %parallel_loop3A_286 = tpu.vector_load_idx %arg5[%parallel_loop3A_285] : memref<65536xf32, #tpu.memory_space<vmem>>[vector<16xi32>], vector<16xf32>,
        %parallel_loop3A_287 = arith.constant 1 : i32
        %parallel_loop3A_288 = arith.index_cast %parallel_loop3A_287 : i32 to index
        %parallel_loop3A_289 = arith.index_cast %parallel_loop3A_246 : i32 to index
        %parallel_loop3A_290 = tpu.vector_load %arg7[%parallel_loop3A_288, %parallel_loop3A_289] {strides = array<i32>} : memref<8x2048xf32, #tpu.memory_space<vmem>>, vector<16xf32>,
        tpu.vector_store %arg7[%parallel_loop3A_288, %parallel_loop3A_289], %parallel_loop3A_286 {strides = array<i32>} : memref<8x2048xf32, #tpu.memory_space<vmem>>, vector<16xf32>,
        %parallel_loop3A_291 = arith.constant 2 : i32
        %parallel_loop3A_292 = arith.index_cast %parallel_loop3A_291 : i32 to index
        %parallel_loop3A_293 = arith.index_cast %parallel_loop3A_246 : i32 to index
        %parallel_loop3A_294 = tpu.vector_load %arg7[%parallel_loop3A_292, %parallel_loop3A_293] {strides = array<i32>} : memref<8x2048xf32, #tpu.memory_space<vmem>>, vector<16xf32>,
        %parallel_loop3A_295 = arith.constant -8.000000e+00 : f32
        %parallel_loop3A_296 = vector.broadcast %parallel_loop3A_295 : f32 to vector<16xf32>
        %parallel_loop3A_297 = arith.subf %parallel_loop3A_294, %parallel_loop3A_296 : vector<16xf32>
        %parallel_loop3A_298 = arith.constant 4.096000e+03 : f32
        %parallel_loop3A_299 = vector.broadcast %parallel_loop3A_298 : f32 to vector<16xf32>
        %parallel_loop3A_300 = arith.mulf %parallel_loop3A_297, %parallel_loop3A_299 : vector<16xf32>
        %parallel_loop3A_301 = arith.constant 0.000000e+00 : f32
        %parallel_loop3A_302 = vector.broadcast %parallel_loop3A_301 : f32 to vector<16xf32>
        %parallel_loop3A_303 = arith.maximumf %parallel_loop3A_300, %parallel_loop3A_302 : vector<16xf32>
        %parallel_loop3A_304 = arith.constant 6.553500e+04 : f32
        %parallel_loop3A_305 = vector.broadcast %parallel_loop3A_304 : f32 to vector<16xf32>
        %parallel_loop3A_306 = arith.minimumf %parallel_loop3A_303, %parallel_loop3A_305 : vector<16xf32>
        %parallel_loop3A_307 = arith.fptosi %parallel_loop3A_306 : vector<16xf32> to vector<16xi32>
        %parallel_loop3A_308 = tpu.vector_load_idx %arg5[%parallel_loop3A_307] : memref<65536xf32, #tpu.memory_space<vmem>>[vector<16xi32>], vector<16xf32>,
        %parallel_loop3A_309 = arith.constant 2 : i32
        %parallel_loop3A_310 = arith.index_cast %parallel_loop3A_309 : i32 to index
        %parallel_loop3A_311 = arith.index_cast %parallel_loop3A_246 : i32 to index
        %parallel_loop3A_312 = tpu.vector_load %arg7[%parallel_loop3A_310, %parallel_loop3A_311] {strides = array<i32>} : memref<8x2048xf32, #tpu.memory_space<vmem>>, vector<16xf32>,
        tpu.vector_store %arg7[%parallel_loop3A_310, %parallel_loop3A_311], %parallel_loop3A_308 {strides = array<i32>} : memref<8x2048xf32, #tpu.memory_space<vmem>>, vector<16xf32>,
        %parallel_loop3A_313 = arith.constant 3 : i32
        %parallel_loop3A_314 = arith.index_cast %parallel_loop3A_313 : i32 to index
        %parallel_loop3A_315 = arith.index_cast %parallel_loop3A_246 : i32 to index
        %parallel_loop3A_316 = tpu.vector_load %arg7[%parallel_loop3A_314, %parallel_loop3A_315] {strides = array<i32>} : memref<8x2048xf32, #tpu.memory_space<vmem>>, vector<16xf32>,
        %parallel_loop3A_317 = arith.constant -8.000000e+00 : f32
        %parallel_loop3A_318 = vector.broadcast %parallel_loop3A_317 : f32 to vector<16xf32>
        %parallel_loop3A_319 = arith.subf %parallel_loop3A_316, %parallel_loop3A_318 : vector<16xf32>
        %parallel_loop3A_320 = arith.constant 4.096000e+03 : f32
        %parallel_loop3A_321 = vector.broadcast %parallel_loop3A_320 : f32 to vector<16xf32>
        %parallel_loop3A_322 = arith.mulf %parallel_loop3A_319, %parallel_loop3A_321 : vector<16xf32>
        %parallel_loop3A_323 = arith.constant 0.000000e+00 : f32
        %parallel_loop3A_324 = vector.broadcast %parallel_loop3A_323 : f32 to vector<16xf32>
        %parallel_loop3A_325 = arith.maximumf %parallel_loop3A_322, %parallel_loop3A_324 : vector<16xf32>
        %parallel_loop3A_326 = arith.constant 6.553500e+04 : f32
        %parallel_loop3A_327 = vector.broadcast %parallel_loop3A_326 : f32 to vector<16xf32>
        %parallel_loop3A_328 = arith.minimumf %parallel_loop3A_325, %parallel_loop3A_327 : vector<16xf32>
        %parallel_loop3A_329 = arith.fptosi %parallel_loop3A_328 : vector<16xf32> to vector<16xi32>
        %parallel_loop3A_330 = tpu.vector_load_idx %arg5[%parallel_loop3A_329] : memref<65536xf32, #tpu.memory_space<vmem>>[vector<16xi32>], vector<16xf32>,
        %parallel_loop3A_331 = arith.constant 3 : i32
        %parallel_loop3A_332 = arith.index_cast %parallel_loop3A_331 : i32 to index
        %parallel_loop3A_333 = arith.index_cast %parallel_loop3A_246 : i32 to index
        %parallel_loop3A_334 = tpu.vector_load %arg7[%parallel_loop3A_332, %parallel_loop3A_333] {strides = array<i32>} : memref<8x2048xf32, #tpu.memory_space<vmem>>, vector<16xf32>,
        tpu.vector_store %arg7[%parallel_loop3A_332, %parallel_loop3A_333], %parallel_loop3A_330 {strides = array<i32>} : memref<8x2048xf32, #tpu.memory_space<vmem>>, vector<16xf32>,
      } {sc.loop_unroll_factor = 2 : i64, sc.parallel_access}
      %mul3A_146 = arith.constant 8 : i32
      %mul3A_147 = arith.muli %add3A_136, %mul3A_146 : i32
      %add3A_148 = arith.addi %mul3A_2, %mul3A_147 : i32
      %add3A_149 = arith.constant 0 : i32
      %add3A_150 = arith.addi %add3A_148, %add3A_149 : i32
      %dma_start3A_151 = arith.constant 0 : i32
      %dma_start3A_152 = arith.constant 0 : i32
      %dma_start3A_153 = tpu.memref_slice %arg7[%dma_start3A_151, %dma_start3A_152] : memref<8x2048xf32, #tpu.memory_space<vmem>> -> memref<4x2048xf32, #tpu.memory_space<vmem>>
      %dma_start3A_154 = arith.constant 0 : i32
      %dma_start3A_155 = tpu.memref_slice %arg4[%add3A_150, %dma_start3A_154] : memref<16384x2048xf32, #tpu.memory_space<hbm>> -> memref<4x2048xf32, #tpu.memory_space<hbm>>
      %dma_start3A_156 = arith.constant 0 : i32
      %dma_start3A_157 = tpu.memref_slice %arg4[%add3A_150, %dma_start3A_156] : memref<16384x2048xf32, #tpu.memory_space<hbm>> -> memref<4x2048xf32, #tpu.memory_space<hbm>>
      %dma_start3A_158 = arith.constant 0 : i32
      %dma_start3A_159 = arith.constant 0 : i32
      %dma_start3A_160 = tpu.memref_slice %arg7[%dma_start3A_158, %dma_start3A_159] : memref<8x2048xf32, #tpu.memory_space<vmem>> -> memref<4x2048xf32, #tpu.memory_space<vmem>>
      tpu.enqueue_dma source(%dma_start3A_160 : memref<4x2048xf32, #tpu.memory_space<vmem>>) target(%dma_start3A_157 : memref<4x2048xf32, #tpu.memory_space<hbm>>) target_semaphore(%arg14 : memref<!tpu.dma_semaphore, #tpu.memory_space<semaphore_mem>>)
      %parallel_loop3A_161 = arith.constant 0 : i32
      %parallel_loop3A_162 = arith.constant 2048 : i32
      %parallel_loop3A_163 = arith.constant 16 : i32
      scf.for %parallel_loop3A_246 = %parallel_loop3A_161 to %parallel_loop3A_162 step %parallel_loop3A_163  : i32 {
        %parallel_loop3A_247 = arith.constant 4 : i32
        %parallel_loop3A_248 = arith.index_cast %parallel_loop3A_247 : i32 to index
        %parallel_loop3A_249 = arith.index_cast %parallel_loop3A_246 : i32 to index
        %parallel_loop3A_250 = tpu.vector_load %arg7[%parallel_loop3A_248, %parallel_loop3A_249] {strides = array<i32>} : memref<8x2048xf32, #tpu.memory_space<vmem>>, vector<16xf32>,
        %parallel_loop3A_251 = arith.constant -8.000000e+00 : f32
        %parallel_loop3A_252 = vector.broadcast %parallel_loop3A_251 : f32 to vector<16xf32>
        %parallel_loop3A_253 = arith.subf %parallel_loop3A_250, %parallel_loop3A_252 : vector<16xf32>
        %parallel_loop3A_254 = arith.constant 4.096000e+03 : f32
        %parallel_loop3A_255 = vector.broadcast %parallel_loop3A_254 : f32 to vector<16xf32>
        %parallel_loop3A_256 = arith.mulf %parallel_loop3A_253, %parallel_loop3A_255 : vector<16xf32>
        %parallel_loop3A_257 = arith.constant 0.000000e+00 : f32
        %parallel_loop3A_258 = vector.broadcast %parallel_loop3A_257 : f32 to vector<16xf32>
        %parallel_loop3A_259 = arith.maximumf %parallel_loop3A_256, %parallel_loop3A_258 : vector<16xf32>
        %parallel_loop3A_260 = arith.constant 6.553500e+04 : f32
        %parallel_loop3A_261 = vector.broadcast %parallel_loop3A_260 : f32 to vector<16xf32>
        %parallel_loop3A_262 = arith.minimumf %parallel_loop3A_259, %parallel_loop3A_261 : vector<16xf32>
        %parallel_loop3A_263 = arith.fptosi %parallel_loop3A_262 : vector<16xf32> to vector<16xi32>
        %parallel_loop3A_264 = tpu.vector_load_idx %arg5[%parallel_loop3A_263] : memref<65536xf32, #tpu.memory_space<vmem>>[vector<16xi32>], vector<16xf32>,
        %parallel_loop3A_265 = arith.constant 4 : i32
        %parallel_loop3A_266 = arith.index_cast %parallel_loop3A_265 : i32 to index
        %parallel_loop3A_267 = arith.index_cast %parallel_loop3A_246 : i32 to index
        %parallel_loop3A_268 = tpu.vector_load %arg7[%parallel_loop3A_266, %parallel_loop3A_267] {strides = array<i32>} : memref<8x2048xf32, #tpu.memory_space<vmem>>, vector<16xf32>,
        tpu.vector_store %arg7[%parallel_loop3A_266, %parallel_loop3A_267], %parallel_loop3A_264 {strides = array<i32>} : memref<8x2048xf32, #tpu.memory_space<vmem>>, vector<16xf32>,
        %parallel_loop3A_269 = arith.constant 5 : i32
        %parallel_loop3A_270 = arith.index_cast %parallel_loop3A_269 : i32 to index
        %parallel_loop3A_271 = arith.index_cast %parallel_loop3A_246 : i32 to index
        %parallel_loop3A_272 = tpu.vector_load %arg7[%parallel_loop3A_270, %parallel_loop3A_271] {strides = array<i32>} : memref<8x2048xf32, #tpu.memory_space<vmem>>, vector<16xf32>,
        %parallel_loop3A_273 = arith.constant -8.000000e+00 : f32
        %parallel_loop3A_274 = vector.broadcast %parallel_loop3A_273 : f32 to vector<16xf32>
        %parallel_loop3A_275 = arith.subf %parallel_loop3A_272, %parallel_loop3A_274 : vector<16xf32>
        %parallel_loop3A_276 = arith.constant 4.096000e+03 : f32
        %parallel_loop3A_277 = vector.broadcast %parallel_loop3A_276 : f32 to vector<16xf32>
        %parallel_loop3A_278 = arith.mulf %parallel_loop3A_275, %parallel_loop3A_277 : vector<16xf32>
        %parallel_loop3A_279 = arith.constant 0.000000e+00 : f32
        %parallel_loop3A_280 = vector.broadcast %parallel_loop3A_279 : f32 to vector<16xf32>
        %parallel_loop3A_281 = arith.maximumf %parallel_loop3A_278, %parallel_loop3A_280 : vector<16xf32>
        %parallel_loop3A_282 = arith.constant 6.553500e+04 : f32
        %parallel_loop3A_283 = vector.broadcast %parallel_loop3A_282 : f32 to vector<16xf32>
        %parallel_loop3A_284 = arith.minimumf %parallel_loop3A_281, %parallel_loop3A_283 : vector<16xf32>
        %parallel_loop3A_285 = arith.fptosi %parallel_loop3A_284 : vector<16xf32> to vector<16xi32>
        %parallel_loop3A_286 = tpu.vector_load_idx %arg5[%parallel_loop3A_285] : memref<65536xf32, #tpu.memory_space<vmem>>[vector<16xi32>], vector<16xf32>,
        %parallel_loop3A_287 = arith.constant 5 : i32
        %parallel_loop3A_288 = arith.index_cast %parallel_loop3A_287 : i32 to index
        %parallel_loop3A_289 = arith.index_cast %parallel_loop3A_246 : i32 to index
        %parallel_loop3A_290 = tpu.vector_load %arg7[%parallel_loop3A_288, %parallel_loop3A_289] {strides = array<i32>} : memref<8x2048xf32, #tpu.memory_space<vmem>>, vector<16xf32>,
        tpu.vector_store %arg7[%parallel_loop3A_288, %parallel_loop3A_289], %parallel_loop3A_286 {strides = array<i32>} : memref<8x2048xf32, #tpu.memory_space<vmem>>, vector<16xf32>,
        %parallel_loop3A_291 = arith.constant 6 : i32
        %parallel_loop3A_292 = arith.index_cast %parallel_loop3A_291 : i32 to index
        %parallel_loop3A_293 = arith.index_cast %parallel_loop3A_246 : i32 to index
        %parallel_loop3A_294 = tpu.vector_load %arg7[%parallel_loop3A_292, %parallel_loop3A_293] {strides = array<i32>} : memref<8x2048xf32, #tpu.memory_space<vmem>>, vector<16xf32>,
        %parallel_loop3A_295 = arith.constant -8.000000e+00 : f32
        %parallel_loop3A_296 = vector.broadcast %parallel_loop3A_295 : f32 to vector<16xf32>
        %parallel_loop3A_297 = arith.subf %parallel_loop3A_294, %parallel_loop3A_296 : vector<16xf32>
        %parallel_loop3A_298 = arith.constant 4.096000e+03 : f32
        %parallel_loop3A_299 = vector.broadcast %parallel_loop3A_298 : f32 to vector<16xf32>
        %parallel_loop3A_300 = arith.mulf %parallel_loop3A_297, %parallel_loop3A_299 : vector<16xf32>
        %parallel_loop3A_301 = arith.constant 0.000000e+00 : f32
        %parallel_loop3A_302 = vector.broadcast %parallel_loop3A_301 : f32 to vector<16xf32>
        %parallel_loop3A_303 = arith.maximumf %parallel_loop3A_300, %parallel_loop3A_302 : vector<16xf32>
        %parallel_loop3A_304 = arith.constant 6.553500e+04 : f32
        %parallel_loop3A_305 = vector.broadcast %parallel_loop3A_304 : f32 to vector<16xf32>
        %parallel_loop3A_306 = arith.minimumf %parallel_loop3A_303, %parallel_loop3A_305 : vector<16xf32>
        %parallel_loop3A_307 = arith.fptosi %parallel_loop3A_306 : vector<16xf32> to vector<16xi32>
        %parallel_loop3A_308 = tpu.vector_load_idx %arg5[%parallel_loop3A_307] : memref<65536xf32, #tpu.memory_space<vmem>>[vector<16xi32>], vector<16xf32>,
        %parallel_loop3A_309 = arith.constant 6 : i32
        %parallel_loop3A_310 = arith.index_cast %parallel_loop3A_309 : i32 to index
        %parallel_loop3A_311 = arith.index_cast %parallel_loop3A_246 : i32 to index
        %parallel_loop3A_312 = tpu.vector_load %arg7[%parallel_loop3A_310, %parallel_loop3A_311] {strides = array<i32>} : memref<8x2048xf32, #tpu.memory_space<vmem>>, vector<16xf32>,
        tpu.vector_store %arg7[%parallel_loop3A_310, %parallel_loop3A_311], %parallel_loop3A_308 {strides = array<i32>} : memref<8x2048xf32, #tpu.memory_space<vmem>>, vector<16xf32>,
        %parallel_loop3A_313 = arith.constant 7 : i32
        %parallel_loop3A_314 = arith.index_cast %parallel_loop3A_313 : i32 to index
        %parallel_loop3A_315 = arith.index_cast %parallel_loop3A_246 : i32 to index
        %parallel_loop3A_316 = tpu.vector_load %arg7[%parallel_loop3A_314, %parallel_loop3A_315] {strides = array<i32>} : memref<8x2048xf32, #tpu.memory_space<vmem>>, vector<16xf32>,
        %parallel_loop3A_317 = arith.constant -8.000000e+00 : f32
        %parallel_loop3A_318 = vector.broadcast %parallel_loop3A_317 : f32 to vector<16xf32>
        %parallel_loop3A_319 = arith.subf %parallel_loop3A_316, %parallel_loop3A_318 : vector<16xf32>
        %parallel_loop3A_320 = arith.constant 4.096000e+03 : f32
        %parallel_loop3A_321 = vector.broadcast %parallel_loop3A_320 : f32 to vector<16xf32>
        %parallel_loop3A_322 = arith.mulf %parallel_loop3A_319, %parallel_loop3A_321 : vector<16xf32>
        %parallel_loop3A_323 = arith.constant 0.000000e+00 : f32
        %parallel_loop3A_324 = vector.broadcast %parallel_loop3A_323 : f32 to vector<16xf32>
        %parallel_loop3A_325 = arith.maximumf %parallel_loop3A_322, %parallel_loop3A_324 : vector<16xf32>
        %parallel_loop3A_326 = arith.constant 6.553500e+04 : f32
        %parallel_loop3A_327 = vector.broadcast %parallel_loop3A_326 : f32 to vector<16xf32>
        %parallel_loop3A_328 = arith.minimumf %parallel_loop3A_325, %parallel_loop3A_327 : vector<16xf32>
        %parallel_loop3A_329 = arith.fptosi %parallel_loop3A_328 : vector<16xf32> to vector<16xi32>
        %parallel_loop3A_330 = tpu.vector_load_idx %arg5[%parallel_loop3A_329] : memref<65536xf32, #tpu.memory_space<vmem>>[vector<16xi32>], vector<16xf32>,
        %parallel_loop3A_331 = arith.constant 7 : i32
        %parallel_loop3A_332 = arith.index_cast %parallel_loop3A_331 : i32 to index
        %parallel_loop3A_333 = arith.index_cast %parallel_loop3A_246 : i32 to index
        %parallel_loop3A_334 = tpu.vector_load %arg7[%parallel_loop3A_332, %parallel_loop3A_333] {strides = array<i32>} : memref<8x2048xf32, #tpu.memory_space<vmem>>, vector<16xf32>,
        tpu.vector_store %arg7[%parallel_loop3A_332, %parallel_loop3A_333], %parallel_loop3A_330 {strides = array<i32>} : memref<8x2048xf32, #tpu.memory_space<vmem>>, vector<16xf32>,
      } {sc.loop_unroll_factor = 2 : i64, sc.parallel_access}
      %mul3A_164 = arith.constant 8 : i32
      %mul3A_165 = arith.muli %add3A_136, %mul3A_164 : i32
      %add3A_166 = arith.addi %mul3A_2, %mul3A_165 : i32
      %add3A_167 = arith.constant 4 : i32
      %add3A_168 = arith.addi %add3A_166, %add3A_167 : i32
      %dma_start3A_169 = arith.constant 4 : i32
      %dma_start3A_170 = arith.constant 0 : i32
      %dma_start3A_171 = tpu.memref_slice %arg7[%dma_start3A_169, %dma_start3A_170] : memref<8x2048xf32, #tpu.memory_space<vmem>> -> memref<4x2048xf32, #tpu.memory_space<vmem>>
      %dma_start3A_172 = arith.constant 0 : i32
      %dma_start3A_173 = tpu.memref_slice %arg4[%add3A_168, %dma_start3A_172] : memref<16384x2048xf32, #tpu.memory_space<hbm>> -> memref<4x2048xf32, #tpu.memory_space<hbm>>
      %dma_start3A_174 = arith.constant 0 : i32
      %dma_start3A_175 = tpu.memref_slice %arg4[%add3A_168, %dma_start3A_174] : memref<16384x2048xf32, #tpu.memory_space<hbm>> -> memref<4x2048xf32, #tpu.memory_space<hbm>>
      %dma_start3A_176 = arith.constant 4 : i32
      %dma_start3A_177 = arith.constant 0 : i32
      %dma_start3A_178 = tpu.memref_slice %arg7[%dma_start3A_176, %dma_start3A_177] : memref<8x2048xf32, #tpu.memory_space<vmem>> -> memref<4x2048xf32, #tpu.memory_space<vmem>>
      tpu.enqueue_dma source(%dma_start3A_178 : memref<4x2048xf32, #tpu.memory_space<vmem>>) target(%dma_start3A_175 : memref<4x2048xf32, #tpu.memory_space<hbm>>) target_semaphore(%arg14 : memref<!tpu.dma_semaphore, #tpu.memory_space<semaphore_mem>>)
      %dma_wait3A_179 = arith.constant 0 : i32
      %dma_wait3A_180 = arith.constant 0 : i32
      %dma_wait3A_181 = tpu.memref_slice %arg4[%dma_wait3A_179, %dma_wait3A_180] : memref<16384x2048xf32, #tpu.memory_space<hbm>> -> memref<8x2048xf32, #tpu.memory_space<hbm>>
      %dma_wait3A_182 = arith.constant 0 : i32
      %dma_wait3A_183 = arith.constant 0 : i32
      %dma_wait3A_184 = tpu.memref_slice %arg4[%dma_wait3A_182, %dma_wait3A_183] : memref<16384x2048xf32, #tpu.memory_space<hbm>> -> memref<8x2048xf32, #tpu.memory_space<hbm>>
      tpu.wait_dma2 semaphore(%arg13 : memref<!tpu.dma_semaphore, #tpu.memory_space<semaphore_mem>>) src(%arg6 : memref<8x2048xf32, #tpu.memory_space<vmem>>) dst(%dma_wait3A_184 : memref<8x2048xf32, #tpu.memory_space<hbm>>)
      %add3A_185 = arith.constant 2 : i32
      %add3A_186 = arith.addi %add3A_136, %add3A_185 : i32
      %mul3A_187 = arith.constant 8 : i32
      %mul3A_188 = arith.muli %add3A_186, %mul3A_187 : i32
      %add3A_189 = arith.addi %mul3A_2, %mul3A_188 : i32
      %dma_start3A_190 = arith.constant 0 : i32
      %dma_start3A_191 = tpu.memref_slice %arg2[%add3A_189, %dma_start3A_190] : memref<16384x2048xf32, #tpu.memory_space<hbm>> -> memref<8x2048xf32, #tpu.memory_space<hbm>>
      %dma_start3A_192 = arith.constant 0 : i32
      %dma_start3A_193 = tpu.memref_slice %arg2[%add3A_189, %dma_start3A_192] : memref<16384x2048xf32, #tpu.memory_space<hbm>> -> memref<8x2048xf32, #tpu.memory_space<hbm>>
      tpu.enqueue_dma source(%dma_start3A_193 : memref<8x2048xf32, #tpu.memory_space<hbm>>) target(%arg6 : memref<8x2048xf32, #tpu.memory_space<vmem>>) target_semaphore(%arg10 : memref<!tpu.dma_semaphore, #tpu.memory_space<semaphore_mem>>)
      %mul3A_194 = arith.constant 3 : i32
      %mul3A_195 = arith.muli %scan3A_75, %mul3A_194 : i32
      %add3A_196 = arith.constant 2 : i32
      %add3A_197 = arith.addi %mul3A_195, %add3A_196 : i32
      %dma_wait3A_198 = arith.constant 0 : i32
      %dma_wait3A_199 = arith.constant 0 : i32
      %dma_wait3A_200 = tpu.memref_slice %arg2[%dma_wait3A_198, %dma_wait3A_199] : memref<16384x2048xf32, #tpu.memory_space<hbm>> -> memref<8x2048xf32, #tpu.memory_space<hbm>>
      %dma_wait3A_201 = arith.constant 0 : i32
      %dma_wait3A_202 = arith.constant 0 : i32
      %dma_wait3A_203 = tpu.memref_slice %arg2[%dma_wait3A_201, %dma_wait3A_202] : memref<16384x2048xf32, #tpu.memory_space<hbm>> -> memref<8x2048xf32, #tpu.memory_space<hbm>>
      tpu.wait_dma2 semaphore(%arg12 : memref<!tpu.dma_semaphore, #tpu.memory_space<semaphore_mem>>) src(%dma_wait3A_203 : memref<8x2048xf32, #tpu.memory_space<hbm>>) dst(%arg8 : memref<8x2048xf32, #tpu.memory_space<vmem>>)
      %parallel_loop3A_204 = arith.constant 0 : i32
      %parallel_loop3A_205 = arith.constant 2048 : i32
      %parallel_loop3A_206 = arith.constant 16 : i32
      scf.for %parallel_loop3A_246 = %parallel_loop3A_204 to %parallel_loop3A_205 step %parallel_loop3A_206  : i32 {
        %parallel_loop3A_247 = arith.constant 0 : i32
        %parallel_loop3A_248 = arith.index_cast %parallel_loop3A_247 : i32 to index
        %parallel_loop3A_249 = arith.index_cast %parallel_loop3A_246 : i32 to index
        %parallel_loop3A_250 = tpu.vector_load %arg8[%parallel_loop3A_248, %parallel_loop3A_249] {strides = array<i32>} : memref<8x2048xf32, #tpu.memory_space<vmem>>, vector<16xf32>,
        %parallel_loop3A_251 = arith.constant -8.000000e+00 : f32
        %parallel_loop3A_252 = vector.broadcast %parallel_loop3A_251 : f32 to vector<16xf32>
        %parallel_loop3A_253 = arith.subf %parallel_loop3A_250, %parallel_loop3A_252 : vector<16xf32>
        %parallel_loop3A_254 = arith.constant 4.096000e+03 : f32
        %parallel_loop3A_255 = vector.broadcast %parallel_loop3A_254 : f32 to vector<16xf32>
        %parallel_loop3A_256 = arith.mulf %parallel_loop3A_253, %parallel_loop3A_255 : vector<16xf32>
        %parallel_loop3A_257 = arith.constant 0.000000e+00 : f32
        %parallel_loop3A_258 = vector.broadcast %parallel_loop3A_257 : f32 to vector<16xf32>
        %parallel_loop3A_259 = arith.maximumf %parallel_loop3A_256, %parallel_loop3A_258 : vector<16xf32>
        %parallel_loop3A_260 = arith.constant 6.553500e+04 : f32
        %parallel_loop3A_261 = vector.broadcast %parallel_loop3A_260 : f32 to vector<16xf32>
        %parallel_loop3A_262 = arith.minimumf %parallel_loop3A_259, %parallel_loop3A_261 : vector<16xf32>
        %parallel_loop3A_263 = arith.fptosi %parallel_loop3A_262 : vector<16xf32> to vector<16xi32>
        %parallel_loop3A_264 = tpu.vector_load_idx %arg5[%parallel_loop3A_263] : memref<65536xf32, #tpu.memory_space<vmem>>[vector<16xi32>], vector<16xf32>,
        %parallel_loop3A_265 = arith.constant 0 : i32
        %parallel_loop3A_266 = arith.index_cast %parallel_loop3A_265 : i32 to index
        %parallel_loop3A_267 = arith.index_cast %parallel_loop3A_246 : i32 to index
        %parallel_loop3A_268 = tpu.vector_load %arg8[%parallel_loop3A_266, %parallel_loop3A_267] {strides = array<i32>} : memref<8x2048xf32, #tpu.memory_space<vmem>>, vector<16xf32>,
        tpu.vector_store %arg8[%parallel_loop3A_266, %parallel_loop3A_267], %parallel_loop3A_264 {strides = array<i32>} : memref<8x2048xf32, #tpu.memory_space<vmem>>, vector<16xf32>,
        %parallel_loop3A_269 = arith.constant 1 : i32
        %parallel_loop3A_270 = arith.index_cast %parallel_loop3A_269 : i32 to index
        %parallel_loop3A_271 = arith.index_cast %parallel_loop3A_246 : i32 to index
        %parallel_loop3A_272 = tpu.vector_load %arg8[%parallel_loop3A_270, %parallel_loop3A_271] {strides = array<i32>} : memref<8x2048xf32, #tpu.memory_space<vmem>>, vector<16xf32>,
        %parallel_loop3A_273 = arith.constant -8.000000e+00 : f32
        %parallel_loop3A_274 = vector.broadcast %parallel_loop3A_273 : f32 to vector<16xf32>
        %parallel_loop3A_275 = arith.subf %parallel_loop3A_272, %parallel_loop3A_274 : vector<16xf32>
        %parallel_loop3A_276 = arith.constant 4.096000e+03 : f32
        %parallel_loop3A_277 = vector.broadcast %parallel_loop3A_276 : f32 to vector<16xf32>
        %parallel_loop3A_278 = arith.mulf %parallel_loop3A_275, %parallel_loop3A_277 : vector<16xf32>
        %parallel_loop3A_279 = arith.constant 0.000000e+00 : f32
        %parallel_loop3A_280 = vector.broadcast %parallel_loop3A_279 : f32 to vector<16xf32>
        %parallel_loop3A_281 = arith.maximumf %parallel_loop3A_278, %parallel_loop3A_280 : vector<16xf32>
        %parallel_loop3A_282 = arith.constant 6.553500e+04 : f32
        %parallel_loop3A_283 = vector.broadcast %parallel_loop3A_282 : f32 to vector<16xf32>
        %parallel_loop3A_284 = arith.minimumf %parallel_loop3A_281, %parallel_loop3A_283 : vector<16xf32>
        %parallel_loop3A_285 = arith.fptosi %parallel_loop3A_284 : vector<16xf32> to vector<16xi32>
        %parallel_loop3A_286 = tpu.vector_load_idx %arg5[%parallel_loop3A_285] : memref<65536xf32, #tpu.memory_space<vmem>>[vector<16xi32>], vector<16xf32>,
        %parallel_loop3A_287 = arith.constant 1 : i32
        %parallel_loop3A_288 = arith.index_cast %parallel_loop3A_287 : i32 to index
        %parallel_loop3A_289 = arith.index_cast %parallel_loop3A_246 : i32 to index
        %parallel_loop3A_290 = tpu.vector_load %arg8[%parallel_loop3A_288, %parallel_loop3A_289] {strides = array<i32>} : memref<8x2048xf32, #tpu.memory_space<vmem>>, vector<16xf32>,
        tpu.vector_store %arg8[%parallel_loop3A_288, %parallel_loop3A_289], %parallel_loop3A_286 {strides = array<i32>} : memref<8x2048xf32, #tpu.memory_space<vmem>>, vector<16xf32>,
        %parallel_loop3A_291 = arith.constant 2 : i32
        %parallel_loop3A_292 = arith.index_cast %parallel_loop3A_291 : i32 to index
        %parallel_loop3A_293 = arith.index_cast %parallel_loop3A_246 : i32 to index
        %parallel_loop3A_294 = tpu.vector_load %arg8[%parallel_loop3A_292, %parallel_loop3A_293] {strides = array<i32>} : memref<8x2048xf32, #tpu.memory_space<vmem>>, vector<16xf32>,
        %parallel_loop3A_295 = arith.constant -8.000000e+00 : f32
        %parallel_loop3A_296 = vector.broadcast %parallel_loop3A_295 : f32 to vector<16xf32>
        %parallel_loop3A_297 = arith.subf %parallel_loop3A_294, %parallel_loop3A_296 : vector<16xf32>
        %parallel_loop3A_298 = arith.constant 4.096000e+03 : f32
        %parallel_loop3A_299 = vector.broadcast %parallel_loop3A_298 : f32 to vector<16xf32>
        %parallel_loop3A_300 = arith.mulf %parallel_loop3A_297, %parallel_loop3A_299 : vector<16xf32>
        %parallel_loop3A_301 = arith.constant 0.000000e+00 : f32
        %parallel_loop3A_302 = vector.broadcast %parallel_loop3A_301 : f32 to vector<16xf32>
        %parallel_loop3A_303 = arith.maximumf %parallel_loop3A_300, %parallel_loop3A_302 : vector<16xf32>
        %parallel_loop3A_304 = arith.constant 6.553500e+04 : f32
        %parallel_loop3A_305 = vector.broadcast %parallel_loop3A_304 : f32 to vector<16xf32>
        %parallel_loop3A_306 = arith.minimumf %parallel_loop3A_303, %parallel_loop3A_305 : vector<16xf32>
        %parallel_loop3A_307 = arith.fptosi %parallel_loop3A_306 : vector<16xf32> to vector<16xi32>
        %parallel_loop3A_308 = tpu.vector_load_idx %arg5[%parallel_loop3A_307] : memref<65536xf32, #tpu.memory_space<vmem>>[vector<16xi32>], vector<16xf32>,
        %parallel_loop3A_309 = arith.constant 2 : i32
        %parallel_loop3A_310 = arith.index_cast %parallel_loop3A_309 : i32 to index
        %parallel_loop3A_311 = arith.index_cast %parallel_loop3A_246 : i32 to index
        %parallel_loop3A_312 = tpu.vector_load %arg8[%parallel_loop3A_310, %parallel_loop3A_311] {strides = array<i32>} : memref<8x2048xf32, #tpu.memory_space<vmem>>, vector<16xf32>,
        tpu.vector_store %arg8[%parallel_loop3A_310, %parallel_loop3A_311], %parallel_loop3A_308 {strides = array<i32>} : memref<8x2048xf32, #tpu.memory_space<vmem>>, vector<16xf32>,
        %parallel_loop3A_313 = arith.constant 3 : i32
        %parallel_loop3A_314 = arith.index_cast %parallel_loop3A_313 : i32 to index
        %parallel_loop3A_315 = arith.index_cast %parallel_loop3A_246 : i32 to index
        %parallel_loop3A_316 = tpu.vector_load %arg8[%parallel_loop3A_314, %parallel_loop3A_315] {strides = array<i32>} : memref<8x2048xf32, #tpu.memory_space<vmem>>, vector<16xf32>,
        %parallel_loop3A_317 = arith.constant -8.000000e+00 : f32
        %parallel_loop3A_318 = vector.broadcast %parallel_loop3A_317 : f32 to vector<16xf32>
        %parallel_loop3A_319 = arith.subf %parallel_loop3A_316, %parallel_loop3A_318 : vector<16xf32>
        %parallel_loop3A_320 = arith.constant 4.096000e+03 : f32
        %parallel_loop3A_321 = vector.broadcast %parallel_loop3A_320 : f32 to vector<16xf32>
        %parallel_loop3A_322 = arith.mulf %parallel_loop3A_319, %parallel_loop3A_321 : vector<16xf32>
        %parallel_loop3A_323 = arith.constant 0.000000e+00 : f32
        %parallel_loop3A_324 = vector.broadcast %parallel_loop3A_323 : f32 to vector<16xf32>
        %parallel_loop3A_325 = arith.maximumf %parallel_loop3A_322, %parallel_loop3A_324 : vector<16xf32>
        %parallel_loop3A_326 = arith.constant 6.553500e+04 : f32
        %parallel_loop3A_327 = vector.broadcast %parallel_loop3A_326 : f32 to vector<16xf32>
        %parallel_loop3A_328 = arith.minimumf %parallel_loop3A_325, %parallel_loop3A_327 : vector<16xf32>
        %parallel_loop3A_329 = arith.fptosi %parallel_loop3A_328 : vector<16xf32> to vector<16xi32>
        %parallel_loop3A_330 = tpu.vector_load_idx %arg5[%parallel_loop3A_329] : memref<65536xf32, #tpu.memory_space<vmem>>[vector<16xi32>], vector<16xf32>,
        %parallel_loop3A_331 = arith.constant 3 : i32
        %parallel_loop3A_332 = arith.index_cast %parallel_loop3A_331 : i32 to index
        %parallel_loop3A_333 = arith.index_cast %parallel_loop3A_246 : i32 to index
        %parallel_loop3A_334 = tpu.vector_load %arg8[%parallel_loop3A_332, %parallel_loop3A_333] {strides = array<i32>} : memref<8x2048xf32, #tpu.memory_space<vmem>>, vector<16xf32>,
        tpu.vector_store %arg8[%parallel_loop3A_332, %parallel_loop3A_333], %parallel_loop3A_330 {strides = array<i32>} : memref<8x2048xf32, #tpu.memory_space<vmem>>, vector<16xf32>,
      } {sc.loop_unroll_factor = 2 : i64, sc.parallel_access}
      %mul3A_207 = arith.constant 8 : i32
      %mul3A_208 = arith.muli %add3A_197, %mul3A_207 : i32
      %add3A_209 = arith.addi %mul3A_2, %mul3A_208 : i32
      %add3A_210 = arith.constant 0 : i32
      %add3A_211 = arith.addi %add3A_209, %add3A_210 : i32
      %dma_start3A_212 = arith.constant 0 : i32
      %dma_start3A_213 = arith.constant 0 : i32
      %dma_start3A_214 = tpu.memref_slice %arg8[%dma_start3A_212, %dma_start3A_213] : memref<8x2048xf32, #tpu.memory_space<vmem>> -> memref<4x2048xf32, #tpu.memory_space<vmem>>
      %dma_start3A_215 = arith.constant 0 : i32
      %dma_start3A_216 = tpu.memref_slice %arg4[%add3A_211, %dma_start3A_215] : memref<16384x2048xf32, #tpu.memory_space<hbm>> -> memref<4x2048xf32, #tpu.memory_space<hbm>>
      %dma_start3A_217 = arith.constant 0 : i32
      %dma_start3A_218 = tpu.memref_slice %arg4[%add3A_211, %dma_start3A_217] : memref<16384x2048xf32, #tpu.memory_space<hbm>> -> memref<4x2048xf32, #tpu.memory_space<hbm>>
      %dma_start3A_219 = arith.constant 0 : i32
      %dma_start3A_220 = arith.constant 0 : i32
      %dma_start3A_221 = tpu.memref_slice %arg8[%dma_start3A_219, %dma_start3A_220] : memref<8x2048xf32, #tpu.memory_space<vmem>> -> memref<4x2048xf32, #tpu.memory_space<vmem>>
      tpu.enqueue_dma source(%dma_start3A_221 : memref<4x2048xf32, #tpu.memory_space<vmem>>) target(%dma_start3A_218 : memref<4x2048xf32, #tpu.memory_space<hbm>>) target_semaphore(%arg15 : memref<!tpu.dma_semaphore, #tpu.memory_space<semaphore_mem>>)
      %parallel_loop3A_222 = arith.constant 0 : i32
      %parallel_loop3A_223 = arith.constant 2048 : i32
      %parallel_loop3A_224 = arith.constant 16 : i32
      scf.for %parallel_loop3A_246 = %parallel_loop3A_222 to %parallel_loop3A_223 step %parallel_loop3A_224  : i32 {
        %parallel_loop3A_247 = arith.constant 4 : i32
        %parallel_loop3A_248 = arith.index_cast %parallel_loop3A_247 : i32 to index
        %parallel_loop3A_249 = arith.index_cast %parallel_loop3A_246 : i32 to index
        %parallel_loop3A_250 = tpu.vector_load %arg8[%parallel_loop3A_248, %parallel_loop3A_249] {strides = array<i32>} : memref<8x2048xf32, #tpu.memory_space<vmem>>, vector<16xf32>,
        %parallel_loop3A_251 = arith.constant -8.000000e+00 : f32
        %parallel_loop3A_252 = vector.broadcast %parallel_loop3A_251 : f32 to vector<16xf32>
        %parallel_loop3A_253 = arith.subf %parallel_loop3A_250, %parallel_loop3A_252 : vector<16xf32>
        %parallel_loop3A_254 = arith.constant 4.096000e+03 : f32
        %parallel_loop3A_255 = vector.broadcast %parallel_loop3A_254 : f32 to vector<16xf32>
        %parallel_loop3A_256 = arith.mulf %parallel_loop3A_253, %parallel_loop3A_255 : vector<16xf32>
        %parallel_loop3A_257 = arith.constant 0.000000e+00 : f32
        %parallel_loop3A_258 = vector.broadcast %parallel_loop3A_257 : f32 to vector<16xf32>
        %parallel_loop3A_259 = arith.maximumf %parallel_loop3A_256, %parallel_loop3A_258 : vector<16xf32>
        %parallel_loop3A_260 = arith.constant 6.553500e+04 : f32
        %parallel_loop3A_261 = vector.broadcast %parallel_loop3A_260 : f32 to vector<16xf32>
        %parallel_loop3A_262 = arith.minimumf %parallel_loop3A_259, %parallel_loop3A_261 : vector<16xf32>
        %parallel_loop3A_263 = arith.fptosi %parallel_loop3A_262 : vector<16xf32> to vector<16xi32>
        %parallel_loop3A_264 = tpu.vector_load_idx %arg5[%parallel_loop3A_263] : memref<65536xf32, #tpu.memory_space<vmem>>[vector<16xi32>], vector<16xf32>,
        %parallel_loop3A_265 = arith.constant 4 : i32
        %parallel_loop3A_266 = arith.index_cast %parallel_loop3A_265 : i32 to index
        %parallel_loop3A_267 = arith.index_cast %parallel_loop3A_246 : i32 to index
        %parallel_loop3A_268 = tpu.vector_load %arg8[%parallel_loop3A_266, %parallel_loop3A_267] {strides = array<i32>} : memref<8x2048xf32, #tpu.memory_space<vmem>>, vector<16xf32>,
        tpu.vector_store %arg8[%parallel_loop3A_266, %parallel_loop3A_267], %parallel_loop3A_264 {strides = array<i32>} : memref<8x2048xf32, #tpu.memory_space<vmem>>, vector<16xf32>,
        %parallel_loop3A_269 = arith.constant 5 : i32
        %parallel_loop3A_270 = arith.index_cast %parallel_loop3A_269 : i32 to index
        %parallel_loop3A_271 = arith.index_cast %parallel_loop3A_246 : i32 to index
        %parallel_loop3A_272 = tpu.vector_load %arg8[%parallel_loop3A_270, %parallel_loop3A_271] {strides = array<i32>} : memref<8x2048xf32, #tpu.memory_space<vmem>>, vector<16xf32>,
        %parallel_loop3A_273 = arith.constant -8.000000e+00 : f32
        %parallel_loop3A_274 = vector.broadcast %parallel_loop3A_273 : f32 to vector<16xf32>
        %parallel_loop3A_275 = arith.subf %parallel_loop3A_272, %parallel_loop3A_274 : vector<16xf32>
        %parallel_loop3A_276 = arith.constant 4.096000e+03 : f32
        %parallel_loop3A_277 = vector.broadcast %parallel_loop3A_276 : f32 to vector<16xf32>
        %parallel_loop3A_278 = arith.mulf %parallel_loop3A_275, %parallel_loop3A_277 : vector<16xf32>
        %parallel_loop3A_279 = arith.constant 0.000000e+00 : f32
        %parallel_loop3A_280 = vector.broadcast %parallel_loop3A_279 : f32 to vector<16xf32>
        %parallel_loop3A_281 = arith.maximumf %parallel_loop3A_278, %parallel_loop3A_280 : vector<16xf32>
        %parallel_loop3A_282 = arith.constant 6.553500e+04 : f32
        %parallel_loop3A_283 = vector.broadcast %parallel_loop3A_282 : f32 to vector<16xf32>
        %parallel_loop3A_284 = arith.minimumf %parallel_loop3A_281, %parallel_loop3A_283 : vector<16xf32>
        %parallel_loop3A_285 = arith.fptosi %parallel_loop3A_284 : vector<16xf32> to vector<16xi32>
        %parallel_loop3A_286 = tpu.vector_load_idx %arg5[%parallel_loop3A_285] : memref<65536xf32, #tpu.memory_space<vmem>>[vector<16xi32>], vector<16xf32>,
        %parallel_loop3A_287 = arith.constant 5 : i32
        %parallel_loop3A_288 = arith.index_cast %parallel_loop3A_287 : i32 to index
        %parallel_loop3A_289 = arith.index_cast %parallel_loop3A_246 : i32 to index
        %parallel_loop3A_290 = tpu.vector_load %arg8[%parallel_loop3A_288, %parallel_loop3A_289] {strides = array<i32>} : memref<8x2048xf32, #tpu.memory_space<vmem>>, vector<16xf32>,
        tpu.vector_store %arg8[%parallel_loop3A_288, %parallel_loop3A_289], %parallel_loop3A_286 {strides = array<i32>} : memref<8x2048xf32, #tpu.memory_space<vmem>>, vector<16xf32>,
        %parallel_loop3A_291 = arith.constant 6 : i32
        %parallel_loop3A_292 = arith.index_cast %parallel_loop3A_291 : i32 to index
        %parallel_loop3A_293 = arith.index_cast %parallel_loop3A_246 : i32 to index
        %parallel_loop3A_294 = tpu.vector_load %arg8[%parallel_loop3A_292, %parallel_loop3A_293] {strides = array<i32>} : memref<8x2048xf32, #tpu.memory_space<vmem>>, vector<16xf32>,
        %parallel_loop3A_295 = arith.constant -8.000000e+00 : f32
        %parallel_loop3A_296 = vector.broadcast %parallel_loop3A_295 : f32 to vector<16xf32>
        %parallel_loop3A_297 = arith.subf %parallel_loop3A_294, %parallel_loop3A_296 : vector<16xf32>
        %parallel_loop3A_298 = arith.constant 4.096000e+03 : f32
        %parallel_loop3A_299 = vector.broadcast %parallel_loop3A_298 : f32 to vector<16xf32>
        %parallel_loop3A_300 = arith.mulf %parallel_loop3A_297, %parallel_loop3A_299 : vector<16xf32>
        %parallel_loop3A_301 = arith.constant 0.000000e+00 : f32
        %parallel_loop3A_302 = vector.broadcast %parallel_loop3A_301 : f32 to vector<16xf32>
        %parallel_loop3A_303 = arith.maximumf %parallel_loop3A_300, %parallel_loop3A_302 : vector<16xf32>
        %parallel_loop3A_304 = arith.constant 6.553500e+04 : f32
        %parallel_loop3A_305 = vector.broadcast %parallel_loop3A_304 : f32 to vector<16xf32>
        %parallel_loop3A_306 = arith.minimumf %parallel_loop3A_303, %parallel_loop3A_305 : vector<16xf32>
        %parallel_loop3A_307 = arith.fptosi %parallel_loop3A_306 : vector<16xf32> to vector<16xi32>
        %parallel_loop3A_308 = tpu.vector_load_idx %arg5[%parallel_loop3A_307] : memref<65536xf32, #tpu.memory_space<vmem>>[vector<16xi32>], vector<16xf32>,
        %parallel_loop3A_309 = arith.constant 6 : i32
        %parallel_loop3A_310 = arith.index_cast %parallel_loop3A_309 : i32 to index
        %parallel_loop3A_311 = arith.index_cast %parallel_loop3A_246 : i32 to index
        %parallel_loop3A_312 = tpu.vector_load %arg8[%parallel_loop3A_310, %parallel_loop3A_311] {strides = array<i32>} : memref<8x2048xf32, #tpu.memory_space<vmem>>, vector<16xf32>,
        tpu.vector_store %arg8[%parallel_loop3A_310, %parallel_loop3A_311], %parallel_loop3A_308 {strides = array<i32>} : memref<8x2048xf32, #tpu.memory_space<vmem>>, vector<16xf32>,
        %parallel_loop3A_313 = arith.constant 7 : i32
        %parallel_loop3A_314 = arith.index_cast %parallel_loop3A_313 : i32 to index
        %parallel_loop3A_315 = arith.index_cast %parallel_loop3A_246 : i32 to index
        %parallel_loop3A_316 = tpu.vector_load %arg8[%parallel_loop3A_314, %parallel_loop3A_315] {strides = array<i32>} : memref<8x2048xf32, #tpu.memory_space<vmem>>, vector<16xf32>,
        %parallel_loop3A_317 = arith.constant -8.000000e+00 : f32
        %parallel_loop3A_318 = vector.broadcast %parallel_loop3A_317 : f32 to vector<16xf32>
        %parallel_loop3A_319 = arith.subf %parallel_loop3A_316, %parallel_loop3A_318 : vector<16xf32>
        %parallel_loop3A_320 = arith.constant 4.096000e+03 : f32
        %parallel_loop3A_321 = vector.broadcast %parallel_loop3A_320 : f32 to vector<16xf32>
        %parallel_loop3A_322 = arith.mulf %parallel_loop3A_319, %parallel_loop3A_321 : vector<16xf32>
        %parallel_loop3A_323 = arith.constant 0.000000e+00 : f32
        %parallel_loop3A_324 = vector.broadcast %parallel_loop3A_323 : f32 to vector<16xf32>
        %parallel_loop3A_325 = arith.maximumf %parallel_loop3A_322, %parallel_loop3A_324 : vector<16xf32>
        %parallel_loop3A_326 = arith.constant 6.553500e+04 : f32
        %parallel_loop3A_327 = vector.broadcast %parallel_loop3A_326 : f32 to vector<16xf32>
        %parallel_loop3A_328 = arith.minimumf %parallel_loop3A_325, %parallel_loop3A_327 : vector<16xf32>
        %parallel_loop3A_329 = arith.fptosi %parallel_loop3A_328 : vector<16xf32> to vector<16xi32>
        %parallel_loop3A_330 = tpu.vector_load_idx %arg5[%parallel_loop3A_329] : memref<65536xf32, #tpu.memory_space<vmem>>[vector<16xi32>], vector<16xf32>,
        %parallel_loop3A_331 = arith.constant 7 : i32
        %parallel_loop3A_332 = arith.index_cast %parallel_loop3A_331 : i32 to index
        %parallel_loop3A_333 = arith.index_cast %parallel_loop3A_246 : i32 to index
        %parallel_loop3A_334 = tpu.vector_load %arg8[%parallel_loop3A_332, %parallel_loop3A_333] {strides = array<i32>} : memref<8x2048xf32, #tpu.memory_space<vmem>>, vector<16xf32>,
        tpu.vector_store %arg8[%parallel_loop3A_332, %parallel_loop3A_333], %parallel_loop3A_330 {strides = array<i32>} : memref<8x2048xf32, #tpu.memory_space<vmem>>, vector<16xf32>,
      } {sc.loop_unroll_factor = 2 : i64, sc.parallel_access}
      %mul3A_225 = arith.constant 8 : i32
      %mul3A_226 = arith.muli %add3A_197, %mul3A_225 : i32
      %add3A_227 = arith.addi %mul3A_2, %mul3A_226 : i32
      %add3A_228 = arith.constant 4 : i32
      %add3A_229 = arith.addi %add3A_227, %add3A_228 : i32
      %dma_start3A_230 = arith.constant 4 : i32
      %dma_start3A_231 = arith.constant 0 : i32
      %dma_start3A_232 = tpu.memref_slice %arg8[%dma_start3A_230, %dma_start3A_231] : memref<8x2048xf32, #tpu.memory_space<vmem>> -> memref<4x2048xf32, #tpu.memory_space<vmem>>
      %dma_start3A_233 = arith.constant 0 : i32
      %dma_start3A_234 = tpu.memref_slice %arg4[%add3A_229, %dma_start3A_233] : memref<16384x2048xf32, #tpu.memory_space<hbm>> -> memref<4x2048xf32, #tpu.memory_space<hbm>>
      %dma_start3A_235 = arith.constant 0 : i32
      %dma_start3A_236 = tpu.memref_slice %arg4[%add3A_229, %dma_start3A_235] : memref<16384x2048xf32, #tpu.memory_space<hbm>> -> memref<4x2048xf32, #tpu.memory_space<hbm>>
      %dma_start3A_237 = arith.constant 4 : i32
      %dma_start3A_238 = arith.constant 0 : i32
      %dma_start3A_239 = tpu.memref_slice %arg8[%dma_start3A_237, %dma_start3A_238] : memref<8x2048xf32, #tpu.memory_space<vmem>> -> memref<4x2048xf32, #tpu.memory_space<vmem>>
      tpu.enqueue_dma source(%dma_start3A_239 : memref<4x2048xf32, #tpu.memory_space<vmem>>) target(%dma_start3A_236 : memref<4x2048xf32, #tpu.memory_space<hbm>>) target_semaphore(%arg15 : memref<!tpu.dma_semaphore, #tpu.memory_space<semaphore_mem>>)
      %add3A_240 = arith.constant 2 : i32
      %add3A_241 = arith.addi %add3A_197, %add3A_240 : i32
      %lt3A = arith.constant 64 : i32
      %lt3A_242 = arith.cmpi slt, %add3A_241, %lt3A : i32
      %convert_element_type3A_243 = arith.extui %lt3A_242 : i1 to i32
      %cond3A_244 = arith.constant 0 : i32
      %cond3A_245 = arith.cmpi ne, %convert_element_type3A_243, %cond3A_244 : i32
      scf.if %cond3A_245 {
        %dma_wait3A_246 = arith.constant 0 : i32
        %dma_wait3A_247 = arith.constant 0 : i32
        %dma_wait3A_248 = tpu.memref_slice %arg4[%dma_wait3A_246, %dma_wait3A_247] : memref<16384x2048xf32, #tpu.memory_space<hbm>> -> memref<8x2048xf32, #tpu.memory_space<hbm>>
        %dma_wait3A_249 = arith.constant 0 : i32
        %dma_wait3A_250 = arith.constant 0 : i32
        %dma_wait3A_251 = tpu.memref_slice %arg4[%dma_wait3A_249, %dma_wait3A_250] : memref<16384x2048xf32, #tpu.memory_space<hbm>> -> memref<8x2048xf32, #tpu.memory_space<hbm>>
        tpu.wait_dma2 semaphore(%arg14 : memref<!tpu.dma_semaphore, #tpu.memory_space<semaphore_mem>>) src(%arg7 : memref<8x2048xf32, #tpu.memory_space<vmem>>) dst(%dma_wait3A_251 : memref<8x2048xf32, #tpu.memory_space<hbm>>)
        %add3A_252 = arith.constant 2 : i32
        %add3A_253 = arith.addi %add3A_197, %add3A_252 : i32
        %mul3A_254 = arith.constant 8 : i32
        %mul3A_255 = arith.muli %add3A_253, %mul3A_254 : i32
        %add3A_256 = arith.addi %mul3A_2, %mul3A_255 : i32
        %dma_start3A_257 = arith.constant 0 : i32
        %dma_start3A_258 = tpu.memref_slice %arg2[%add3A_256, %dma_start3A_257] : memref<16384x2048xf32, #tpu.memory_space<hbm>> -> memref<8x2048xf32, #tpu.memory_space<hbm>>
        %dma_start3A_259 = arith.constant 0 : i32
        %dma_start3A_260 = tpu.memref_slice %arg2[%add3A_256, %dma_start3A_259] : memref<16384x2048xf32, #tpu.memory_space<hbm>> -> memref<8x2048xf32, #tpu.memory_space<hbm>>
        tpu.enqueue_dma source(%dma_start3A_260 : memref<8x2048xf32, #tpu.memory_space<hbm>>) target(%arg7 : memref<8x2048xf32, #tpu.memory_space<vmem>>) target_semaphore(%arg11 : memref<!tpu.dma_semaphore, #tpu.memory_space<semaphore_mem>>)
      } else {
      }
    }
    %scan3A_18 = arith.constant 21 : i32
    %dma_wait3A = arith.constant 0 : i32
    %dma_wait3A_19 = arith.constant 0 : i32
    %dma_wait3A_20 = tpu.memref_slice %arg2[%dma_wait3A, %dma_wait3A_19] : memref<16384x2048xf32, #tpu.memory_space<hbm>> -> memref<8x2048xf32, #tpu.memory_space<hbm>>
    %dma_wait3A_21 = arith.constant 0 : i32
    %dma_wait3A_22 = arith.constant 0 : i32
    %dma_wait3A_23 = tpu.memref_slice %arg2[%dma_wait3A_21, %dma_wait3A_22] : memref<16384x2048xf32, #tpu.memory_space<hbm>> -> memref<8x2048xf32, #tpu.memory_space<hbm>>
    tpu.wait_dma2 semaphore(%arg10 : memref<!tpu.dma_semaphore, #tpu.memory_space<semaphore_mem>>) src(%dma_wait3A_23 : memref<8x2048xf32, #tpu.memory_space<hbm>>) dst(%arg6 : memref<8x2048xf32, #tpu.memory_space<vmem>>)
    %parallel_loop3A = arith.constant 0 : i32
    %parallel_loop3A_24 = arith.constant 2048 : i32
    %parallel_loop3A_25 = arith.constant 16 : i32
    scf.for %parallel_loop3A_75 = %parallel_loop3A to %parallel_loop3A_24 step %parallel_loop3A_25  : i32 {
      %parallel_loop3A_76 = arith.constant 0 : i32
      %parallel_loop3A_77 = arith.index_cast %parallel_loop3A_76 : i32 to index
      %parallel_loop3A_78 = arith.index_cast %parallel_loop3A_75 : i32 to index
      %parallel_loop3A_79 = tpu.vector_load %arg6[%parallel_loop3A_77, %parallel_loop3A_78] {strides = array<i32>} : memref<8x2048xf32, #tpu.memory_space<vmem>>, vector<16xf32>,
      %parallel_loop3A_80 = arith.constant -8.000000e+00 : f32
      %parallel_loop3A_81 = vector.broadcast %parallel_loop3A_80 : f32 to vector<16xf32>
      %parallel_loop3A_82 = arith.subf %parallel_loop3A_79, %parallel_loop3A_81 : vector<16xf32>
      %parallel_loop3A_83 = arith.constant 4.096000e+03 : f32
      %parallel_loop3A_84 = vector.broadcast %parallel_loop3A_83 : f32 to vector<16xf32>
      %parallel_loop3A_85 = arith.mulf %parallel_loop3A_82, %parallel_loop3A_84 : vector<16xf32>
      %parallel_loop3A_86 = arith.constant 0.000000e+00 : f32
      %parallel_loop3A_87 = vector.broadcast %parallel_loop3A_86 : f32 to vector<16xf32>
      %parallel_loop3A_88 = arith.maximumf %parallel_loop3A_85, %parallel_loop3A_87 : vector<16xf32>
      %parallel_loop3A_89 = arith.constant 6.553500e+04 : f32
      %parallel_loop3A_90 = vector.broadcast %parallel_loop3A_89 : f32 to vector<16xf32>
      %parallel_loop3A_91 = arith.minimumf %parallel_loop3A_88, %parallel_loop3A_90 : vector<16xf32>
      %parallel_loop3A_92 = arith.fptosi %parallel_loop3A_91 : vector<16xf32> to vector<16xi32>
      %parallel_loop3A_93 = tpu.vector_load_idx %arg5[%parallel_loop3A_92] : memref<65536xf32, #tpu.memory_space<vmem>>[vector<16xi32>], vector<16xf32>,
      %parallel_loop3A_94 = arith.constant 0 : i32
      %parallel_loop3A_95 = arith.index_cast %parallel_loop3A_94 : i32 to index
      %parallel_loop3A_96 = arith.index_cast %parallel_loop3A_75 : i32 to index
      %parallel_loop3A_97 = tpu.vector_load %arg6[%parallel_loop3A_95, %parallel_loop3A_96] {strides = array<i32>} : memref<8x2048xf32, #tpu.memory_space<vmem>>, vector<16xf32>,
      tpu.vector_store %arg6[%parallel_loop3A_95, %parallel_loop3A_96], %parallel_loop3A_93 {strides = array<i32>} : memref<8x2048xf32, #tpu.memory_space<vmem>>, vector<16xf32>,
      %parallel_loop3A_98 = arith.constant 1 : i32
      %parallel_loop3A_99 = arith.index_cast %parallel_loop3A_98 : i32 to index
      %parallel_loop3A_100 = arith.index_cast %parallel_loop3A_75 : i32 to index
      %parallel_loop3A_101 = tpu.vector_load %arg6[%parallel_loop3A_99, %parallel_loop3A_100] {strides = array<i32>} : memref<8x2048xf32, #tpu.memory_space<vmem>>, vector<16xf32>,
      %parallel_loop3A_102 = arith.constant -8.000000e+00 : f32
      %parallel_loop3A_103 = vector.broadcast %parallel_loop3A_102 : f32 to vector<16xf32>
      %parallel_loop3A_104 = arith.subf %parallel_loop3A_101, %parallel_loop3A_103 : vector<16xf32>
      %parallel_loop3A_105 = arith.constant 4.096000e+03 : f32
      %parallel_loop3A_106 = vector.broadcast %parallel_loop3A_105 : f32 to vector<16xf32>
      %parallel_loop3A_107 = arith.mulf %parallel_loop3A_104, %parallel_loop3A_106 : vector<16xf32>
      %parallel_loop3A_108 = arith.constant 0.000000e+00 : f32
      %parallel_loop3A_109 = vector.broadcast %parallel_loop3A_108 : f32 to vector<16xf32>
      %parallel_loop3A_110 = arith.maximumf %parallel_loop3A_107, %parallel_loop3A_109 : vector<16xf32>
      %parallel_loop3A_111 = arith.constant 6.553500e+04 : f32
      %parallel_loop3A_112 = vector.broadcast %parallel_loop3A_111 : f32 to vector<16xf32>
      %parallel_loop3A_113 = arith.minimumf %parallel_loop3A_110, %parallel_loop3A_112 : vector<16xf32>
      %parallel_loop3A_114 = arith.fptosi %parallel_loop3A_113 : vector<16xf32> to vector<16xi32>
      %parallel_loop3A_115 = tpu.vector_load_idx %arg5[%parallel_loop3A_114] : memref<65536xf32, #tpu.memory_space<vmem>>[vector<16xi32>], vector<16xf32>,
      %parallel_loop3A_116 = arith.constant 1 : i32
      %parallel_loop3A_117 = arith.index_cast %parallel_loop3A_116 : i32 to index
      %parallel_loop3A_118 = arith.index_cast %parallel_loop3A_75 : i32 to index
      %parallel_loop3A_119 = tpu.vector_load %arg6[%parallel_loop3A_117, %parallel_loop3A_118] {strides = array<i32>} : memref<8x2048xf32, #tpu.memory_space<vmem>>, vector<16xf32>,
      tpu.vector_store %arg6[%parallel_loop3A_117, %parallel_loop3A_118], %parallel_loop3A_115 {strides = array<i32>} : memref<8x2048xf32, #tpu.memory_space<vmem>>, vector<16xf32>,
      %parallel_loop3A_120 = arith.constant 2 : i32
      %parallel_loop3A_121 = arith.index_cast %parallel_loop3A_120 : i32 to index
      %parallel_loop3A_122 = arith.index_cast %parallel_loop3A_75 : i32 to index
      %parallel_loop3A_123 = tpu.vector_load %arg6[%parallel_loop3A_121, %parallel_loop3A_122] {strides = array<i32>} : memref<8x2048xf32, #tpu.memory_space<vmem>>, vector<16xf32>,
      %parallel_loop3A_124 = arith.constant -8.000000e+00 : f32
      %parallel_loop3A_125 = vector.broadcast %parallel_loop3A_124 : f32 to vector<16xf32>
      %parallel_loop3A_126 = arith.subf %parallel_loop3A_123, %parallel_loop3A_125 : vector<16xf32>
      %parallel_loop3A_127 = arith.constant 4.096000e+03 : f32
      %parallel_loop3A_128 = vector.broadcast %parallel_loop3A_127 : f32 to vector<16xf32>
      %parallel_loop3A_129 = arith.mulf %parallel_loop3A_126, %parallel_loop3A_128 : vector<16xf32>
      %parallel_loop3A_130 = arith.constant 0.000000e+00 : f32
      %parallel_loop3A_131 = vector.broadcast %parallel_loop3A_130 : f32 to vector<16xf32>
      %parallel_loop3A_132 = arith.maximumf %parallel_loop3A_129, %parallel_loop3A_131 : vector<16xf32>
      %parallel_loop3A_133 = arith.constant 6.553500e+04 : f32
      %parallel_loop3A_134 = vector.broadcast %parallel_loop3A_133 : f32 to vector<16xf32>
      %parallel_loop3A_135 = arith.minimumf %parallel_loop3A_132, %parallel_loop3A_134 : vector<16xf32>
      %parallel_loop3A_136 = arith.fptosi %parallel_loop3A_135 : vector<16xf32> to vector<16xi32>
      %parallel_loop3A_137 = tpu.vector_load_idx %arg5[%parallel_loop3A_136] : memref<65536xf32, #tpu.memory_space<vmem>>[vector<16xi32>], vector<16xf32>,
      %parallel_loop3A_138 = arith.constant 2 : i32
      %parallel_loop3A_139 = arith.index_cast %parallel_loop3A_138 : i32 to index
      %parallel_loop3A_140 = arith.index_cast %parallel_loop3A_75 : i32 to index
      %parallel_loop3A_141 = tpu.vector_load %arg6[%parallel_loop3A_139, %parallel_loop3A_140] {strides = array<i32>} : memref<8x2048xf32, #tpu.memory_space<vmem>>, vector<16xf32>,
      tpu.vector_store %arg6[%parallel_loop3A_139, %parallel_loop3A_140], %parallel_loop3A_137 {strides = array<i32>} : memref<8x2048xf32, #tpu.memory_space<vmem>>, vector<16xf32>,
      %parallel_loop3A_142 = arith.constant 3 : i32
      %parallel_loop3A_143 = arith.index_cast %parallel_loop3A_142 : i32 to index
      %parallel_loop3A_144 = arith.index_cast %parallel_loop3A_75 : i32 to index
      %parallel_loop3A_145 = tpu.vector_load %arg6[%parallel_loop3A_143, %parallel_loop3A_144] {strides = array<i32>} : memref<8x2048xf32, #tpu.memory_space<vmem>>, vector<16xf32>,
      %parallel_loop3A_146 = arith.constant -8.000000e+00 : f32
      %parallel_loop3A_147 = vector.broadcast %parallel_loop3A_146 : f32 to vector<16xf32>
      %parallel_loop3A_148 = arith.subf %parallel_loop3A_145, %parallel_loop3A_147 : vector<16xf32>
      %parallel_loop3A_149 = arith.constant 4.096000e+03 : f32
      %parallel_loop3A_150 = vector.broadcast %parallel_loop3A_149 : f32 to vector<16xf32>
      %parallel_loop3A_151 = arith.mulf %parallel_loop3A_148, %parallel_loop3A_150 : vector<16xf32>
      %parallel_loop3A_152 = arith.constant 0.000000e+00 : f32
      %parallel_loop3A_153 = vector.broadcast %parallel_loop3A_152 : f32 to vector<16xf32>
      %parallel_loop3A_154 = arith.maximumf %parallel_loop3A_151, %parallel_loop3A_153 : vector<16xf32>
      %parallel_loop3A_155 = arith.constant 6.553500e+04 : f32
      %parallel_loop3A_156 = vector.broadcast %parallel_loop3A_155 : f32 to vector<16xf32>
      %parallel_loop3A_157 = arith.minimumf %parallel_loop3A_154, %parallel_loop3A_156 : vector<16xf32>
      %parallel_loop3A_158 = arith.fptosi %parallel_loop3A_157 : vector<16xf32> to vector<16xi32>
      %parallel_loop3A_159 = tpu.vector_load_idx %arg5[%parallel_loop3A_158] : memref<65536xf32, #tpu.memory_space<vmem>>[vector<16xi32>], vector<16xf32>,
      %parallel_loop3A_160 = arith.constant 3 : i32
      %parallel_loop3A_161 = arith.index_cast %parallel_loop3A_160 : i32 to index
      %parallel_loop3A_162 = arith.index_cast %parallel_loop3A_75 : i32 to index
      %parallel_loop3A_163 = tpu.vector_load %arg6[%parallel_loop3A_161, %parallel_loop3A_162] {strides = array<i32>} : memref<8x2048xf32, #tpu.memory_space<vmem>>, vector<16xf32>,
      tpu.vector_store %arg6[%parallel_loop3A_161, %parallel_loop3A_162], %parallel_loop3A_159 {strides = array<i32>} : memref<8x2048xf32, #tpu.memory_space<vmem>>, vector<16xf32>,
    } {sc.loop_unroll_factor = 2 : i64, sc.parallel_access}
    %add3A_26 = arith.constant 504 : i32
    %add3A_27 = arith.addi %mul3A_2, %add3A_26 : i32
    %add3A_28 = arith.constant 0 : i32
    %add3A_29 = arith.addi %add3A_27, %add3A_28 : i32
    %dma_start3A_30 = arith.constant 0 : i32
    %dma_start3A_31 = arith.constant 0 : i32
    %dma_start3A_32 = tpu.memref_slice %arg6[%dma_start3A_30, %dma_start3A_31] : memref<8x2048xf32, #tpu.memory_space<vmem>> -> memref<4x2048xf32, #tpu.memory_space<vmem>>
    %dma_start3A_33 = arith.constant 0 : i32
    %dma_start3A_34 = tpu.memref_slice %arg4[%add3A_29, %dma_start3A_33] : memref<16384x2048xf32, #tpu.memory_space<hbm>> -> memref<4x2048xf32, #tpu.memory_space<hbm>>
    %dma_start3A_35 = arith.constant 0 : i32
    %dma_start3A_36 = tpu.memref_slice %arg4[%add3A_29, %dma_start3A_35] : memref<16384x2048xf32, #tpu.memory_space<hbm>> -> memref<4x2048xf32, #tpu.memory_space<hbm>>
    %dma_start3A_37 = arith.constant 0 : i32
    %dma_start3A_38 = arith.constant 0 : i32
    %dma_start3A_39 = tpu.memref_slice %arg6[%dma_start3A_37, %dma_start3A_38] : memref<8x2048xf32, #tpu.memory_space<vmem>> -> memref<4x2048xf32, #tpu.memory_space<vmem>>
    tpu.enqueue_dma source(%dma_start3A_39 : memref<4x2048xf32, #tpu.memory_space<vmem>>) target(%dma_start3A_36 : memref<4x2048xf32, #tpu.memory_space<hbm>>) target_semaphore(%arg13 : memref<!tpu.dma_semaphore, #tpu.memory_space<semaphore_mem>>)
    %parallel_loop3A_40 = arith.constant 0 : i32
    %parallel_loop3A_41 = arith.constant 2048 : i32
    %parallel_loop3A_42 = arith.constant 16 : i32
    scf.for %parallel_loop3A_75 = %parallel_loop3A_40 to %parallel_loop3A_41 step %parallel_loop3A_42  : i32 {
      %parallel_loop3A_76 = arith.constant 4 : i32
      %parallel_loop3A_77 = arith.index_cast %parallel_loop3A_76 : i32 to index
      %parallel_loop3A_78 = arith.index_cast %parallel_loop3A_75 : i32 to index
      %parallel_loop3A_79 = tpu.vector_load %arg6[%parallel_loop3A_77, %parallel_loop3A_78] {strides = array<i32>} : memref<8x2048xf32, #tpu.memory_space<vmem>>, vector<16xf32>,
      %parallel_loop3A_80 = arith.constant -8.000000e+00 : f32
      %parallel_loop3A_81 = vector.broadcast %parallel_loop3A_80 : f32 to vector<16xf32>
      %parallel_loop3A_82 = arith.subf %parallel_loop3A_79, %parallel_loop3A_81 : vector<16xf32>
      %parallel_loop3A_83 = arith.constant 4.096000e+03 : f32
      %parallel_loop3A_84 = vector.broadcast %parallel_loop3A_83 : f32 to vector<16xf32>
      %parallel_loop3A_85 = arith.mulf %parallel_loop3A_82, %parallel_loop3A_84 : vector<16xf32>
      %parallel_loop3A_86 = arith.constant 0.000000e+00 : f32
      %parallel_loop3A_87 = vector.broadcast %parallel_loop3A_86 : f32 to vector<16xf32>
      %parallel_loop3A_88 = arith.maximumf %parallel_loop3A_85, %parallel_loop3A_87 : vector<16xf32>
      %parallel_loop3A_89 = arith.constant 6.553500e+04 : f32
      %parallel_loop3A_90 = vector.broadcast %parallel_loop3A_89 : f32 to vector<16xf32>
      %parallel_loop3A_91 = arith.minimumf %parallel_loop3A_88, %parallel_loop3A_90 : vector<16xf32>
      %parallel_loop3A_92 = arith.fptosi %parallel_loop3A_91 : vector<16xf32> to vector<16xi32>
      %parallel_loop3A_93 = tpu.vector_load_idx %arg5[%parallel_loop3A_92] : memref<65536xf32, #tpu.memory_space<vmem>>[vector<16xi32>], vector<16xf32>,
      %parallel_loop3A_94 = arith.constant 4 : i32
      %parallel_loop3A_95 = arith.index_cast %parallel_loop3A_94 : i32 to index
      %parallel_loop3A_96 = arith.index_cast %parallel_loop3A_75 : i32 to index
      %parallel_loop3A_97 = tpu.vector_load %arg6[%parallel_loop3A_95, %parallel_loop3A_96] {strides = array<i32>} : memref<8x2048xf32, #tpu.memory_space<vmem>>, vector<16xf32>,
      tpu.vector_store %arg6[%parallel_loop3A_95, %parallel_loop3A_96], %parallel_loop3A_93 {strides = array<i32>} : memref<8x2048xf32, #tpu.memory_space<vmem>>, vector<16xf32>,
      %parallel_loop3A_98 = arith.constant 5 : i32
      %parallel_loop3A_99 = arith.index_cast %parallel_loop3A_98 : i32 to index
      %parallel_loop3A_100 = arith.index_cast %parallel_loop3A_75 : i32 to index
      %parallel_loop3A_101 = tpu.vector_load %arg6[%parallel_loop3A_99, %parallel_loop3A_100] {strides = array<i32>} : memref<8x2048xf32, #tpu.memory_space<vmem>>, vector<16xf32>,
      %parallel_loop3A_102 = arith.constant -8.000000e+00 : f32
      %parallel_loop3A_103 = vector.broadcast %parallel_loop3A_102 : f32 to vector<16xf32>
      %parallel_loop3A_104 = arith.subf %parallel_loop3A_101, %parallel_loop3A_103 : vector<16xf32>
      %parallel_loop3A_105 = arith.constant 4.096000e+03 : f32
      %parallel_loop3A_106 = vector.broadcast %parallel_loop3A_105 : f32 to vector<16xf32>
      %parallel_loop3A_107 = arith.mulf %parallel_loop3A_104, %parallel_loop3A_106 : vector<16xf32>
      %parallel_loop3A_108 = arith.constant 0.000000e+00 : f32
      %parallel_loop3A_109 = vector.broadcast %parallel_loop3A_108 : f32 to vector<16xf32>
      %parallel_loop3A_110 = arith.maximumf %parallel_loop3A_107, %parallel_loop3A_109 : vector<16xf32>
      %parallel_loop3A_111 = arith.constant 6.553500e+04 : f32
      %parallel_loop3A_112 = vector.broadcast %parallel_loop3A_111 : f32 to vector<16xf32>
      %parallel_loop3A_113 = arith.minimumf %parallel_loop3A_110, %parallel_loop3A_112 : vector<16xf32>
      %parallel_loop3A_114 = arith.fptosi %parallel_loop3A_113 : vector<16xf32> to vector<16xi32>
      %parallel_loop3A_115 = tpu.vector_load_idx %arg5[%parallel_loop3A_114] : memref<65536xf32, #tpu.memory_space<vmem>>[vector<16xi32>], vector<16xf32>,
      %parallel_loop3A_116 = arith.constant 5 : i32
      %parallel_loop3A_117 = arith.index_cast %parallel_loop3A_116 : i32 to index
      %parallel_loop3A_118 = arith.index_cast %parallel_loop3A_75 : i32 to index
      %parallel_loop3A_119 = tpu.vector_load %arg6[%parallel_loop3A_117, %parallel_loop3A_118] {strides = array<i32>} : memref<8x2048xf32, #tpu.memory_space<vmem>>, vector<16xf32>,
      tpu.vector_store %arg6[%parallel_loop3A_117, %parallel_loop3A_118], %parallel_loop3A_115 {strides = array<i32>} : memref<8x2048xf32, #tpu.memory_space<vmem>>, vector<16xf32>,
      %parallel_loop3A_120 = arith.constant 6 : i32
      %parallel_loop3A_121 = arith.index_cast %parallel_loop3A_120 : i32 to index
      %parallel_loop3A_122 = arith.index_cast %parallel_loop3A_75 : i32 to index
      %parallel_loop3A_123 = tpu.vector_load %arg6[%parallel_loop3A_121, %parallel_loop3A_122] {strides = array<i32>} : memref<8x2048xf32, #tpu.memory_space<vmem>>, vector<16xf32>,
      %parallel_loop3A_124 = arith.constant -8.000000e+00 : f32
      %parallel_loop3A_125 = vector.broadcast %parallel_loop3A_124 : f32 to vector<16xf32>
      %parallel_loop3A_126 = arith.subf %parallel_loop3A_123, %parallel_loop3A_125 : vector<16xf32>
      %parallel_loop3A_127 = arith.constant 4.096000e+03 : f32
      %parallel_loop3A_128 = vector.broadcast %parallel_loop3A_127 : f32 to vector<16xf32>
      %parallel_loop3A_129 = arith.mulf %parallel_loop3A_126, %parallel_loop3A_128 : vector<16xf32>
      %parallel_loop3A_130 = arith.constant 0.000000e+00 : f32
      %parallel_loop3A_131 = vector.broadcast %parallel_loop3A_130 : f32 to vector<16xf32>
      %parallel_loop3A_132 = arith.maximumf %parallel_loop3A_129, %parallel_loop3A_131 : vector<16xf32>
      %parallel_loop3A_133 = arith.constant 6.553500e+04 : f32
      %parallel_loop3A_134 = vector.broadcast %parallel_loop3A_133 : f32 to vector<16xf32>
      %parallel_loop3A_135 = arith.minimumf %parallel_loop3A_132, %parallel_loop3A_134 : vector<16xf32>
      %parallel_loop3A_136 = arith.fptosi %parallel_loop3A_135 : vector<16xf32> to vector<16xi32>
      %parallel_loop3A_137 = tpu.vector_load_idx %arg5[%parallel_loop3A_136] : memref<65536xf32, #tpu.memory_space<vmem>>[vector<16xi32>], vector<16xf32>,
      %parallel_loop3A_138 = arith.constant 6 : i32
      %parallel_loop3A_139 = arith.index_cast %parallel_loop3A_138 : i32 to index
      %parallel_loop3A_140 = arith.index_cast %parallel_loop3A_75 : i32 to index
      %parallel_loop3A_141 = tpu.vector_load %arg6[%parallel_loop3A_139, %parallel_loop3A_140] {strides = array<i32>} : memref<8x2048xf32, #tpu.memory_space<vmem>>, vector<16xf32>,
      tpu.vector_store %arg6[%parallel_loop3A_139, %parallel_loop3A_140], %parallel_loop3A_137 {strides = array<i32>} : memref<8x2048xf32, #tpu.memory_space<vmem>>, vector<16xf32>,
      %parallel_loop3A_142 = arith.constant 7 : i32
      %parallel_loop3A_143 = arith.index_cast %parallel_loop3A_142 : i32 to index
      %parallel_loop3A_144 = arith.index_cast %parallel_loop3A_75 : i32 to index
      %parallel_loop3A_145 = tpu.vector_load %arg6[%parallel_loop3A_143, %parallel_loop3A_144] {strides = array<i32>} : memref<8x2048xf32, #tpu.memory_space<vmem>>, vector<16xf32>,
      %parallel_loop3A_146 = arith.constant -8.000000e+00 : f32
      %parallel_loop3A_147 = vector.broadcast %parallel_loop3A_146 : f32 to vector<16xf32>
      %parallel_loop3A_148 = arith.subf %parallel_loop3A_145, %parallel_loop3A_147 : vector<16xf32>
      %parallel_loop3A_149 = arith.constant 4.096000e+03 : f32
      %parallel_loop3A_150 = vector.broadcast %parallel_loop3A_149 : f32 to vector<16xf32>
      %parallel_loop3A_151 = arith.mulf %parallel_loop3A_148, %parallel_loop3A_150 : vector<16xf32>
      %parallel_loop3A_152 = arith.constant 0.000000e+00 : f32
      %parallel_loop3A_153 = vector.broadcast %parallel_loop3A_152 : f32 to vector<16xf32>
      %parallel_loop3A_154 = arith.maximumf %parallel_loop3A_151, %parallel_loop3A_153 : vector<16xf32>
      %parallel_loop3A_155 = arith.constant 6.553500e+04 : f32
      %parallel_loop3A_156 = vector.broadcast %parallel_loop3A_155 : f32 to vector<16xf32>
      %parallel_loop3A_157 = arith.minimumf %parallel_loop3A_154, %parallel_loop3A_156 : vector<16xf32>
      %parallel_loop3A_158 = arith.fptosi %parallel_loop3A_157 : vector<16xf32> to vector<16xi32>
      %parallel_loop3A_159 = tpu.vector_load_idx %arg5[%parallel_loop3A_158] : memref<65536xf32, #tpu.memory_space<vmem>>[vector<16xi32>], vector<16xf32>,
      %parallel_loop3A_160 = arith.constant 7 : i32
      %parallel_loop3A_161 = arith.index_cast %parallel_loop3A_160 : i32 to index
      %parallel_loop3A_162 = arith.index_cast %parallel_loop3A_75 : i32 to index
      %parallel_loop3A_163 = tpu.vector_load %arg6[%parallel_loop3A_161, %parallel_loop3A_162] {strides = array<i32>} : memref<8x2048xf32, #tpu.memory_space<vmem>>, vector<16xf32>,
      tpu.vector_store %arg6[%parallel_loop3A_161, %parallel_loop3A_162], %parallel_loop3A_159 {strides = array<i32>} : memref<8x2048xf32, #tpu.memory_space<vmem>>, vector<16xf32>,
    } {sc.loop_unroll_factor = 2 : i64, sc.parallel_access}
    %add3A_43 = arith.constant 504 : i32
    %add3A_44 = arith.addi %mul3A_2, %add3A_43 : i32
    %add3A_45 = arith.constant 4 : i32
    %add3A_46 = arith.addi %add3A_44, %add3A_45 : i32
    %dma_start3A_47 = arith.constant 4 : i32
    %dma_start3A_48 = arith.constant 0 : i32
    %dma_start3A_49 = tpu.memref_slice %arg6[%dma_start3A_47, %dma_start3A_48] : memref<8x2048xf32, #tpu.memory_space<vmem>> -> memref<4x2048xf32, #tpu.memory_space<vmem>>
    %dma_start3A_50 = arith.constant 0 : i32
    %dma_start3A_51 = tpu.memref_slice %arg4[%add3A_46, %dma_start3A_50] : memref<16384x2048xf32, #tpu.memory_space<hbm>> -> memref<4x2048xf32, #tpu.memory_space<hbm>>
    %dma_start3A_52 = arith.constant 0 : i32
    %dma_start3A_53 = tpu.memref_slice %arg4[%add3A_46, %dma_start3A_52] : memref<16384x2048xf32, #tpu.memory_space<hbm>> -> memref<4x2048xf32, #tpu.memory_space<hbm>>
    %dma_start3A_54 = arith.constant 4 : i32
    %dma_start3A_55 = arith.constant 0 : i32
    %dma_start3A_56 = tpu.memref_slice %arg6[%dma_start3A_54, %dma_start3A_55] : memref<8x2048xf32, #tpu.memory_space<vmem>> -> memref<4x2048xf32, #tpu.memory_space<vmem>>
    tpu.enqueue_dma source(%dma_start3A_56 : memref<4x2048xf32, #tpu.memory_space<vmem>>) target(%dma_start3A_53 : memref<4x2048xf32, #tpu.memory_space<hbm>>) target_semaphore(%arg13 : memref<!tpu.dma_semaphore, #tpu.memory_space<semaphore_mem>>)
    %dma_wait3A_57 = arith.constant 0 : i32
    %dma_wait3A_58 = arith.constant 0 : i32
    %dma_wait3A_59 = tpu.memref_slice %arg4[%dma_wait3A_57, %dma_wait3A_58] : memref<16384x2048xf32, #tpu.memory_space<hbm>> -> memref<8x2048xf32, #tpu.memory_space<hbm>>
    %dma_wait3A_60 = arith.constant 0 : i32
    %dma_wait3A_61 = arith.constant 0 : i32
    %dma_wait3A_62 = tpu.memref_slice %arg4[%dma_wait3A_60, %dma_wait3A_61] : memref<16384x2048xf32, #tpu.memory_space<hbm>> -> memref<8x2048xf32, #tpu.memory_space<hbm>>
    tpu.wait_dma2 semaphore(%arg13 : memref<!tpu.dma_semaphore, #tpu.memory_space<semaphore_mem>>) src(%arg6 : memref<8x2048xf32, #tpu.memory_space<vmem>>) dst(%dma_wait3A_62 : memref<8x2048xf32, #tpu.memory_space<hbm>>)
    %dma_wait3A_63 = arith.constant 0 : i32
    %dma_wait3A_64 = arith.constant 0 : i32
    %dma_wait3A_65 = tpu.memref_slice %arg4[%dma_wait3A_63, %dma_wait3A_64] : memref<16384x2048xf32, #tpu.memory_space<hbm>> -> memref<8x2048xf32, #tpu.memory_space<hbm>>
    %dma_wait3A_66 = arith.constant 0 : i32
    %dma_wait3A_67 = arith.constant 0 : i32
    %dma_wait3A_68 = tpu.memref_slice %arg4[%dma_wait3A_66, %dma_wait3A_67] : memref<16384x2048xf32, #tpu.memory_space<hbm>> -> memref<8x2048xf32, #tpu.memory_space<hbm>>
    tpu.wait_dma2 semaphore(%arg14 : memref<!tpu.dma_semaphore, #tpu.memory_space<semaphore_mem>>) src(%arg7 : memref<8x2048xf32, #tpu.memory_space<vmem>>) dst(%dma_wait3A_68 : memref<8x2048xf32, #tpu.memory_space<hbm>>)
    %dma_wait3A_69 = arith.constant 0 : i32
    %dma_wait3A_70 = arith.constant 0 : i32
    %dma_wait3A_71 = tpu.memref_slice %arg4[%dma_wait3A_69, %dma_wait3A_70] : memref<16384x2048xf32, #tpu.memory_space<hbm>> -> memref<8x2048xf32, #tpu.memory_space<hbm>>
    %dma_wait3A_72 = arith.constant 0 : i32
    %dma_wait3A_73 = arith.constant 0 : i32
    %dma_wait3A_74 = tpu.memref_slice %arg4[%dma_wait3A_72, %dma_wait3A_73] : memref<16384x2048xf32, #tpu.memory_space<hbm>> -> memref<8x2048xf32, #tpu.memory_space<hbm>>
    tpu.wait_dma2 semaphore(%arg15 : memref<!tpu.dma_semaphore, #tpu.memory_space<semaphore_mem>>) src(%arg8 : memref<8x2048xf32, #tpu.memory_space<vmem>>) dst(%dma_wait3A_74 : memref<8x2048xf32, #tpu.memory_space<hbm>>)
    return
  }
}

</mosaic_0001>

<sc_bundles>
// kernel: kernel.3.cloned.1.call-start
scs
__scs_entry_jumppad:
0x0: {  	(pc) =	sbr.rel $0x88, $3  }
0x1: {  	(tag) =	ssettag $0x0;
	lr =	simm.s32 $0x1  }
0x2: {  	[smem:$0x3F9F] =	sst lr;
	_ =	strace $0xD0000000  }
0x3: {  	_ = 	snop  }
0x4: {  	_ = 	snop  }
0x5: {  	_ = 	snop  }
0x6: {  	_ = 	snop  }
0x7: {  	_ = 	snop  }
__scs_overlays_trampoline_lowered:
0x8: {  	[smem:$0x3FAE] =	sst s0  }
0x9: {  	[smem:$0x3FAF] =	sst s1  }
0xa: {  	[smem:$0x3FB0] =	sst s2  }
0xb: {  	[smem:$0x3FB1] =	sst s3  }
0xc: {  	[smem:$0x3FB2] =	sst s4  }
0xd: {  	[smem:$0x3FB3] =	sst s5  }
0xe: {  	[smem:$0x3FB4] =	sst s6  }
0xf: {  	[smem:$0x3FB5] =	sst s7  }
0x10: {  	[smem:$0x3FB6] =	sst s8  }
0x11: {  	[smem:$0x3FB7] =	sst s9;
	s0 =	simm.s32 @!p0 $0x0  }
0x12: {  	s1 =	sld [smem:$0x3F9D];
	s0 =	simm.s32 @p0 $0x1  }
0x13: {  	[smem:$0x3FB8] =	sst s0;
	s0 =	simm.s32 @!p1 $0x0  }
0x14: {  	s2 =	sld [smem:$0x3F9C];
	s0 =	simm.s32 @p1 $0x1  }
0x15: {  	[smem:$0x3FB9] =	sst s0;
	s0 =	simm.s32 @!p2 $0x0  }
0x16: {  	s3 =	sld [smem:$0x3FDB];
	s0 =	simm.s32 @p2 $0x1  }
0x17: {  	s4 =	simm.s32 $0x1BF5;
	[smem:$0x3FBB] =	sst s0  }
0x18: {  	s0 =	sld [smem:$0x3F9E];
	_ =	swait.ge [sflag:s4], $0x0  }
0x19: {  	s7 =	sld [smem:$0x3F9F]  }
0x1a: {  	s8 =	sadd.s32 $0xFFFFE003, lr  }
0x1b: {  	s9 =	sadd.s32 $0xFFFFFEF7, lr;
	s5 =	simm.s32 $0xFFFFFFFF;
	p2 =	slt.u32 s8, $0xFFFFF086  }
0x1c: {  	p1 =	slt.u32 s9, $0xF7A;
	s5 =	simm.s32 @!p2 $0x0  }
0x1d: {  	s5 =	simm.s32 @p1 $0x1;
	p0 =	seq.s32 s7, s2  }
0x1e: {  	s7 =	smul.u32 @!p0 $0xF7A, s2;
	p2 =	seq.s32 @!p0 s5, $0x0  }
0x1f: {  	s9 =	smul.u32 $0xF7A, s1;
	s8 =	simm.s32 @!p0 $0x1BF5;
	p2 =	por !p2, p0  }
0x20: {  	[sflag:s8] =	ssyncset.s32 @!p0 $0xFFFFF086;
	s6 =	sadd.s32 @!p0 s3, s7;
	s7 =	simm.s32 @!p0 $0x108  }
0x21: {  	s3 =	sadd.s32 s3, s9;
	s6 =	sadd.s32 @!p0 $0x88, s6;
	s7 =	simm.s32 @p2 $0x1082  }
0x22: {  	[simem:s7], [sflag:s8] =	dma.local @!p0 [hbm:s6], $0xF7A  }
0x23: {  	s9 =	sor.u32 $0xD0000000, s2;
	s6 =	simm.s32 $0x108;
	_ =	swait.ge @!p0 [sflag:s8], $0x0  }
0x24: {  	s3 =	sadd.s32 $0x88, s3;
	s6 =	simm.s32 @!p1 $0x1082;
	[sflag:s4] =	ssyncset.s32 $0xFFFFF086  }
0x25: {  	[simem:s6], [sflag:s4] =	dma.local [hbm:s3], $0xF7A  }
0x26: {  	[smem:$0x3F9F] =	sst s1;
	(tag) =	ssettag s2;
	_ =	strace s9  }
0x27: {  	s1 =	sld [smem:$0x3FAF]  }
0x28: {  	s2 =	sld [smem:$0x3FB0]  }
0x29: {  	s4 =	sld [smem:$0x3FB2]  }
0x2a: {  	p0 =	seq.s32 s5, $0x0;
	s5 =	sld [smem:$0x3FB3]  }
0x2b: {  	s6 =	sld [smem:$0x3FB4]  }
0x2c: {  	s7 =	sld [smem:$0x3FB5]  }
0x2d: {  	s3 =	simm.s32 $0x108;
	s8 =	sld [smem:$0x3FB6]  }
0x2e: {  	s3 =	simm.s32 @!p0 $0x1082;
	s9 =	sld [smem:$0x3FB7]  }
0x2f: {  	lr =	sadd.s32 s0, s3;
	s0 =	sld [smem:$0x3FAE]  }
0x30: {  	s3 =	sld [smem:$0x3FB1]  }
0x31: {  	[smem:$0x3FBA] =	sst s10  }
0x32: {  	s10 =	sld [smem:$0x3FB8];
	_ =	sdelay $0x3  }
0x33: {  	p0 =	seq.s32 s10, $0x1;
	s10 =	sld [smem:$0x3FBA];
	_ =	sdelay $0x3  }
0x34: {  	[smem:$0x3FBA] =	sst s10  }
0x35: {  	s10 =	sld [smem:$0x3FB9];
	_ =	sdelay $0x3  }
0x36: {  	p1 =	seq.s32 s10, $0x1;
	s10 =	sld [smem:$0x3FBA];
	_ =	sdelay $0x3  }
0x37: {  	[smem:$0x3FBA] =	sst s10  }
0x38: {  	s10 =	sld [smem:$0x3FBB]  }
0x39: {  	_ = 	snop;
	(pc) =	sbr.ind lr, $3  }
0x3a: {  	_ = 	snop  }
0x3b: {  	_ = 	snop  }
0x3c: {  	p2 =	seq.s32 s10, $0x1;
	s10 =	sld [smem:$0x3FBA]  }
0x3d: {  	_ =	shalt  }
0x3e: {  	_ =	shalt  }
0x3f: {  	_ =	shalt  }
0x40: {  	_ =	shalt  }
0x41: {  	_ =	shalt  }
0x42: {  	_ =	shalt  }
0x43: {  	_ =	shalt  }
0x44: {  	_ =	shalt  }
0x45: {  	_ =	shalt  }
0x46: {  	_ =	shalt  }
0x47: {  	_ =	shalt  }
0x48: {  	_ =	shalt  }
0x49: {  	_ =	shalt  }
0x4a: {  	_ =	shalt  }
0x4b: {  	_ =	shalt  }
0x4c: {  	_ =	shalt  }
0x4d: {  	_ =	shalt  }
0x4e: {  	_ =	shalt  }
0x4f: {  	_ =	shalt  }
0x50: {  	_ =	shalt  }
0x51: {  	_ =	shalt  }
0x52: {  	_ =	shalt  }
0x53: {  	_ =	shalt  }
0x54: {  	_ =	shalt  }
0x55: {  	_ =	shalt  }
0x56: {  	_ =	shalt  }
0x57: {  	_ =	shalt  }
0x58: {  	_ =	shalt  }
0x59: {  	_ =	shalt  }
0x5a: {  	_ =	shalt  }
0x5b: {  	_ =	shalt  }
0x5c: {  	_ =	shalt  }
0x5d: {  	_ =	shalt  }
0x5e: {  	_ =	shalt  }
0x5f: {  	_ =	shalt  }
0x60: {  	_ =	shalt  }
0x61: {  	_ =	shalt  }
0x62: {  	_ =	shalt  }
0x63: {  	_ =	shalt  }
0x64: {  	_ =	shalt  }
0x65: {  	_ =	shalt  }
0x66: {  	_ =	shalt  }
0x67: {  	_ =	shalt  }
0x68: {  	_ =	shalt  }
0x69: {  	_ =	shalt  }
0x6a: {  	_ =	shalt  }
0x6b: {  	_ =	shalt  }
0x6c: {  	_ =	shalt  }
0x6d: {  	_ =	shalt  }
0x6e: {  	_ =	shalt  }
0x6f: {  	_ =	shalt  }
0x70: {  	_ =	shalt  }
0x71: {  	_ =	shalt  }
0x72: {  	_ =	shalt  }
0x73: {  	_ =	shalt  }
0x74: {  	_ =	shalt  }
0x75: {  	_ =	shalt  }
0x76: {  	_ =	shalt  }
0x77: {  	_ =	shalt  }
0x78: {  	_ =	shalt  }
0x79: {  	_ =	shalt  }
0x7a: {  	_ =	shalt  }
0x7b: {  	_ =	shalt  }
0x7c: {  	_ =	shalt  }
0x7d: {  	_ =	shalt  }
0x7e: {  	_ =	shalt  }
0x7f: {  	_ =	shalt  }
0x80: {  	_ =	shalt  }
0x81: {  	_ =	shalt  }
0x82: {  	_ =	shalt  }
0x83: {  	_ =	shalt  }
0x84: {  	_ =	shalt  }
0x85: {  	_ =	shalt  }
0x86: {  	_ =	shalt  }
0x87: {  	_ =	shalt  }
.Lfunc_end0:
.L_simem_size_0:
called_computation_lowered:
.L_overlay_start_0:
0x88: {  	s2 =	sld [smem:$0x3FD9]  }
0x89: {  	s3 =	sld [smem:$0x3FFE];
	_ =	sdelay $0x1  }
0x8a: {  	s1 =	srdreg.scid  }
0x8b: {  	s0 =	sand.u32 $0x1, s1  }
0x8c: {  	s17 =	sshll.u32 s0, $0xA;
	s2 =	sadd.s32 s3, s2  }
0x8d: {  	s2 =	sadd.s32 s2, s17  }
0x8e: {  	[smem:$0x3FC6] =	sst s2  }
0x8f: {  	_ = 	snop  }
0x90: {  	s2 =	sld [smem:$0x3FC9]  }
0x91: {  	s18 =	sld [smem:$0x3FD0];
	(tm) =	ssettm $0x1  }
0x92: {  	s4 =	sld [smem:$0x3FFB];
	_ =	sdelay $0x3  }
0x93: {  	_ =	strace s4  }
0x94: {  	s4 =	sld [smem:$0x3FFC];
	_ =	sdelay $0x3  }
0x95: {  	_ =	strace s4  }
0x96: {  	s4 =	sld [smem:$0x3FFD];
	_ =	sdelay $0x3  }
0x97: {  	_ =	strace s4  }
0x98: {  	_ =	strace $0x8FFFFFFF  }
0x99: {  	s19 =	sld [smem:$0x3FDB];
	_ =	sdelay $0x1  }
0x9a: {  	s5 =	simm.s32 $_scs_section_size  }
0x9b: {  	s6 =	simm.s32 $_size__tile_overlayer_lowered;
	s7 =	simm.s32 $_tile_overlayer_lowered  }
0x9c: {  	s22 =	simm.s32 $0x1BFF;
	s21 =	sshll.u32 s7, $0x1;
	s4 =	sadd.s32 s5, s19  }
0x9d: {  	s8 =	simm.s32 $0x0;
	s20 =	sshll.u32 s6, $0x1;
	s6 =	sadd.s32 s21, s4  }
0x9e: {  	[timem:s8], [sflag:s22] =	dma.local [hbm:s6], s20  }
0x9f: {  	_ =	swait.ge [sflag:s22], s20  }
0xa0: {  	s5 =	ssub.s32 $0x0, s20;
	[sflag:s22] =	ssyncset.done $0x0  }
0xa1: {  	[sflag:s22] =	ssyncadd.s32 s5;
	_ =	sdelay $0x1  }
0xa2: {  	s23 =	simm.s32 $0x1B8B  }
0xa3: {  	_ =	swait.ge [sflag:s23], $0x1  }
0xa4: {  	[sflag:s23] =	ssyncset.done $0x0  }
0xa5: {  	s25 =	simm.s32 $0x1B8E;
	s24 =	sld [smem:$0x3FFE];
	[sflag:s23] =	ssyncadd.s32 $0xFFFFFFFF  }
0xa6: {  	s26 =	simm.s32 $execute0_lowered;
	[smem:$0x3FD2] =	sst s25  }
0xa7: {  	s6 =	sshll.u32 s26, $0x1;
	_ =	strace $0x80000046;
	[dreg:$0x1] =	wrdreg $0xFFFFFFFF  }
0xa8: {  	s28 =	simm.s32 $_size_execute0_lowered;
	s4 =	sadd.s32 s4, s6;
	[dreg:$0x0] =	wrdreg $0x0  }
0xa9: {  	s6 =	sshll.u32 s28, $0x1;
	[dreg:$0x2] =	wrdreg s4  }
0xaa: {  	[dreg:$0x3] =	wrdreg s6  }
0xab: {  	[dreg:$0x4] =	wrdreg $0xC0  }
0xac: {  	_ =	task [dreg:s8], $0x5FFFF  }
0xad: {  	[dreg:$0x1] =	wrdreg $0xFFFFFFFF  }
0xae: {  	[dreg:$0x0] =	wrdreg $0x60  }
0xaf: {  	[dreg:$0x2] =	wrdreg s2  }
0xb0: {  	[dreg:$0x3] =	wrdreg s24  }
0xb1: {  	[dreg:$0x4] =	wrdreg s18  }
0xb2: {  	[dreg:$0x5] =	wrdreg $0x9  }
0xb3: {  	_ =	task.clear_ibuf [dreg:s8], $0x6FFFF;
	_ =	strace $0x90000046  }
0xb4: {  	s29 =	simm.s32 $0x9;
	_ =	strace $0x80000048  }
0xb5: {  	_ =	swait.ge [sflag:s29], $0x1  }
0xb6: {  	[sflag:s29] =	ssyncadd.s32 $0xFFFFFFFF  }
0xb7: {  	_ =	strace $0x90000048  }
0xb8: {  	_ =	sfence  }
0xb9: {  	s30 =	sld [smem:$0x0];
	_ =	sdelay $0x2  }
0xba: {  	s31 =	sshll.u32 s1, $0xD;
	s1 =	sshrl.u32 s1, $0x2  }
0xbb: {  	s3 =	sand.u32 $0x4000, s31;
	s1 =	sadd.s32 s1, s30  }
0xbc: {  	s0 =	sor.u32 s3, s0;
	s1 =	sshll.u32 s1, $0x11  }
0xbd: {  	s0 =	sor.u32 s1, s0  }
0xbe: {  	s0 =	sadd.s32 $0x8F2B, s0  }
0xbf: {  	[sflag:s0] =	ssyncadd.remote.s32 $0x1  }
0xc0: {  	_ =	sfence.sel $0xFFFF  }
0xc1: {  	[dreg:$0x0] =	wrdreg $0xFFFFFFFF;
	(pc) =	sbr.abs _section_cstart, $3  }
0xc2: {  	[dreg:$0x1] =	wrdreg $0xFFFFFFFF  }
0xc3: {  	_ =	task.clear_ibuf [dreg:s8], $0x2FFFF;
	_ =	strace $0x9FFFFFFF  }
0xc4: {  	(tm) =	ssettm $0x7FFFFFFF  }
0xc5: {  	_ =	shalt  }
tec
execute0_lowered:
.L_overlay_start_1:
0x0: {  	(tag) =	ssettag $0x1  }
0x1: {  	s5 =	rddreg [dreg:$0x0]  }
0x2: {  	s0 =	srdreg.scid;
	s1 =	rddreg [dreg:$0x1]  }
0x3: {  	s2 =	stileid.u32;
	s6 =	rddreg [dreg:$0x2]  }
0x4: {  	s4 =	simm.s32 $0x0;
	s0 =	sand.u32 $0x1, s0;
	s2 =	sshll.u32 s2, $0xA  }
0x5: {  	[smem:$0x7FF] =	sst s4;
	s1 =	sadd.s32 $0x400, s1;
	s3 =	sshll.u32 s0, $0x9  }
0x6: {  	_ =	strace $0x80000047;
	[dreg:$0x6] =	wrdreg s1;
	s7 =	sor.u32 s3, s2  }
0x7: {  	s0 =	ssub.s32 $0x2, s0;
	s24 =	sor.u32 $0x10, s7;
	[dreg:$0x4] =	wrdreg s7  }
0x8: {  	s22 =	sshrl.u32 s0, $0x1;
	s25 =	sor.u32 $0x8, s7;
	[dreg:$0x8] =	wrdreg s24  }
0x9: {  	s2 =	sshll.u32 s7, $0x8;
	s26 =	sor.u32 $0x18, s7;
	[dreg:$0x9] =	wrdreg s25  }
0xa: {  	s28 =	sshrl.u32 s7, $0x3;
	s5 =	sadd.s32 s5, s2;
	[dreg:$0xa] =	wrdreg s26  }
0xb: {  	s0 =	ssub.s32 s0, s22;
	s1 =	sor.u32 $0x4, s28;
	[dreg:$0x5] =	wrdreg s5  }
0xc: {  	s30 =	simm.s32 $0x10000;
	s0 =	smax.u32 s0, $0x1;
	[dreg:$0xb] =	wrdreg s1  }
0xd: {  	s2 =	sadd.s32 s2, s6;
	s23 =	sadd.s32 $0x800, s5;
	[dreg:$0xe] =	wrdreg s0  }
0xe: {  	s19 =	simm.s32 $0x14000;
	s29 =	sadd.s32 $0x1F800, s2;
	[dreg:$0x7] =	wrdreg s23  }
0xf: {  	s16 =	simm.s32 $0x5;
	s31 =	sadd.s32 $0x1F840, s2;
	[dreg:$0xc] =	wrdreg s29  }
0x10: {  	s9 =	sadd.s32 $0x40, s6;
	s2 =	simm.s32 $0x0;
	[dreg:$0xd] =	wrdreg s31  }
.LBB2_1:
0x11: {  	[dreg:$0xf] =	wrdreg s2  }
0x12: {  	s0 =	rddreg [dreg:$0x6]  }
0x13: {  	[tilespmem:s4], [sflag:$0x1] =	stream.linear.gather [hbm4b:s0+s4], $0x10000, $0x38;
	[tilespmem:$0x1C000] =	vst v63  }
0x14: {  	s28 =	rddreg [dreg:$0x5]  }
0x15: {  	[tilespmem:s30], [sflag:$0x2] =	stream.linear.gather [hbm4b:s28+s4], $0x4000, $0x38;
	[tilespmem:$0x1C000] =	vst v63  }
0x16: {  	s29 =	rddreg [dreg:$0x7];
	s31 =	simm.s32 $0x1  }
0x17: {  	[tilespmem:s19], [sflag:$0x3] =	stream.linear.gather [hbm4b:s29+s4], $0x4000, $0x38;
	[tilespmem:$0x1C000] =	vst v63  }
0x18: {  	_ =	swait.ge [sflag:s31], $0x10000  }
0x19: {  	[sflag:s31] =	ssyncset.done $0x0  }
0x1a: {  	s14 =	simm.s32 $0x0;
	[sflag:s31] =	ssyncadd.s32 $0xFFFF0000  }
.LBB2_2:
0x1b: {  	s2 =	simm.s32 $0x2  }
0x1c: {  	s0 =	simm.s32 $0x0;
	s1 =	simm.s32 $0x0;
	_ =	swait.ge [sflag:s2], $0x4000  }
0x1d: {  	s1 =	sand.u32 $0x60, s1;
	s0 =	sand.u32 $0x3C00, s0;
	[sflag:s2] =	ssyncset.done $0x0  }
0x1e: {  	s22 =	sor.u32 s1, s0;
	[sflag:s2] =	ssyncadd.s32 $0xFFFFC000  }
0x1f: {  	v0 =	vld [tilespmem:s22+$0x10080]  }
0x20: {  	s23 =	simm.s32 $0x20;
	s24 =	simm.s32 $0x100;
	v1 =	vld [tilespmem:s22+$0x10000]  }
0x21: {  	s0 =	sand.u32 $0x60, s23;
	s1 =	sand.u32 $0x3C00, s24;
	v2 =	vld [tilespmem:s22+$0x10010]  }
0x22: {  	s21 =	sor.u32 s0, s1;
	v3 =	vld [tilespmem:s22+$0x10090]  }
0x23: {  	v4 =	vld [tilespmem:s21+$0x10000]  }
0x24: {  	v5 =	vld [tilespmem:s21+$0x10080]  }
0x25: {  	v6 =	vld [tilespmem:s21+$0x10010]  }
0x26: {  	v7 =	vld [tilespmem:s22+$0x10110]  }
0x27: {  	v8 =	vld [tilespmem:s22+$0x10100]  }
0x28: {  	v11 =	vld [tilespmem:s22+$0x10180]  }
0x29: {  	v12 =	vld [tilespmem:s21+$0x10090]  }
0x2a: {  	s25 =	simm.s32 $0x40;
	s26 =	simm.s32 $0x200;
	v13 =	vld [tilespmem:s22+$0x10190]  }
0x2b: {  	s0 =	sand.u32 $0x60, s25;
	s1 =	sand.u32 $0x3C00, s26;
	v15 =	vld [tilespmem:s21+$0x10110];
	v0 =	vadd.f32 $8.000000000e+00, v0;
	v1 =	vadd.f32 $8.000000000e+00, v1  }
0x2c: {  	s15 =	sor.u32 s0, s1;
	v18 =	vld [tilespmem:s21+$0x10180];
	v2 =	vadd.f32 $8.000000000e+00, v2;
	v3 =	vadd.f32 $8.000000000e+00, v3  }
0x2d: {  	v9 =	vld [tilespmem:s15+$0x10000];
	v4 =	vadd.f32 $8.000000000e+00, v4;
	v5 =	vadd.f32 $8.000000000e+00, v5  }
0x2e: {  	v10 =	vld [tilespmem:s15+$0x10080];
	v6 =	vadd.f32 $8.000000000e+00, v6;
	v7 =	vadd.f32 $8.000000000e+00, v7  }
0x2f: {  	v14 =	vld [tilespmem:s15+$0x10010];
	v8 =	vadd.f32 $8.000000000e+00, v8;
	v12 =	vadd.f32 $8.000000000e+00, v12  }
0x30: {  	v13 =	vadd.f32 $8.000000000e+00, v13;
	v11 =	vadd.f32 $8.000000000e+00, v11  }
0x31: {  	v15 =	vadd.f32 $8.000000000e+00, v15;
	v18 =	vadd.f32 $8.000000000e+00, v18  }
0x32: {  	v9 =	vadd.f32 $8.000000000e+00, v9;
	v0 =	vmul.f32 $4.096000000e+03, v0;
	v2 =	vmul.f32 $4.096000000e+03, v2  }
0x33: {  	s28 =	simm.s32 $0x60;
	s29 =	simm.s32 $0x300;
	v10 =	vadd.f32 $8.000000000e+00, v10;
	v1 =	vmul.f32 $4.096000000e+03, v1;
	v3 =	vmul.f32 $4.096000000e+03, v3  }
0x34: {  	s0 =	sand.u32 $0x60, s28;
	s1 =	sand.u32 $0x3C00, s29;
	v14 =	vadd.f32 $8.000000000e+00, v14;
	v5 =	vmul.f32 $4.096000000e+03, v5;
	v6 =	vmul.f32 $4.096000000e+03, v6  }
0x35: {  	s23 =	sor.u32 s0, s1;
	v4 =	vmul.f32 $4.096000000e+03, v4;
	v7 =	vmul.f32 $4.096000000e+03, v7;
	v1 =	vmax.f32 v1, $0.0e+00  }
0x36: {  	v16 =	vld [tilespmem:s23+$0x10080];
	v8 =	vmul.f32 $4.096000000e+03, v8;
	v2 =	vmax.f32 v2, $0.0e+00;
	v1 =	vmin.f32 v1, $6.553500000e+04  }
0x37: {  	v12 =	vmul.f32 $4.096000000e+03, v12;
	v2 =	vmin.f32 v2, $6.553500000e+04;
	v1 =	vtrunc.f32 v1  }
0x38: {  	v6 =	vmax.f32 v6, $0.0e+00;
	v2 =	vtrunc.f32 v2;
	v1 =	vcvt.f32.s32 v1  }
0x39: {  	v13 =	vmul.f32 $4.096000000e+03, v13;
	v6 =	vmin.f32 v6, $6.553500000e+04;
	v2 =	vcvt.f32.s32 v2  }
0x3a: {  	v15 =	vmul.f32 $4.096000000e+03, v15;
	v4 =	vmax.f32 v4, $0.0e+00;
	v6 =	vtrunc.f32 v6  }
0x3b: {  	v16 =	vadd.f32 $8.000000000e+00, v16;
	v4 =	vmin.f32 v4, $6.553500000e+04;
	v6 =	vcvt.f32.s32 v6  }
0x3c: {  	v11 =	vmul.f32 $4.096000000e+03, v11;
	v3 =	vmax.f32 v3, $0.0e+00;
	v4 =	vtrunc.f32 v4  }
0x3d: {  	v9 =	vmul.f32 $4.096000000e+03, v9;
	v3 =	vmin.f32 v3, $6.553500000e+04;
	v4 =	vcvt.f32.s32 v4  }
0x3e: {  	v0 =	vmax.f32 v0, $0.0e+00;
	v5 =	vmax.f32 v5, $0.0e+00;
	v3 =	vtrunc.f32 v3;
	v1 =	vld.idx.msk [tilespmem:v1+s4+$0x0], $0xffff  }
0x3f: {  	v7 =	vmax.f32 v7, $0.0e+00;
	v8 =	vmax.f32 v8, $0.0e+00;
	v3 =	vcvt.f32.s32 v3;
	v2 =	vld.idx.msk [tilespmem:v2+s4+$0x0], $0xffff  }
0x40: {  	v20 =	vld [tilespmem:s23+$0x10010];
	v13 =	vmax.f32 v13, $0.0e+00;
	v16 =	vmul.f32 $4.096000000e+03, v16;
	v0 =	vmin.f32 v0, $6.553500000e+04  }
0x41: {  	v5 =	vmin.f32 v5, $6.553500000e+04;
	v7 =	vmin.f32 v7, $6.553500000e+04;
	v0 =	vtrunc.f32 v0;
	v6 =	vld.idx.msk [tilespmem:v6+s4+$0x0], $0xffff  }
0x42: {  	v17 =	vld [tilespmem:s21+$0x10190];
	v15 =	vmax.f32 v15, $0.0e+00;
	v5 =	vtrunc.f32 v5;
	v7 =	vtrunc.f32 v7  }
0x43: {  	v8 =	vmin.f32 v8, $6.553500000e+04;
	v0 =	vcvt.f32.s32 v0;
	v7 =	vcvt.f32.s32 v7;
	v4 =	vld.idx.msk [tilespmem:v4+s4+$0x0], $0xffff;
	[tilespmem:s22+$0x10000] =	vst v1  }
0x44: {  	v9 =	vmax.f32 v9, $0.0e+00;
	v1 =	vcvt.f32.s32 v5;
	v5 =	vld [tilespmem:s21+$0x10100];
	[tilespmem:s22+$0x10010] =	vst v2;
	v2 =	vtrunc.f32 v8  }
0x45: {  	v8 =	vmul.f32 $4.096000000e+03, v10;
	v10 =	vmax.f32 v12, $0.0e+00;
	v12 =	vmul.f32 $4.096000000e+03, v14;
	v3 =	vld.idx.msk [tilespmem:v3+s4+$0x0], $0xffff  }
0x46: {  	[tilespmem:s21+$0x10010] =	vst v6;
	v6 =	vadd.f32 $8.000000000e+00, v20;
	v10 =	vmin.f32 v10, $6.553500000e+04;
	v2 =	vcvt.f32.s32 v2  }
0x47: {  	v19 =	vld [tilespmem:s15+$0x10090];
	v8 =	vmax.f32 v8, $0.0e+00;
	v10 =	vtrunc.f32 v10;
	v12 =	vmax.f32 v12, $0.0e+00  }
0x48: {  	v23 =	vld [tilespmem:s15+$0x10190];
	v20 =	vmul.f32 $4.096000000e+03, v6;
	v8 =	vmin.f32 v8, $6.553500000e+04;
	v12 =	vmin.f32 v12, $6.553500000e+04  }
0x49: {  	[tilespmem:s21+$0x10000] =	vst v4;
	v0 =	vld.idx.msk [tilespmem:v0+s4+$0x0], $0xffff;
	v10 =	vcvt.f32.s32 v10;
	v12 =	vtrunc.f32 v12;
	v5 =	vadd.f32 $8.000000000e+00, v5  }
0x4a: {  	v8 =	vtrunc.f32 v8;
	[tilespmem:s22+$0x10090] =	vst v3;
	v3 =	vmin.f32 v9, $6.553500000e+04;
	v21 =	vld.idx.msk [tilespmem:v1+s4+$0x0], $0xffff;
	v1 =	vadd.f32 $8.000000000e+00, v17  }
0x4b: {  	v14 =	vld [tilespmem:s23+$0x10000];
	v9 =	vmin.f32 v15, $6.553500000e+04;
	v17 =	vcvt.f32.s32 v8;
	v5 =	vmul.f32 $4.096000000e+03, v5  }
0x4c: {  	v16 =	vmax.f32 v16, $0.0e+00;
	v6 =	vld [tilespmem:s15+$0x10180];
	v3 =	vtrunc.f32 v3;
	v9 =	vtrunc.f32 v9  }
0x4d: {  	v8 =	vld [tilespmem:s15+$0x10110];
	v3 =	vcvt.f32.s32 v3;
	v4 =	vmax.f32 v5, $0.0e+00;
	v5 =	vmax.f32 v11, $0.0e+00  }
0x4e: {  	v1 =	vmul.f32 $4.096000000e+03, v1;
	v11 =	vld.idx.msk [tilespmem:v7+s4+$0x0], $0xffff;
	v7 =	vadd.f32 $8.000000000e+00, v19;
	v5 =	vmin.f32 v5, $6.553500000e+04  }
0x4f: {  	s2 =	simm.s32 $0x400;
	s0 =	simm.s32 $0x80;
	v16 =	vmin.f32 v16, $6.553500000e+04;
	v15 =	vld [tilespmem:s15+$0x10100];
	[tilespmem:s22+$0x10080] =	vst v0;
	v9 =	vcvt.f32.s32 v9;
	v5 =	vtrunc.f32 v5  }
0x50: {  	s3 =	sand.u32 $0x3C00, s2;
	s31 =	sand.u32 $0x60, s0;
	v14 =	vadd.f32 $8.000000000e+00, v14;
	v2 =	vld.idx.msk [tilespmem:v2+s4+$0x0], $0xffff;
	v0 =	vmul.f32 $4.096000000e+03, v7;
	v7 =	vcvt.f32.s32 v12  }
0x51: {  	s24 =	sor.u32 s31, s3;
	v10 =	vld.idx.msk [tilespmem:v10+s4+$0x0], $0xffff;
	v4 =	vmin.f32 v4, $6.553500000e+04;
	v12 =	vcvt.f32.s32 v5;
	v5 =	vmin.f32 v13, $6.553500000e+04  }
0x52: {  	v4 =	vtrunc.f32 v4;
	v13 =	vld [tilespmem:s24+$0x10080];
	v19 =	vmax.f32 v0, $0.0e+00;
	v5 =	vtrunc.f32 v5  }
0x53: {  	v0 =	vcvt.f32.s32 v4;
	v4 =	vld [tilespmem:s24+$0x10000];
	v19 =	vmin.f32 v19, $6.553500000e+04;
	v22 =	vcvt.f32.s32 v5  }
0x54: {  	v5 =	vmax.f32 v20, $0.0e+00;
	v20 =	vld.idx.msk [tilespmem:v3+s4+$0x0], $0xffff;
	v3 =	vadd.f32 $8.000000000e+00, v8;
	v19 =	vtrunc.f32 v19  }
0x55: {  	[tilespmem:s22+$0x10100] =	vst v2;
	v2 =	vmin.f32 v5, $6.553500000e+04;
	v5 =	vcvt.f32.s32 v19;
	v19 =	vmul.f32 $4.096000000e+03, v14;
	v14 =	vld [tilespmem:s23+$0x10090]  }
0x56: {  	v63 =	vmul.f32 $4.096000000e+03, v18;
	v16 =	vtrunc.f32 v16;
	v15 =	vadd.f32 $8.000000000e+00, v15;
	v8 =	vld.idx.msk [tilespmem:v7+s4+$0x0], $0xffff  }
0x57: {  	[tilespmem:s21+$0x10090] =	vst v10;
	v10 =	vadd.f32 $8.000000000e+00, v23;
	v24 =	vmul.f32 $4.096000000e+03, v3;
	v7 =	vmax.f32 v1, $0.0e+00;
	v3 =	vld.idx.msk [tilespmem:v12+s4+$0x0], $0xffff  }
0x58: {  	[tilespmem:s22+$0x10110] =	vst v11;
	v11 =	vadd.f32 $8.000000000e+00, v13;
	v13 =	vld [tilespmem:s24+$0x10010];
	v12 =	vtrunc.f32 v2;
	v2 =	vmul.f32 $4.096000000e+03, v15  }
0x59: {  	v1 =	vadd.f32 $8.000000000e+00, v4;
	v15 =	vmax.f32 v24, $0.0e+00;
	v19 =	vmax.f32 v19, $0.0e+00;
	[tilespmem:s15+$0x10000] =	vst v20;
	v4 =	vld.idx.msk [tilespmem:v22+s4+$0x0], $0xffff  }
0x5a: {  	[tilespmem:s21+$0x10080] =	vst v21;
	v19 =	vmin.f32 v19, $6.553500000e+04;
	v18 =	vmax.f32 v2, $0.0e+00;
	v2 =	vld.idx.msk [tilespmem:v17+s4+$0x0], $0xffff;
	v17 =	vmax.f32 v63, $0.0e+00  }
.LBB2_3:
0x5b: {  	s0 =	sadd.s32 $0x20, s0;
	s2 =	sadd.s32 $0x100, s2;
	v19 =	vtrunc.f32 v19;
	v18 =	vmin.f32 v18, $6.553500000e+04;
	[tilespmem:s15+$0x10010] =	vst v8;
	v8 =	vmin.f32 v15, $6.553500000e+04;
	v9 =	vld.idx.msk [tilespmem:v9+s4+$0x0], $0xffff  }
0x5c: {  	v20 =	vcvt.f32.s32 v16;
	v16 =	vmin.f32 v17, $6.553500000e+04;
	s1 =	sand.u32 $0x60, s0;
	s3 =	sand.u32 $0x3C00, s2;
	v14 =	vadd.f32 $8.000000000e+00, v14;
	v15 =	vld [tilespmem:s23+$0x10110];
	[tilespmem:s22+$0x10180] =	vst v3  }
0x5d: {  	p0 =	slt.u32 s0, $0x7E0;
	v3 =	vcvt.f32.s32 v19;
	v19 =	vadd.f32 $8.000000000e+00, v6;
	v6 =	vtrunc.f32 v16;
	s1 =	sor.u32 s1, s3;
	v17 =	vld [tilespmem:s23+$0x10100]  }
0x5e: {  	v16 =	vtrunc.f32 v18;
	v13 =	vadd.f32 $8.000000000e+00, v13;
	v14 =	vmul.f32 $4.096000000e+03, v14;
	v5 =	vld.idx.msk [tilespmem:v5+s4+$0x0], $0xffff;
	[tilespmem:s22+$0x10190] =	vst v4;
	s22 =	smov.u32 s21;
	s21 =	smov.u32 s15;
	s15 =	smov.u32 s23  }
0x5f: {  	v18 =	vcvt.f32.s32 v6;
	v6 =	vmin.f32 v7, $6.553500000e+04;
	v4 =	vcvt.f32.s32 v12;
	s23 =	smov.u32 s24;
	s24 =	smov.u32 s1;
	v12 =	vld.idx.msk [tilespmem:v0+s4+$0x0], $0xffff  }
0x60: {  	v7 =	vmul.f32 $4.096000000e+03, v11;
	v0 =	vcvt.f32.s32 v16;
	v21 =	vld [tilespmem:s24+$0x10080];
	v11 =	vmax.f32 v14, $0.0e+00  }
0x61: {  	v13 =	vmul.f32 $4.096000000e+03, v13;
	v14 =	vld [tilespmem:s24+$0x10000];
	v11 =	vmin.f32 v11, $6.553500000e+04;
	[tilespmem:s21+$0x10080] =	vst v2;
	v2 =	vtrunc.f32 v6  }
0x62: {  	v7 =	vmax.f32 v7, $0.0e+00;
	v6 =	vld [tilespmem:s15+$0x10180];
	v11 =	vtrunc.f32 v11;
	[tilespmem:s22+$0x10110] =	vst v9;
	v2 =	vcvt.f32.s32 v2  }
0x63: {  	v16 =	vmin.f32 v7, $6.553500000e+04;
	v7 =	vmax.f32 v13, $0.0e+00;
	v22 =	vld.idx.msk [tilespmem:v3+s4+$0x0], $0xffff;
	v3 =	vmul.f32 $4.096000000e+03, v10  }
0x64: {  	v13 =	vadd.f32 $8.000000000e+00, v15;
	v9 =	vtrunc.f32 v8;
	v10 =	vadd.f32 $8.000000000e+00, v17;
	v17 =	vld [tilespmem:s15+$0x10190];
	[tilespmem:s21+$0x10090] =	vst v5  }
0x65: {  	v15 =	vmin.f32 v7, $6.553500000e+04;
	v9 =	vcvt.f32.s32 v9;
	v5 =	vcvt.f32.s32 v11;
	v8 =	vld.idx.msk [tilespmem:v4+s4+$0x0], $0xffff;
	[tilespmem:s22+$0x10100] =	vst v12  }
.Ltmp0:
0x66: {  	v23 =	vmul.f32 $4.096000000e+03, v1;
	v4 =	vmul.f32 $4.096000000e+03, v13;
	v7 =	vmax.f32 v3, $0.0e+00;
	v3 =	vld.idx.msk [tilespmem:v18+s4+$0x0], $0xffff;
	(pc) =	sbr.rel @p0 .LBB2_3-.Ltmp0, $4  }
0x67: {  	v12 =	vtrunc.f32 v15;
	v10 =	vmul.f32 $4.096000000e+03, v10;
	v1 =	vadd.f32 $8.000000000e+00, v14;
	v14 =	vld [tilespmem:s23+$0x10090]  }
0x68: {  	v11 =	vadd.f32 $8.000000000e+00, v21;
	v21 =	vmul.f32 $4.096000000e+03, v19;
	v15 =	vmax.f32 v4, $0.0e+00;
	v4 =	vld.idx.msk [tilespmem:v2+s4+$0x0], $0xffff  }
0x69: {  	v16 =	vtrunc.f32 v16;
	v18 =	vmax.f32 v10, $0.0e+00;
	v2 =	vmax.f32 v23, $0.0e+00;
	v13 =	vld [tilespmem:s24+$0x10010];
	[tilespmem:s15+$0x10000] =	vst v22  }
0x6a: {  	v19 =	vmin.f32 v2, $6.553500000e+04;
	v10 =	vadd.f32 $8.000000000e+00, v17;
	v17 =	vmax.f32 v21, $0.0e+00;
	v2 =	vld.idx.msk [tilespmem:v20+s4+$0x0], $0xffff  }
0x6b: {  	v19 =	vtrunc.f32 v19  }
0x6c: {  	v18 =	vmin.f32 v18, $6.553500000e+04;
	v16 =	vcvt.f32.s32 v16;
	v12 =	vcvt.f32.s32 v12  }
0x6d: {  	v17 =	vmin.f32 v17, $6.553500000e+04;
	v11 =	vmul.f32 $4.096000000e+03, v11;
	v1 =	vmul.f32 $4.096000000e+03, v1  }
0x6e: {  	v7 =	vmin.f32 v7, $6.553500000e+04;
	v19 =	vcvt.f32.s32 v19;
	v17 =	vtrunc.f32 v17  }
0x6f: {  	v15 =	vmin.f32 v15, $6.553500000e+04;
	v18 =	vtrunc.f32 v18;
	v7 =	vtrunc.f32 v7  }
0x70: {  	v6 =	vadd.f32 $8.000000000e+00, v6;
	v20 =	vld [tilespmem:s23+$0x10100];
	v10 =	vmul.f32 $4.096000000e+03, v10;
	v15 =	vtrunc.f32 v15  }
0x71: {  	v21 =	vld [tilespmem:s23+$0x10110];
	v14 =	vadd.f32 $8.000000000e+00, v14;
	v17 =	vcvt.f32.s32 v17;
	v18 =	vcvt.f32.s32 v18  }
0x72: {  	v22 =	vld [tilespmem:s24+$0x10090];
	v11 =	vmax.f32 v11, $0.0e+00;
	v7 =	vcvt.f32.s32 v7;
	v6 =	vmul.f32 $4.096000000e+03, v6  }
0x73: {  	v1 =	vmax.f32 v1, $0.0e+00;
	v14 =	vmul.f32 $4.096000000e+03, v14;
	v13 =	vadd.f32 $8.000000000e+00, v13  }
0x74: {  	[tilespmem:s15+$0x10010] =	vst v8;
	v8 =	vld.idx.msk [tilespmem:v9+s4+$0x0], $0xffff;
	v11 =	vmin.f32 v11, $6.553500000e+04;
	v10 =	vmax.f32 v10, $0.0e+00;
	v1 =	vmin.f32 v1, $6.553500000e+04  }
0x75: {  	v25 =	vld [tilespmem:s23+$0x10190];
	v11 =	vtrunc.f32 v11;
	v6 =	vmax.f32 v6, $0.0e+00;
	v1 =	vtrunc.f32 v1  }
0x76: {  	v0 =	vld.idx.msk [tilespmem:v0+s4+$0x0], $0xffff;
	v10 =	vmin.f32 v10, $6.553500000e+04;
	v14 =	vmax.f32 v14, $0.0e+00;
	v20 =	vadd.f32 $8.000000000e+00, v20  }
0x77: {  	v55 =	vld [tilespmem:s23+$0x10180];
	v13 =	vmul.f32 $4.096000000e+03, v13;
	v21 =	vadd.f32 $8.000000000e+00, v21;
	v22 =	vadd.f32 $8.000000000e+00, v22  }
0x78: {  	v23 =	vld [tilespmem:s24+$0x10110];
	v11 =	vcvt.f32.s32 v11;
	v1 =	vcvt.f32.s32 v1;
	v6 =	vmin.f32 v6, $6.553500000e+04  }
0x79: {  	v24 =	vld [tilespmem:s24+$0x10100];
	v10 =	vtrunc.f32 v10;
	v14 =	vmin.f32 v14, $6.553500000e+04;
	v6 =	vtrunc.f32 v6  }
0x7a: {  	v5 =	vld.idx.msk [tilespmem:v5+s4+$0x0], $0xffff;
	[tilespmem:s21+$0x10110] =	vst v8;
	v8 =	vadd.f32 $8.000000000e+00, v25;
	v14 =	vtrunc.f32 v14;
	v20 =	vmul.f32 $4.096000000e+03, v20  }
0x7b: {  	v56 =	vld [tilespmem:s24+$0x10180];
	v13 =	vmax.f32 v13, $0.0e+00;
	v22 =	vmul.f32 $4.096000000e+03, v22;
	v6 =	vcvt.f32.s32 v6  }
0x7c: {  	[tilespmem:s22+$0x10180] =	vst v3;
	v19 =	vld.idx.msk [tilespmem:v19+s4+$0x0], $0xffff;
	v8 =	vmul.f32 $4.096000000e+03, v8;
	v14 =	vcvt.f32.s32 v14;
	v9 =	vmin.f32 v13, $6.553500000e+04  }
0x7d: {  	[tilespmem:s22+$0x10190] =	vst v4;
	v59 =	vadd.f32 $8.000000000e+00, v55;
	v3 =	vld.idx.msk [tilespmem:v12+s4+$0x0], $0xffff;
	v13 =	vcvt.f32.s32 v15;
	v9 =	vtrunc.f32 v9  }
0x7e: {  	v58 =	vld [tilespmem:s24+$0x10190];
	[tilespmem:s21+$0x10100] =	vst v0;
	v15 =	vmul.f32 $4.096000000e+03, v21;
	v20 =	vmax.f32 v20, $0.0e+00;
	v9 =	vcvt.f32.s32 v9  }
0x7f: {  	[tilespmem:s15+$0x10090] =	vst v5;
	v60 =	vmul.f32 $4.096000000e+03, v59;
	v5 =	vld.idx.msk [tilespmem:v17+s4+$0x0], $0xffff;
	v12 =	vmax.f32 v22, $0.0e+00;
	v20 =	vmin.f32 v20, $6.553500000e+04  }
0x80: {  	[tilespmem:s15+$0x10080] =	vst v2;
	v7 =	vld.idx.msk [tilespmem:v7+s4+$0x0], $0xffff;
	v15 =	vmax.f32 v15, $0.0e+00;
	v12 =	vmin.f32 v12, $6.553500000e+04;
	v20 =	vtrunc.f32 v20  }
0x81: {  	v2 =	vtrunc.f32 v12;
	v12 =	vadd.f32 $8.000000000e+00, v24;
	v1 =	vld.idx.msk [tilespmem:v1+s4+$0x0], $0xffff;
	v0 =	vmin.f32 v15, $6.553500000e+04;
	[tilespmem:s23+$0x10000] =	vst v19  }
0x82: {  	v57 =	vadd.f32 $8.000000000e+00, v23;
	[tilespmem:s23+$0x10010] =	vst v3;
	v4 =	vcvt.f32.s32 v20;
	v0 =	vtrunc.f32 v0;
	v3 =	vld.idx.msk [tilespmem:v16+s4+$0x0], $0xffff  }
0x83: {  	v12 =	vmul.f32 $4.096000000e+03, v12;
	v0 =	vcvt.f32.s32 v0;
	v14 =	vld.idx.msk [tilespmem:v14+s4+$0x0], $0xffff  }
0x84: {  	v61 =	vadd.f32 $8.000000000e+00, v58;
	v15 =	vmul.f32 $4.096000000e+03, v57;
	v2 =	vcvt.f32.s32 v2;
	[tilespmem:s21+$0x10180] =	vst v5;
	v9 =	vld.idx.msk [tilespmem:v9+s4+$0x0], $0xffff  }
0x85: {  	v8 =	vmax.f32 v8, $0.0e+00;
	v16 =	vmax.f32 v60, $0.0e+00;
	[tilespmem:s21+$0x10190] =	vst v7;
	v12 =	vmax.f32 v12, $0.0e+00  }
0x86: {  	v15 =	vmax.f32 v15, $0.0e+00;
	v7 =	vld.idx.msk [tilespmem:v18+s4+$0x0], $0xffff;
	v5 =	vmin.f32 v16, $6.553500000e+04;
	v12 =	vmin.f32 v12, $6.553500000e+04;
	[tilespmem:s24+$0x10000] =	vst v1  }
0x87: {  	v5 =	vtrunc.f32 v5;
	v1 =	vmin.f32 v15, $6.553500000e+04;
	v12 =	vtrunc.f32 v12;
	v11 =	vld.idx.msk [tilespmem:v11+s4+$0x0], $0xffff;
	[tilespmem:s23+$0x10080] =	vst v3  }
0x88: {  	v15 =	vadd.f32 $8.000000000e+00, v56;
	v1 =	vtrunc.f32 v1;
	v3 =	vcvt.f32.s32 v5;
	[tilespmem:s23+$0x10090] =	vst v14;
	v4 =	vld.idx.msk [tilespmem:v4+s4+$0x0], $0xffff  }
0x89: {  	v1 =	vcvt.f32.s32 v1;
	v5 =	vmin.f32 v8, $6.553500000e+04;
	v0 =	vld.idx.msk [tilespmem:v0+s4+$0x0], $0xffff;
	[tilespmem:s24+$0x10010] =	vst v9;
	v9 =	vcvt.f32.s32 v12  }
0x8a: {  	v5 =	vtrunc.f32 v5;
	v12 =	vmul.f32 $4.096000000e+03, v15;
	v2 =	vld.idx.msk [tilespmem:v2+s4+$0x0], $0xffff  }
0x8b: {  	[tilespmem:s15+$0x10100] =	vst v7;
	v5 =	vcvt.f32.s32 v5;
	v15 =	vmul.f32 $4.096000000e+03, v61  }
0x8c: {  	v10 =	vcvt.f32.s32 v10;
	v13 =	vld.idx.msk [tilespmem:v13+s4+$0x0], $0xffff;
	[tilespmem:s24+$0x10080] =	vst v11;
	v8 =	vmax.f32 v12, $0.0e+00  }
0x8d: {  	v6 =	vld.idx.msk [tilespmem:v6+s4+$0x0], $0xffff;
	v12 =	vmax.f32 v15, $0.0e+00;
	v8 =	vmin.f32 v8, $6.553500000e+04;
	[tilespmem:s23+$0x10100] =	vst v4  }
0x8e: {  	v11 =	vmin.f32 v12, $6.553500000e+04;
	v8 =	vtrunc.f32 v8;
	[tilespmem:s23+$0x10110] =	vst v0;
	v0 =	vld.idx.msk [tilespmem:v3+s4+$0x0], $0xffff  }
0x8f: {  	v8 =	vcvt.f32.s32 v8;
	[tilespmem:s24+$0x10090] =	vst v2;
	v2 =	vld.idx.msk [tilespmem:v9+s4+$0x0], $0xffff;
	v9 =	vtrunc.f32 v11  }
0x90: {  	v1 =	vld.idx.msk [tilespmem:v1+s4+$0x0], $0xffff;
	v7 =	vcvt.f32.s32 v9  }
0x91: {  	[tilespmem:s15+$0x10110] =	vst v13;
	v3 =	vld.idx.msk [tilespmem:v5+s4+$0x0], $0xffff  }
0x92: {  	[tilespmem:s15+$0x10180] =	vst v6;
	v9 =	vld.idx.msk [tilespmem:v10+s4+$0x0], $0xffff  }
0x93: {  	[tilespmem:s23+$0x10180] =	vst v0  }
0x94: {  	[tilespmem:s24+$0x10100] =	vst v2  }
0x95: {  	[tilespmem:s24+$0x10110] =	vst v1;
	v1 =	vld.idx.msk [tilespmem:v8+s4+$0x0], $0xffff  }
0x96: {  	[tilespmem:s23+$0x10190] =	vst v3;
	v2 =	vld.idx.msk [tilespmem:v7+s4+$0x0], $0xffff  }
0x97: {  	s22 =	smul.u32 $0x18, s14;
	[tilespmem:s15+$0x10190] =	vst v9  }
0x98: {  	s0 =	rddreg [dreg:$0x4]  }
0x99: {  	s0 =	sadd.s32 s0, s22  }
0x9a: {  	s21 =	rddreg [dreg:$0x2];
	s15 =	sshll.u32 s0, $0x8;
	[tilespmem:s24+$0x10180] =	vst v1  }
0x9b: {  	s2 =	simm.s32 $0x0;
	s0 =	sadd.s32 s21, s15;
	[tilespmem:s24+$0x10190] =	vst v2  }
0x9c: {  	[hbm4b:s0+s2] =	stream.linear.scatter [tilespmem:s30], [sflag:$0x5], $0x200, $0x38;
	[tilespmem:$0x1C000] =	vst v63  }
0x9d: {  	s3 =	simm.s32 $0x10400;
	s1 =	sadd.s32 $0x80, s0  }
0x9e: {  	[hbm4b:s1+s2] =	stream.linear.scatter [tilespmem:s3], [sflag:$0x5], $0x200, $0x38;
	[tilespmem:$0x1C000] =	vst v63  }
0x9f: {  	s23 =	sadd.s32 $0x100, s0;
	s24 =	simm.s32 $0x10800  }
0xa0: {  	[hbm4b:s23+s2] =	stream.linear.scatter [tilespmem:s24], [sflag:$0x5], $0x200, $0x38;
	[tilespmem:$0x1C000] =	vst v63  }
0xa1: {  	s26 =	simm.s32 $0x10C00;
	s25 =	sadd.s32 $0x180, s0  }
0xa2: {  	[hbm4b:s25+s2] =	stream.linear.scatter [tilespmem:s26], [sflag:$0x5], $0x200, $0x38;
	[tilespmem:$0x1C000] =	vst v63  }
0xa3: {  	s6 =	simm.s32 $0x11000;
	s5 =	sadd.s32 $0x200, s0  }
0xa4: {  	[hbm4b:s5+s2] =	stream.linear.scatter [tilespmem:s6], [sflag:$0x5], $0x200, $0x38;
	[tilespmem:$0x1C000] =	vst v63  }
0xa5: {  	s8 =	simm.s32 $0x11400;
	s7 =	sadd.s32 $0x280, s0  }
0xa6: {  	[hbm4b:s7+s2] =	stream.linear.scatter [tilespmem:s8], [sflag:$0x5], $0x200, $0x38;
	[tilespmem:$0x1C000] =	vst v63  }
0xa7: {  	s11 =	simm.s32 $0x11800;
	s10 =	sadd.s32 $0x300, s0  }
0xa8: {  	[hbm4b:s10+s2] =	stream.linear.scatter [tilespmem:s11], [sflag:$0x5], $0x200, $0x38;
	[tilespmem:$0x1C000] =	vst v63  }
0xa9: {  	s13 =	simm.s32 $0x11C00;
	s12 =	sadd.s32 $0x380, s0  }
0xaa: {  	[hbm4b:s12+s2] =	stream.linear.scatter [tilespmem:s13], [sflag:$0x5], $0x200, $0x38;
	[tilespmem:$0x1C000] =	vst v63  }
0xab: {  	s18 =	simm.s32 $0x12000;
	s17 =	sadd.s32 $0x400, s0  }
0xac: {  	[hbm4b:s17+s2] =	stream.linear.scatter [tilespmem:s18], [sflag:$0x5], $0x200, $0x38;
	[tilespmem:$0x1C000] =	vst v63  }
0xad: {  	s21 =	simm.s32 $0x12400;
	s20 =	sadd.s32 $0x480, s0  }
0xae: {  	[hbm4b:s20+s2] =	stream.linear.scatter [tilespmem:s21], [sflag:$0x5], $0x200, $0x38;
	[tilespmem:$0x1C000] =	vst v63  }
0xaf: {  	s23 =	sadd.s32 $0x500, s0;
	s24 =	simm.s32 $0x12800  }
0xb0: {  	[hbm4b:s23+s2] =	stream.linear.scatter [tilespmem:s24], [sflag:$0x5], $0x200, $0x38;
	[tilespmem:$0x1C000] =	vst v63  }
0xb1: {  	s25 =	sadd.s32 $0x580, s0;
	s26 =	simm.s32 $0x12C00  }
0xb2: {  	[hbm4b:s25+s2] =	stream.linear.scatter [tilespmem:s26], [sflag:$0x5], $0x200, $0x38;
	[tilespmem:$0x1C000] =	vst v63  }
0xb3: {  	s5 =	sadd.s32 $0x600, s0;
	s6 =	simm.s32 $0x13000  }
0xb4: {  	[hbm4b:s5+s2] =	stream.linear.scatter [tilespmem:s6], [sflag:$0x5], $0x200, $0x38;
	[tilespmem:$0x1C000] =	vst v63  }
0xb5: {  	s7 =	sadd.s32 $0x680, s0;
	s8 =	simm.s32 $0x13400  }
0xb6: {  	[hbm4b:s7+s2] =	stream.linear.scatter [tilespmem:s8], [sflag:$0x5], $0x200, $0x38;
	[tilespmem:$0x1C000] =	vst v63  }
0xb7: {  	s10 =	sadd.s32 $0x700, s0;
	s11 =	simm.s32 $0x13800  }
0xb8: {  	[hbm4b:s10+s2] =	stream.linear.scatter [tilespmem:s11], [sflag:$0x5], $0x200, $0x38;
	[tilespmem:$0x1C000] =	vst v63  }
0xb9: {  	s0 =	sadd.s32 $0x780, s0;
	s12 =	simm.s32 $0x13C00;
	s13 =	simm.s32 $0x0  }
0xba: {  	[hbm4b:s0+s2] =	stream.linear.scatter [tilespmem:s12], [sflag:$0x5], $0x200, $0x38;
	[tilespmem:$0x1C000] =	vst v63  }
0xbb: {  	s17 =	sand.u32 $0x3C00, s2;
	s0 =	sand.u32 $0x60, s13  }
0xbc: {  	s0 =	sor.u32 s0, s17  }
0xbd: {  	v0 =	vld [tilespmem:s0+$0x10210];
	_ =	sdelay $0x4  }
0xbe: {  	v0 =	vadd.f32 $8.000000000e+00, v0  }
0xbf: {  	v1 =	vld [tilespmem:s0+$0x10290]  }
0xc0: {  	v2 =	vld [tilespmem:s0+$0x10200];
	v0 =	vmul.f32 $4.096000000e+03, v0;
	_ =	sdelay $0x1  }
0xc1: {  	v0 =	vmax.f32 v0, $0.0e+00  }
0xc2: {  	v0 =	vmin.f32 v0, $6.553500000e+04  }
0xc3: {  	s18 =	simm.s32 $0x20;
	s20 =	simm.s32 $0x100;
	v1 =	vadd.f32 $8.000000000e+00, v1;
	v0 =	vtrunc.f32 v0  }
0xc4: {  	s1 =	sand.u32 $0x60, s18;
	s3 =	sand.u32 $0x3C00, s20;
	v2 =	vadd.f32 $8.000000000e+00, v2;
	v0 =	vcvt.f32.s32 v0  }
0xc5: {  	s1 =	sor.u32 s1, s3;
	v1 =	vmul.f32 $4.096000000e+03, v1  }
0xc6: {  	v3 =	vld [tilespmem:s1+$0x10210];
	v2 =	vmul.f32 $4.096000000e+03, v2  }
0xc7: {  	v5 =	vld [tilespmem:s1+$0x10290];
	v1 =	vmax.f32 v1, $0.0e+00  }
0xc8: {  	v4 =	vld [tilespmem:s0+$0x10280];
	v2 =	vmax.f32 v2, $0.0e+00;
	v1 =	vmin.f32 v1, $6.553500000e+04  }
0xc9: {  	v6 =	vld [tilespmem:s1+$0x10200];
	v2 =	vmin.f32 v2, $6.553500000e+04;
	v1 =	vtrunc.f32 v1  }
0xca: {  	v2 =	vtrunc.f32 v2;
	v1 =	vcvt.f32.s32 v1;
	v0 =	vld.idx.msk [tilespmem:v0+s4+$0x0], $0xffff  }
0xcb: {  	v3 =	vadd.f32 $8.000000000e+00, v3;
	v2 =	vcvt.f32.s32 v2;
	_ =	sdelay $0x1  }
0xcc: {  	v4 =	vadd.f32 $8.000000000e+00, v4;
	v3 =	vmul.f32 $4.096000000e+03, v3  }
0xcd: {  	v6 =	vadd.f32 $8.000000000e+00, v6  }
0xce: {  	[tilespmem:s0+$0x10210] =	vst v0;
	v0 =	vmax.f32 v3, $0.0e+00;
	v3 =	vmul.f32 $4.096000000e+03, v4;
	v4 =	vadd.f32 $8.000000000e+00, v5;
	v5 =	vld [tilespmem:s1+$0x10280]  }
0xcf: {  	s21 =	simm.s32 $0x40;
	s5 =	simm.s32 $0x200;
	v1 =	vld.idx.msk [tilespmem:v1+s4+$0x0], $0xffff;
	v0 =	vmin.f32 v0, $6.553500000e+04  }
0xd0: {  	s3 =	sand.u32 $0x60, s21;
	s5 =	sand.u32 $0x3C00, s5;
	s2 =	sand.u32 $0x3, s2;
	v6 =	vmul.f32 $4.096000000e+03, v6;
	v2 =	vld.idx.msk [tilespmem:v2+s4+$0x0], $0xffff;
	v0 =	vtrunc.f32 v0;
	v3 =	vmax.f32 v3, $0.0e+00  }
0xd1: {  	s12 =	sor.u32 s3, s5;
	s2 =	sshll.u32 s2, $0x5;
	v0 =	vcvt.f32.s32 v0;
	v3 =	vmin.f32 v3, $6.553500000e+04  }
0xd2: {  	v7 =	vld [tilespmem:s12+$0x10210];
	s2 =	sadd.s32 $0x0, s2;
	v6 =	vmax.f32 v6, $0.0e+00;
	v4 =	vmul.f32 $4.096000000e+03, v4;
	v3 =	vtrunc.f32 v3  }
0xd3: {  	s23 =	sadd.s32 $0x10, s2;
	v6 =	vmin.f32 v6, $6.553500000e+04;
	v3 =	vcvt.f32.s32 v3;
	v5 =	vadd.f32 $8.000000000e+00, v5  }
0xd4: {  	s7 =	sor.u32 $0x300, s23;
	v6 =	vtrunc.f32 v6;
	v4 =	vmax.f32 v4, $0.0e+00;
	[tilespmem:s0+$0x10290] =	vst v1  }
0xd5: {  	[tilespmem:s0+$0x10200] =	vst v2;
	v1 =	vmin.f32 v4, $6.553500000e+04;
	v4 =	vld [tilespmem:s7+$0x10000];
	v2 =	vmul.f32 $4.096000000e+03, v5;
	v5 =	vcvt.f32.s32 v6  }
0xd6: {  	v8 =	vld [tilespmem:s12+$0x10200];
	v1 =	vtrunc.f32 v1  }
0xd7: {  	v6 =	vadd.f32 $8.000000000e+00, v7;
	v1 =	vcvt.f32.s32 v1;
	v0 =	vld.idx.msk [tilespmem:v0+s4+$0x0], $0xffff  }
0xd8: {  	v2 =	vmax.f32 v2, $0.0e+00  }
0xd9: {  	v6 =	vmul.f32 $4.096000000e+03, v6;
	v2 =	vmin.f32 v2, $6.553500000e+04;
	v3 =	vld.idx.msk [tilespmem:v3+s4+$0x0], $0xffff  }
0xda: {  	v7 =	vld [tilespmem:s12+$0x10290];
	v2 =	vtrunc.f32 v2;
	v4 =	vadd.f32 $8.000000000e+00, v4  }
0xdb: {  	v6 =	vmax.f32 v6, $0.0e+00;
	v2 =	vcvt.f32.s32 v2;
	v5 =	vld.idx.msk [tilespmem:v5+s4+$0x0], $0xffff  }
0xdc: {  	s24 =	simm.s32 $0x1;
	s6 =	simm.s32 $0x60;
	v6 =	vmin.f32 v6, $6.553500000e+04;
	[tilespmem:s1+$0x10210] =	vst v0;
	v0 =	vmul.f32 $4.096000000e+03, v4;
	v4 =	vadd.f32 $8.000000000e+00, v8;
	v8 =	vld [tilespmem:s12+$0x10280]  }
0xdd: {  	s6 =	sand.u32 $0x60, s6;
	s8 =	simm.s32 $0x300;
	s5 =	sand.u32 $0x3, s24;
	v6 =	vtrunc.f32 v6;
	v1 =	vld.idx.msk [tilespmem:v1+s4+$0x0], $0xffff  }
0xde: {  	s8 =	sand.u32 $0x3C00, s8;
	s5 =	sshll.u32 s5, $0x5;
	s13 =	sor.u32 $0x300, s2;
	v0 =	vmax.f32 v0, $0.0e+00;
	[tilespmem:s0+$0x10280] =	vst v3;
	v3 =	vcvt.f32.s32 v6  }
0xdf: {  	v4 =	vmul.f32 $4.096000000e+03, v4;
	v6 =	vadd.f32 $8.000000000e+00, v7;
	s0 =	sadd.s32 $0x100, s5;
	s5 =	sor.u32 s6, s8;
	v0 =	vmin.f32 v0, $6.553500000e+04;
	v7 =	vld [tilespmem:s13+$0x10000]  }
0xe0: {  	v9 =	vld [tilespmem:s5+$0x10210];
	v0 =	vtrunc.f32 v0  }
0xe1: {  	s25 =	sadd.s32 $0x10, s0;
	v4 =	vmax.f32 v4, $0.0e+00;
	v6 =	vmul.f32 $4.096000000e+03, v6;
	[tilespmem:s1+$0x10200] =	vst v5;
	v0 =	vcvt.f32.s32 v0  }
0xe2: {  	s26 =	sor.u32 $0x300, s25;
	v8 =	vadd.f32 $8.000000000e+00, v8;
	v2 =	vld.idx.msk [tilespmem:v2+s4+$0x0], $0xffff;
	[tilespmem:s1+$0x10290] =	vst v1;
	v1 =	vmin.f32 v4, $6.553500000e+04  }
0xe3: {  	v5 =	vmax.f32 v6, $0.0e+00;
	v4 =	vld [tilespmem:s26+$0x10000];
	v1 =	vtrunc.f32 v1  }
0xe4: {  	v5 =	vmin.f32 v5, $6.553500000e+04;
	v6 =	vmul.f32 $4.096000000e+03, v8;
	v1 =	vcvt.f32.s32 v1;
	v3 =	vld.idx.msk [tilespmem:v3+s4+$0x0], $0xffff  }
0xe5: {  	v5 =	vtrunc.f32 v5;
	v7 =	vadd.f32 $8.000000000e+00, v7;
	v8 =	vadd.f32 $8.000000000e+00, v9;
	v9 =	vld [tilespmem:s5+$0x10200]  }
0xe6: {  	v10 =	vld [tilespmem:s5+$0x10280];
	v5 =	vcvt.f32.s32 v5  }
0xe7: {  	v6 =	vmax.f32 v6, $0.0e+00;
	v7 =	vmul.f32 $4.096000000e+03, v7;
	v8 =	vmul.f32 $4.096000000e+03, v8;
	v0 =	vld.idx.msk [tilespmem:v0+s4+$0x0], $0xffff  }
0xe8: {  	v11 =	vld [tilespmem:s5+$0x10290];
	s10 =	sor.u32 $0x300, s0;
	v6 =	vmin.f32 v6, $6.553500000e+04;
	[tilespmem:s1+$0x10280] =	vst v2;
	v4 =	vadd.f32 $8.000000000e+00, v4  }
0xe9: {  	v6 =	vtrunc.f32 v6;
	v2 =	vmax.f32 v7, $0.0e+00;
	v7 =	vmax.f32 v8, $0.0e+00;
	[tilespmem:s12+$0x10210] =	vst v3;
	v3 =	vld [tilespmem:s10+$0x10000]  }
0xea: {  	s17 =	simm.s32 $0x80;
	v2 =	vmin.f32 v2, $6.553500000e+04;
	v8 =	vadd.f32 $8.000000000e+00, v9;
	v4 =	vmul.f32 $4.096000000e+03, v4;
	v1 =	vld.idx.msk [tilespmem:v1+s4+$0x0], $0xffff  }
0xeb: {  	s18 =	simm.s32 $0x400;
	s3 =	sand.u32 $0x60, s17;
	v6 =	vcvt.f32.s32 v6;
	v7 =	vmin.f32 v7, $6.553500000e+04;
	v2 =	vtrunc.f32 v2  }
0xec: {  	s11 =	sor.u32 $0x380, s23;
	s8 =	simm.s32 $0x2;
	s6 =	sand.u32 $0x3C00, s18;
	v5 =	vld.idx.msk [tilespmem:v5+s4+$0x0], $0xffff;
	v8 =	vmul.f32 $4.096000000e+03, v8;
	v2 =	vcvt.f32.s32 v2;
	v4 =	vmax.f32 v4, $0.0e+00;
	[tilespmem:s7+$0x10000] =	vst v0  }
0xed: {  	s1 =	sand.u32 $0x3, s8;
	v0 =	vtrunc.f32 v7;
	v7 =	vadd.f32 $8.000000000e+00, v10;
	s7 =	sor.u32 s3, s6;
	v4 =	vmin.f32 v4, $6.553500000e+04;
	v9 =	vld [tilespmem:s11+$0x10000]  }
0xee: {  	s1 =	sshll.u32 s1, $0x5;
	v10 =	vadd.f32 $8.000000000e+00, v11;
	v0 =	vcvt.f32.s32 v0;
	v11 =	vld [tilespmem:s7+$0x10200];
	v4 =	vtrunc.f32 v4  }
0xef: {  	s18 =	sadd.s32 $0x200, s1;
	v12 =	vld [tilespmem:s7+$0x10280];
	v7 =	vmul.f32 $4.096000000e+03, v7;
	v3 =	vadd.f32 $8.000000000e+00, v3;
	[tilespmem:s12+$0x10200] =	vst v1;
	v1 =	vmax.f32 v8, $0.0e+00  }
0xf0: {  	s17 =	sadd.s32 $0x10, s18;
	v4 =	vcvt.f32.s32 v4;
	v8 =	vmul.f32 $4.096000000e+03, v10;
	v10 =	vld [tilespmem:s7+$0x10210];
	v1 =	vmin.f32 v1, $6.553500000e+04  }
0xf1: {  	s20 =	sor.u32 $0x300, s17;
	v6 =	vld.idx.msk [tilespmem:v6+s4+$0x0], $0xffff;
	[tilespmem:s12+$0x10290] =	vst v5;
	v7 =	vmax.f32 v7, $0.0e+00;
	v3 =	vmul.f32 $4.096000000e+03, v3;
	v1 =	vtrunc.f32 v1  }
0xf2: {  	v8 =	vmax.f32 v8, $0.0e+00;
	v5 =	vadd.f32 $8.000000000e+00, v9;
	v9 =	vld [tilespmem:s20+$0x10000];
	v1 =	vcvt.f32.s32 v1  }
0xf3: {  	v7 =	vmin.f32 v7, $6.553500000e+04;
	v2 =	vld.idx.msk [tilespmem:v2+s4+$0x0], $0xffff;
	v8 =	vmin.f32 v8, $6.553500000e+04  }
0xf4: {  	v7 =	vtrunc.f32 v7;
	v3 =	vmax.f32 v3, $0.0e+00;
	v0 =	vld.idx.msk [tilespmem:v0+s4+$0x0], $0xffff;
	v8 =	vtrunc.f32 v8  }
0xf5: {  	v3 =	vmin.f32 v3, $6.553500000e+04;
	v5 =	vmul.f32 $4.096000000e+03, v5;
	v8 =	vcvt.f32.s32 v8  }
0xf6: {  	v11 =	vadd.f32 $8.000000000e+00, v11;
	v10 =	vadd.f32 $8.000000000e+00, v10;
	v3 =	vtrunc.f32 v3;
	v4 =	vld.idx.msk [tilespmem:v4+s4+$0x0], $0xffff  }
0xf7: {  	v13 =	vld [tilespmem:s7+$0x10290];
	[tilespmem:s12+$0x10280] =	vst v6;
	v3 =	vcvt.f32.s32 v3;
	v5 =	vmax.f32 v5, $0.0e+00;
	v9 =	vadd.f32 $8.000000000e+00, v9  }
0xf8: {  	s21 =	sor.u32 $0x380, s2;
	v7 =	vcvt.f32.s32 v7;
	v10 =	vmul.f32 $4.096000000e+03, v10;
	[tilespmem:s13+$0x10000] =	vst v2;
	v5 =	vmin.f32 v5, $6.553500000e+04;
	v1 =	vld.idx.msk [tilespmem:v1+s4+$0x0], $0xffff  }
0xf9: {  	s29 =	sor.u32 $0x300, s18;
	v5 =	vtrunc.f32 v5;
	[tilespmem:s5+$0x10210] =	vst v0;
	v0 =	vadd.f32 $8.000000000e+00, v12;
	v12 =	vld [tilespmem:s21+$0x10000];
	v6 =	vmul.f32 $4.096000000e+03, v9  }
0xfa: {  	s2 =	simm.s32 $0x500;
	v11 =	vmul.f32 $4.096000000e+03, v11;
	v10 =	vmax.f32 v10, $0.0e+00;
	v5 =	vcvt.f32.s32 v5;
	v9 =	vld [tilespmem:s29+$0x10000]  }
0xfb: {  	s30 =	sor.u32 $0x380, s25;
	s25 =	simm.s32 $0xA0;
	[tilespmem:s26+$0x10000] =	vst v4;
	v4 =	vmin.f32 v10, $6.553500000e+04;
	v8 =	vld.idx.msk [tilespmem:v8+s4+$0x0], $0xffff;
	v0 =	vmul.f32 $4.096000000e+03, v0;
	v6 =	vmax.f32 v6, $0.0e+00  }
0xfc: {  	s24 =	simm.s32 $0x3;
	s6 =	sand.u32 $0x60, s25;
	v11 =	vmax.f32 v11, $0.0e+00;
	s26 =	sand.u32 $0x3C00, s2;
	v10 =	vld [tilespmem:s30+$0x10000];
	v4 =	vtrunc.f32 v4;
	v6 =	vmin.f32 v6, $6.553500000e+04  }
0xfd: {  	s1 =	sand.u32 $0x3, s24;
	s26 =	sor.u32 s6, s26;
	v3 =	vld.idx.msk [tilespmem:v3+s4+$0x0], $0xffff;
	v2 =	vcvt.f32.s32 v4;
	v4 =	vadd.f32 $8.000000000e+00, v13;
	v0 =	vmax.f32 v0, $0.0e+00  }
0xfe: {  	s1 =	sshll.u32 s1, $0x5;
	v13 =	vld [tilespmem:s26+$0x10200];
	v6 =	vtrunc.f32 v6;
	v0 =	vmin.f32 v0, $6.553500000e+04;
	v12 =	vadd.f32 $8.000000000e+00, v12  }
0xff: {  	s1 =	sadd.s32 $0x300, s1;
	v14 =	vld [tilespmem:s26+$0x10280];
	v6 =	vcvt.f32.s32 v6;
	v4 =	vmul.f32 $4.096000000e+03, v4;
	v9 =	vadd.f32 $8.000000000e+00, v9  }
0x100: {  	s13 =	sadd.s32 $0x10, s1;
	[tilespmem:s5+$0x10200] =	vst v1;
	v0 =	vtrunc.f32 v0;
	v1 =	vld.idx.msk [tilespmem:v5+s4+$0x0], $0xffff;
	v5 =	vmin.f32 v11, $6.553500000e+04;
	v12 =	vmul.f32 $4.096000000e+03, v12  }
0x101: {  	s28 =	sor.u32 $0x300, s13;
	v11 =	vld [tilespmem:s26+$0x10210];
	[tilespmem:s5+$0x10290] =	vst v8;
	v5 =	vtrunc.f32 v5;
	v10 =	vadd.f32 $8.000000000e+00, v10;
	v4 =	vmax.f32 v4, $0.0e+00  }
0x102: {  	v8 =	vld [tilespmem:s28+$0x10000];
	v9 =	vmul.f32 $4.096000000e+03, v9;
	v5 =	vcvt.f32.s32 v5;
	v4 =	vmin.f32 v4, $6.553500000e+04  }
0x103: {  	v7 =	vld.idx.msk [tilespmem:v7+s4+$0x0], $0xffff;
	v10 =	vmul.f32 $4.096000000e+03, v10;
	v4 =	vtrunc.f32 v4  }
0x104: {  	v0 =	vcvt.f32.s32 v0;
	v2 =	vld.idx.msk [tilespmem:v2+s4+$0x0], $0xffff;
	v4 =	vcvt.f32.s32 v4  }
0x105: {  	v12 =	vmax.f32 v12, $0.0e+00;
	v9 =	vmax.f32 v9, $0.0e+00;
	v6 =	vld.idx.msk [tilespmem:v6+s4+$0x0], $0xffff;
	v10 =	vmax.f32 v10, $0.0e+00  }
0x106: {  	v9 =	vmin.f32 v9, $6.553500000e+04;
	v11 =	vadd.f32 $8.000000000e+00, v11;
	v10 =	vmin.f32 v10, $6.553500000e+04  }
0x107: {  	v15 =	vld [tilespmem:s26+$0x10290];
	[tilespmem:s10+$0x10000] =	vst v3;
	v9 =	vtrunc.f32 v9;
	v8 =	vadd.f32 $8.000000000e+00, v8;
	v10 =	vtrunc.f32 v10  }
0x108: {  	s25 =	sor.u32 $0x300, s1;
	v13 =	vadd.f32 $8.000000000e+00, v13;
	[tilespmem:s5+$0x10280] =	vst v7;
	v11 =	vmul.f32 $4.096000000e+03, v11;
	v10 =	vcvt.f32.s32 v10;
	v5 =	vld.idx.msk [tilespmem:v5+s4+$0x0], $0xffff  }
0x109: {  	v7 =	vmul.f32 $4.096000000e+03, v8;
	v8 =	vcvt.f32.s32 v9;
	v9 =	vmin.f32 v12, $6.553500000e+04;
	v12 =	vld [tilespmem:s25+$0x10000];
	[tilespmem:s7+$0x10210] =	vst v2  }
0x10a: {  	s23 =	sor.u32 $0x380, s17;
	v2 =	vadd.f32 $8.000000000e+00, v14;
	v11 =	vmax.f32 v11, $0.0e+00;
	[tilespmem:s20+$0x10000] =	vst v6;
	v6 =	vtrunc.f32 v9;
	v3 =	vld.idx.msk [tilespmem:v4+s4+$0x0], $0xffff  }
0x10b: {  	v9 =	vmin.f32 v11, $6.553500000e+04;
	v7 =	vmax.f32 v7, $0.0e+00;
	v4 =	vmul.f32 $4.096000000e+03, v13;
	v11 =	vld [tilespmem:s23+$0x10000]  }
0x10c: {  	s24 =	sor.u32 $0x380, s0;
	s10 =	simm.s32 $0x4;
	v2 =	vmul.f32 $4.096000000e+03, v2;
	v9 =	vtrunc.f32 v9;
	v7 =	vmin.f32 v7, $6.553500000e+04  }
0x10d: {  	s0 =	sand.u32 $0x3, s10;
	v14 =	vadd.f32 $8.000000000e+00, v15;
	v13 =	vld [tilespmem:s24+$0x10000];
	v9 =	vcvt.f32.s32 v9;
	v7 =	vtrunc.f32 v7  }
0x10e: {  	s31 =	simm.s32 $0xC0;
	s0 =	sshll.u32 s0, $0x5;
	s5 =	simm.s32 $0x600;
	v4 =	vmax.f32 v4, $0.0e+00;
	[tilespmem:s7+$0x10200] =	vst v5;
	v5 =	vcvt.f32.s32 v7;
	v12 =	vadd.f32 $8.000000000e+00, v12;
	v10 =	vld.idx.msk [tilespmem:v10+s4+$0x0], $0xffff  }
0x10f: {  	s12 =	sand.u32 $0x60, s31;
	s17 =	sand.u32 $0x3C00, s5;
	s20 =	sadd.s32 $0x400, s0;
	v2 =	vmax.f32 v2, $0.0e+00;
	v7 =	vld.idx.msk [tilespmem:v0+s4+$0x0], $0xffff;
	v0 =	vmin.f32 v4, $6.553500000e+04;
	v4 =	vmul.f32 $4.096000000e+03, v14  }
0x110: {  	s12 =	sor.u32 s12, s17;
	s0 =	sadd.s32 $0x10, s20;
	v14 =	vld.idx.msk [tilespmem:v8+s4+$0x0], $0xffff;
	v0 =	vtrunc.f32 v0;
	v12 =	vmul.f32 $4.096000000e+03, v12;
	v8 =	vadd.f32 $8.000000000e+00, v11  }
0x111: {  	s10 =	sor.u32 $0x300, s0;
	[tilespmem:s7+$0x10290] =	vst v3;
	v11 =	vld [tilespmem:s12+$0x10210];
	v15 =	vcvt.f32.s32 v0;
	v0 =	vmin.f32 v2, $6.553500000e+04;
	v2 =	vmax.f32 v4, $0.0e+00  }
0x112: {  	v4 =	vld [tilespmem:s10+$0x10000];
	v0 =	vtrunc.f32 v0;
	v2 =	vmin.f32 v2, $6.553500000e+04;
	v8 =	vmul.f32 $4.096000000e+03, v8  }
0x113: {  	v3 =	vcvt.f32.s32 v0;
	v9 =	vld.idx.msk [tilespmem:v9+s4+$0x0], $0xffff;
	v0 =	vtrunc.f32 v2;
	v2 =	vadd.f32 $8.000000000e+00, v13  }
0x114: {  	v13 =	vcvt.f32.s32 v0;
	v62 =	vld.idx.msk [tilespmem:v5+s4+$0x0], $0xffff;
	v0 =	vmax.f32 v8, $0.0e+00  }
0x115: {  	v12 =	vmax.f32 v12, $0.0e+00;
	v8 =	vld [tilespmem:s12+$0x10200];
	v2 =	vmul.f32 $4.096000000e+03, v2;
	v5 =	vmin.f32 v0, $6.553500000e+04  }
0x116: {  	v0 =	vcvt.f32.s32 v6;
	v6 =	vld [tilespmem:s12+$0x10280];
	v11 =	vadd.f32 $8.000000000e+00, v11;
	v5 =	vtrunc.f32 v5  }
0x117: {  	[tilespmem:s11+$0x10000] =	vst v1;
	v12 =	vmin.f32 v12, $6.553500000e+04;
	v4 =	vadd.f32 $8.000000000e+00, v4;
	v1 =	vld.idx.msk [tilespmem:v15+s4+$0x0], $0xffff;
	v15 =	vcvt.f32.s32 v5  }
0x118: {  	v63 =	vld [tilespmem:s12+$0x10290];
	s11 =	sor.u32 $0x300, s20;
	[tilespmem:s7+$0x10280] =	vst v7;
	v2 =	vmax.f32 v2, $0.0e+00;
	v11 =	vmul.f32 $4.096000000e+03, v11;
	v5 =	vtrunc.f32 v12  }
0x119: {  	v7 =	vld [tilespmem:s11+$0x10000];
	[tilespmem:s26+$0x10210] =	vst v9;
	v4 =	vmul.f32 $4.096000000e+03, v4;
	v2 =	vmin.f32 v2, $6.553500000e+04;
	v5 =	vcvt.f32.s32 v5  }
0x11a: {  	s13 =	sor.u32 $0x380, s13;
	[tilespmem:s28+$0x10000] =	vst v62;
	v2 =	vtrunc.f32 v2;
	v9 =	vadd.f32 $8.000000000e+00, v8;
	v12 =	vmax.f32 v11, $0.0e+00;
	v8 =	vld.idx.msk [tilespmem:v13+s4+$0x0], $0xffff  }
0x11b: {  	[tilespmem:s29+$0x10000] =	vst v14;
	s28 =	sor.u32 $0x380, s18;
	v4 =	vmax.f32 v4, $0.0e+00;
	v11 =	vadd.f32 $8.000000000e+00, v6;
	v13 =	vmin.f32 v12, $6.553500000e+04;
	v6 =	vld [tilespmem:s13+$0x10000]  }
0x11c: {  	s17 =	simm.s32 $0x600;
	[tilespmem:s30+$0x10000] =	vst v10;
	s7 =	simm.s32 $0x5;
	v10 =	vmin.f32 v4, $6.553500000e+04;
	v4 =	vld [tilespmem:s28+$0x10000];
	v12 =	vmul.f32 $4.096000000e+03, v9;
	v9 =	vtrunc.f32 v13  }
0x11d: {  	s29 =	sor.u32 $0x380, s1;
	s30 =	sor.u32 $0x380, s20;
	s1 =	sand.u32 $0x3, s7;
	v13 =	vadd.f32 $8.000000000e+00, v63;
	[tilespmem:s26+$0x10200] =	vst v1;
	v10 =	vtrunc.f32 v10;
	v9 =	vcvt.f32.s32 v9;
	v1 =	vld.idx.msk [tilespmem:v15+s4+$0x0], $0xffff  }
.LBB2_5:
0x11e: {  	s31 =	sadd.s32 $0x20, s31;
	v12 =	vmax.f32 v12, $0.0e+00;
	v11 =	vmul.f32 $4.096000000e+03, v11;
	s5 =	sadd.s32 $0x100, s5;
	s1 =	sshll.u32 s1, $0x5;
	v14 =	vld.idx.msk [tilespmem:v3+s4+$0x0], $0xffff;
	v10 =	vcvt.f32.s32 v10  }
0x11f: {  	v7 =	vadd.f32 $8.000000000e+00, v7;
	s3 =	sand.u32 $0x60, s31;
	s6 =	sand.u32 $0x3C00, s5;
	v3 =	vmin.f32 v12, $6.553500000e+04;
	v12 =	vmul.f32 $4.096000000e+03, v13;
	s2 =	sadd.s32 s1, s2;
	v5 =	vld.idx.msk [tilespmem:v5+s4+$0x0], $0xffff  }
0x120: {  	s6 =	sor.u32 s3, s6;
	v3 =	vtrunc.f32 v3;
	v11 =	vmax.f32 v11, $0.0e+00;
	s8 =	sor.u32 $0x300, s2;
	s1 =	sadd.s32 $0x10, s2;
	v6 =	vadd.f32 $8.000000000e+00, v6;
	v13 =	vld.idx.msk [tilespmem:v0+s4+$0x0], $0xffff  }
0x121: {  	s18 =	sor.u32 $0x380, s2;
	s2 =	smov.u32 s17;
	v15 =	vld [tilespmem:s6+$0x10210];
	v16 =	vcvt.f32.s32 v3;
	v0 =	vmin.f32 v11, $6.553500000e+04;
	v3 =	vmax.f32 v12, $0.0e+00;
	[tilespmem:s26+$0x10290] =	vst v8;
	s3 =	sor.u32 $0x300, s1  }
0x122: {  	p0 =	slt.u32 s31, $0x7E0;
	s17 =	smov.u32 s5;
	v0 =	vtrunc.f32 v0;
	v8 =	vmin.f32 v3, $6.553500000e+04;
	v11 =	vld [tilespmem:s3+$0x10000];
	v6 =	vmul.f32 $4.096000000e+03, v6  }
0x123: {  	v4 =	vadd.f32 $8.000000000e+00, v4;
	v3 =	vcvt.f32.s32 v0;
	v9 =	vld.idx.msk [tilespmem:v9+s4+$0x0], $0xffff;
	v0 =	vtrunc.f32 v8;
	[tilespmem:s23+$0x10000] =	vst v1;
	s23 =	smov.u32 s13  }
0x124: {  	v7 =	vmul.f32 $4.096000000e+03, v7;
	v1 =	vcvt.f32.s32 v0;
	[tilespmem:s26+$0x10280] =	vst v14;
	v10 =	vld.idx.msk [tilespmem:v10+s4+$0x0], $0xffff;
	v0 =	vmax.f32 v6, $0.0e+00;
	s26 =	smov.u32 s12;
	s12 =	smov.u32 s6  }
0x125: {  	v4 =	vmul.f32 $4.096000000e+03, v4;
	v6 =	vld [tilespmem:s12+$0x10200];
	[tilespmem:s25+$0x10000] =	vst v5;
	v5 =	vmin.f32 v0, $6.553500000e+04;
	v0 =	vcvt.f32.s32 v2;
	s25 =	smov.u32 s11;
	s11 =	smov.u32 s8  }
0x126: {  	v7 =	vmax.f32 v7, $0.0e+00;
	v12 =	vld [tilespmem:s12+$0x10280];
	v2 =	vadd.f32 $8.000000000e+00, v15;
	v5 =	vtrunc.f32 v5;
	[tilespmem:s21+$0x10000] =	vst v13;
	s21 =	smov.u32 s24;
	s24 =	smov.u32 s28;
	s28 =	smov.u32 s29  }
0x127: {  	v7 =	vmin.f32 v7, $6.553500000e+04;
	s29 =	smov.u32 s30;
	s30 =	smov.u32 s18;
	v14 =	vld.idx.msk [tilespmem:v16+s4+$0x0], $0xffff;
	v8 =	vadd.f32 $8.000000000e+00, v11;
	v15 =	vcvt.f32.s32 v5  }
0x128: {  	v4 =	vmax.f32 v4, $0.0e+00;
	v5 =	vtrunc.f32 v7;
	v2 =	vmul.f32 $4.096000000e+03, v2;
	v13 =	vld [tilespmem:s12+$0x10290]  }
.Ltmp1:
0x129: {  	v4 =	vmin.f32 v4, $6.553500000e+04;
	v5 =	vcvt.f32.s32 v5;
	[tilespmem:s26+$0x10210] =	vst v9;
	v7 =	vld [tilespmem:s11+$0x10000];
	v9 =	vmul.f32 $4.096000000e+03, v8;
	(pc) =	sbr.rel @p0 .LBB2_5-.Ltmp1, $4  }
0x12a: {  	s13 =	sor.u32 $0x380, s0;
	s0 =	smov.u32 s1;
	v16 =	vadd.f32 $8.000000000e+00, v6;
	v6 =	vmax.f32 v2, $0.0e+00;
	v8 =	vld.idx.msk [tilespmem:v1+s4+$0x0], $0xffff;
	[tilespmem:s10+$0x10000] =	vst v10;
	v2 =	vtrunc.f32 v4;
	s10 =	smov.u32 s3  }
0x12b: {  	v11 =	vadd.f32 $8.000000000e+00, v12;
	v1 =	vmin.f32 v6, $6.553500000e+04;
	v4 =	vmax.f32 v9, $0.0e+00;
	v6 =	vld [tilespmem:s13+$0x10000]  }
0x12c: {  	s7 =	sadd.s32 $0x1, s7;
	v12 =	vmul.f32 $4.096000000e+03, v16;
	v1 =	vtrunc.f32 v1;
	v10 =	vmin.f32 v4, $6.553500000e+04;
	v4 =	vld [tilespmem:s28+$0x10000]  }
0x12d: {  	s1 =	sand.u32 $0x3, s7;
	v9 =	vcvt.f32.s32 v1;
	v13 =	vadd.f32 $8.000000000e+00, v13;
	[tilespmem:s26+$0x10200] =	vst v14;
	v10 =	vtrunc.f32 v10;
	v1 =	vld.idx.msk [tilespmem:v15+s4+$0x0], $0xffff  }
0x12e: {  	v12 =	vmax.f32 v12, $0.0e+00  }
0x12f: {  	v12 =	vmin.f32 v12, $6.553500000e+04  }
0x130: {  	v13 =	vmul.f32 $4.096000000e+03, v13;
	v12 =	vtrunc.f32 v12  }
0x131: {  	v12 =	vcvt.f32.s32 v12  }
0x132: {  	v11 =	vmul.f32 $4.096000000e+03, v11;
	v13 =	vmax.f32 v13, $0.0e+00  }
0x133: {  	v13 =	vmin.f32 v13, $6.553500000e+04  }
0x134: {  	v11 =	vmax.f32 v11, $0.0e+00;
	v13 =	vtrunc.f32 v13  }
0x135: {  	v9 =	vld.idx.msk [tilespmem:v9+s4+$0x0], $0xffff;
	v11 =	vmin.f32 v11, $6.553500000e+04;
	v13 =	vcvt.f32.s32 v13  }
0x136: {  	v11 =	vtrunc.f32 v11  }
0x137: {  	v11 =	vcvt.f32.s32 v11;
	v12 =	vld.idx.msk [tilespmem:v12+s4+$0x0], $0xffff  }
0x138: {  	s1 =	sshll.u32 s1, $0x5;
	v3 =	vld.idx.msk [tilespmem:v3+s4+$0x0], $0xffff  }
0x139: {  	s1 =	sadd.s32 s1, s2  }
0x13a: {  	s2 =	sadd.s32 $0x10, s1;
	[tilespmem:s12+$0x10210] =	vst v9  }
0x13b: {  	s3 =	sadd.s32 $0x1, s7;
	[tilespmem:s26+$0x10290] =	vst v8;
	s8 =	sor.u32 $0x300, s2;
	v8 =	vld.idx.msk [tilespmem:v13+s4+$0x0], $0xffff  }
0x13c: {  	v7 =	vadd.f32 $8.000000000e+00, v7;
	s3 =	sand.u32 $0x3, s3;
	v9 =	vld [tilespmem:s8+$0x10000];
	[tilespmem:s12+$0x10200] =	vst v12  }
0x13d: {  	s3 =	sshll.u32 s3, $0x5;
	s20 =	sor.u32 $0x300, s1;
	[tilespmem:s26+$0x10280] =	vst v3;
	v11 =	vld.idx.msk [tilespmem:v11+s4+$0x0], $0xffff  }
0x13e: {  	v7 =	vmul.f32 $4.096000000e+03, v7;
	s3 =	sadd.s32 s3, s17;
	v3 =	vld [tilespmem:s20+$0x10000]  }
0x13f: {  	s5 =	sadd.s32 $0x10, s3  }
0x140: {  	v7 =	vmax.f32 v7, $0.0e+00;
	s6 =	sor.u32 $0x300, s5;
	[tilespmem:s12+$0x10290] =	vst v8  }
0x141: {  	v7 =	vmin.f32 v7, $6.553500000e+04;
	v8 =	vadd.f32 $8.000000000e+00, v9;
	v9 =	vld [tilespmem:s6+$0x10000]  }
0x142: {  	v10 =	vcvt.f32.s32 v10;
	s26 =	sor.u32 $0x300, s3;
	v7 =	vtrunc.f32 v7;
	[tilespmem:s12+$0x10280] =	vst v11  }
0x143: {  	v7 =	vcvt.f32.s32 v7;
	v3 =	vadd.f32 $8.000000000e+00, v3;
	v8 =	vmul.f32 $4.096000000e+03, v8;
	v11 =	vld [tilespmem:s26+$0x10000];
	_ =	sdelay $0x1  }
0x144: {  	v3 =	vmul.f32 $4.096000000e+03, v3;
	v8 =	vmax.f32 v8, $0.0e+00  }
0x145: {  	v8 =	vmin.f32 v8, $6.553500000e+04;
	v9 =	vadd.f32 $8.000000000e+00, v9  }
0x146: {  	v3 =	vmax.f32 v3, $0.0e+00;
	v8 =	vtrunc.f32 v8  }
0x147: {  	v10 =	vld.idx.msk [tilespmem:v10+s4+$0x0], $0xffff;
	v8 =	vcvt.f32.s32 v8;
	v9 =	vmul.f32 $4.096000000e+03, v9;
	v11 =	vadd.f32 $8.000000000e+00, v11  }
0x148: {  	v7 =	vld.idx.msk [tilespmem:v7+s4+$0x0], $0xffff;
	v3 =	vmin.f32 v3, $6.553500000e+04  }
0x149: {  	v3 =	vtrunc.f32 v3;
	v9 =	vmax.f32 v9, $0.0e+00;
	v11 =	vmul.f32 $4.096000000e+03, v11  }
0x14a: {  	v5 =	vld.idx.msk [tilespmem:v5+s4+$0x0], $0xffff;
	v3 =	vcvt.f32.s32 v3;
	v9 =	vmin.f32 v9, $6.553500000e+04  }
0x14b: {  	v9 =	vtrunc.f32 v9;
	v11 =	vmax.f32 v11, $0.0e+00  }
0x14c: {  	[tilespmem:s10+$0x10000] =	vst v10;
	v9 =	vcvt.f32.s32 v9;
	v11 =	vmin.f32 v11, $6.553500000e+04  }
0x14d: {  	[tilespmem:s11+$0x10000] =	vst v7;
	v8 =	vld.idx.msk [tilespmem:v8+s4+$0x0], $0xffff;
	v10 =	vtrunc.f32 v11  }
0x14e: {  	s0 =	sor.u32 $0x380, s0;
	v7 =	vld [tilespmem:s30+$0x10000];
	v10 =	vcvt.f32.s32 v10  }
0x14f: {  	[tilespmem:s25+$0x10000] =	vst v5;
	v5 =	vld [tilespmem:s0+$0x10000]  }
0x150: {  	v6 =	vadd.f32 $8.000000000e+00, v6;
	v3 =	vld.idx.msk [tilespmem:v3+s4+$0x0], $0xffff  }
0x151: {  	v4 =	vadd.f32 $8.000000000e+00, v4;
	v11 =	vld [tilespmem:s29+$0x10000]  }
0x152: {  	s2 =	sor.u32 $0x380, s2;
	v6 =	vmul.f32 $4.096000000e+03, v6;
	[tilespmem:s8+$0x10000] =	vst v8;
	v8 =	vld.idx.msk [tilespmem:v9+s4+$0x0], $0xffff  }
0x153: {  	v4 =	vmul.f32 $4.096000000e+03, v4;
	v7 =	vadd.f32 $8.000000000e+00, v7;
	v9 =	vld [tilespmem:s2+$0x10000]  }
0x154: {  	v2 =	vcvt.f32.s32 v2;
	v6 =	vmax.f32 v6, $0.0e+00;
	v5 =	vadd.f32 $8.000000000e+00, v5;
	v10 =	vld.idx.msk [tilespmem:v10+s4+$0x0], $0xffff  }
0x155: {  	v6 =	vmin.f32 v6, $6.553500000e+04;
	v4 =	vmax.f32 v4, $0.0e+00;
	v7 =	vmul.f32 $4.096000000e+03, v7  }
0x156: {  	v6 =	vtrunc.f32 v6;
	v4 =	vmin.f32 v4, $6.553500000e+04;
	v5 =	vmul.f32 $4.096000000e+03, v5  }
0x157: {  	s1 =	sor.u32 $0x380, s1;
	v6 =	vcvt.f32.s32 v6;
	v7 =	vmax.f32 v7, $0.0e+00;
	[tilespmem:s20+$0x10000] =	vst v3;
	v3 =	vtrunc.f32 v4  }
0x158: {  	s5 =	sor.u32 $0x380, s5;
	v4 =	vmax.f32 v5, $0.0e+00;
	v7 =	vmin.f32 v7, $6.553500000e+04;
	[tilespmem:s6+$0x10000] =	vst v8;
	v5 =	vadd.f32 $8.000000000e+00, v9;
	v9 =	vld [tilespmem:s1+$0x10000]  }
0x159: {  	s3 =	sor.u32 $0x380, s3;
	v4 =	vmin.f32 v4, $6.553500000e+04;
	v3 =	vcvt.f32.s32 v3;
	v8 =	vadd.f32 $8.000000000e+00, v11;
	v11 =	vld [tilespmem:s5+$0x10000];
	[tilespmem:s26+$0x10000] =	vst v10  }
0x15a: {  	v7 =	vtrunc.f32 v7;
	v4 =	vtrunc.f32 v4;
	v10 =	vld [tilespmem:s3+$0x10000]  }
0x15b: {  	v8 =	vmul.f32 $4.096000000e+03, v8;
	v5 =	vmul.f32 $4.096000000e+03, v5  }
0x15c: {  	v7 =	vcvt.f32.s32 v7;
	v4 =	vcvt.f32.s32 v4  }
0x15d: {  	v8 =	vmax.f32 v8, $0.0e+00;
	v5 =	vmax.f32 v5, $0.0e+00;
	v9 =	vadd.f32 $8.000000000e+00, v9  }
0x15e: {  	v8 =	vmin.f32 v8, $6.553500000e+04;
	v5 =	vmin.f32 v5, $6.553500000e+04;
	v11 =	vadd.f32 $8.000000000e+00, v11  }
0x15f: {  	v8 =	vtrunc.f32 v8;
	v9 =	vmul.f32 $4.096000000e+03, v9;
	v10 =	vadd.f32 $8.000000000e+00, v10  }
0x160: {  	v5 =	vtrunc.f32 v5;
	v11 =	vmul.f32 $4.096000000e+03, v11  }
0x161: {  	v5 =	vcvt.f32.s32 v5;
	v9 =	vmax.f32 v9, $0.0e+00;
	v10 =	vmul.f32 $4.096000000e+03, v10  }
0x162: {  	v0 =	vld.idx.msk [tilespmem:v0+s4+$0x0], $0xffff;
	v8 =	vcvt.f32.s32 v8;
	v11 =	vmax.f32 v11, $0.0e+00;
	v9 =	vmin.f32 v9, $6.553500000e+04  }
0x163: {  	v4 =	vld.idx.msk [tilespmem:v4+s4+$0x0], $0xffff;
	v11 =	vmin.f32 v11, $6.553500000e+04;
	v9 =	vtrunc.f32 v9;
	v10 =	vmax.f32 v10, $0.0e+00  }
0x164: {  	v2 =	vld.idx.msk [tilespmem:v2+s4+$0x0], $0xffff;
	v11 =	vtrunc.f32 v11;
	v9 =	vcvt.f32.s32 v9;
	v10 =	vmin.f32 v10, $6.553500000e+04  }
0x165: {  	[tilespmem:s23+$0x10000] =	vst v1;
	v1 =	vld.idx.msk [tilespmem:v3+s4+$0x0], $0xffff;
	v11 =	vcvt.f32.s32 v11;
	v10 =	vtrunc.f32 v10  }
0x166: {  	v6 =	vld.idx.msk [tilespmem:v6+s4+$0x0], $0xffff;
	v3 =	vcvt.f32.s32 v10  }
0x167: {  	[tilespmem:s21+$0x10000] =	vst v0;
	v0 =	vld.idx.msk [tilespmem:v5+s4+$0x0], $0xffff  }
0x168: {  	[tilespmem:s0+$0x10000] =	vst v4;
	v4 =	vld.idx.msk [tilespmem:v7+s4+$0x0], $0xffff  }
0x169: {  	[tilespmem:s24+$0x10000] =	vst v2;
	v5 =	vld.idx.msk [tilespmem:v8+s4+$0x0], $0xffff  }
0x16a: {  	[tilespmem:s28+$0x10000] =	vst v1;
	v1 =	vld.idx.msk [tilespmem:v9+s4+$0x0], $0xffff  }
0x16b: {  	[tilespmem:s13+$0x10000] =	vst v6;
	v2 =	vld.idx.msk [tilespmem:v11+s4+$0x0], $0xffff  }
0x16c: {  	[tilespmem:s2+$0x10000] =	vst v0;
	v0 =	vld.idx.msk [tilespmem:v3+s4+$0x0], $0xffff  }
0x16d: {  	[tilespmem:s30+$0x10000] =	vst v4  }
0x16e: {  	[tilespmem:s29+$0x10000] =	vst v5  }
0x16f: {  	[tilespmem:s1+$0x10000] =	vst v1  }
0x170: {  	[tilespmem:s5+$0x10000] =	vst v2  }
0x171: {  	s0 =	sadd.s32 s15, s9;
	s29 =	simm.s32 $0x10200;
	[tilespmem:s3+$0x10000] =	vst v0  }
0x172: {  	[hbm4b:s0+s4] =	stream.linear.scatter [tilespmem:s29], [sflag:$0x5], $0x200, $0x38;
	[tilespmem:$0x1C000] =	vst v63  }
0x173: {  	s31 =	simm.s32 $0x10600;
	s30 =	sadd.s32 $0x80, s0  }
0x174: {  	[hbm4b:s30+s4] =	stream.linear.scatter [tilespmem:s31], [sflag:$0x5], $0x200, $0x38;
	[tilespmem:$0x1C000] =	vst v63  }
0x175: {  	s2 =	sadd.s32 $0x100, s0;
	s3 =	simm.s32 $0x10A00  }
0x176: {  	[hbm4b:s2+s4] =	stream.linear.scatter [tilespmem:s3], [sflag:$0x5], $0x200, $0x38;
	[tilespmem:$0x1C000] =	vst v63  }
0x177: {  	s6 =	simm.s32 $0x10E00;
	s5 =	sadd.s32 $0x180, s0  }
0x178: {  	[hbm4b:s5+s4] =	stream.linear.scatter [tilespmem:s6], [sflag:$0x5], $0x200, $0x38;
	[tilespmem:$0x1C000] =	vst v63  }
0x179: {  	s8 =	simm.s32 $0x11200;
	s7 =	sadd.s32 $0x200, s0  }
0x17a: {  	[hbm4b:s7+s4] =	stream.linear.scatter [tilespmem:s8], [sflag:$0x5], $0x200, $0x38;
	[tilespmem:$0x1C000] =	vst v63  }
0x17b: {  	s11 =	simm.s32 $0x11600;
	s10 =	sadd.s32 $0x280, s0  }
0x17c: {  	[hbm4b:s10+s4] =	stream.linear.scatter [tilespmem:s11], [sflag:$0x5], $0x200, $0x38;
	[tilespmem:$0x1C000] =	vst v63  }
0x17d: {  	s13 =	simm.s32 $0x11A00;
	s12 =	sadd.s32 $0x300, s0  }
0x17e: {  	[hbm4b:s12+s4] =	stream.linear.scatter [tilespmem:s13], [sflag:$0x5], $0x200, $0x38;
	[tilespmem:$0x1C000] =	vst v63  }
0x17f: {  	s17 =	simm.s32 $0x11E00;
	s15 =	sadd.s32 $0x380, s0  }
0x180: {  	[hbm4b:s15+s4] =	stream.linear.scatter [tilespmem:s17], [sflag:$0x5], $0x200, $0x38;
	[tilespmem:$0x1C000] =	vst v63  }
0x181: {  	s20 =	simm.s32 $0x12200;
	s18 =	sadd.s32 $0x400, s0  }
0x182: {  	[hbm4b:s18+s4] =	stream.linear.scatter [tilespmem:s20], [sflag:$0x5], $0x200, $0x38;
	[tilespmem:$0x1C000] =	vst v63  }
0x183: {  	s23 =	simm.s32 $0x12600;
	s21 =	sadd.s32 $0x480, s0  }
0x184: {  	[hbm4b:s21+s4] =	stream.linear.scatter [tilespmem:s23], [sflag:$0x5], $0x200, $0x38;
	[tilespmem:$0x1C000] =	vst v63  }
0x185: {  	s25 =	simm.s32 $0x12A00;
	s24 =	sadd.s32 $0x500, s0  }
0x186: {  	[hbm4b:s24+s4] =	stream.linear.scatter [tilespmem:s25], [sflag:$0x5], $0x200, $0x38;
	[tilespmem:$0x1C000] =	vst v63  }
0x187: {  	s26 =	sadd.s32 $0x580, s0;
	s29 =	simm.s32 $0x12E00  }
0x188: {  	[hbm4b:s26+s4] =	stream.linear.scatter [tilespmem:s29], [sflag:$0x5], $0x200, $0x38;
	[tilespmem:$0x1C000] =	vst v63  }
0x189: {  	s30 =	sadd.s32 $0x600, s0;
	s31 =	simm.s32 $0x13200  }
0x18a: {  	[hbm4b:s30+s4] =	stream.linear.scatter [tilespmem:s31], [sflag:$0x5], $0x200, $0x38;
	[tilespmem:$0x1C000] =	vst v63  }
0x18b: {  	s3 =	sadd.s32 $0x680, s0;
	s5 =	simm.s32 $0x13600  }
0x18c: {  	[hbm4b:s3+s4] =	stream.linear.scatter [tilespmem:s5], [sflag:$0x5], $0x200, $0x38;
	[tilespmem:$0x1C000] =	vst v63  }
0x18d: {  	s6 =	sadd.s32 $0x700, s0;
	s7 =	simm.s32 $0x13A00  }
0x18e: {  	[hbm4b:s6+s4] =	stream.linear.scatter [tilespmem:s7], [sflag:$0x5], $0x200, $0x38;
	[tilespmem:$0x1C000] =	vst v63  }
0x18f: {  	p0 =	seq.s32 s14, $0x0;
	s0 =	sadd.s32 $0x780, s0;
	s8 =	simm.s32 $0x13E00  }
0x190: {  	[hbm4b:s0+s4] =	stream.linear.scatter [tilespmem:s8], [sflag:$0x5], $0x200, $0x38;
	[tilespmem:$0x1C000] =	vst v63  }
0x191: {  	s0 =	simm.s32 @!p0 $0x7  }
0x192: {  	_ =	swait.ge @!p0 [sflag:s0], $0x4000  }
0x193: {  	s10 =	rddreg [dreg:$0x8];
	[sflag:s0] =	ssyncset.done @!p0 $0x0  }
0x194: {  	s1 =	sadd.s32 s22, s10;
	[sflag:s0] =	ssyncadd.s32 @!p0 $0xFFFFC000  }
0x195: {  	s11 =	simm.s32 $0x0;
	s15 =	sshll.u32 s1, $0x8;
	s0 =	rddreg [dreg:$0x0]  }
0x196: {  	s12 =	simm.s32 $0x18000;
	s13 =	simm.s32 $0x3;
	s0 =	sadd.s32 s0, s15  }
0x197: {  	[tilespmem:s12], [sflag:$0x4] =	stream.linear.gather [hbm4b:s0+s11], $0x4000, $0x38;
	[tilespmem:$0x1C000] =	vst v63  }
0x198: {  	s17 =	simm.s32 $0x0;
	_ =	swait.ge [sflag:s13], $0x4000  }
0x199: {  	s1 =	sand.u32 $0x3C00, s11;
	s0 =	sand.u32 $0x60, s17;
	[sflag:s13] =	ssyncset.done $0x0  }
0x19a: {  	s25 =	sor.u32 s0, s1;
	[sflag:s13] =	ssyncadd.s32 $0xFFFFC000  }
0x19b: {  	v0 =	vld [tilespmem:s25+$0x14080]  }
0x19c: {  	s18 =	simm.s32 $0x20;
	s20 =	simm.s32 $0x100;
	v1 =	vld [tilespmem:s25+$0x14000]  }
0x19d: {  	s0 =	sand.u32 $0x60, s18;
	s1 =	sand.u32 $0x3C00, s20;
	v2 =	vld [tilespmem:s25+$0x14010]  }
0x19e: {  	s24 =	sor.u32 s0, s1;
	v3 =	vld [tilespmem:s25+$0x14090]  }
0x19f: {  	v4 =	vld [tilespmem:s24+$0x14000]  }
0x1a0: {  	v5 =	vld [tilespmem:s24+$0x14080]  }
0x1a1: {  	s21 =	simm.s32 $0x40;
	s23 =	simm.s32 $0x200;
	v6 =	vld [tilespmem:s24+$0x14010]  }
0x1a2: {  	s0 =	sand.u32 $0x60, s21;
	s1 =	sand.u32 $0x3C00, s23;
	v7 =	vld [tilespmem:s25+$0x14110]  }
0x1a3: {  	s23 =	sor.u32 s0, s1;
	v8 =	vld [tilespmem:s25+$0x14100]  }
0x1a4: {  	v9 =	vld [tilespmem:s23+$0x14000]  }
0x1a5: {  	v10 =	vld [tilespmem:s23+$0x14080]  }
0x1a6: {  	v11 =	vld [tilespmem:s25+$0x14180]  }
0x1a7: {  	v12 =	vld [tilespmem:s24+$0x14090]  }
0x1a8: {  	v13 =	vld [tilespmem:s25+$0x14190];
	v0 =	vadd.f32 $8.000000000e+00, v0;
	v1 =	vadd.f32 $8.000000000e+00, v1  }
0x1a9: {  	s26 =	simm.s32 $0x60;
	s29 =	simm.s32 $0x300;
	v14 =	vld [tilespmem:s23+$0x14010];
	v2 =	vadd.f32 $8.000000000e+00, v2;
	v3 =	vadd.f32 $8.000000000e+00, v3  }
0x1aa: {  	s0 =	sand.u32 $0x60, s26;
	s1 =	sand.u32 $0x3C00, s29;
	v15 =	vld [tilespmem:s24+$0x14110];
	v4 =	vadd.f32 $8.000000000e+00, v4;
	v5 =	vadd.f32 $8.000000000e+00, v5  }
0x1ab: {  	s26 =	sor.u32 s0, s1;
	v18 =	vld [tilespmem:s24+$0x14180];
	v6 =	vadd.f32 $8.000000000e+00, v6;
	v7 =	vadd.f32 $8.000000000e+00, v7  }
0x1ac: {  	v16 =	vld [tilespmem:s26+$0x14080];
	v8 =	vadd.f32 $8.000000000e+00, v8;
	v9 =	vadd.f32 $8.000000000e+00, v9  }
0x1ad: {  	v10 =	vadd.f32 $8.000000000e+00, v10;
	v12 =	vadd.f32 $8.000000000e+00, v12  }
0x1ae: {  	v13 =	vadd.f32 $8.000000000e+00, v13;
	v11 =	vadd.f32 $8.000000000e+00, v11  }
0x1af: {  	v14 =	vadd.f32 $8.000000000e+00, v14;
	v15 =	vadd.f32 $8.000000000e+00, v15;
	v0 =	vmul.f32 $4.096000000e+03, v0  }
0x1b0: {  	v18 =	vadd.f32 $8.000000000e+00, v18;
	v2 =	vmul.f32 $4.096000000e+03, v2;
	v1 =	vmul.f32 $4.096000000e+03, v1  }
0x1b1: {  	v16 =	vadd.f32 $8.000000000e+00, v16;
	v3 =	vmul.f32 $4.096000000e+03, v3;
	v5 =	vmul.f32 $4.096000000e+03, v5  }
0x1b2: {  	v6 =	vmul.f32 $4.096000000e+03, v6;
	v4 =	vmul.f32 $4.096000000e+03, v4;
	v1 =	vmax.f32 v1, $0.0e+00  }
0x1b3: {  	v7 =	vmul.f32 $4.096000000e+03, v7;
	v2 =	vmax.f32 v2, $0.0e+00;
	v1 =	vmin.f32 v1, $6.553500000e+04  }
0x1b4: {  	v8 =	vmul.f32 $4.096000000e+03, v8;
	v2 =	vmin.f32 v2, $6.553500000e+04;
	v1 =	vtrunc.f32 v1  }
0x1b5: {  	v6 =	vmax.f32 v6, $0.0e+00;
	v2 =	vtrunc.f32 v2;
	v1 =	vcvt.f32.s32 v1  }
0x1b6: {  	v12 =	vmul.f32 $4.096000000e+03, v12;
	v6 =	vmin.f32 v6, $6.553500000e+04;
	v2 =	vcvt.f32.s32 v2  }
0x1b7: {  	v13 =	vmul.f32 $4.096000000e+03, v13;
	v4 =	vmax.f32 v4, $0.0e+00;
	v6 =	vtrunc.f32 v6  }
0x1b8: {  	v9 =	vmul.f32 $4.096000000e+03, v9;
	v4 =	vmin.f32 v4, $6.553500000e+04;
	v6 =	vcvt.f32.s32 v6  }
0x1b9: {  	v15 =	vmul.f32 $4.096000000e+03, v15;
	v3 =	vmax.f32 v3, $0.0e+00;
	v4 =	vtrunc.f32 v4  }
0x1ba: {  	v11 =	vmul.f32 $4.096000000e+03, v11;
	v3 =	vmin.f32 v3, $6.553500000e+04;
	v4 =	vcvt.f32.s32 v4  }
0x1bb: {  	v16 =	vmul.f32 $4.096000000e+03, v16;
	v0 =	vmax.f32 v0, $0.0e+00;
	v3 =	vtrunc.f32 v3;
	v1 =	vld.idx.msk [tilespmem:v1+s4+$0x0], $0xffff  }
0x1bc: {  	v5 =	vmax.f32 v5, $0.0e+00;
	v7 =	vmax.f32 v7, $0.0e+00;
	v3 =	vcvt.f32.s32 v3;
	v2 =	vld.idx.msk [tilespmem:v2+s4+$0x0], $0xffff  }
0x1bd: {  	v20 =	vld [tilespmem:s26+$0x14010];
	v8 =	vmax.f32 v8, $0.0e+00;
	v13 =	vmax.f32 v13, $0.0e+00;
	v0 =	vmin.f32 v0, $6.553500000e+04  }
0x1be: {  	v5 =	vmin.f32 v5, $6.553500000e+04;
	v7 =	vmin.f32 v7, $6.553500000e+04;
	v0 =	vtrunc.f32 v0;
	v6 =	vld.idx.msk [tilespmem:v6+s4+$0x0], $0xffff  }
0x1bf: {  	v17 =	vld [tilespmem:s24+$0x14190];
	v15 =	vmax.f32 v15, $0.0e+00;
	v5 =	vtrunc.f32 v5;
	v7 =	vtrunc.f32 v7  }
0x1c0: {  	v8 =	vmin.f32 v8, $6.553500000e+04;
	v0 =	vcvt.f32.s32 v0;
	v7 =	vcvt.f32.s32 v7;
	v4 =	vld.idx.msk [tilespmem:v4+s4+$0x0], $0xffff;
	[tilespmem:s25+$0x14000] =	vst v1  }
0x1c1: {  	v9 =	vmax.f32 v9, $0.0e+00;
	v1 =	vcvt.f32.s32 v5;
	v5 =	vld [tilespmem:s24+$0x14100];
	[tilespmem:s25+$0x14010] =	vst v2;
	v2 =	vtrunc.f32 v8  }
0x1c2: {  	v8 =	vmul.f32 $4.096000000e+03, v10;
	v10 =	vmax.f32 v12, $0.0e+00;
	v12 =	vmul.f32 $4.096000000e+03, v14;
	v3 =	vld.idx.msk [tilespmem:v3+s4+$0x0], $0xffff  }
0x1c3: {  	[tilespmem:s24+$0x14010] =	vst v6;
	v6 =	vadd.f32 $8.000000000e+00, v20;
	v10 =	vmin.f32 v10, $6.553500000e+04;
	v2 =	vcvt.f32.s32 v2  }
0x1c4: {  	v19 =	vld [tilespmem:s23+$0x14090];
	v8 =	vmax.f32 v8, $0.0e+00;
	v10 =	vtrunc.f32 v10;
	v12 =	vmax.f32 v12, $0.0e+00  }
0x1c5: {  	v23 =	vld [tilespmem:s23+$0x14190];
	v20 =	vmul.f32 $4.096000000e+03, v6;
	v8 =	vmin.f32 v8, $6.553500000e+04;
	v12 =	vmin.f32 v12, $6.553500000e+04  }
0x1c6: {  	[tilespmem:s24+$0x14000] =	vst v4;
	v0 =	vld.idx.msk [tilespmem:v0+s4+$0x0], $0xffff;
	v10 =	vcvt.f32.s32 v10;
	v12 =	vtrunc.f32 v12;
	v5 =	vadd.f32 $8.000000000e+00, v5  }
0x1c7: {  	v8 =	vtrunc.f32 v8;
	[tilespmem:s25+$0x14090] =	vst v3;
	v3 =	vmin.f32 v9, $6.553500000e+04;
	v21 =	vld.idx.msk [tilespmem:v1+s4+$0x0], $0xffff;
	v1 =	vadd.f32 $8.000000000e+00, v17  }
0x1c8: {  	v14 =	vld [tilespmem:s26+$0x14000];
	v9 =	vmin.f32 v15, $6.553500000e+04;
	v17 =	vcvt.f32.s32 v8;
	v5 =	vmul.f32 $4.096000000e+03, v5  }
0x1c9: {  	v16 =	vmax.f32 v16, $0.0e+00;
	v6 =	vld [tilespmem:s23+$0x14180];
	v3 =	vtrunc.f32 v3;
	v9 =	vtrunc.f32 v9  }
0x1ca: {  	v8 =	vld [tilespmem:s23+$0x14110];
	v3 =	vcvt.f32.s32 v3;
	v4 =	vmax.f32 v5, $0.0e+00;
	v5 =	vmax.f32 v11, $0.0e+00  }
0x1cb: {  	v1 =	vmul.f32 $4.096000000e+03, v1;
	v11 =	vld.idx.msk [tilespmem:v7+s4+$0x0], $0xffff;
	v7 =	vadd.f32 $8.000000000e+00, v19;
	v5 =	vmin.f32 v5, $6.553500000e+04  }
0x1cc: {  	s2 =	simm.s32 $0x400;
	s0 =	simm.s32 $0x80;
	v16 =	vmin.f32 v16, $6.553500000e+04;
	v15 =	vld [tilespmem:s23+$0x14100];
	[tilespmem:s25+$0x14080] =	vst v0;
	v9 =	vcvt.f32.s32 v9;
	v5 =	vtrunc.f32 v5  }
0x1cd: {  	s31 =	sand.u32 $0x3C00, s2;
	s30 =	sand.u32 $0x60, s0;
	v14 =	vadd.f32 $8.000000000e+00, v14;
	v2 =	vld.idx.msk [tilespmem:v2+s4+$0x0], $0xffff;
	v0 =	vmul.f32 $4.096000000e+03, v7;
	v7 =	vcvt.f32.s32 v12  }
0x1ce: {  	s28 =	sor.u32 s30, s31;
	v10 =	vld.idx.msk [tilespmem:v10+s4+$0x0], $0xffff;
	v4 =	vmin.f32 v4, $6.553500000e+04;
	v12 =	vcvt.f32.s32 v5;
	v5 =	vmin.f32 v13, $6.553500000e+04  }
0x1cf: {  	v4 =	vtrunc.f32 v4;
	v13 =	vld [tilespmem:s28+$0x14080];
	v19 =	vmax.f32 v0, $0.0e+00;
	v5 =	vtrunc.f32 v5  }
0x1d0: {  	v0 =	vcvt.f32.s32 v4;
	v4 =	vld [tilespmem:s28+$0x14000];
	v19 =	vmin.f32 v19, $6.553500000e+04;
	v22 =	vcvt.f32.s32 v5  }
0x1d1: {  	v5 =	vmax.f32 v20, $0.0e+00;
	v20 =	vld.idx.msk [tilespmem:v3+s4+$0x0], $0xffff;
	v3 =	vadd.f32 $8.000000000e+00, v8;
	v19 =	vtrunc.f32 v19  }
0x1d2: {  	[tilespmem:s25+$0x14100] =	vst v2;
	v2 =	vmin.f32 v5, $6.553500000e+04;
	v5 =	vcvt.f32.s32 v19;
	v19 =	vmul.f32 $4.096000000e+03, v14;
	v14 =	vld [tilespmem:s26+$0x14090]  }
0x1d3: {  	v63 =	vmul.f32 $4.096000000e+03, v18;
	v16 =	vtrunc.f32 v16;
	v15 =	vadd.f32 $8.000000000e+00, v15;
	v8 =	vld.idx.msk [tilespmem:v7+s4+$0x0], $0xffff  }
0x1d4: {  	[tilespmem:s24+$0x14090] =	vst v10;
	v10 =	vadd.f32 $8.000000000e+00, v23;
	v24 =	vmul.f32 $4.096000000e+03, v3;
	v7 =	vmax.f32 v1, $0.0e+00;
	v3 =	vld.idx.msk [tilespmem:v12+s4+$0x0], $0xffff  }
0x1d5: {  	[tilespmem:s25+$0x14110] =	vst v11;
	v11 =	vadd.f32 $8.000000000e+00, v13;
	v13 =	vld [tilespmem:s28+$0x14010];
	v12 =	vtrunc.f32 v2;
	v2 =	vmul.f32 $4.096000000e+03, v15  }
0x1d6: {  	v1 =	vadd.f32 $8.000000000e+00, v4;
	v15 =	vmax.f32 v24, $0.0e+00;
	v19 =	vmax.f32 v19, $0.0e+00;
	[tilespmem:s23+$0x14000] =	vst v20;
	v4 =	vld.idx.msk [tilespmem:v22+s4+$0x0], $0xffff  }
0x1d7: {  	s21 =	smul.u32 $0x3, s14;
	[tilespmem:s24+$0x14080] =	vst v21;
	v19 =	vmin.f32 v19, $6.553500000e+04;
	v18 =	vmax.f32 v2, $0.0e+00;
	v2 =	vld.idx.msk [tilespmem:v17+s4+$0x0], $0xffff;
	v17 =	vmax.f32 v63, $0.0e+00  }
.LBB2_7:
0x1d8: {  	s0 =	sadd.s32 $0x20, s0;
	s2 =	sadd.s32 $0x100, s2;
	v19 =	vtrunc.f32 v19;
	v18 =	vmin.f32 v18, $6.553500000e+04;
	[tilespmem:s23+$0x14010] =	vst v8;
	v8 =	vmin.f32 v15, $6.553500000e+04;
	v9 =	vld.idx.msk [tilespmem:v9+s4+$0x0], $0xffff  }
0x1d9: {  	v20 =	vcvt.f32.s32 v16;
	v16 =	vmin.f32 v17, $6.553500000e+04;
	s1 =	sand.u32 $0x60, s0;
	s3 =	sand.u32 $0x3C00, s2;
	v14 =	vadd.f32 $8.000000000e+00, v14;
	v15 =	vld [tilespmem:s26+$0x14110];
	[tilespmem:s25+$0x14180] =	vst v3  }
0x1da: {  	p0 =	slt.u32 s0, $0x7E0;
	v3 =	vcvt.f32.s32 v19;
	v19 =	vadd.f32 $8.000000000e+00, v6;
	v6 =	vtrunc.f32 v16;
	s1 =	sor.u32 s1, s3;
	v17 =	vld [tilespmem:s26+$0x14100]  }
0x1db: {  	v16 =	vtrunc.f32 v18;
	v13 =	vadd.f32 $8.000000000e+00, v13;
	v14 =	vmul.f32 $4.096000000e+03, v14;
	v5 =	vld.idx.msk [tilespmem:v5+s4+$0x0], $0xffff;
	[tilespmem:s25+$0x14190] =	vst v4;
	s25 =	smov.u32 s24;
	s24 =	smov.u32 s23;
	s23 =	smov.u32 s26  }
0x1dc: {  	v18 =	vcvt.f32.s32 v6;
	v6 =	vmin.f32 v7, $6.553500000e+04;
	v4 =	vcvt.f32.s32 v12;
	s26 =	smov.u32 s28;
	s28 =	smov.u32 s1;
	v12 =	vld.idx.msk [tilespmem:v0+s4+$0x0], $0xffff  }
0x1dd: {  	v7 =	vmul.f32 $4.096000000e+03, v11;
	v0 =	vcvt.f32.s32 v16;
	v21 =	vld [tilespmem:s28+$0x14080];
	v11 =	vmax.f32 v14, $0.0e+00  }
0x1de: {  	v13 =	vmul.f32 $4.096000000e+03, v13;
	v14 =	vld [tilespmem:s28+$0x14000];
	v11 =	vmin.f32 v11, $6.553500000e+04;
	[tilespmem:s24+$0x14080] =	vst v2;
	v2 =	vtrunc.f32 v6  }
0x1df: {  	v7 =	vmax.f32 v7, $0.0e+00;
	v6 =	vld [tilespmem:s23+$0x14180];
	v11 =	vtrunc.f32 v11;
	[tilespmem:s25+$0x14110] =	vst v9;
	v2 =	vcvt.f32.s32 v2  }
0x1e0: {  	v16 =	vmin.f32 v7, $6.553500000e+04;
	v7 =	vmax.f32 v13, $0.0e+00;
	v22 =	vld.idx.msk [tilespmem:v3+s4+$0x0], $0xffff;
	v3 =	vmul.f32 $4.096000000e+03, v10  }
0x1e1: {  	v13 =	vadd.f32 $8.000000000e+00, v15;
	v9 =	vtrunc.f32 v8;
	v10 =	vadd.f32 $8.000000000e+00, v17;
	v17 =	vld [tilespmem:s23+$0x14190];
	[tilespmem:s24+$0x14090] =	vst v5  }
0x1e2: {  	v15 =	vmin.f32 v7, $6.553500000e+04;
	v9 =	vcvt.f32.s32 v9;
	v5 =	vcvt.f32.s32 v11;
	v8 =	vld.idx.msk [tilespmem:v4+s4+$0x0], $0xffff;
	[tilespmem:s25+$0x14100] =	vst v12  }
.Ltmp2:
0x1e3: {  	v23 =	vmul.f32 $4.096000000e+03, v1;
	v4 =	vmul.f32 $4.096000000e+03, v13;
	v7 =	vmax.f32 v3, $0.0e+00;
	v3 =	vld.idx.msk [tilespmem:v18+s4+$0x0], $0xffff;
	(pc) =	sbr.rel @p0 .LBB2_7-.Ltmp2, $4  }
0x1e4: {  	v12 =	vtrunc.f32 v15;
	v10 =	vmul.f32 $4.096000000e+03, v10;
	v1 =	vadd.f32 $8.000000000e+00, v14;
	v14 =	vld [tilespmem:s26+$0x14090]  }
0x1e5: {  	v11 =	vadd.f32 $8.000000000e+00, v21;
	v21 =	vmul.f32 $4.096000000e+03, v19;
	v15 =	vmax.f32 v4, $0.0e+00;
	v4 =	vld.idx.msk [tilespmem:v2+s4+$0x0], $0xffff  }
0x1e6: {  	v16 =	vtrunc.f32 v16;
	v18 =	vmax.f32 v10, $0.0e+00;
	v2 =	vmax.f32 v23, $0.0e+00;
	v13 =	vld [tilespmem:s28+$0x14010];
	[tilespmem:s23+$0x14000] =	vst v22  }
0x1e7: {  	v19 =	vmin.f32 v2, $6.553500000e+04;
	v10 =	vadd.f32 $8.000000000e+00, v17;
	v17 =	vmax.f32 v21, $0.0e+00;
	v2 =	vld.idx.msk [tilespmem:v20+s4+$0x0], $0xffff  }
0x1e8: {  	v19 =	vtrunc.f32 v19  }
0x1e9: {  	v18 =	vmin.f32 v18, $6.553500000e+04;
	v16 =	vcvt.f32.s32 v16;
	v12 =	vcvt.f32.s32 v12  }
0x1ea: {  	v17 =	vmin.f32 v17, $6.553500000e+04;
	v11 =	vmul.f32 $4.096000000e+03, v11;
	v1 =	vmul.f32 $4.096000000e+03, v1  }
0x1eb: {  	v7 =	vmin.f32 v7, $6.553500000e+04;
	v19 =	vcvt.f32.s32 v19;
	v17 =	vtrunc.f32 v17  }
0x1ec: {  	v15 =	vmin.f32 v15, $6.553500000e+04;
	v18 =	vtrunc.f32 v18;
	v7 =	vtrunc.f32 v7  }
0x1ed: {  	v6 =	vadd.f32 $8.000000000e+00, v6;
	v20 =	vld [tilespmem:s26+$0x14100];
	v10 =	vmul.f32 $4.096000000e+03, v10;
	v15 =	vtrunc.f32 v15  }
0x1ee: {  	v21 =	vld [tilespmem:s26+$0x14110];
	v14 =	vadd.f32 $8.000000000e+00, v14;
	v17 =	vcvt.f32.s32 v17;
	v18 =	vcvt.f32.s32 v18  }
0x1ef: {  	v22 =	vld [tilespmem:s28+$0x14090];
	v11 =	vmax.f32 v11, $0.0e+00;
	v7 =	vcvt.f32.s32 v7;
	v6 =	vmul.f32 $4.096000000e+03, v6  }
0x1f0: {  	v1 =	vmax.f32 v1, $0.0e+00;
	v14 =	vmul.f32 $4.096000000e+03, v14;
	v13 =	vadd.f32 $8.000000000e+00, v13  }
0x1f1: {  	[tilespmem:s23+$0x14010] =	vst v8;
	v8 =	vld.idx.msk [tilespmem:v9+s4+$0x0], $0xffff;
	v11 =	vmin.f32 v11, $6.553500000e+04;
	v10 =	vmax.f32 v10, $0.0e+00;
	v1 =	vmin.f32 v1, $6.553500000e+04  }
0x1f2: {  	v25 =	vld [tilespmem:s26+$0x14190];
	v11 =	vtrunc.f32 v11;
	v6 =	vmax.f32 v6, $0.0e+00;
	v1 =	vtrunc.f32 v1  }
0x1f3: {  	v0 =	vld.idx.msk [tilespmem:v0+s4+$0x0], $0xffff;
	v10 =	vmin.f32 v10, $6.553500000e+04;
	v14 =	vmax.f32 v14, $0.0e+00;
	v20 =	vadd.f32 $8.000000000e+00, v20  }
0x1f4: {  	v55 =	vld [tilespmem:s26+$0x14180];
	v13 =	vmul.f32 $4.096000000e+03, v13;
	v21 =	vadd.f32 $8.000000000e+00, v21;
	v22 =	vadd.f32 $8.000000000e+00, v22  }
0x1f5: {  	v23 =	vld [tilespmem:s28+$0x14110];
	v11 =	vcvt.f32.s32 v11;
	v1 =	vcvt.f32.s32 v1;
	v6 =	vmin.f32 v6, $6.553500000e+04  }
0x1f6: {  	v24 =	vld [tilespmem:s28+$0x14100];
	v10 =	vtrunc.f32 v10;
	v14 =	vmin.f32 v14, $6.553500000e+04;
	v6 =	vtrunc.f32 v6  }
0x1f7: {  	v5 =	vld.idx.msk [tilespmem:v5+s4+$0x0], $0xffff;
	[tilespmem:s24+$0x14110] =	vst v8;
	v8 =	vadd.f32 $8.000000000e+00, v25;
	v14 =	vtrunc.f32 v14;
	v20 =	vmul.f32 $4.096000000e+03, v20  }
0x1f8: {  	v56 =	vld [tilespmem:s28+$0x14180];
	v13 =	vmax.f32 v13, $0.0e+00;
	v22 =	vmul.f32 $4.096000000e+03, v22;
	v6 =	vcvt.f32.s32 v6  }
0x1f9: {  	[tilespmem:s25+$0x14180] =	vst v3;
	v19 =	vld.idx.msk [tilespmem:v19+s4+$0x0], $0xffff;
	v8 =	vmul.f32 $4.096000000e+03, v8;
	v14 =	vcvt.f32.s32 v14;
	v9 =	vmin.f32 v13, $6.553500000e+04  }
0x1fa: {  	[tilespmem:s25+$0x14190] =	vst v4;
	v59 =	vadd.f32 $8.000000000e+00, v55;
	v3 =	vld.idx.msk [tilespmem:v12+s4+$0x0], $0xffff;
	v13 =	vcvt.f32.s32 v15;
	v9 =	vtrunc.f32 v9  }
0x1fb: {  	v58 =	vld [tilespmem:s28+$0x14190];
	[tilespmem:s24+$0x14100] =	vst v0;
	v15 =	vmul.f32 $4.096000000e+03, v21;
	v20 =	vmax.f32 v20, $0.0e+00;
	v9 =	vcvt.f32.s32 v9  }
0x1fc: {  	[tilespmem:s23+$0x14090] =	vst v5;
	v60 =	vmul.f32 $4.096000000e+03, v59;
	v5 =	vld.idx.msk [tilespmem:v17+s4+$0x0], $0xffff;
	v12 =	vmax.f32 v22, $0.0e+00;
	v20 =	vmin.f32 v20, $6.553500000e+04  }
0x1fd: {  	[tilespmem:s23+$0x14080] =	vst v2;
	v7 =	vld.idx.msk [tilespmem:v7+s4+$0x0], $0xffff;
	v15 =	vmax.f32 v15, $0.0e+00;
	v12 =	vmin.f32 v12, $6.553500000e+04;
	v20 =	vtrunc.f32 v20  }
0x1fe: {  	v2 =	vtrunc.f32 v12;
	v12 =	vadd.f32 $8.000000000e+00, v24;
	v1 =	vld.idx.msk [tilespmem:v1+s4+$0x0], $0xffff;
	v0 =	vmin.f32 v15, $6.553500000e+04;
	[tilespmem:s26+$0x14000] =	vst v19  }
0x1ff: {  	v57 =	vadd.f32 $8.000000000e+00, v23;
	[tilespmem:s26+$0x14010] =	vst v3;
	v4 =	vcvt.f32.s32 v20;
	v0 =	vtrunc.f32 v0;
	v3 =	vld.idx.msk [tilespmem:v16+s4+$0x0], $0xffff  }
0x200: {  	v12 =	vmul.f32 $4.096000000e+03, v12;
	v0 =	vcvt.f32.s32 v0;
	v14 =	vld.idx.msk [tilespmem:v14+s4+$0x0], $0xffff  }
0x201: {  	v61 =	vadd.f32 $8.000000000e+00, v58;
	v15 =	vmul.f32 $4.096000000e+03, v57;
	v2 =	vcvt.f32.s32 v2;
	[tilespmem:s24+$0x14180] =	vst v5;
	v9 =	vld.idx.msk [tilespmem:v9+s4+$0x0], $0xffff  }
0x202: {  	v8 =	vmax.f32 v8, $0.0e+00;
	v16 =	vmax.f32 v60, $0.0e+00;
	[tilespmem:s24+$0x14190] =	vst v7;
	v12 =	vmax.f32 v12, $0.0e+00  }
0x203: {  	v15 =	vmax.f32 v15, $0.0e+00;
	v7 =	vld.idx.msk [tilespmem:v18+s4+$0x0], $0xffff;
	v5 =	vmin.f32 v16, $6.553500000e+04;
	v12 =	vmin.f32 v12, $6.553500000e+04;
	[tilespmem:s28+$0x14000] =	vst v1  }
0x204: {  	v5 =	vtrunc.f32 v5;
	v1 =	vmin.f32 v15, $6.553500000e+04;
	v12 =	vtrunc.f32 v12;
	v11 =	vld.idx.msk [tilespmem:v11+s4+$0x0], $0xffff;
	[tilespmem:s26+$0x14080] =	vst v3  }
0x205: {  	v15 =	vadd.f32 $8.000000000e+00, v56;
	v1 =	vtrunc.f32 v1;
	v3 =	vcvt.f32.s32 v5;
	[tilespmem:s26+$0x14090] =	vst v14;
	v4 =	vld.idx.msk [tilespmem:v4+s4+$0x0], $0xffff  }
0x206: {  	v1 =	vcvt.f32.s32 v1;
	v5 =	vmin.f32 v8, $6.553500000e+04;
	v0 =	vld.idx.msk [tilespmem:v0+s4+$0x0], $0xffff;
	[tilespmem:s28+$0x14010] =	vst v9;
	v9 =	vcvt.f32.s32 v12  }
0x207: {  	v5 =	vtrunc.f32 v5;
	v12 =	vmul.f32 $4.096000000e+03, v15;
	v2 =	vld.idx.msk [tilespmem:v2+s4+$0x0], $0xffff  }
0x208: {  	[tilespmem:s23+$0x14100] =	vst v7;
	v5 =	vcvt.f32.s32 v5;
	v15 =	vmul.f32 $4.096000000e+03, v61  }
0x209: {  	v10 =	vcvt.f32.s32 v10;
	v13 =	vld.idx.msk [tilespmem:v13+s4+$0x0], $0xffff;
	[tilespmem:s28+$0x14080] =	vst v11;
	v8 =	vmax.f32 v12, $0.0e+00  }
0x20a: {  	v6 =	vld.idx.msk [tilespmem:v6+s4+$0x0], $0xffff;
	v12 =	vmax.f32 v15, $0.0e+00;
	v8 =	vmin.f32 v8, $6.553500000e+04;
	[tilespmem:s26+$0x14100] =	vst v4  }
0x20b: {  	v11 =	vmin.f32 v12, $6.553500000e+04;
	v8 =	vtrunc.f32 v8;
	[tilespmem:s26+$0x14110] =	vst v0;
	v0 =	vld.idx.msk [tilespmem:v3+s4+$0x0], $0xffff  }
0x20c: {  	v8 =	vcvt.f32.s32 v8;
	[tilespmem:s28+$0x14090] =	vst v2;
	v2 =	vld.idx.msk [tilespmem:v9+s4+$0x0], $0xffff;
	v9 =	vtrunc.f32 v11  }
0x20d: {  	v1 =	vld.idx.msk [tilespmem:v1+s4+$0x0], $0xffff;
	v7 =	vcvt.f32.s32 v9  }
0x20e: {  	[tilespmem:s23+$0x14110] =	vst v13;
	v3 =	vld.idx.msk [tilespmem:v5+s4+$0x0], $0xffff  }
0x20f: {  	[tilespmem:s23+$0x14180] =	vst v6;
	v9 =	vld.idx.msk [tilespmem:v10+s4+$0x0], $0xffff  }
0x210: {  	[tilespmem:s26+$0x14180] =	vst v0  }
0x211: {  	[tilespmem:s28+$0x14100] =	vst v2  }
0x212: {  	[tilespmem:s28+$0x14110] =	vst v1;
	v1 =	vld.idx.msk [tilespmem:v8+s4+$0x0], $0xffff  }
0x213: {  	[tilespmem:s26+$0x14190] =	vst v3;
	v2 =	vld.idx.msk [tilespmem:v7+s4+$0x0], $0xffff  }
0x214: {  	[tilespmem:s23+$0x14190] =	vst v9  }
0x215: {  	s0 =	rddreg [dreg:$0x9]  }
0x216: {  	s0 =	sadd.s32 s22, s0  }
0x217: {  	s18 =	rddreg [dreg:$0x2];
	s23 =	sshll.u32 s0, $0x8;
	[tilespmem:s28+$0x14180] =	vst v1  }
0x218: {  	s0 =	simm.s32 $0x0;
	s1 =	sadd.s32 s18, s23;
	[tilespmem:s28+$0x14190] =	vst v2  }
0x219: {  	[hbm4b:s1+s0] =	stream.linear.scatter [tilespmem:s19], [sflag:$0x6], $0x200, $0x38;
	[tilespmem:$0x1C000] =	vst v63  }
0x21a: {  	s3 =	simm.s32 $0x14400;
	s2 =	sadd.s32 $0x80, s1  }
0x21b: {  	[hbm4b:s2+s0] =	stream.linear.scatter [tilespmem:s3], [sflag:$0x6], $0x200, $0x38;
	[tilespmem:$0x1C000] =	vst v63  }
0x21c: {  	s24 =	simm.s32 $0x14800;
	s20 =	sadd.s32 $0x100, s1  }
0x21d: {  	[hbm4b:s20+s0] =	stream.linear.scatter [tilespmem:s24], [sflag:$0x6], $0x200, $0x38;
	[tilespmem:$0x1C000] =	vst v63  }
0x21e: {  	s26 =	simm.s32 $0x14C00;
	s25 =	sadd.s32 $0x180, s1  }
0x21f: {  	[hbm4b:s25+s0] =	stream.linear.scatter [tilespmem:s26], [sflag:$0x6], $0x200, $0x38;
	[tilespmem:$0x1C000] =	vst v63  }
0x220: {  	s5 =	simm.s32 $0x15000;
	s3 =	sadd.s32 $0x200, s1  }
0x221: {  	[hbm4b:s3+s0] =	stream.linear.scatter [tilespmem:s5], [sflag:$0x6], $0x200, $0x38;
	[tilespmem:$0x1C000] =	vst v63  }
0x222: {  	s7 =	simm.s32 $0x15400;
	s6 =	sadd.s32 $0x280, s1  }
0x223: {  	[hbm4b:s6+s0] =	stream.linear.scatter [tilespmem:s7], [sflag:$0x6], $0x200, $0x38;
	[tilespmem:$0x1C000] =	vst v63  }
0x224: {  	s10 =	simm.s32 $0x15800;
	s8 =	sadd.s32 $0x300, s1  }
0x225: {  	[hbm4b:s8+s0] =	stream.linear.scatter [tilespmem:s10], [sflag:$0x6], $0x200, $0x38;
	[tilespmem:$0x1C000] =	vst v63  }
0x226: {  	s12 =	simm.s32 $0x15C00;
	s11 =	sadd.s32 $0x380, s1  }
0x227: {  	[hbm4b:s11+s0] =	stream.linear.scatter [tilespmem:s12], [sflag:$0x6], $0x200, $0x38;
	[tilespmem:$0x1C000] =	vst v63  }
0x228: {  	s17 =	simm.s32 $0x16000;
	s13 =	sadd.s32 $0x400, s1  }
0x229: {  	[hbm4b:s13+s0] =	stream.linear.scatter [tilespmem:s17], [sflag:$0x6], $0x200, $0x38;
	[tilespmem:$0x1C000] =	vst v63  }
0x22a: {  	s18 =	sadd.s32 $0x480, s1;
	s19 =	simm.s32 $0x16400  }
0x22b: {  	[hbm4b:s18+s0] =	stream.linear.scatter [tilespmem:s19], [sflag:$0x6], $0x200, $0x38;
	[tilespmem:$0x1C000] =	vst v63  }
0x22c: {  	s20 =	sadd.s32 $0x500, s1;
	s24 =	simm.s32 $0x16800  }
0x22d: {  	[hbm4b:s20+s0] =	stream.linear.scatter [tilespmem:s24], [sflag:$0x6], $0x200, $0x38;
	[tilespmem:$0x1C000] =	vst v63  }
0x22e: {  	s25 =	sadd.s32 $0x580, s1;
	s26 =	simm.s32 $0x16C00  }
0x22f: {  	[hbm4b:s25+s0] =	stream.linear.scatter [tilespmem:s26], [sflag:$0x6], $0x200, $0x38;
	[tilespmem:$0x1C000] =	vst v63  }
0x230: {  	s3 =	sadd.s32 $0x600, s1;
	s5 =	simm.s32 $0x17000  }
0x231: {  	[hbm4b:s3+s0] =	stream.linear.scatter [tilespmem:s5], [sflag:$0x6], $0x200, $0x38;
	[tilespmem:$0x1C000] =	vst v63  }
0x232: {  	s6 =	sadd.s32 $0x680, s1;
	s7 =	simm.s32 $0x17400  }
0x233: {  	[hbm4b:s6+s0] =	stream.linear.scatter [tilespmem:s7], [sflag:$0x6], $0x200, $0x38;
	[tilespmem:$0x1C000] =	vst v63  }
0x234: {  	s8 =	sadd.s32 $0x700, s1;
	s10 =	simm.s32 $0x17800  }
0x235: {  	[hbm4b:s8+s0] =	stream.linear.scatter [tilespmem:s10], [sflag:$0x6], $0x200, $0x38;
	[tilespmem:$0x1C000] =	vst v63  }
0x236: {  	s1 =	sadd.s32 $0x780, s1;
	s11 =	simm.s32 $0x17C00;
	s12 =	simm.s32 $0x0  }
0x237: {  	[hbm4b:s1+s0] =	stream.linear.scatter [tilespmem:s11], [sflag:$0x6], $0x200, $0x38;
	[tilespmem:$0x1C000] =	vst v63  }
0x238: {  	s13 =	sand.u32 $0x3C00, s0;
	s1 =	sand.u32 $0x60, s12  }
0x239: {  	s2 =	sor.u32 s1, s13  }
0x23a: {  	v0 =	vld [tilespmem:s2+$0x14210];
	_ =	sdelay $0x4  }
0x23b: {  	v0 =	vadd.f32 $8.000000000e+00, v0  }
0x23c: {  	v1 =	vld [tilespmem:s2+$0x14290]  }
0x23d: {  	v0 =	vmul.f32 $4.096000000e+03, v0  }
0x23e: {  	v2 =	vld [tilespmem:s2+$0x14200]  }
0x23f: {  	v0 =	vmax.f32 v0, $0.0e+00  }
0x240: {  	v0 =	vmin.f32 v0, $6.553500000e+04  }
0x241: {  	s17 =	simm.s32 $0x20;
	s18 =	simm.s32 $0x100;
	v1 =	vadd.f32 $8.000000000e+00, v1;
	v0 =	vtrunc.f32 v0  }
0x242: {  	s3 =	sand.u32 $0x3C00, s18;
	s1 =	sand.u32 $0x60, s17;
	v0 =	vcvt.f32.s32 v0  }
0x243: {  	s1 =	sor.u32 s1, s3;
	v2 =	vadd.f32 $8.000000000e+00, v2;
	v1 =	vmul.f32 $4.096000000e+03, v1  }
0x244: {  	v3 =	vld [tilespmem:s1+$0x14210]  }
0x245: {  	v4 =	vld [tilespmem:s2+$0x14280];
	v2 =	vmul.f32 $4.096000000e+03, v2;
	v1 =	vmax.f32 v1, $0.0e+00  }
0x246: {  	v5 =	vld [tilespmem:s1+$0x14290];
	v1 =	vmin.f32 v1, $6.553500000e+04  }
0x247: {  	v6 =	vld [tilespmem:s1+$0x14200];
	v2 =	vmax.f32 v2, $0.0e+00;
	v1 =	vtrunc.f32 v1  }
0x248: {  	v2 =	vmin.f32 v2, $6.553500000e+04;
	v1 =	vcvt.f32.s32 v1;
	v0 =	vld.idx.msk [tilespmem:v0+s4+$0x0], $0xffff  }
0x249: {  	v3 =	vadd.f32 $8.000000000e+00, v3;
	v2 =	vtrunc.f32 v2  }
0x24a: {  	v2 =	vcvt.f32.s32 v2  }
0x24b: {  	v4 =	vadd.f32 $8.000000000e+00, v4;
	v3 =	vmul.f32 $4.096000000e+03, v3  }
0x24c: {  	v6 =	vadd.f32 $8.000000000e+00, v6  }
0x24d: {  	[tilespmem:s2+$0x14210] =	vst v0;
	v0 =	vmax.f32 v3, $0.0e+00;
	v3 =	vmul.f32 $4.096000000e+03, v4;
	v4 =	vadd.f32 $8.000000000e+00, v5;
	v5 =	vld [tilespmem:s1+$0x14280]  }
0x24e: {  	v1 =	vld.idx.msk [tilespmem:v1+s4+$0x0], $0xffff;
	v0 =	vmin.f32 v0, $6.553500000e+04  }
0x24f: {  	s19 =	simm.s32 $0x40;
	s5 =	simm.s32 $0x200;
	s0 =	sand.u32 $0x3, s0;
	v6 =	vmul.f32 $4.096000000e+03, v6;
	v0 =	vtrunc.f32 v0  }
0x250: {  	s5 =	sand.u32 $0x3C00, s5;
	s0 =	sshll.u32 s0, $0x5;
	s3 =	sand.u32 $0x60, s19;
	v2 =	vld.idx.msk [tilespmem:v2+s4+$0x0], $0xffff;
	v3 =	vmax.f32 v3, $0.0e+00;
	v4 =	vmul.f32 $4.096000000e+03, v4;
	v0 =	vcvt.f32.s32 v0  }
0x251: {  	s0 =	sadd.s32 $0x0, s0;
	s13 =	sor.u32 s3, s5;
	v6 =	vmax.f32 v6, $0.0e+00;
	v3 =	vmin.f32 v3, $6.553500000e+04  }
0x252: {  	s10 =	sadd.s32 $0x10, s0;
	v7 =	vld [tilespmem:s13+$0x14210];
	v6 =	vmin.f32 v6, $6.553500000e+04;
	v3 =	vtrunc.f32 v3;
	v4 =	vmax.f32 v4, $0.0e+00  }
0x253: {  	s12 =	sor.u32 $0x300, s10;
	v3 =	vcvt.f32.s32 v3;
	v5 =	vadd.f32 $8.000000000e+00, v5;
	[tilespmem:s2+$0x14290] =	vst v1;
	v1 =	vmin.f32 v4, $6.553500000e+04  }
0x254: {  	v6 =	vtrunc.f32 v6;
	v4 =	vld [tilespmem:s12+$0x14000];
	v1 =	vtrunc.f32 v1  }
0x255: {  	v8 =	vld [tilespmem:s13+$0x14200];
	[tilespmem:s2+$0x14200] =	vst v2;
	v2 =	vmul.f32 $4.096000000e+03, v5;
	v5 =	vcvt.f32.s32 v6  }
0x256: {  	v1 =	vcvt.f32.s32 v1;
	v0 =	vld.idx.msk [tilespmem:v0+s4+$0x0], $0xffff  }
0x257: {  	v6 =	vadd.f32 $8.000000000e+00, v7  }
0x258: {  	v7 =	vld [tilespmem:s13+$0x14290];
	v2 =	vmax.f32 v2, $0.0e+00  }
0x259: {  	v6 =	vmul.f32 $4.096000000e+03, v6;
	v2 =	vmin.f32 v2, $6.553500000e+04;
	v3 =	vld.idx.msk [tilespmem:v3+s4+$0x0], $0xffff;
	v4 =	vadd.f32 $8.000000000e+00, v4  }
0x25a: {  	v2 =	vtrunc.f32 v2  }
0x25b: {  	s24 =	simm.s32 $0x60;
	s6 =	simm.s32 $0x300;
	v6 =	vmax.f32 v6, $0.0e+00;
	v5 =	vld.idx.msk [tilespmem:v5+s4+$0x0], $0xffff;
	[tilespmem:s1+$0x14210] =	vst v0;
	v0 =	vmul.f32 $4.096000000e+03, v4;
	v4 =	vadd.f32 $8.000000000e+00, v8  }
0x25c: {  	s20 =	simm.s32 $0x1;
	s25 =	sand.u32 $0x60, s24;
	s26 =	sand.u32 $0x3C00, s6;
	v2 =	vcvt.f32.s32 v2;
	v6 =	vmin.f32 v6, $6.553500000e+04;
	v1 =	vld.idx.msk [tilespmem:v1+s4+$0x0], $0xffff  }
0x25d: {  	s3 =	sand.u32 $0x3, s20;
	s5 =	sor.u32 s25, s26;
	v6 =	vtrunc.f32 v6;
	v8 =	vld [tilespmem:s13+$0x14280];
	v0 =	vmax.f32 v0, $0.0e+00;
	v4 =	vmul.f32 $4.096000000e+03, v4  }
0x25e: {  	s18 =	sor.u32 $0x300, s0;
	s3 =	sshll.u32 s3, $0x5;
	v9 =	vld [tilespmem:s5+$0x14210];
	[tilespmem:s2+$0x14280] =	vst v3;
	v3 =	vcvt.f32.s32 v6;
	v6 =	vadd.f32 $8.000000000e+00, v7;
	v0 =	vmin.f32 v0, $6.553500000e+04  }
0x25f: {  	s11 =	sadd.s32 $0x100, s3;
	v7 =	vld [tilespmem:s18+$0x14000];
	v0 =	vtrunc.f32 v0  }
0x260: {  	s3 =	sadd.s32 $0x10, s11;
	v4 =	vmax.f32 v4, $0.0e+00;
	v6 =	vmul.f32 $4.096000000e+03, v6;
	v0 =	vcvt.f32.s32 v0  }
0x261: {  	v10 =	vld [tilespmem:s5+$0x14280];
	s17 =	sor.u32 $0x300, s3;
	[tilespmem:s1+$0x14290] =	vst v1;
	v1 =	vmin.f32 v4, $6.553500000e+04  }
0x262: {  	[tilespmem:s1+$0x14200] =	vst v5;
	v8 =	vadd.f32 $8.000000000e+00, v8;
	v5 =	vmax.f32 v6, $0.0e+00;
	v4 =	vld [tilespmem:s17+$0x14000];
	v1 =	vtrunc.f32 v1  }
0x263: {  	v2 =	vld.idx.msk [tilespmem:v2+s4+$0x0], $0xffff;
	v5 =	vmin.f32 v5, $6.553500000e+04;
	v1 =	vcvt.f32.s32 v1  }
0x264: {  	v6 =	vmul.f32 $4.096000000e+03, v8;
	v8 =	vadd.f32 $8.000000000e+00, v9;
	v9 =	vld [tilespmem:s5+$0x14200];
	v7 =	vadd.f32 $8.000000000e+00, v7  }
0x265: {  	v3 =	vld.idx.msk [tilespmem:v3+s4+$0x0], $0xffff;
	v5 =	vtrunc.f32 v5  }
0x266: {  	v5 =	vcvt.f32.s32 v5;
	v6 =	vmax.f32 v6, $0.0e+00;
	v7 =	vmul.f32 $4.096000000e+03, v7;
	v0 =	vld.idx.msk [tilespmem:v0+s4+$0x0], $0xffff  }
0x267: {  	v11 =	vld [tilespmem:s5+$0x14290];
	v8 =	vmul.f32 $4.096000000e+03, v8;
	v6 =	vmin.f32 v6, $6.553500000e+04;
	v4 =	vadd.f32 $8.000000000e+00, v4  }
0x268: {  	[tilespmem:s1+$0x14280] =	vst v2;
	v6 =	vtrunc.f32 v6;
	v2 =	vmax.f32 v7, $0.0e+00  }
0x269: {  	s7 =	sor.u32 $0x300, s11;
	v7 =	vmax.f32 v8, $0.0e+00;
	v8 =	vadd.f32 $8.000000000e+00, v9;
	v4 =	vmul.f32 $4.096000000e+03, v4;
	v1 =	vld.idx.msk [tilespmem:v1+s4+$0x0], $0xffff  }
0x26a: {  	s8 =	simm.s32 $0x80;
	v6 =	vcvt.f32.s32 v6;
	v2 =	vmin.f32 v2, $6.553500000e+04;
	[tilespmem:s13+$0x14210] =	vst v3;
	v3 =	vld [tilespmem:s7+$0x14000];
	v7 =	vmin.f32 v7, $6.553500000e+04  }
0x26b: {  	s6 =	simm.s32 $0x2;
	s8 =	sand.u32 $0x60, s8;
	v8 =	vmul.f32 $4.096000000e+03, v8;
	v2 =	vtrunc.f32 v2;
	v4 =	vmax.f32 v4, $0.0e+00;
	[tilespmem:s12+$0x14000] =	vst v0;
	s12 =	simm.s32 $0x400  }
0x26c: {  	s10 =	sor.u32 $0x380, s10;
	s1 =	sand.u32 $0x3, s6;
	v5 =	vld.idx.msk [tilespmem:v5+s4+$0x0], $0xffff;
	v0 =	vtrunc.f32 v7;
	v7 =	vadd.f32 $8.000000000e+00, v10;
	v10 =	vadd.f32 $8.000000000e+00, v11;
	s6 =	sand.u32 $0x3C00, s12  }
0x26d: {  	v2 =	vcvt.f32.s32 v2;
	v4 =	vmin.f32 v4, $6.553500000e+04;
	v9 =	vld [tilespmem:s10+$0x14000];
	s12 =	sor.u32 s8, s6  }
0x26e: {  	s1 =	sshll.u32 s1, $0x5;
	v0 =	vcvt.f32.s32 v0;
	[tilespmem:s13+$0x14200] =	vst v1;
	v1 =	vmax.f32 v8, $0.0e+00;
	v8 =	vmul.f32 $4.096000000e+03, v10;
	v10 =	vld [tilespmem:s12+$0x14210]  }
0x26f: {  	s2 =	sadd.s32 $0x200, s1;
	v4 =	vtrunc.f32 v4;
	v7 =	vmul.f32 $4.096000000e+03, v7;
	v3 =	vadd.f32 $8.000000000e+00, v3;
	v11 =	vld [tilespmem:s12+$0x14200]  }
0x270: {  	s25 =	sadd.s32 $0x10, s2;
	v4 =	vcvt.f32.s32 v4;
	v12 =	vld [tilespmem:s12+$0x14280];
	v1 =	vmin.f32 v1, $6.553500000e+04  }
0x271: {  	s26 =	sor.u32 $0x300, s25;
	v6 =	vld.idx.msk [tilespmem:v6+s4+$0x0], $0xffff;
	[tilespmem:s13+$0x14290] =	vst v5;
	v7 =	vmax.f32 v7, $0.0e+00;
	v3 =	vmul.f32 $4.096000000e+03, v3;
	v1 =	vtrunc.f32 v1  }
0x272: {  	v8 =	vmax.f32 v8, $0.0e+00;
	v5 =	vadd.f32 $8.000000000e+00, v9;
	v9 =	vld [tilespmem:s26+$0x14000];
	v1 =	vcvt.f32.s32 v1  }
0x273: {  	v7 =	vmin.f32 v7, $6.553500000e+04;
	v2 =	vld.idx.msk [tilespmem:v2+s4+$0x0], $0xffff;
	v8 =	vmin.f32 v8, $6.553500000e+04  }
0x274: {  	v7 =	vtrunc.f32 v7;
	v3 =	vmax.f32 v3, $0.0e+00;
	v0 =	vld.idx.msk [tilespmem:v0+s4+$0x0], $0xffff;
	v8 =	vtrunc.f32 v8  }
0x275: {  	v3 =	vmin.f32 v3, $6.553500000e+04;
	v5 =	vmul.f32 $4.096000000e+03, v5;
	v8 =	vcvt.f32.s32 v8  }
0x276: {  	v7 =	vcvt.f32.s32 v7;
	v10 =	vadd.f32 $8.000000000e+00, v10;
	v3 =	vtrunc.f32 v3;
	v4 =	vld.idx.msk [tilespmem:v4+s4+$0x0], $0xffff  }
0x277: {  	v13 =	vld [tilespmem:s12+$0x14290];
	[tilespmem:s13+$0x14280] =	vst v6;
	v3 =	vcvt.f32.s32 v3;
	v5 =	vmax.f32 v5, $0.0e+00;
	v9 =	vadd.f32 $8.000000000e+00, v9  }
0x278: {  	s24 =	sor.u32 $0x380, s0;
	v11 =	vadd.f32 $8.000000000e+00, v11;
	v10 =	vmul.f32 $4.096000000e+03, v10;
	[tilespmem:s18+$0x14000] =	vst v2;
	v5 =	vmin.f32 v5, $6.553500000e+04;
	v1 =	vld.idx.msk [tilespmem:v1+s4+$0x0], $0xffff  }
0x279: {  	s31 =	sor.u32 $0x300, s2;
	v5 =	vtrunc.f32 v5;
	[tilespmem:s5+$0x14210] =	vst v0;
	v0 =	vadd.f32 $8.000000000e+00, v12;
	v12 =	vld [tilespmem:s24+$0x14000];
	v6 =	vmul.f32 $4.096000000e+03, v9  }
0x27a: {  	s19 =	simm.s32 $0xA0;
	v11 =	vmul.f32 $4.096000000e+03, v11;
	v10 =	vmax.f32 v10, $0.0e+00;
	v5 =	vcvt.f32.s32 v5;
	v9 =	vld [tilespmem:s31+$0x14000]  }
0x27b: {  	s0 =	simm.s32 $0x500;
	[tilespmem:s17+$0x14000] =	vst v4;
	s17 =	sor.u32 $0x380, s3;
	v4 =	vmin.f32 v10, $6.553500000e+04;
	v8 =	vld.idx.msk [tilespmem:v8+s4+$0x0], $0xffff;
	v0 =	vmul.f32 $4.096000000e+03, v0;
	v6 =	vmax.f32 v6, $0.0e+00  }
0x27c: {  	s20 =	sand.u32 $0x3C00, s0;
	s13 =	simm.s32 $0x3;
	v11 =	vmax.f32 v11, $0.0e+00;
	s3 =	sand.u32 $0x60, s19;
	v10 =	vld [tilespmem:s17+$0x14000];
	v4 =	vtrunc.f32 v4;
	v6 =	vmin.f32 v6, $6.553500000e+04  }
0x27d: {  	s1 =	sand.u32 $0x3, s13;
	s29 =	sor.u32 s3, s20;
	v3 =	vld.idx.msk [tilespmem:v3+s4+$0x0], $0xffff;
	v2 =	vcvt.f32.s32 v4;
	v4 =	vadd.f32 $8.000000000e+00, v13;
	v0 =	vmax.f32 v0, $0.0e+00  }
0x27e: {  	s1 =	sshll.u32 s1, $0x5;
	v13 =	vld [tilespmem:s29+$0x14200];
	v6 =	vtrunc.f32 v6;
	v0 =	vmin.f32 v0, $6.553500000e+04;
	v12 =	vadd.f32 $8.000000000e+00, v12  }
0x27f: {  	s1 =	sadd.s32 $0x300, s1;
	v14 =	vld [tilespmem:s29+$0x14280];
	v6 =	vcvt.f32.s32 v6;
	v4 =	vmul.f32 $4.096000000e+03, v4;
	v9 =	vadd.f32 $8.000000000e+00, v9  }
0x280: {  	s30 =	sadd.s32 $0x10, s1;
	[tilespmem:s5+$0x14200] =	vst v1;
	v0 =	vtrunc.f32 v0;
	v1 =	vld.idx.msk [tilespmem:v5+s4+$0x0], $0xffff;
	v5 =	vmin.f32 v11, $6.553500000e+04;
	v12 =	vmul.f32 $4.096000000e+03, v12  }
0x281: {  	s8 =	sor.u32 $0x300, s30;
	v11 =	vld [tilespmem:s29+$0x14210];
	[tilespmem:s5+$0x14290] =	vst v8;
	v5 =	vtrunc.f32 v5;
	v10 =	vadd.f32 $8.000000000e+00, v10;
	v4 =	vmax.f32 v4, $0.0e+00  }
0x282: {  	v8 =	vld [tilespmem:s8+$0x14000];
	v9 =	vmul.f32 $4.096000000e+03, v9;
	v5 =	vcvt.f32.s32 v5;
	v4 =	vmin.f32 v4, $6.553500000e+04  }
0x283: {  	v7 =	vld.idx.msk [tilespmem:v7+s4+$0x0], $0xffff;
	v10 =	vmul.f32 $4.096000000e+03, v10;
	v4 =	vtrunc.f32 v4  }
0x284: {  	v0 =	vcvt.f32.s32 v0;
	v2 =	vld.idx.msk [tilespmem:v2+s4+$0x0], $0xffff;
	v4 =	vcvt.f32.s32 v4  }
0x285: {  	v12 =	vmax.f32 v12, $0.0e+00;
	v9 =	vmax.f32 v9, $0.0e+00;
	v6 =	vld.idx.msk [tilespmem:v6+s4+$0x0], $0xffff;
	v10 =	vmax.f32 v10, $0.0e+00  }
0x286: {  	v9 =	vmin.f32 v9, $6.553500000e+04;
	v11 =	vadd.f32 $8.000000000e+00, v11;
	v10 =	vmin.f32 v10, $6.553500000e+04  }
0x287: {  	v15 =	vld [tilespmem:s29+$0x14290];
	[tilespmem:s7+$0x14000] =	vst v3;
	v9 =	vtrunc.f32 v9;
	v8 =	vadd.f32 $8.000000000e+00, v8;
	v10 =	vtrunc.f32 v10  }
0x288: {  	s28 =	sor.u32 $0x300, s1;
	v13 =	vadd.f32 $8.000000000e+00, v13;
	[tilespmem:s5+$0x14280] =	vst v7;
	v11 =	vmul.f32 $4.096000000e+03, v11;
	v10 =	vcvt.f32.s32 v10;
	v5 =	vld.idx.msk [tilespmem:v5+s4+$0x0], $0xffff  }
0x289: {  	v7 =	vmul.f32 $4.096000000e+03, v8;
	v8 =	vcvt.f32.s32 v9;
	v9 =	vmin.f32 v12, $6.553500000e+04;
	v12 =	vld [tilespmem:s28+$0x14000];
	[tilespmem:s12+$0x14210] =	vst v2  }
0x28a: {  	s25 =	sor.u32 $0x380, s25;
	v2 =	vadd.f32 $8.000000000e+00, v14;
	v11 =	vmax.f32 v11, $0.0e+00;
	[tilespmem:s26+$0x14000] =	vst v6;
	v6 =	vtrunc.f32 v9;
	v3 =	vld.idx.msk [tilespmem:v4+s4+$0x0], $0xffff  }
0x28b: {  	v9 =	vmin.f32 v11, $6.553500000e+04;
	v7 =	vmax.f32 v7, $0.0e+00;
	v4 =	vmul.f32 $4.096000000e+03, v13;
	v11 =	vld [tilespmem:s25+$0x14000]  }
0x28c: {  	s26 =	sor.u32 $0x380, s11;
	s11 =	simm.s32 $0x4;
	v2 =	vmul.f32 $4.096000000e+03, v2;
	v9 =	vtrunc.f32 v9;
	v7 =	vmin.f32 v7, $6.553500000e+04  }
0x28d: {  	v14 =	vadd.f32 $8.000000000e+00, v15;
	v13 =	vld [tilespmem:s26+$0x14000];
	s13 =	sand.u32 $0x3, s11;
	v9 =	vcvt.f32.s32 v9;
	v7 =	vtrunc.f32 v7  }
0x28e: {  	s7 =	simm.s32 $0x600;
	s5 =	simm.s32 $0xC0;
	v4 =	vmax.f32 v4, $0.0e+00;
	s6 =	sshll.u32 s13, $0x5;
	[tilespmem:s12+$0x14200] =	vst v5;
	v5 =	vcvt.f32.s32 v7;
	v12 =	vadd.f32 $8.000000000e+00, v12;
	v10 =	vld.idx.msk [tilespmem:v10+s4+$0x0], $0xffff  }
0x28f: {  	s19 =	sand.u32 $0x3C00, s7;
	s18 =	sand.u32 $0x60, s5;
	v2 =	vmax.f32 v2, $0.0e+00;
	s20 =	sadd.s32 $0x400, s6;
	v7 =	vld.idx.msk [tilespmem:v0+s4+$0x0], $0xffff;
	v0 =	vmin.f32 v4, $6.553500000e+04;
	v4 =	vmul.f32 $4.096000000e+03, v14  }
0x290: {  	s18 =	sor.u32 s18, s19;
	v14 =	vld.idx.msk [tilespmem:v8+s4+$0x0], $0xffff;
	s13 =	sadd.s32 $0x10, s20;
	v0 =	vtrunc.f32 v0;
	v12 =	vmul.f32 $4.096000000e+03, v12;
	v8 =	vadd.f32 $8.000000000e+00, v11  }
0x291: {  	[tilespmem:s12+$0x14290] =	vst v3;
	s11 =	sor.u32 $0x300, s13;
	v11 =	vld [tilespmem:s18+$0x14210];
	v15 =	vcvt.f32.s32 v0;
	v0 =	vmin.f32 v2, $6.553500000e+04;
	v2 =	vmax.f32 v4, $0.0e+00  }
0x292: {  	v4 =	vld [tilespmem:s11+$0x14000];
	v0 =	vtrunc.f32 v0;
	v2 =	vmin.f32 v2, $6.553500000e+04;
	v8 =	vmul.f32 $4.096000000e+03, v8  }
0x293: {  	v3 =	vcvt.f32.s32 v0;
	v9 =	vld.idx.msk [tilespmem:v9+s4+$0x0], $0xffff;
	v0 =	vtrunc.f32 v2;
	v2 =	vadd.f32 $8.000000000e+00, v13  }
0x294: {  	v13 =	vcvt.f32.s32 v0;
	v62 =	vld.idx.msk [tilespmem:v5+s4+$0x0], $0xffff;
	v0 =	vmax.f32 v8, $0.0e+00  }
0x295: {  	v12 =	vmax.f32 v12, $0.0e+00;
	v8 =	vld [tilespmem:s18+$0x14200];
	v2 =	vmul.f32 $4.096000000e+03, v2;
	v5 =	vmin.f32 v0, $6.553500000e+04  }
0x296: {  	v0 =	vcvt.f32.s32 v6;
	v6 =	vld [tilespmem:s18+$0x14280];
	v11 =	vadd.f32 $8.000000000e+00, v11;
	v5 =	vtrunc.f32 v5  }
0x297: {  	[tilespmem:s10+$0x14000] =	vst v1;
	v12 =	vmin.f32 v12, $6.553500000e+04;
	v4 =	vadd.f32 $8.000000000e+00, v4;
	v1 =	vld.idx.msk [tilespmem:v15+s4+$0x0], $0xffff;
	v15 =	vcvt.f32.s32 v5  }
0x298: {  	v63 =	vld [tilespmem:s18+$0x14290];
	[tilespmem:s12+$0x14280] =	vst v7;
	s12 =	sor.u32 $0x300, s20;
	v2 =	vmax.f32 v2, $0.0e+00;
	v11 =	vmul.f32 $4.096000000e+03, v11;
	v5 =	vtrunc.f32 v12  }
0x299: {  	v7 =	vld [tilespmem:s12+$0x14000];
	[tilespmem:s29+$0x14210] =	vst v9;
	v4 =	vmul.f32 $4.096000000e+03, v4;
	v2 =	vmin.f32 v2, $6.553500000e+04;
	v5 =	vcvt.f32.s32 v5  }
0x29a: {  	s10 =	sor.u32 $0x380, s30;
	[tilespmem:s8+$0x14000] =	vst v62;
	v2 =	vtrunc.f32 v2;
	v9 =	vadd.f32 $8.000000000e+00, v8;
	v12 =	vmax.f32 v11, $0.0e+00;
	v8 =	vld.idx.msk [tilespmem:v13+s4+$0x0], $0xffff  }
0x29b: {  	s30 =	sor.u32 $0x380, s2;
	[tilespmem:s31+$0x14000] =	vst v14;
	v4 =	vmax.f32 v4, $0.0e+00;
	v11 =	vadd.f32 $8.000000000e+00, v6;
	v13 =	vmin.f32 v12, $6.553500000e+04;
	v6 =	vld [tilespmem:s10+$0x14000]  }
0x29c: {  	s2 =	sor.u32 $0x380, s20;
	[tilespmem:s17+$0x14000] =	vst v10;
	s17 =	simm.s32 $0x5;
	v10 =	vmin.f32 v4, $6.553500000e+04;
	v4 =	vld [tilespmem:s30+$0x14000];
	v12 =	vmul.f32 $4.096000000e+03, v9;
	v9 =	vtrunc.f32 v13  }
0x29d: {  	s31 =	sor.u32 $0x380, s1;
	s1 =	simm.s32 $0x600;
	s3 =	sand.u32 $0x3, s17;
	v13 =	vadd.f32 $8.000000000e+00, v63;
	[tilespmem:s29+$0x14200] =	vst v1;
	v10 =	vtrunc.f32 v10;
	v9 =	vcvt.f32.s32 v9;
	v1 =	vld.idx.msk [tilespmem:v15+s4+$0x0], $0xffff  }
.LBB2_9:
0x29e: {  	s5 =	sadd.s32 $0x20, s5;
	v12 =	vmax.f32 v12, $0.0e+00;
	v11 =	vmul.f32 $4.096000000e+03, v11;
	s7 =	sadd.s32 $0x100, s7;
	s3 =	sshll.u32 s3, $0x5;
	v14 =	vld.idx.msk [tilespmem:v3+s4+$0x0], $0xffff;
	v10 =	vcvt.f32.s32 v10  }
0x29f: {  	v7 =	vadd.f32 $8.000000000e+00, v7;
	s6 =	sand.u32 $0x60, s5;
	s8 =	sand.u32 $0x3C00, s7;
	v3 =	vmin.f32 v12, $6.553500000e+04;
	v12 =	vmul.f32 $4.096000000e+03, v13;
	s0 =	sadd.s32 s3, s0;
	v5 =	vld.idx.msk [tilespmem:v5+s4+$0x0], $0xffff  }
0x2a0: {  	s6 =	sor.u32 s6, s8;
	v3 =	vtrunc.f32 v3;
	v11 =	vmax.f32 v11, $0.0e+00;
	s19 =	sor.u32 $0x300, s0;
	s3 =	sadd.s32 $0x10, s0;
	v6 =	vadd.f32 $8.000000000e+00, v6;
	v13 =	vld.idx.msk [tilespmem:v0+s4+$0x0], $0xffff  }
0x2a1: {  	s20 =	sor.u32 $0x380, s0;
	s0 =	smov.u32 s1;
	v15 =	vld [tilespmem:s6+$0x14210];
	v16 =	vcvt.f32.s32 v3;
	v0 =	vmin.f32 v11, $6.553500000e+04;
	v3 =	vmax.f32 v12, $0.0e+00;
	[tilespmem:s29+$0x14290] =	vst v8;
	s8 =	sor.u32 $0x300, s3  }
0x2a2: {  	p0 =	slt.u32 s5, $0x7E0;
	s1 =	smov.u32 s7;
	v0 =	vtrunc.f32 v0;
	v8 =	vmin.f32 v3, $6.553500000e+04;
	v11 =	vld [tilespmem:s8+$0x14000];
	v6 =	vmul.f32 $4.096000000e+03, v6  }
0x2a3: {  	v4 =	vadd.f32 $8.000000000e+00, v4;
	v3 =	vcvt.f32.s32 v0;
	v9 =	vld.idx.msk [tilespmem:v9+s4+$0x0], $0xffff;
	v0 =	vtrunc.f32 v8;
	[tilespmem:s25+$0x14000] =	vst v1;
	s25 =	smov.u32 s10  }
0x2a4: {  	v7 =	vmul.f32 $4.096000000e+03, v7;
	v1 =	vcvt.f32.s32 v0;
	[tilespmem:s29+$0x14280] =	vst v14;
	v10 =	vld.idx.msk [tilespmem:v10+s4+$0x0], $0xffff;
	v0 =	vmax.f32 v6, $0.0e+00;
	s29 =	smov.u32 s18;
	s18 =	smov.u32 s6  }
0x2a5: {  	v4 =	vmul.f32 $4.096000000e+03, v4;
	v6 =	vld [tilespmem:s18+$0x14200];
	[tilespmem:s28+$0x14000] =	vst v5;
	v5 =	vmin.f32 v0, $6.553500000e+04;
	v0 =	vcvt.f32.s32 v2;
	s28 =	smov.u32 s12;
	s12 =	smov.u32 s19  }
0x2a6: {  	v7 =	vmax.f32 v7, $0.0e+00;
	v12 =	vld [tilespmem:s18+$0x14280];
	v2 =	vadd.f32 $8.000000000e+00, v15;
	v5 =	vtrunc.f32 v5;
	[tilespmem:s24+$0x14000] =	vst v13;
	s24 =	smov.u32 s26;
	s26 =	smov.u32 s30;
	s30 =	smov.u32 s31  }
0x2a7: {  	v7 =	vmin.f32 v7, $6.553500000e+04;
	s31 =	smov.u32 s2;
	s2 =	smov.u32 s20;
	v14 =	vld.idx.msk [tilespmem:v16+s4+$0x0], $0xffff;
	v8 =	vadd.f32 $8.000000000e+00, v11;
	v15 =	vcvt.f32.s32 v5  }
0x2a8: {  	v4 =	vmax.f32 v4, $0.0e+00;
	v5 =	vtrunc.f32 v7;
	v2 =	vmul.f32 $4.096000000e+03, v2;
	v13 =	vld [tilespmem:s18+$0x14290]  }
.Ltmp3:
0x2a9: {  	v4 =	vmin.f32 v4, $6.553500000e+04;
	v5 =	vcvt.f32.s32 v5;
	[tilespmem:s29+$0x14210] =	vst v9;
	v7 =	vld [tilespmem:s12+$0x14000];
	v9 =	vmul.f32 $4.096000000e+03, v8;
	(pc) =	sbr.rel @p0 .LBB2_9-.Ltmp3, $4  }
0x2aa: {  	s10 =	sor.u32 $0x380, s13;
	s13 =	smov.u32 s3;
	v16 =	vadd.f32 $8.000000000e+00, v6;
	v6 =	vmax.f32 v2, $0.0e+00;
	v8 =	vld.idx.msk [tilespmem:v1+s4+$0x0], $0xffff;
	[tilespmem:s11+$0x14000] =	vst v10;
	v2 =	vtrunc.f32 v4;
	s11 =	smov.u32 s8  }
0x2ab: {  	v11 =	vadd.f32 $8.000000000e+00, v12;
	v1 =	vmin.f32 v6, $6.553500000e+04;
	v4 =	vmax.f32 v9, $0.0e+00;
	v6 =	vld [tilespmem:s10+$0x14000]  }
0x2ac: {  	s17 =	sadd.s32 $0x1, s17;
	v12 =	vmul.f32 $4.096000000e+03, v16;
	v1 =	vtrunc.f32 v1;
	v10 =	vmin.f32 v4, $6.553500000e+04;
	v4 =	vld [tilespmem:s30+$0x14000]  }
0x2ad: {  	s3 =	sand.u32 $0x3, s17;
	v9 =	vcvt.f32.s32 v1;
	v13 =	vadd.f32 $8.000000000e+00, v13;
	[tilespmem:s29+$0x14200] =	vst v14;
	v10 =	vtrunc.f32 v10;
	v1 =	vld.idx.msk [tilespmem:v15+s4+$0x0], $0xffff  }
0x2ae: {  	v12 =	vmax.f32 v12, $0.0e+00  }
0x2af: {  	v12 =	vmin.f32 v12, $6.553500000e+04  }
0x2b0: {  	v13 =	vmul.f32 $4.096000000e+03, v13;
	v12 =	vtrunc.f32 v12  }
0x2b1: {  	v12 =	vcvt.f32.s32 v12  }
0x2b2: {  	v11 =	vmul.f32 $4.096000000e+03, v11;
	v13 =	vmax.f32 v13, $0.0e+00  }
0x2b3: {  	v13 =	vmin.f32 v13, $6.553500000e+04  }
0x2b4: {  	v11 =	vmax.f32 v11, $0.0e+00;
	v13 =	vtrunc.f32 v13  }
0x2b5: {  	v9 =	vld.idx.msk [tilespmem:v9+s4+$0x0], $0xffff;
	v11 =	vmin.f32 v11, $6.553500000e+04;
	v13 =	vcvt.f32.s32 v13  }
0x2b6: {  	v11 =	vtrunc.f32 v11  }
0x2b7: {  	v11 =	vcvt.f32.s32 v11;
	v12 =	vld.idx.msk [tilespmem:v12+s4+$0x0], $0xffff  }
0x2b8: {  	s3 =	sshll.u32 s3, $0x5;
	v3 =	vld.idx.msk [tilespmem:v3+s4+$0x0], $0xffff  }
0x2b9: {  	s3 =	sadd.s32 s3, s0  }
0x2ba: {  	s6 =	sadd.s32 $0x10, s3;
	[tilespmem:s18+$0x14210] =	vst v9  }
0x2bb: {  	s19 =	sadd.s32 $0x1, s17;
	[tilespmem:s29+$0x14290] =	vst v8;
	s20 =	sor.u32 $0x300, s6;
	v8 =	vld.idx.msk [tilespmem:v13+s4+$0x0], $0xffff  }
0x2bc: {  	v7 =	vadd.f32 $8.000000000e+00, v7;
	s0 =	sand.u32 $0x3, s19;
	v9 =	vld [tilespmem:s20+$0x14000];
	[tilespmem:s18+$0x14200] =	vst v12  }
0x2bd: {  	s0 =	sshll.u32 s0, $0x5;
	s8 =	sor.u32 $0x300, s3;
	[tilespmem:s29+$0x14280] =	vst v3;
	v11 =	vld.idx.msk [tilespmem:v11+s4+$0x0], $0xffff  }
0x2be: {  	v7 =	vmul.f32 $4.096000000e+03, v7;
	s5 =	sadd.s32 s0, s1;
	v3 =	vld [tilespmem:s8+$0x14000]  }
0x2bf: {  	s7 =	sadd.s32 $0x10, s5  }
0x2c0: {  	v7 =	vmax.f32 v7, $0.0e+00;
	s19 =	sor.u32 $0x300, s7;
	[tilespmem:s18+$0x14290] =	vst v8  }
0x2c1: {  	v7 =	vmin.f32 v7, $6.553500000e+04;
	v8 =	vadd.f32 $8.000000000e+00, v9;
	v9 =	vld [tilespmem:s19+$0x14000]  }
0x2c2: {  	v10 =	vcvt.f32.s32 v10;
	s1 =	sor.u32 $0x300, s5;
	v7 =	vtrunc.f32 v7;
	[tilespmem:s18+$0x14280] =	vst v11  }
0x2c3: {  	v7 =	vcvt.f32.s32 v7;
	v3 =	vadd.f32 $8.000000000e+00, v3;
	v8 =	vmul.f32 $4.096000000e+03, v8;
	v11 =	vld [tilespmem:s1+$0x14000];
	_ =	sdelay $0x1  }
0x2c4: {  	v3 =	vmul.f32 $4.096000000e+03, v3;
	v8 =	vmax.f32 v8, $0.0e+00  }
0x2c5: {  	v8 =	vmin.f32 v8, $6.553500000e+04;
	v9 =	vadd.f32 $8.000000000e+00, v9  }
0x2c6: {  	v3 =	vmax.f32 v3, $0.0e+00;
	v8 =	vtrunc.f32 v8  }
0x2c7: {  	v10 =	vld.idx.msk [tilespmem:v10+s4+$0x0], $0xffff;
	v8 =	vcvt.f32.s32 v8;
	v9 =	vmul.f32 $4.096000000e+03, v9;
	v11 =	vadd.f32 $8.000000000e+00, v11  }
0x2c8: {  	v7 =	vld.idx.msk [tilespmem:v7+s4+$0x0], $0xffff;
	v3 =	vmin.f32 v3, $6.553500000e+04  }
0x2c9: {  	v3 =	vtrunc.f32 v3;
	v9 =	vmax.f32 v9, $0.0e+00;
	v11 =	vmul.f32 $4.096000000e+03, v11  }
0x2ca: {  	v5 =	vld.idx.msk [tilespmem:v5+s4+$0x0], $0xffff;
	v3 =	vcvt.f32.s32 v3;
	v9 =	vmin.f32 v9, $6.553500000e+04  }
0x2cb: {  	v9 =	vtrunc.f32 v9;
	v11 =	vmax.f32 v11, $0.0e+00  }
0x2cc: {  	[tilespmem:s11+$0x14000] =	vst v10;
	v9 =	vcvt.f32.s32 v9;
	v11 =	vmin.f32 v11, $6.553500000e+04  }
0x2cd: {  	[tilespmem:s12+$0x14000] =	vst v7;
	v8 =	vld.idx.msk [tilespmem:v8+s4+$0x0], $0xffff;
	v10 =	vtrunc.f32 v11  }
0x2ce: {  	v7 =	vld [tilespmem:s2+$0x14000];
	s18 =	sor.u32 $0x380, s13;
	v10 =	vcvt.f32.s32 v10  }
0x2cf: {  	[tilespmem:s28+$0x14000] =	vst v5;
	v5 =	vld [tilespmem:s18+$0x14000]  }
0x2d0: {  	v6 =	vadd.f32 $8.000000000e+00, v6;
	v3 =	vld.idx.msk [tilespmem:v3+s4+$0x0], $0xffff  }
0x2d1: {  	v4 =	vadd.f32 $8.000000000e+00, v4;
	v11 =	vld [tilespmem:s31+$0x14000]  }
0x2d2: {  	v6 =	vmul.f32 $4.096000000e+03, v6;
	[tilespmem:s20+$0x14000] =	vst v8;
	s20 =	sor.u32 $0x380, s6;
	v8 =	vld.idx.msk [tilespmem:v9+s4+$0x0], $0xffff  }
0x2d3: {  	v4 =	vmul.f32 $4.096000000e+03, v4;
	v7 =	vadd.f32 $8.000000000e+00, v7;
	v9 =	vld [tilespmem:s20+$0x14000]  }
0x2d4: {  	v2 =	vcvt.f32.s32 v2;
	v6 =	vmax.f32 v6, $0.0e+00;
	v5 =	vadd.f32 $8.000000000e+00, v5;
	v10 =	vld.idx.msk [tilespmem:v10+s4+$0x0], $0xffff  }
0x2d5: {  	v6 =	vmin.f32 v6, $6.553500000e+04;
	v4 =	vmax.f32 v4, $0.0e+00;
	v7 =	vmul.f32 $4.096000000e+03, v7  }
0x2d6: {  	v6 =	vtrunc.f32 v6;
	v4 =	vmin.f32 v4, $6.553500000e+04;
	v5 =	vmul.f32 $4.096000000e+03, v5  }
0x2d7: {  	s3 =	sor.u32 $0x380, s3;
	v6 =	vcvt.f32.s32 v6;
	v7 =	vmax.f32 v7, $0.0e+00;
	[tilespmem:s8+$0x14000] =	vst v3;
	v3 =	vtrunc.f32 v4  }
0x2d8: {  	s7 =	sor.u32 $0x380, s7;
	v7 =	vmin.f32 v7, $6.553500000e+04;
	v4 =	vmax.f32 v5, $0.0e+00;
	[tilespmem:s19+$0x14000] =	vst v8;
	v5 =	vadd.f32 $8.000000000e+00, v9;
	v9 =	vld [tilespmem:s3+$0x14000]  }
0x2d9: {  	s5 =	sor.u32 $0x380, s5;
	v3 =	vcvt.f32.s32 v3;
	v4 =	vmin.f32 v4, $6.553500000e+04;
	v8 =	vadd.f32 $8.000000000e+00, v11;
	v11 =	vld [tilespmem:s7+$0x14000];
	[tilespmem:s1+$0x14000] =	vst v10  }
0x2da: {  	v7 =	vtrunc.f32 v7;
	v4 =	vtrunc.f32 v4;
	v10 =	vld [tilespmem:s5+$0x14000]  }
0x2db: {  	v8 =	vmul.f32 $4.096000000e+03, v8;
	v5 =	vmul.f32 $4.096000000e+03, v5  }
0x2dc: {  	v7 =	vcvt.f32.s32 v7;
	v4 =	vcvt.f32.s32 v4  }
0x2dd: {  	v8 =	vmax.f32 v8, $0.0e+00;
	v5 =	vmax.f32 v5, $0.0e+00;
	v9 =	vadd.f32 $8.000000000e+00, v9  }
0x2de: {  	v8 =	vmin.f32 v8, $6.553500000e+04;
	v5 =	vmin.f32 v5, $6.553500000e+04;
	v11 =	vadd.f32 $8.000000000e+00, v11  }
0x2df: {  	v8 =	vtrunc.f32 v8;
	v9 =	vmul.f32 $4.096000000e+03, v9;
	v10 =	vadd.f32 $8.000000000e+00, v10  }
0x2e0: {  	v5 =	vtrunc.f32 v5;
	v11 =	vmul.f32 $4.096000000e+03, v11  }
0x2e1: {  	v5 =	vcvt.f32.s32 v5;
	v9 =	vmax.f32 v9, $0.0e+00;
	v10 =	vmul.f32 $4.096000000e+03, v10  }
0x2e2: {  	v0 =	vld.idx.msk [tilespmem:v0+s4+$0x0], $0xffff;
	v8 =	vcvt.f32.s32 v8;
	v11 =	vmax.f32 v11, $0.0e+00;
	v9 =	vmin.f32 v9, $6.553500000e+04  }
0x2e3: {  	v4 =	vld.idx.msk [tilespmem:v4+s4+$0x0], $0xffff;
	v11 =	vmin.f32 v11, $6.553500000e+04;
	v9 =	vtrunc.f32 v9;
	v10 =	vmax.f32 v10, $0.0e+00  }
0x2e4: {  	v2 =	vld.idx.msk [tilespmem:v2+s4+$0x0], $0xffff;
	v11 =	vtrunc.f32 v11;
	v9 =	vcvt.f32.s32 v9;
	v10 =	vmin.f32 v10, $6.553500000e+04  }
0x2e5: {  	[tilespmem:s25+$0x14000] =	vst v1;
	v1 =	vld.idx.msk [tilespmem:v3+s4+$0x0], $0xffff;
	v11 =	vcvt.f32.s32 v11;
	v10 =	vtrunc.f32 v10  }
0x2e6: {  	v6 =	vld.idx.msk [tilespmem:v6+s4+$0x0], $0xffff;
	v3 =	vcvt.f32.s32 v10  }
0x2e7: {  	[tilespmem:s24+$0x14000] =	vst v0;
	v0 =	vld.idx.msk [tilespmem:v5+s4+$0x0], $0xffff  }
0x2e8: {  	[tilespmem:s18+$0x14000] =	vst v4;
	v4 =	vld.idx.msk [tilespmem:v7+s4+$0x0], $0xffff  }
0x2e9: {  	[tilespmem:s26+$0x14000] =	vst v2;
	v5 =	vld.idx.msk [tilespmem:v8+s4+$0x0], $0xffff  }
0x2ea: {  	[tilespmem:s30+$0x14000] =	vst v1;
	v1 =	vld.idx.msk [tilespmem:v9+s4+$0x0], $0xffff  }
0x2eb: {  	[tilespmem:s10+$0x14000] =	vst v6;
	v2 =	vld.idx.msk [tilespmem:v11+s4+$0x0], $0xffff  }
0x2ec: {  	[tilespmem:s20+$0x14000] =	vst v0;
	v0 =	vld.idx.msk [tilespmem:v3+s4+$0x0], $0xffff  }
0x2ed: {  	[tilespmem:s2+$0x14000] =	vst v4  }
0x2ee: {  	[tilespmem:s31+$0x14000] =	vst v5  }
0x2ef: {  	[tilespmem:s3+$0x14000] =	vst v1  }
0x2f0: {  	[tilespmem:s7+$0x14000] =	vst v2  }
0x2f1: {  	s0 =	sadd.s32 s23, s9;
	s28 =	simm.s32 $0x14200;
	s1 =	simm.s32 $0x0;
	[tilespmem:s5+$0x14000] =	vst v0  }
0x2f2: {  	[hbm4b:s0+s1] =	stream.linear.scatter [tilespmem:s28], [sflag:$0x6], $0x200, $0x38;
	[tilespmem:$0x1C000] =	vst v63  }
0x2f3: {  	s29 =	sadd.s32 $0x80, s0;
	s31 =	simm.s32 $0x14600  }
0x2f4: {  	[hbm4b:s29+s1] =	stream.linear.scatter [tilespmem:s31], [sflag:$0x6], $0x200, $0x38;
	[tilespmem:$0x1C000] =	vst v63  }
0x2f5: {  	s3 =	sadd.s32 $0x100, s0;
	s5 =	simm.s32 $0x14A00  }
0x2f6: {  	[hbm4b:s3+s1] =	stream.linear.scatter [tilespmem:s5], [sflag:$0x6], $0x200, $0x38;
	[tilespmem:$0x1C000] =	vst v63  }
0x2f7: {  	s6 =	sadd.s32 $0x180, s0;
	s7 =	simm.s32 $0x14E00  }
0x2f8: {  	[hbm4b:s6+s1] =	stream.linear.scatter [tilespmem:s7], [sflag:$0x6], $0x200, $0x38;
	[tilespmem:$0x1C000] =	vst v63  }
0x2f9: {  	s10 =	simm.s32 $0x15200;
	s8 =	sadd.s32 $0x200, s0  }
0x2fa: {  	[hbm4b:s8+s1] =	stream.linear.scatter [tilespmem:s10], [sflag:$0x6], $0x200, $0x38;
	[tilespmem:$0x1C000] =	vst v63  }
0x2fb: {  	s11 =	sadd.s32 $0x280, s0;
	s12 =	simm.s32 $0x15600  }
0x2fc: {  	[hbm4b:s11+s1] =	stream.linear.scatter [tilespmem:s12], [sflag:$0x6], $0x200, $0x38;
	[tilespmem:$0x1C000] =	vst v63  }
0x2fd: {  	s17 =	simm.s32 $0x15A00;
	s13 =	sadd.s32 $0x300, s0  }
0x2fe: {  	[hbm4b:s13+s1] =	stream.linear.scatter [tilespmem:s17], [sflag:$0x6], $0x200, $0x38;
	[tilespmem:$0x1C000] =	vst v63  }
0x2ff: {  	s19 =	simm.s32 $0x15E00;
	s18 =	sadd.s32 $0x380, s0  }
0x300: {  	[hbm4b:s18+s1] =	stream.linear.scatter [tilespmem:s19], [sflag:$0x6], $0x200, $0x38;
	[tilespmem:$0x1C000] =	vst v63  }
0x301: {  	s23 =	simm.s32 $0x16200;
	s20 =	sadd.s32 $0x400, s0  }
0x302: {  	[hbm4b:s20+s1] =	stream.linear.scatter [tilespmem:s23], [sflag:$0x6], $0x200, $0x38;
	[tilespmem:$0x1C000] =	vst v63  }
0x303: {  	s25 =	simm.s32 $0x16600;
	s24 =	sadd.s32 $0x480, s0  }
0x304: {  	[hbm4b:s24+s1] =	stream.linear.scatter [tilespmem:s25], [sflag:$0x6], $0x200, $0x38;
	[tilespmem:$0x1C000] =	vst v63  }
0x305: {  	s26 =	sadd.s32 $0x500, s0;
	s28 =	simm.s32 $0x16A00  }
0x306: {  	[hbm4b:s26+s1] =	stream.linear.scatter [tilespmem:s28], [sflag:$0x6], $0x200, $0x38;
	[tilespmem:$0x1C000] =	vst v63  }
0x307: {  	s29 =	sadd.s32 $0x580, s0;
	s31 =	simm.s32 $0x16E00  }
0x308: {  	[hbm4b:s29+s1] =	stream.linear.scatter [tilespmem:s31], [sflag:$0x6], $0x200, $0x38;
	[tilespmem:$0x1C000] =	vst v63  }
0x309: {  	s3 =	sadd.s32 $0x600, s0;
	s5 =	simm.s32 $0x17200  }
0x30a: {  	[hbm4b:s3+s1] =	stream.linear.scatter [tilespmem:s5], [sflag:$0x6], $0x200, $0x38;
	[tilespmem:$0x1C000] =	vst v63  }
0x30b: {  	s6 =	sadd.s32 $0x680, s0;
	s7 =	simm.s32 $0x17600  }
0x30c: {  	[hbm4b:s6+s1] =	stream.linear.scatter [tilespmem:s7], [sflag:$0x6], $0x200, $0x38;
	[tilespmem:$0x1C000] =	vst v63  }
0x30d: {  	s8 =	sadd.s32 $0x700, s0;
	s10 =	simm.s32 $0x17A00  }
0x30e: {  	[hbm4b:s8+s1] =	stream.linear.scatter [tilespmem:s10], [sflag:$0x6], $0x200, $0x38;
	[tilespmem:$0x1C000] =	vst v63  }
0x30f: {  	s0 =	sadd.s32 $0x780, s0;
	s11 =	simm.s32 $0x17E00  }
0x310: {  	[hbm4b:s0+s1] =	stream.linear.scatter [tilespmem:s11], [sflag:$0x6], $0x200, $0x38;
	[tilespmem:$0x1C000] =	vst v63  }
0x311: {  	_ =	swait.ge [sflag:s16], $0x4000  }
0x312: {  	s12 =	rddreg [dreg:$0xa];
	[sflag:s16] =	ssyncset.done $0x0  }
0x313: {  	s0 =	sadd.s32 s22, s12;
	[sflag:s16] =	ssyncadd.s32 $0xFFFFC000  }
0x314: {  	s0 =	sshll.u32 s0, $0x8;
	s13 =	rddreg [dreg:$0x0]  }
0x315: {  	s30 =	simm.s32 $0x10000;
	s17 =	simm.s32 $0x4;
	s0 =	sadd.s32 s13, s0  }
0x316: {  	[tilespmem:s30], [sflag:$0x2] =	stream.linear.gather [hbm4b:s0+s1], $0x4000, $0x38;
	[tilespmem:$0x1C000] =	vst v63  }
0x317: {  	s18 =	simm.s32 $0x0;
	_ =	swait.ge [sflag:s17], $0x4000  }
0x318: {  	s0 =	sand.u32 $0x60, s18;
	s1 =	sand.u32 $0x3C00, s1;
	[sflag:s17] =	ssyncset.done $0x0  }
0x319: {  	s24 =	sor.u32 s0, s1;
	[sflag:s17] =	ssyncadd.s32 $0xFFFFC000  }
0x31a: {  	v0 =	vld [tilespmem:s24+$0x18080]  }
0x31b: {  	s19 =	simm.s32 $0x20;
	s20 =	simm.s32 $0x100;
	v1 =	vld [tilespmem:s24+$0x18000]  }
0x31c: {  	s0 =	sand.u32 $0x60, s19;
	s1 =	sand.u32 $0x3C00, s20;
	v2 =	vld [tilespmem:s24+$0x18010]  }
0x31d: {  	s23 =	sor.u32 s0, s1;
	v3 =	vld [tilespmem:s24+$0x18090]  }
0x31e: {  	v4 =	vld [tilespmem:s23+$0x18000]  }
0x31f: {  	v5 =	vld [tilespmem:s23+$0x18080]  }
0x320: {  	s25 =	simm.s32 $0x200;
	s22 =	simm.s32 $0x40;
	v6 =	vld [tilespmem:s23+$0x18010]  }
0x321: {  	s0 =	sand.u32 $0x60, s22;
	s1 =	sand.u32 $0x3C00, s25;
	v7 =	vld [tilespmem:s24+$0x18110]  }
0x322: {  	s22 =	sor.u32 s0, s1;
	v8 =	vld [tilespmem:s24+$0x18100]  }
0x323: {  	v9 =	vld [tilespmem:s22+$0x18000]  }
0x324: {  	v10 =	vld [tilespmem:s22+$0x18080]  }
0x325: {  	v11 =	vld [tilespmem:s24+$0x18180]  }
0x326: {  	v12 =	vld [tilespmem:s23+$0x18090]  }
0x327: {  	v13 =	vld [tilespmem:s24+$0x18190];
	v0 =	vadd.f32 $8.000000000e+00, v0;
	v1 =	vadd.f32 $8.000000000e+00, v1  }
0x328: {  	s26 =	simm.s32 $0x60;
	s28 =	simm.s32 $0x300;
	v14 =	vld [tilespmem:s22+$0x18010];
	v2 =	vadd.f32 $8.000000000e+00, v2;
	v3 =	vadd.f32 $8.000000000e+00, v3  }
0x329: {  	s0 =	sand.u32 $0x60, s26;
	s1 =	sand.u32 $0x3C00, s28;
	v15 =	vld [tilespmem:s23+$0x18110];
	v4 =	vadd.f32 $8.000000000e+00, v4;
	v5 =	vadd.f32 $8.000000000e+00, v5  }
0x32a: {  	s25 =	sor.u32 s0, s1;
	v18 =	vld [tilespmem:s23+$0x18180];
	v6 =	vadd.f32 $8.000000000e+00, v6;
	v7 =	vadd.f32 $8.000000000e+00, v7  }
0x32b: {  	v16 =	vld [tilespmem:s25+$0x18080];
	v8 =	vadd.f32 $8.000000000e+00, v8;
	v9 =	vadd.f32 $8.000000000e+00, v9  }
0x32c: {  	v10 =	vadd.f32 $8.000000000e+00, v10;
	v12 =	vadd.f32 $8.000000000e+00, v12  }
0x32d: {  	v13 =	vadd.f32 $8.000000000e+00, v13;
	v11 =	vadd.f32 $8.000000000e+00, v11  }
0x32e: {  	v14 =	vadd.f32 $8.000000000e+00, v14;
	v15 =	vadd.f32 $8.000000000e+00, v15;
	v0 =	vmul.f32 $4.096000000e+03, v0  }
0x32f: {  	v18 =	vadd.f32 $8.000000000e+00, v18;
	v2 =	vmul.f32 $4.096000000e+03, v2;
	v1 =	vmul.f32 $4.096000000e+03, v1  }
0x330: {  	v16 =	vadd.f32 $8.000000000e+00, v16;
	v3 =	vmul.f32 $4.096000000e+03, v3;
	v5 =	vmul.f32 $4.096000000e+03, v5  }
0x331: {  	v6 =	vmul.f32 $4.096000000e+03, v6;
	v4 =	vmul.f32 $4.096000000e+03, v4;
	v1 =	vmax.f32 v1, $0.0e+00  }
0x332: {  	v7 =	vmul.f32 $4.096000000e+03, v7;
	v2 =	vmax.f32 v2, $0.0e+00;
	v1 =	vmin.f32 v1, $6.553500000e+04  }
0x333: {  	v8 =	vmul.f32 $4.096000000e+03, v8;
	v2 =	vmin.f32 v2, $6.553500000e+04;
	v1 =	vtrunc.f32 v1  }
0x334: {  	v6 =	vmax.f32 v6, $0.0e+00;
	v2 =	vtrunc.f32 v2;
	v1 =	vcvt.f32.s32 v1  }
0x335: {  	v12 =	vmul.f32 $4.096000000e+03, v12;
	v6 =	vmin.f32 v6, $6.553500000e+04;
	v2 =	vcvt.f32.s32 v2  }
0x336: {  	v13 =	vmul.f32 $4.096000000e+03, v13;
	v4 =	vmax.f32 v4, $0.0e+00;
	v6 =	vtrunc.f32 v6  }
0x337: {  	v9 =	vmul.f32 $4.096000000e+03, v9;
	v4 =	vmin.f32 v4, $6.553500000e+04;
	v6 =	vcvt.f32.s32 v6  }
0x338: {  	v15 =	vmul.f32 $4.096000000e+03, v15;
	v3 =	vmax.f32 v3, $0.0e+00;
	v4 =	vtrunc.f32 v4  }
0x339: {  	v11 =	vmul.f32 $4.096000000e+03, v11;
	v3 =	vmin.f32 v3, $6.553500000e+04;
	v4 =	vcvt.f32.s32 v4  }
0x33a: {  	v16 =	vmul.f32 $4.096000000e+03, v16;
	v0 =	vmax.f32 v0, $0.0e+00;
	v3 =	vtrunc.f32 v3;
	v1 =	vld.idx.msk [tilespmem:v1+s4+$0x0], $0xffff  }
0x33b: {  	v5 =	vmax.f32 v5, $0.0e+00;
	v7 =	vmax.f32 v7, $0.0e+00;
	v3 =	vcvt.f32.s32 v3;
	v2 =	vld.idx.msk [tilespmem:v2+s4+$0x0], $0xffff  }
0x33c: {  	v20 =	vld [tilespmem:s25+$0x18010];
	v8 =	vmax.f32 v8, $0.0e+00;
	v13 =	vmax.f32 v13, $0.0e+00;
	v0 =	vmin.f32 v0, $6.553500000e+04  }
0x33d: {  	v5 =	vmin.f32 v5, $6.553500000e+04;
	v7 =	vmin.f32 v7, $6.553500000e+04;
	v0 =	vtrunc.f32 v0;
	v6 =	vld.idx.msk [tilespmem:v6+s4+$0x0], $0xffff  }
0x33e: {  	v17 =	vld [tilespmem:s23+$0x18190];
	v15 =	vmax.f32 v15, $0.0e+00;
	v5 =	vtrunc.f32 v5;
	v7 =	vtrunc.f32 v7  }
0x33f: {  	v8 =	vmin.f32 v8, $6.553500000e+04;
	v0 =	vcvt.f32.s32 v0;
	v7 =	vcvt.f32.s32 v7;
	v4 =	vld.idx.msk [tilespmem:v4+s4+$0x0], $0xffff;
	[tilespmem:s24+$0x18000] =	vst v1  }
0x340: {  	v9 =	vmax.f32 v9, $0.0e+00;
	v1 =	vcvt.f32.s32 v5;
	v5 =	vld [tilespmem:s23+$0x18100];
	[tilespmem:s24+$0x18010] =	vst v2;
	v2 =	vtrunc.f32 v8  }
0x341: {  	v8 =	vmul.f32 $4.096000000e+03, v10;
	v10 =	vmax.f32 v12, $0.0e+00;
	v12 =	vmul.f32 $4.096000000e+03, v14;
	v3 =	vld.idx.msk [tilespmem:v3+s4+$0x0], $0xffff  }
0x342: {  	[tilespmem:s23+$0x18010] =	vst v6;
	v6 =	vadd.f32 $8.000000000e+00, v20;
	v10 =	vmin.f32 v10, $6.553500000e+04;
	v2 =	vcvt.f32.s32 v2  }
0x343: {  	v19 =	vld [tilespmem:s22+$0x18090];
	v8 =	vmax.f32 v8, $0.0e+00;
	v10 =	vtrunc.f32 v10;
	v12 =	vmax.f32 v12, $0.0e+00  }
0x344: {  	v23 =	vld [tilespmem:s22+$0x18190];
	v20 =	vmul.f32 $4.096000000e+03, v6;
	v8 =	vmin.f32 v8, $6.553500000e+04;
	v12 =	vmin.f32 v12, $6.553500000e+04  }
0x345: {  	[tilespmem:s23+$0x18000] =	vst v4;
	v0 =	vld.idx.msk [tilespmem:v0+s4+$0x0], $0xffff;
	v10 =	vcvt.f32.s32 v10;
	v12 =	vtrunc.f32 v12;
	v5 =	vadd.f32 $8.000000000e+00, v5  }
0x346: {  	v8 =	vtrunc.f32 v8;
	[tilespmem:s24+$0x18090] =	vst v3;
	v3 =	vmin.f32 v9, $6.553500000e+04;
	v21 =	vld.idx.msk [tilespmem:v1+s4+$0x0], $0xffff;
	v1 =	vadd.f32 $8.000000000e+00, v17  }
0x347: {  	v14 =	vld [tilespmem:s25+$0x18000];
	v9 =	vmin.f32 v15, $6.553500000e+04;
	v17 =	vcvt.f32.s32 v8;
	v5 =	vmul.f32 $4.096000000e+03, v5  }
0x348: {  	v16 =	vmax.f32 v16, $0.0e+00;
	v6 =	vld [tilespmem:s22+$0x18180];
	v3 =	vtrunc.f32 v3;
	v9 =	vtrunc.f32 v9  }
0x349: {  	v8 =	vld [tilespmem:s22+$0x18110];
	v3 =	vcvt.f32.s32 v3;
	v4 =	vmax.f32 v5, $0.0e+00;
	v5 =	vmax.f32 v11, $0.0e+00  }
0x34a: {  	v1 =	vmul.f32 $4.096000000e+03, v1;
	v11 =	vld.idx.msk [tilespmem:v7+s4+$0x0], $0xffff;
	v7 =	vadd.f32 $8.000000000e+00, v19;
	v5 =	vmin.f32 v5, $6.553500000e+04  }
0x34b: {  	s2 =	simm.s32 $0x400;
	s0 =	simm.s32 $0x80;
	v16 =	vmin.f32 v16, $6.553500000e+04;
	v15 =	vld [tilespmem:s22+$0x18100];
	[tilespmem:s24+$0x18080] =	vst v0;
	v9 =	vcvt.f32.s32 v9;
	v5 =	vtrunc.f32 v5  }
0x34c: {  	s31 =	sand.u32 $0x3C00, s2;
	s29 =	sand.u32 $0x60, s0;
	v14 =	vadd.f32 $8.000000000e+00, v14;
	v2 =	vld.idx.msk [tilespmem:v2+s4+$0x0], $0xffff;
	v0 =	vmul.f32 $4.096000000e+03, v7;
	v7 =	vcvt.f32.s32 v12  }
0x34d: {  	s26 =	sor.u32 s29, s31;
	v10 =	vld.idx.msk [tilespmem:v10+s4+$0x0], $0xffff;
	v4 =	vmin.f32 v4, $6.553500000e+04;
	v12 =	vcvt.f32.s32 v5;
	v5 =	vmin.f32 v13, $6.553500000e+04  }
0x34e: {  	v4 =	vtrunc.f32 v4;
	v13 =	vld [tilespmem:s26+$0x18080];
	v19 =	vmax.f32 v0, $0.0e+00;
	v5 =	vtrunc.f32 v5  }
0x34f: {  	v0 =	vcvt.f32.s32 v4;
	v4 =	vld [tilespmem:s26+$0x18000];
	v19 =	vmin.f32 v19, $6.553500000e+04;
	v22 =	vcvt.f32.s32 v5  }
0x350: {  	v5 =	vmax.f32 v20, $0.0e+00;
	v20 =	vld.idx.msk [tilespmem:v3+s4+$0x0], $0xffff;
	v3 =	vadd.f32 $8.000000000e+00, v8;
	v19 =	vtrunc.f32 v19  }
0x351: {  	[tilespmem:s24+$0x18100] =	vst v2;
	v2 =	vmin.f32 v5, $6.553500000e+04;
	v5 =	vcvt.f32.s32 v19;
	v19 =	vmul.f32 $4.096000000e+03, v14;
	v14 =	vld [tilespmem:s25+$0x18090]  }
0x352: {  	v63 =	vmul.f32 $4.096000000e+03, v18;
	v16 =	vtrunc.f32 v16;
	v15 =	vadd.f32 $8.000000000e+00, v15;
	v8 =	vld.idx.msk [tilespmem:v7+s4+$0x0], $0xffff  }
0x353: {  	[tilespmem:s23+$0x18090] =	vst v10;
	v10 =	vadd.f32 $8.000000000e+00, v23;
	v24 =	vmul.f32 $4.096000000e+03, v3;
	v7 =	vmax.f32 v1, $0.0e+00;
	v3 =	vld.idx.msk [tilespmem:v12+s4+$0x0], $0xffff  }
0x354: {  	[tilespmem:s24+$0x18110] =	vst v11;
	v11 =	vadd.f32 $8.000000000e+00, v13;
	v13 =	vld [tilespmem:s26+$0x18010];
	v12 =	vtrunc.f32 v2;
	v2 =	vmul.f32 $4.096000000e+03, v15  }
0x355: {  	v1 =	vadd.f32 $8.000000000e+00, v4;
	v15 =	vmax.f32 v24, $0.0e+00;
	v19 =	vmax.f32 v19, $0.0e+00;
	[tilespmem:s22+$0x18000] =	vst v20;
	v4 =	vld.idx.msk [tilespmem:v22+s4+$0x0], $0xffff  }
0x356: {  	[tilespmem:s23+$0x18080] =	vst v21;
	v19 =	vmin.f32 v19, $6.553500000e+04;
	v18 =	vmax.f32 v2, $0.0e+00;
	v2 =	vld.idx.msk [tilespmem:v17+s4+$0x0], $0xffff;
	v17 =	vmax.f32 v63, $0.0e+00  }
.LBB2_11:
0x357: {  	s0 =	sadd.s32 $0x20, s0;
	s2 =	sadd.s32 $0x100, s2;
	v19 =	vtrunc.f32 v19;
	v18 =	vmin.f32 v18, $6.553500000e+04;
	[tilespmem:s22+$0x18010] =	vst v8;
	v8 =	vmin.f32 v15, $6.553500000e+04;
	v9 =	vld.idx.msk [tilespmem:v9+s4+$0x0], $0xffff  }
0x358: {  	v20 =	vcvt.f32.s32 v16;
	v16 =	vmin.f32 v17, $6.553500000e+04;
	s1 =	sand.u32 $0x60, s0;
	s3 =	sand.u32 $0x3C00, s2;
	v14 =	vadd.f32 $8.000000000e+00, v14;
	v15 =	vld [tilespmem:s25+$0x18110];
	[tilespmem:s24+$0x18180] =	vst v3  }
0x359: {  	p0 =	slt.u32 s0, $0x7E0;
	v3 =	vcvt.f32.s32 v19;
	v19 =	vadd.f32 $8.000000000e+00, v6;
	v6 =	vtrunc.f32 v16;
	s1 =	sor.u32 s1, s3;
	v17 =	vld [tilespmem:s25+$0x18100]  }
0x35a: {  	v16 =	vtrunc.f32 v18;
	v13 =	vadd.f32 $8.000000000e+00, v13;
	v14 =	vmul.f32 $4.096000000e+03, v14;
	v5 =	vld.idx.msk [tilespmem:v5+s4+$0x0], $0xffff;
	[tilespmem:s24+$0x18190] =	vst v4;
	s24 =	smov.u32 s23;
	s23 =	smov.u32 s22;
	s22 =	smov.u32 s25  }
0x35b: {  	v18 =	vcvt.f32.s32 v6;
	v6 =	vmin.f32 v7, $6.553500000e+04;
	v4 =	vcvt.f32.s32 v12;
	s25 =	smov.u32 s26;
	s26 =	smov.u32 s1;
	v12 =	vld.idx.msk [tilespmem:v0+s4+$0x0], $0xffff  }
0x35c: {  	v7 =	vmul.f32 $4.096000000e+03, v11;
	v0 =	vcvt.f32.s32 v16;
	v21 =	vld [tilespmem:s26+$0x18080];
	v11 =	vmax.f32 v14, $0.0e+00  }
0x35d: {  	v13 =	vmul.f32 $4.096000000e+03, v13;
	v14 =	vld [tilespmem:s26+$0x18000];
	v11 =	vmin.f32 v11, $6.553500000e+04;
	[tilespmem:s23+$0x18080] =	vst v2;
	v2 =	vtrunc.f32 v6  }
0x35e: {  	v7 =	vmax.f32 v7, $0.0e+00;
	v6 =	vld [tilespmem:s22+$0x18180];
	v11 =	vtrunc.f32 v11;
	[tilespmem:s24+$0x18110] =	vst v9;
	v2 =	vcvt.f32.s32 v2  }
0x35f: {  	v16 =	vmin.f32 v7, $6.553500000e+04;
	v7 =	vmax.f32 v13, $0.0e+00;
	v22 =	vld.idx.msk [tilespmem:v3+s4+$0x0], $0xffff;
	v3 =	vmul.f32 $4.096000000e+03, v10  }
0x360: {  	v13 =	vadd.f32 $8.000000000e+00, v15;
	v9 =	vtrunc.f32 v8;
	v10 =	vadd.f32 $8.000000000e+00, v17;
	v17 =	vld [tilespmem:s22+$0x18190];
	[tilespmem:s23+$0x18090] =	vst v5  }
0x361: {  	v15 =	vmin.f32 v7, $6.553500000e+04;
	v9 =	vcvt.f32.s32 v9;
	v5 =	vcvt.f32.s32 v11;
	v8 =	vld.idx.msk [tilespmem:v4+s4+$0x0], $0xffff;
	[tilespmem:s24+$0x18100] =	vst v12  }
.Ltmp4:
0x362: {  	v23 =	vmul.f32 $4.096000000e+03, v1;
	v4 =	vmul.f32 $4.096000000e+03, v13;
	v7 =	vmax.f32 v3, $0.0e+00;
	v3 =	vld.idx.msk [tilespmem:v18+s4+$0x0], $0xffff;
	(pc) =	sbr.rel @p0 .LBB2_11-.Ltmp4, $4  }
0x363: {  	v12 =	vtrunc.f32 v15;
	v10 =	vmul.f32 $4.096000000e+03, v10;
	v1 =	vadd.f32 $8.000000000e+00, v14;
	v14 =	vld [tilespmem:s25+$0x18090]  }
0x364: {  	v11 =	vadd.f32 $8.000000000e+00, v21;
	v21 =	vmul.f32 $4.096000000e+03, v19;
	v15 =	vmax.f32 v4, $0.0e+00;
	v4 =	vld.idx.msk [tilespmem:v2+s4+$0x0], $0xffff  }
0x365: {  	v16 =	vtrunc.f32 v16;
	v18 =	vmax.f32 v10, $0.0e+00;
	v2 =	vmax.f32 v23, $0.0e+00;
	v13 =	vld [tilespmem:s26+$0x18010];
	[tilespmem:s22+$0x18000] =	vst v22  }
0x366: {  	v19 =	vmin.f32 v2, $6.553500000e+04;
	v10 =	vadd.f32 $8.000000000e+00, v17;
	v17 =	vmax.f32 v21, $0.0e+00;
	v2 =	vld.idx.msk [tilespmem:v20+s4+$0x0], $0xffff  }
0x367: {  	v19 =	vtrunc.f32 v19  }
0x368: {  	v18 =	vmin.f32 v18, $6.553500000e+04;
	v16 =	vcvt.f32.s32 v16;
	v12 =	vcvt.f32.s32 v12  }
0x369: {  	v17 =	vmin.f32 v17, $6.553500000e+04;
	v11 =	vmul.f32 $4.096000000e+03, v11;
	v1 =	vmul.f32 $4.096000000e+03, v1  }
0x36a: {  	v7 =	vmin.f32 v7, $6.553500000e+04;
	v19 =	vcvt.f32.s32 v19;
	v17 =	vtrunc.f32 v17  }
0x36b: {  	v15 =	vmin.f32 v15, $6.553500000e+04;
	v18 =	vtrunc.f32 v18;
	v7 =	vtrunc.f32 v7  }
0x36c: {  	v6 =	vadd.f32 $8.000000000e+00, v6;
	v20 =	vld [tilespmem:s25+$0x18100];
	v10 =	vmul.f32 $4.096000000e+03, v10;
	v15 =	vtrunc.f32 v15  }
0x36d: {  	v22 =	vld [tilespmem:s26+$0x18090];
	v14 =	vadd.f32 $8.000000000e+00, v14;
	v17 =	vcvt.f32.s32 v17;
	v18 =	vcvt.f32.s32 v18  }
0x36e: {  	[tilespmem:s22+$0x18010] =	vst v8;
	v8 =	vld.idx.msk [tilespmem:v9+s4+$0x0], $0xffff;
	v11 =	vmax.f32 v11, $0.0e+00;
	v7 =	vcvt.f32.s32 v7;
	v6 =	vmul.f32 $4.096000000e+03, v6  }
0x36f: {  	v25 =	vld [tilespmem:s25+$0x18190];
	v1 =	vmax.f32 v1, $0.0e+00;
	v14 =	vmul.f32 $4.096000000e+03, v14;
	v13 =	vadd.f32 $8.000000000e+00, v13  }
0x370: {  	v11 =	vmin.f32 v11, $6.553500000e+04;
	v10 =	vmax.f32 v10, $0.0e+00;
	v1 =	vmin.f32 v1, $6.553500000e+04  }
0x371: {  	v21 =	vld [tilespmem:s25+$0x18110];
	v11 =	vtrunc.f32 v11;
	v6 =	vmax.f32 v6, $0.0e+00;
	v1 =	vtrunc.f32 v1  }
0x372: {  	v55 =	vld [tilespmem:s25+$0x18180];
	v14 =	vmax.f32 v14, $0.0e+00;
	v13 =	vmul.f32 $4.096000000e+03, v13;
	v20 =	vadd.f32 $8.000000000e+00, v20  }
0x373: {  	v0 =	vld.idx.msk [tilespmem:v0+s4+$0x0], $0xffff;
	v22 =	vadd.f32 $8.000000000e+00, v22;
	v11 =	vcvt.f32.s32 v11;
	v1 =	vcvt.f32.s32 v1  }
0x374: {  	v23 =	vld [tilespmem:s26+$0x18110];
	v6 =	vmin.f32 v6, $6.553500000e+04;
	[tilespmem:s23+$0x18110] =	vst v8;
	v8 =	vadd.f32 $8.000000000e+00, v25;
	v14 =	vmin.f32 v14, $6.553500000e+04  }
0x375: {  	v24 =	vld [tilespmem:s26+$0x18100];
	v6 =	vtrunc.f32 v6;
	v14 =	vtrunc.f32 v14;
	v13 =	vmax.f32 v13, $0.0e+00  }
0x376: {  	v5 =	vld.idx.msk [tilespmem:v5+s4+$0x0], $0xffff;
	v20 =	vmul.f32 $4.096000000e+03, v20;
	v22 =	vmul.f32 $4.096000000e+03, v22;
	v9 =	vmin.f32 v13, $6.553500000e+04  }
0x377: {  	v56 =	vld [tilespmem:s26+$0x18180];
	v59 =	vadd.f32 $8.000000000e+00, v55;
	v6 =	vcvt.f32.s32 v6;
	v9 =	vtrunc.f32 v9  }
0x378: {  	v58 =	vld [tilespmem:s26+$0x18190];
	v21 =	vadd.f32 $8.000000000e+00, v21;
	v8 =	vmul.f32 $4.096000000e+03, v8;
	v9 =	vcvt.f32.s32 v9  }
0x379: {  	[tilespmem:s24+$0x18180] =	vst v3;
	v57 =	vadd.f32 $8.000000000e+00, v23;
	v19 =	vld.idx.msk [tilespmem:v19+s4+$0x0], $0xffff;
	v60 =	vmul.f32 $4.096000000e+03, v59;
	v13 =	vcvt.f32.s32 v15  }
0x37a: {  	[tilespmem:s23+$0x18100] =	vst v0;
	v3 =	vld.idx.msk [tilespmem:v12+s4+$0x0], $0xffff;
	v15 =	vmul.f32 $4.096000000e+03, v21;
	v20 =	vmax.f32 v20, $0.0e+00;
	v12 =	vmax.f32 v22, $0.0e+00  }
0x37b: {  	[tilespmem:s22+$0x18090] =	vst v5;
	v14 =	vcvt.f32.s32 v14;
	v5 =	vld.idx.msk [tilespmem:v17+s4+$0x0], $0xffff;
	v20 =	vmin.f32 v20, $6.553500000e+04;
	v12 =	vmin.f32 v12, $6.553500000e+04  }
0x37c: {  	[tilespmem:s22+$0x18080] =	vst v2;
	v7 =	vld.idx.msk [tilespmem:v7+s4+$0x0], $0xffff;
	v15 =	vmax.f32 v15, $0.0e+00;
	v2 =	vtrunc.f32 v12;
	v12 =	vadd.f32 $8.000000000e+00, v24  }
0x37d: {  	[tilespmem:s24+$0x18190] =	vst v4;
	v20 =	vtrunc.f32 v20;
	v1 =	vld.idx.msk [tilespmem:v1+s4+$0x0], $0xffff;
	v0 =	vmin.f32 v15, $6.553500000e+04;
	v15 =	vmul.f32 $4.096000000e+03, v57  }
0x37e: {  	v10 =	vmin.f32 v10, $6.553500000e+04;
	v2 =	vcvt.f32.s32 v2;
	[tilespmem:s25+$0x18000] =	vst v19;
	v12 =	vmul.f32 $4.096000000e+03, v12;
	v9 =	vld.idx.msk [tilespmem:v9+s4+$0x0], $0xffff  }
0x37f: {  	[tilespmem:s25+$0x18010] =	vst v3;
	v4 =	vcvt.f32.s32 v20;
	v0 =	vtrunc.f32 v0;
	v3 =	vld.idx.msk [tilespmem:v16+s4+$0x0], $0xffff;
	v16 =	vmax.f32 v60, $0.0e+00  }
0x380: {  	v0 =	vcvt.f32.s32 v0;
	[tilespmem:s23+$0x18180] =	vst v5;
	v5 =	vmin.f32 v16, $6.553500000e+04;
	v12 =	vmax.f32 v12, $0.0e+00  }
0x381: {  	v15 =	vmax.f32 v15, $0.0e+00;
	v14 =	vld.idx.msk [tilespmem:v14+s4+$0x0], $0xffff;
	v5 =	vtrunc.f32 v5;
	v12 =	vmin.f32 v12, $6.553500000e+04  }
0x382: {  	[tilespmem:s26+$0x18000] =	vst v1;
	v1 =	vmin.f32 v15, $6.553500000e+04;
	v15 =	vadd.f32 $8.000000000e+00, v56;
	v12 =	vtrunc.f32 v12  }
0x383: {  	v61 =	vadd.f32 $8.000000000e+00, v58;
	v11 =	vld.idx.msk [tilespmem:v11+s4+$0x0], $0xffff;
	v1 =	vtrunc.f32 v1;
	[tilespmem:s26+$0x18010] =	vst v9;
	v9 =	vcvt.f32.s32 v12  }
0x384: {  	v8 =	vmax.f32 v8, $0.0e+00;
	[tilespmem:s23+$0x18190] =	vst v7;
	v1 =	vcvt.f32.s32 v1;
	v12 =	vmul.f32 $4.096000000e+03, v15;
	v2 =	vld.idx.msk [tilespmem:v2+s4+$0x0], $0xffff  }
0x385: {  	v7 =	vld.idx.msk [tilespmem:v18+s4+$0x0], $0xffff;
	[tilespmem:s25+$0x18080] =	vst v3;
	v3 =	vcvt.f32.s32 v5;
	v5 =	vmin.f32 v8, $6.553500000e+04;
	v15 =	vmul.f32 $4.096000000e+03, v61  }
0x386: {  	v10 =	vtrunc.f32 v10;
	[tilespmem:s25+$0x18090] =	vst v14;
	v4 =	vld.idx.msk [tilespmem:v4+s4+$0x0], $0xffff;
	v5 =	vtrunc.f32 v5;
	v8 =	vmax.f32 v12, $0.0e+00  }
0x387: {  	v0 =	vld.idx.msk [tilespmem:v0+s4+$0x0], $0xffff;
	v5 =	vcvt.f32.s32 v5;
	v12 =	vmax.f32 v15, $0.0e+00;
	v8 =	vmin.f32 v8, $6.553500000e+04  }
0x388: {  	v10 =	vcvt.f32.s32 v10;
	v13 =	vld.idx.msk [tilespmem:v13+s4+$0x0], $0xffff;
	[tilespmem:s26+$0x18080] =	vst v11;
	v11 =	vmin.f32 v12, $6.553500000e+04;
	v8 =	vtrunc.f32 v8  }
0x389: {  	v8 =	vcvt.f32.s32 v8;
	[tilespmem:s26+$0x18090] =	vst v2;
	v2 =	vld.idx.msk [tilespmem:v9+s4+$0x0], $0xffff;
	v9 =	vtrunc.f32 v11  }
0x38a: {  	[tilespmem:s22+$0x18100] =	vst v7;
	v1 =	vld.idx.msk [tilespmem:v1+s4+$0x0], $0xffff;
	v7 =	vcvt.f32.s32 v9  }
0x38b: {  	v6 =	vld.idx.msk [tilespmem:v6+s4+$0x0], $0xffff;
	[tilespmem:s25+$0x18100] =	vst v4  }
0x38c: {  	[tilespmem:s25+$0x18110] =	vst v0;
	v0 =	vld.idx.msk [tilespmem:v3+s4+$0x0], $0xffff  }
0x38d: {  	[tilespmem:s22+$0x18110] =	vst v13;
	v3 =	vld.idx.msk [tilespmem:v5+s4+$0x0], $0xffff  }
0x38e: {  	v9 =	vld.idx.msk [tilespmem:v10+s4+$0x0], $0xffff;
	[tilespmem:s26+$0x18100] =	vst v2  }
0x38f: {  	[tilespmem:s26+$0x18110] =	vst v1;
	v1 =	vld.idx.msk [tilespmem:v8+s4+$0x0], $0xffff  }
0x390: {  	[tilespmem:s22+$0x18180] =	vst v6;
	v2 =	vld.idx.msk [tilespmem:v7+s4+$0x0], $0xffff  }
0x391: {  	[tilespmem:s25+$0x18180] =	vst v0  }
0x392: {  	[tilespmem:s25+$0x18190] =	vst v3  }
0x393: {  	[tilespmem:s22+$0x18190] =	vst v9  }
0x394: {  	s0 =	rddreg [dreg:$0x2];
	[tilespmem:s26+$0x18180] =	vst v1  }
0x395: {  	s2 =	simm.s32 $0x18000;
	s1 =	sadd.s32 s0, s15;
	s0 =	simm.s32 $0x0;
	[tilespmem:s26+$0x18190] =	vst v2  }
0x396: {  	[hbm4b:s1+s0] =	stream.linear.scatter [tilespmem:s2], [sflag:$0x7], $0x200, $0x38;
	[tilespmem:$0x1C000] =	vst v63  }
0x397: {  	s3 =	simm.s32 $0x18400;
	s31 =	sadd.s32 $0x80, s1  }
0x398: {  	[hbm4b:s31+s0] =	stream.linear.scatter [tilespmem:s3], [sflag:$0x7], $0x200, $0x38;
	[tilespmem:$0x1C000] =	vst v63  }
0x399: {  	s6 =	simm.s32 $0x18800;
	s5 =	sadd.s32 $0x100, s1  }
0x39a: {  	[hbm4b:s5+s0] =	stream.linear.scatter [tilespmem:s6], [sflag:$0x7], $0x200, $0x38;
	[tilespmem:$0x1C000] =	vst v63  }
0x39b: {  	s8 =	simm.s32 $0x18C00;
	s7 =	sadd.s32 $0x180, s1  }
0x39c: {  	[hbm4b:s7+s0] =	stream.linear.scatter [tilespmem:s8], [sflag:$0x7], $0x200, $0x38;
	[tilespmem:$0x1C000] =	vst v63  }
0x39d: {  	s11 =	simm.s32 $0x19000;
	s10 =	sadd.s32 $0x200, s1  }
0x39e: {  	[hbm4b:s10+s0] =	stream.linear.scatter [tilespmem:s11], [sflag:$0x7], $0x200, $0x38;
	[tilespmem:$0x1C000] =	vst v63  }
0x39f: {  	s13 =	simm.s32 $0x19400;
	s12 =	sadd.s32 $0x280, s1  }
0x3a0: {  	[hbm4b:s12+s0] =	stream.linear.scatter [tilespmem:s13], [sflag:$0x7], $0x200, $0x38;
	[tilespmem:$0x1C000] =	vst v63  }
0x3a1: {  	s18 =	simm.s32 $0x19800;
	s17 =	sadd.s32 $0x300, s1  }
0x3a2: {  	[hbm4b:s17+s0] =	stream.linear.scatter [tilespmem:s18], [sflag:$0x7], $0x200, $0x38;
	[tilespmem:$0x1C000] =	vst v63  }
0x3a3: {  	s20 =	simm.s32 $0x19C00;
	s19 =	sadd.s32 $0x380, s1  }
0x3a4: {  	[hbm4b:s19+s0] =	stream.linear.scatter [tilespmem:s20], [sflag:$0x7], $0x200, $0x38;
	[tilespmem:$0x1C000] =	vst v63  }
0x3a5: {  	s23 =	simm.s32 $0x1A000;
	s22 =	sadd.s32 $0x400, s1  }
0x3a6: {  	[hbm4b:s22+s0] =	stream.linear.scatter [tilespmem:s23], [sflag:$0x7], $0x200, $0x38;
	[tilespmem:$0x1C000] =	vst v63  }
0x3a7: {  	s24 =	sadd.s32 $0x480, s1;
	s25 =	simm.s32 $0x1A400  }
0x3a8: {  	[hbm4b:s24+s0] =	stream.linear.scatter [tilespmem:s25], [sflag:$0x7], $0x200, $0x38;
	[tilespmem:$0x1C000] =	vst v63  }
0x3a9: {  	s26 =	sadd.s32 $0x500, s1;
	s31 =	simm.s32 $0x1A800  }
0x3aa: {  	[hbm4b:s26+s0] =	stream.linear.scatter [tilespmem:s31], [sflag:$0x7], $0x200, $0x38;
	[tilespmem:$0x1C000] =	vst v63  }
0x3ab: {  	s5 =	sadd.s32 $0x580, s1;
	s6 =	simm.s32 $0x1AC00  }
0x3ac: {  	[hbm4b:s5+s0] =	stream.linear.scatter [tilespmem:s6], [sflag:$0x7], $0x200, $0x38;
	[tilespmem:$0x1C000] =	vst v63  }
0x3ad: {  	s7 =	sadd.s32 $0x600, s1;
	s8 =	simm.s32 $0x1B000  }
0x3ae: {  	[hbm4b:s7+s0] =	stream.linear.scatter [tilespmem:s8], [sflag:$0x7], $0x200, $0x38;
	[tilespmem:$0x1C000] =	vst v63  }
0x3af: {  	s10 =	sadd.s32 $0x680, s1;
	s11 =	simm.s32 $0x1B400  }
0x3b0: {  	[hbm4b:s10+s0] =	stream.linear.scatter [tilespmem:s11], [sflag:$0x7], $0x200, $0x38;
	[tilespmem:$0x1C000] =	vst v63  }
0x3b1: {  	s12 =	sadd.s32 $0x700, s1;
	s13 =	simm.s32 $0x1B800  }
0x3b2: {  	[hbm4b:s12+s0] =	stream.linear.scatter [tilespmem:s13], [sflag:$0x7], $0x200, $0x38;
	[tilespmem:$0x1C000] =	vst v63  }
0x3b3: {  	s1 =	sadd.s32 $0x780, s1;
	s17 =	simm.s32 $0x1BC00;
	s18 =	simm.s32 $0x0  }
0x3b4: {  	[hbm4b:s1+s0] =	stream.linear.scatter [tilespmem:s17], [sflag:$0x7], $0x200, $0x38;
	[tilespmem:$0x1C000] =	vst v63  }
0x3b5: {  	s19 =	sand.u32 $0x3C00, s0;
	s1 =	sand.u32 $0x60, s18  }
0x3b6: {  	s2 =	sor.u32 s1, s19  }
0x3b7: {  	v0 =	vld [tilespmem:s2+$0x18210];
	_ =	sdelay $0x4  }
0x3b8: {  	v0 =	vadd.f32 $8.000000000e+00, v0  }
0x3b9: {  	v1 =	vld [tilespmem:s2+$0x18290]  }
0x3ba: {  	v0 =	vmul.f32 $4.096000000e+03, v0  }
0x3bb: {  	v2 =	vld [tilespmem:s2+$0x18200]  }
0x3bc: {  	v0 =	vmax.f32 v0, $0.0e+00  }
0x3bd: {  	v0 =	vmin.f32 v0, $6.553500000e+04  }
0x3be: {  	s20 =	simm.s32 $0x20;
	s22 =	simm.s32 $0x100;
	v1 =	vadd.f32 $8.000000000e+00, v1;
	v0 =	vtrunc.f32 v0  }
0x3bf: {  	s3 =	sand.u32 $0x3C00, s22;
	s1 =	sand.u32 $0x60, s20;
	v0 =	vcvt.f32.s32 v0  }
0x3c0: {  	s1 =	sor.u32 s1, s3;
	v2 =	vadd.f32 $8.000000000e+00, v2;
	v1 =	vmul.f32 $4.096000000e+03, v1  }
0x3c1: {  	v3 =	vld [tilespmem:s1+$0x18210]  }
0x3c2: {  	v4 =	vld [tilespmem:s2+$0x18280];
	v2 =	vmul.f32 $4.096000000e+03, v2;
	v1 =	vmax.f32 v1, $0.0e+00  }
0x3c3: {  	v5 =	vld [tilespmem:s1+$0x18290];
	v1 =	vmin.f32 v1, $6.553500000e+04  }
0x3c4: {  	v6 =	vld [tilespmem:s1+$0x18200];
	v2 =	vmax.f32 v2, $0.0e+00;
	v1 =	vtrunc.f32 v1  }
0x3c5: {  	v2 =	vmin.f32 v2, $6.553500000e+04;
	v1 =	vcvt.f32.s32 v1;
	v0 =	vld.idx.msk [tilespmem:v0+s4+$0x0], $0xffff  }
0x3c6: {  	v3 =	vadd.f32 $8.000000000e+00, v3;
	v2 =	vtrunc.f32 v2  }
0x3c7: {  	v2 =	vcvt.f32.s32 v2  }
0x3c8: {  	v4 =	vadd.f32 $8.000000000e+00, v4;
	v3 =	vmul.f32 $4.096000000e+03, v3  }
0x3c9: {  	v6 =	vadd.f32 $8.000000000e+00, v6  }
0x3ca: {  	[tilespmem:s2+$0x18210] =	vst v0;
	v0 =	vmax.f32 v3, $0.0e+00;
	v3 =	vmul.f32 $4.096000000e+03, v4;
	v4 =	vadd.f32 $8.000000000e+00, v5;
	v5 =	vld [tilespmem:s1+$0x18280]  }
0x3cb: {  	v1 =	vld.idx.msk [tilespmem:v1+s4+$0x0], $0xffff;
	v0 =	vmin.f32 v0, $6.553500000e+04  }
0x3cc: {  	s23 =	simm.s32 $0x40;
	s5 =	simm.s32 $0x200;
	s0 =	sand.u32 $0x3, s0;
	v6 =	vmul.f32 $4.096000000e+03, v6;
	v0 =	vtrunc.f32 v0  }
0x3cd: {  	s5 =	sand.u32 $0x3C00, s5;
	s0 =	sshll.u32 s0, $0x5;
	s3 =	sand.u32 $0x60, s23;
	v2 =	vld.idx.msk [tilespmem:v2+s4+$0x0], $0xffff;
	v3 =	vmax.f32 v3, $0.0e+00;
	v4 =	vmul.f32 $4.096000000e+03, v4;
	v0 =	vcvt.f32.s32 v0  }
0x3ce: {  	s0 =	sadd.s32 $0x0, s0;
	s13 =	sor.u32 s3, s5;
	v6 =	vmax.f32 v6, $0.0e+00;
	v3 =	vmin.f32 v3, $6.553500000e+04  }
0x3cf: {  	s10 =	sadd.s32 $0x10, s0;
	v7 =	vld [tilespmem:s13+$0x18210];
	v6 =	vmin.f32 v6, $6.553500000e+04;
	v3 =	vtrunc.f32 v3;
	v4 =	vmax.f32 v4, $0.0e+00  }
0x3d0: {  	s12 =	sor.u32 $0x300, s10;
	v3 =	vcvt.f32.s32 v3;
	v5 =	vadd.f32 $8.000000000e+00, v5;
	[tilespmem:s2+$0x18290] =	vst v1;
	v1 =	vmin.f32 v4, $6.553500000e+04  }
0x3d1: {  	v6 =	vtrunc.f32 v6;
	v4 =	vld [tilespmem:s12+$0x18000];
	v1 =	vtrunc.f32 v1  }
0x3d2: {  	v8 =	vld [tilespmem:s13+$0x18200];
	[tilespmem:s2+$0x18200] =	vst v2;
	v2 =	vmul.f32 $4.096000000e+03, v5;
	v5 =	vcvt.f32.s32 v6  }
0x3d3: {  	v1 =	vcvt.f32.s32 v1;
	v0 =	vld.idx.msk [tilespmem:v0+s4+$0x0], $0xffff  }
0x3d4: {  	v6 =	vadd.f32 $8.000000000e+00, v7  }
0x3d5: {  	v7 =	vld [tilespmem:s13+$0x18290];
	v2 =	vmax.f32 v2, $0.0e+00  }
0x3d6: {  	v6 =	vmul.f32 $4.096000000e+03, v6;
	v2 =	vmin.f32 v2, $6.553500000e+04;
	v3 =	vld.idx.msk [tilespmem:v3+s4+$0x0], $0xffff;
	v4 =	vadd.f32 $8.000000000e+00, v4  }
0x3d7: {  	v2 =	vtrunc.f32 v2  }
0x3d8: {  	s25 =	simm.s32 $0x60;
	s6 =	simm.s32 $0x300;
	v6 =	vmax.f32 v6, $0.0e+00;
	v5 =	vld.idx.msk [tilespmem:v5+s4+$0x0], $0xffff;
	[tilespmem:s1+$0x18210] =	vst v0;
	v0 =	vmul.f32 $4.096000000e+03, v4;
	v4 =	vadd.f32 $8.000000000e+00, v8  }
0x3d9: {  	s24 =	simm.s32 $0x1;
	s26 =	sand.u32 $0x60, s25;
	s31 =	sand.u32 $0x3C00, s6;
	v2 =	vcvt.f32.s32 v2;
	v6 =	vmin.f32 v6, $6.553500000e+04;
	v1 =	vld.idx.msk [tilespmem:v1+s4+$0x0], $0xffff  }
0x3da: {  	s3 =	sand.u32 $0x3, s24;
	s5 =	sor.u32 s26, s31;
	v6 =	vtrunc.f32 v6;
	v8 =	vld [tilespmem:s13+$0x18280];
	v0 =	vmax.f32 v0, $0.0e+00;
	v4 =	vmul.f32 $4.096000000e+03, v4  }
0x3db: {  	s18 =	sor.u32 $0x300, s0;
	s3 =	sshll.u32 s3, $0x5;
	v9 =	vld [tilespmem:s5+$0x18210];
	[tilespmem:s2+$0x18280] =	vst v3;
	v3 =	vcvt.f32.s32 v6;
	v6 =	vadd.f32 $8.000000000e+00, v7;
	v0 =	vmin.f32 v0, $6.553500000e+04  }
0x3dc: {  	s11 =	sadd.s32 $0x100, s3;
	v7 =	vld [tilespmem:s18+$0x18000];
	v0 =	vtrunc.f32 v0  }
0x3dd: {  	s3 =	sadd.s32 $0x10, s11;
	v4 =	vmax.f32 v4, $0.0e+00;
	v6 =	vmul.f32 $4.096000000e+03, v6;
	v0 =	vcvt.f32.s32 v0  }
0x3de: {  	v10 =	vld [tilespmem:s5+$0x18280];
	s17 =	sor.u32 $0x300, s3;
	[tilespmem:s1+$0x18290] =	vst v1;
	v1 =	vmin.f32 v4, $6.553500000e+04  }
0x3df: {  	[tilespmem:s1+$0x18200] =	vst v5;
	v8 =	vadd.f32 $8.000000000e+00, v8;
	v5 =	vmax.f32 v6, $0.0e+00;
	v4 =	vld [tilespmem:s17+$0x18000];
	v1 =	vtrunc.f32 v1  }
0x3e0: {  	v2 =	vld.idx.msk [tilespmem:v2+s4+$0x0], $0xffff;
	v5 =	vmin.f32 v5, $6.553500000e+04;
	v1 =	vcvt.f32.s32 v1  }
0x3e1: {  	v6 =	vmul.f32 $4.096000000e+03, v8;
	v8 =	vadd.f32 $8.000000000e+00, v9;
	v9 =	vld [tilespmem:s5+$0x18200];
	v7 =	vadd.f32 $8.000000000e+00, v7  }
0x3e2: {  	v3 =	vld.idx.msk [tilespmem:v3+s4+$0x0], $0xffff;
	v5 =	vtrunc.f32 v5  }
0x3e3: {  	v5 =	vcvt.f32.s32 v5;
	v6 =	vmax.f32 v6, $0.0e+00;
	v7 =	vmul.f32 $4.096000000e+03, v7;
	v0 =	vld.idx.msk [tilespmem:v0+s4+$0x0], $0xffff  }
0x3e4: {  	v11 =	vld [tilespmem:s5+$0x18290];
	v8 =	vmul.f32 $4.096000000e+03, v8;
	v6 =	vmin.f32 v6, $6.553500000e+04;
	v4 =	vadd.f32 $8.000000000e+00, v4  }
0x3e5: {  	[tilespmem:s1+$0x18280] =	vst v2;
	v6 =	vtrunc.f32 v6;
	v2 =	vmax.f32 v7, $0.0e+00  }
0x3e6: {  	s7 =	sor.u32 $0x300, s11;
	v7 =	vmax.f32 v8, $0.0e+00;
	v8 =	vadd.f32 $8.000000000e+00, v9;
	v4 =	vmul.f32 $4.096000000e+03, v4;
	v1 =	vld.idx.msk [tilespmem:v1+s4+$0x0], $0xffff  }
0x3e7: {  	s8 =	simm.s32 $0x80;
	v6 =	vcvt.f32.s32 v6;
	v2 =	vmin.f32 v2, $6.553500000e+04;
	[tilespmem:s13+$0x18210] =	vst v3;
	v3 =	vld [tilespmem:s7+$0x18000];
	v7 =	vmin.f32 v7, $6.553500000e+04  }
0x3e8: {  	s6 =	simm.s32 $0x2;
	s8 =	sand.u32 $0x60, s8;
	v8 =	vmul.f32 $4.096000000e+03, v8;
	v2 =	vtrunc.f32 v2;
	v4 =	vmax.f32 v4, $0.0e+00;
	[tilespmem:s12+$0x18000] =	vst v0;
	s12 =	simm.s32 $0x400  }
0x3e9: {  	s10 =	sor.u32 $0x380, s10;
	s1 =	sand.u32 $0x3, s6;
	v5 =	vld.idx.msk [tilespmem:v5+s4+$0x0], $0xffff;
	v0 =	vtrunc.f32 v7;
	v7 =	vadd.f32 $8.000000000e+00, v10;
	v10 =	vadd.f32 $8.000000000e+00, v11;
	s6 =	sand.u32 $0x3C00, s12  }
0x3ea: {  	v2 =	vcvt.f32.s32 v2;
	v4 =	vmin.f32 v4, $6.553500000e+04;
	v9 =	vld [tilespmem:s10+$0x18000];
	s12 =	sor.u32 s8, s6  }
0x3eb: {  	s1 =	sshll.u32 s1, $0x5;
	v0 =	vcvt.f32.s32 v0;
	[tilespmem:s13+$0x18200] =	vst v1;
	v1 =	vmax.f32 v8, $0.0e+00;
	v8 =	vmul.f32 $4.096000000e+03, v10;
	v10 =	vld [tilespmem:s12+$0x18210]  }
0x3ec: {  	s2 =	sadd.s32 $0x200, s1;
	v4 =	vtrunc.f32 v4;
	v7 =	vmul.f32 $4.096000000e+03, v7;
	v3 =	vadd.f32 $8.000000000e+00, v3;
	v11 =	vld [tilespmem:s12+$0x18200]  }
0x3ed: {  	s19 =	sadd.s32 $0x10, s2;
	v4 =	vcvt.f32.s32 v4;
	v12 =	vld [tilespmem:s12+$0x18280];
	v1 =	vmin.f32 v1, $6.553500000e+04  }
0x3ee: {  	s20 =	sor.u32 $0x300, s19;
	v6 =	vld.idx.msk [tilespmem:v6+s4+$0x0], $0xffff;
	[tilespmem:s13+$0x18290] =	vst v5;
	v7 =	vmax.f32 v7, $0.0e+00;
	v3 =	vmul.f32 $4.096000000e+03, v3;
	v1 =	vtrunc.f32 v1  }
0x3ef: {  	v8 =	vmax.f32 v8, $0.0e+00;
	v5 =	vadd.f32 $8.000000000e+00, v9;
	v9 =	vld [tilespmem:s20+$0x18000];
	v1 =	vcvt.f32.s32 v1  }
0x3f0: {  	v7 =	vmin.f32 v7, $6.553500000e+04;
	v2 =	vld.idx.msk [tilespmem:v2+s4+$0x0], $0xffff;
	v8 =	vmin.f32 v8, $6.553500000e+04  }
0x3f1: {  	v7 =	vtrunc.f32 v7;
	v3 =	vmax.f32 v3, $0.0e+00;
	v0 =	vld.idx.msk [tilespmem:v0+s4+$0x0], $0xffff;
	v8 =	vtrunc.f32 v8  }
0x3f2: {  	v3 =	vmin.f32 v3, $6.553500000e+04;
	v5 =	vmul.f32 $4.096000000e+03, v5;
	v8 =	vcvt.f32.s32 v8  }
0x3f3: {  	v7 =	vcvt.f32.s32 v7;
	v10 =	vadd.f32 $8.000000000e+00, v10;
	v3 =	vtrunc.f32 v3;
	v4 =	vld.idx.msk [tilespmem:v4+s4+$0x0], $0xffff  }
0x3f4: {  	v13 =	vld [tilespmem:s12+$0x18290];
	[tilespmem:s13+$0x18280] =	vst v6;
	v3 =	vcvt.f32.s32 v3;
	v5 =	vmax.f32 v5, $0.0e+00;
	v9 =	vadd.f32 $8.000000000e+00, v9  }
0x3f5: {  	s22 =	sor.u32 $0x380, s0;
	v11 =	vadd.f32 $8.000000000e+00, v11;
	v10 =	vmul.f32 $4.096000000e+03, v10;
	[tilespmem:s18+$0x18000] =	vst v2;
	v5 =	vmin.f32 v5, $6.553500000e+04;
	v1 =	vld.idx.msk [tilespmem:v1+s4+$0x0], $0xffff  }
0x3f6: {  	s29 =	sor.u32 $0x300, s2;
	v5 =	vtrunc.f32 v5;
	[tilespmem:s5+$0x18210] =	vst v0;
	v0 =	vadd.f32 $8.000000000e+00, v12;
	v12 =	vld [tilespmem:s22+$0x18000];
	v6 =	vmul.f32 $4.096000000e+03, v9  }
0x3f7: {  	s26 =	simm.s32 $0xA0;
	v11 =	vmul.f32 $4.096000000e+03, v11;
	v10 =	vmax.f32 v10, $0.0e+00;
	v5 =	vcvt.f32.s32 v5;
	v9 =	vld [tilespmem:s29+$0x18000]  }
0x3f8: {  	s0 =	simm.s32 $0x500;
	[tilespmem:s17+$0x18000] =	vst v4;
	s17 =	sor.u32 $0x380, s3;
	v4 =	vmin.f32 v10, $6.553500000e+04;
	v8 =	vld.idx.msk [tilespmem:v8+s4+$0x0], $0xffff;
	v0 =	vmul.f32 $4.096000000e+03, v0;
	v6 =	vmax.f32 v6, $0.0e+00  }
0x3f9: {  	s25 =	simm.s32 $0x3;
	s31 =	sand.u32 $0x3C00, s0;
	v11 =	vmax.f32 v11, $0.0e+00;
	s3 =	sand.u32 $0x60, s26;
	v10 =	vld [tilespmem:s17+$0x18000];
	v4 =	vtrunc.f32 v4;
	v6 =	vmin.f32 v6, $6.553500000e+04  }
0x3fa: {  	s1 =	sand.u32 $0x3, s25;
	s26 =	sor.u32 s3, s31;
	v3 =	vld.idx.msk [tilespmem:v3+s4+$0x0], $0xffff;
	v2 =	vcvt.f32.s32 v4;
	v4 =	vadd.f32 $8.000000000e+00, v13;
	v0 =	vmax.f32 v0, $0.0e+00  }
0x3fb: {  	s1 =	sshll.u32 s1, $0x5;
	v13 =	vld [tilespmem:s26+$0x18200];
	v6 =	vtrunc.f32 v6;
	v0 =	vmin.f32 v0, $6.553500000e+04;
	v12 =	vadd.f32 $8.000000000e+00, v12  }
0x3fc: {  	s1 =	sadd.s32 $0x300, s1;
	v14 =	vld [tilespmem:s26+$0x18280];
	v6 =	vcvt.f32.s32 v6;
	v4 =	vmul.f32 $4.096000000e+03, v4;
	v9 =	vadd.f32 $8.000000000e+00, v9  }
0x3fd: {  	s28 =	sadd.s32 $0x10, s1;
	[tilespmem:s5+$0x18200] =	vst v1;
	v0 =	vtrunc.f32 v0;
	v1 =	vld.idx.msk [tilespmem:v5+s4+$0x0], $0xffff;
	v5 =	vmin.f32 v11, $6.553500000e+04;
	v12 =	vmul.f32 $4.096000000e+03, v12  }
0x3fe: {  	s8 =	sor.u32 $0x300, s28;
	v11 =	vld [tilespmem:s26+$0x18210];
	[tilespmem:s5+$0x18290] =	vst v8;
	v5 =	vtrunc.f32 v5;
	v10 =	vadd.f32 $8.000000000e+00, v10;
	v4 =	vmax.f32 v4, $0.0e+00  }
0x3ff: {  	v8 =	vld [tilespmem:s8+$0x18000];
	v9 =	vmul.f32 $4.096000000e+03, v9;
	v5 =	vcvt.f32.s32 v5;
	v4 =	vmin.f32 v4, $6.553500000e+04  }
0x400: {  	v7 =	vld.idx.msk [tilespmem:v7+s4+$0x0], $0xffff;
	v10 =	vmul.f32 $4.096000000e+03, v10;
	v4 =	vtrunc.f32 v4  }
0x401: {  	v0 =	vcvt.f32.s32 v0;
	v2 =	vld.idx.msk [tilespmem:v2+s4+$0x0], $0xffff;
	v4 =	vcvt.f32.s32 v4  }
0x402: {  	v12 =	vmax.f32 v12, $0.0e+00;
	v9 =	vmax.f32 v9, $0.0e+00;
	v6 =	vld.idx.msk [tilespmem:v6+s4+$0x0], $0xffff;
	v10 =	vmax.f32 v10, $0.0e+00  }
0x403: {  	v9 =	vmin.f32 v9, $6.553500000e+04;
	v11 =	vadd.f32 $8.000000000e+00, v11;
	v10 =	vmin.f32 v10, $6.553500000e+04  }
0x404: {  	v15 =	vld [tilespmem:s26+$0x18290];
	[tilespmem:s7+$0x18000] =	vst v3;
	v9 =	vtrunc.f32 v9;
	v8 =	vadd.f32 $8.000000000e+00, v8;
	v10 =	vtrunc.f32 v10  }
0x405: {  	s25 =	sor.u32 $0x300, s1;
	v13 =	vadd.f32 $8.000000000e+00, v13;
	[tilespmem:s5+$0x18280] =	vst v7;
	v11 =	vmul.f32 $4.096000000e+03, v11;
	v10 =	vcvt.f32.s32 v10;
	v5 =	vld.idx.msk [tilespmem:v5+s4+$0x0], $0xffff  }
0x406: {  	v7 =	vmul.f32 $4.096000000e+03, v8;
	v8 =	vcvt.f32.s32 v9;
	v9 =	vmin.f32 v12, $6.553500000e+04;
	v12 =	vld [tilespmem:s25+$0x18000];
	[tilespmem:s12+$0x18210] =	vst v2  }
0x407: {  	s23 =	sor.u32 $0x380, s19;
	v2 =	vadd.f32 $8.000000000e+00, v14;
	v11 =	vmax.f32 v11, $0.0e+00;
	[tilespmem:s20+$0x18000] =	vst v6;
	v6 =	vtrunc.f32 v9;
	v3 =	vld.idx.msk [tilespmem:v4+s4+$0x0], $0xffff  }
0x408: {  	v9 =	vmin.f32 v11, $6.553500000e+04;
	v7 =	vmax.f32 v7, $0.0e+00;
	v4 =	vmul.f32 $4.096000000e+03, v13;
	v11 =	vld [tilespmem:s23+$0x18000]  }
0x409: {  	s24 =	sor.u32 $0x380, s11;
	s13 =	simm.s32 $0x4;
	v2 =	vmul.f32 $4.096000000e+03, v2;
	v9 =	vtrunc.f32 v9;
	v7 =	vmin.f32 v7, $6.553500000e+04  }
0x40a: {  	s18 =	sand.u32 $0x3, s13;
	v14 =	vadd.f32 $8.000000000e+00, v15;
	v13 =	vld [tilespmem:s24+$0x18000];
	v9 =	vcvt.f32.s32 v9;
	v7 =	vtrunc.f32 v7  }
0x40b: {  	s6 =	sshll.u32 s18, $0x5;
	s7 =	simm.s32 $0x600;
	s5 =	simm.s32 $0xC0;
	v4 =	vmax.f32 v4, $0.0e+00;
	[tilespmem:s12+$0x18200] =	vst v5;
	v5 =	vcvt.f32.s32 v7;
	v12 =	vadd.f32 $8.000000000e+00, v12;
	v10 =	vld.idx.msk [tilespmem:v10+s4+$0x0], $0xffff  }
0x40c: {  	s31 =	sadd.s32 $0x400, s6;
	s19 =	sand.u32 $0x60, s5;
	s20 =	sand.u32 $0x3C00, s7;
	v2 =	vmax.f32 v2, $0.0e+00;
	v7 =	vld.idx.msk [tilespmem:v0+s4+$0x0], $0xffff;
	v0 =	vmin.f32 v4, $6.553500000e+04;
	v4 =	vmul.f32 $4.096000000e+03, v14  }
0x40d: {  	s13 =	sadd.s32 $0x10, s31;
	s18 =	sor.u32 s19, s20;
	v14 =	vld.idx.msk [tilespmem:v8+s4+$0x0], $0xffff;
	v0 =	vtrunc.f32 v0;
	v12 =	vmul.f32 $4.096000000e+03, v12;
	v8 =	vadd.f32 $8.000000000e+00, v11  }
0x40e: {  	s11 =	sor.u32 $0x300, s13;
	[tilespmem:s12+$0x18290] =	vst v3;
	v11 =	vld [tilespmem:s18+$0x18210];
	v15 =	vcvt.f32.s32 v0;
	v0 =	vmin.f32 v2, $6.553500000e+04;
	v2 =	vmax.f32 v4, $0.0e+00  }
0x40f: {  	v4 =	vld [tilespmem:s11+$0x18000];
	v0 =	vtrunc.f32 v0;
	v2 =	vmin.f32 v2, $6.553500000e+04;
	v8 =	vmul.f32 $4.096000000e+03, v8  }
0x410: {  	v3 =	vcvt.f32.s32 v0;
	v9 =	vld.idx.msk [tilespmem:v9+s4+$0x0], $0xffff;
	v0 =	vtrunc.f32 v2;
	v2 =	vadd.f32 $8.000000000e+00, v13  }
0x411: {  	v13 =	vcvt.f32.s32 v0;
	v62 =	vld.idx.msk [tilespmem:v5+s4+$0x0], $0xffff;
	v0 =	vmax.f32 v8, $0.0e+00  }
0x412: {  	v12 =	vmax.f32 v12, $0.0e+00;
	v8 =	vld [tilespmem:s18+$0x18200];
	v2 =	vmul.f32 $4.096000000e+03, v2;
	v5 =	vmin.f32 v0, $6.553500000e+04  }
0x413: {  	v0 =	vcvt.f32.s32 v6;
	v6 =	vld [tilespmem:s18+$0x18280];
	v11 =	vadd.f32 $8.000000000e+00, v11;
	v5 =	vtrunc.f32 v5  }
0x414: {  	[tilespmem:s10+$0x18000] =	vst v1;
	v12 =	vmin.f32 v12, $6.553500000e+04;
	v4 =	vadd.f32 $8.000000000e+00, v4;
	v1 =	vld.idx.msk [tilespmem:v15+s4+$0x0], $0xffff;
	v15 =	vcvt.f32.s32 v5  }
0x415: {  	v63 =	vld [tilespmem:s18+$0x18290];
	[tilespmem:s12+$0x18280] =	vst v7;
	s12 =	sor.u32 $0x300, s31;
	v2 =	vmax.f32 v2, $0.0e+00;
	v11 =	vmul.f32 $4.096000000e+03, v11;
	v5 =	vtrunc.f32 v12  }
0x416: {  	v7 =	vld [tilespmem:s12+$0x18000];
	[tilespmem:s26+$0x18210] =	vst v9;
	v4 =	vmul.f32 $4.096000000e+03, v4;
	v2 =	vmin.f32 v2, $6.553500000e+04;
	v5 =	vcvt.f32.s32 v5  }
0x417: {  	s10 =	sor.u32 $0x380, s28;
	[tilespmem:s8+$0x18000] =	vst v62;
	v2 =	vtrunc.f32 v2;
	v9 =	vadd.f32 $8.000000000e+00, v8;
	v12 =	vmax.f32 v11, $0.0e+00;
	v8 =	vld.idx.msk [tilespmem:v13+s4+$0x0], $0xffff  }
0x418: {  	s28 =	sor.u32 $0x380, s2;
	[tilespmem:s29+$0x18000] =	vst v14;
	v4 =	vmax.f32 v4, $0.0e+00;
	v11 =	vadd.f32 $8.000000000e+00, v6;
	v13 =	vmin.f32 v12, $6.553500000e+04;
	v6 =	vld [tilespmem:s10+$0x18000]  }
0x419: {  	s2 =	sor.u32 $0x380, s1;
	[tilespmem:s17+$0x18000] =	vst v10;
	s17 =	simm.s32 $0x5;
	v10 =	vmin.f32 v4, $6.553500000e+04;
	v4 =	vld [tilespmem:s28+$0x18000];
	v12 =	vmul.f32 $4.096000000e+03, v9;
	v9 =	vtrunc.f32 v13  }
0x41a: {  	s1 =	simm.s32 $0x600;
	s29 =	sor.u32 $0x380, s31;
	s3 =	sand.u32 $0x3, s17;
	v13 =	vadd.f32 $8.000000000e+00, v63;
	[tilespmem:s26+$0x18200] =	vst v1;
	v10 =	vtrunc.f32 v10;
	v9 =	vcvt.f32.s32 v9;
	v1 =	vld.idx.msk [tilespmem:v15+s4+$0x0], $0xffff  }
.LBB2_13:
0x41b: {  	s5 =	sadd.s32 $0x20, s5;
	v12 =	vmax.f32 v12, $0.0e+00;
	v11 =	vmul.f32 $4.096000000e+03, v11;
	s7 =	sadd.s32 $0x100, s7;
	s3 =	sshll.u32 s3, $0x5;
	v14 =	vld.idx.msk [tilespmem:v3+s4+$0x0], $0xffff;
	v10 =	vcvt.f32.s32 v10  }
0x41c: {  	v7 =	vadd.f32 $8.000000000e+00, v7;
	s6 =	sand.u32 $0x60, s5;
	s8 =	sand.u32 $0x3C00, s7;
	v3 =	vmin.f32 v12, $6.553500000e+04;
	v12 =	vmul.f32 $4.096000000e+03, v13;
	s0 =	sadd.s32 s3, s0;
	v5 =	vld.idx.msk [tilespmem:v5+s4+$0x0], $0xffff  }
0x41d: {  	s6 =	sor.u32 s6, s8;
	v3 =	vtrunc.f32 v3;
	v11 =	vmax.f32 v11, $0.0e+00;
	s19 =	sor.u32 $0x300, s0;
	s3 =	sadd.s32 $0x10, s0;
	v6 =	vadd.f32 $8.000000000e+00, v6;
	v13 =	vld.idx.msk [tilespmem:v0+s4+$0x0], $0xffff  }
0x41e: {  	s20 =	sor.u32 $0x380, s0;
	s0 =	smov.u32 s1;
	v15 =	vld [tilespmem:s6+$0x18210];
	v16 =	vcvt.f32.s32 v3;
	v0 =	vmin.f32 v11, $6.553500000e+04;
	v3 =	vmax.f32 v12, $0.0e+00;
	[tilespmem:s26+$0x18290] =	vst v8;
	s8 =	sor.u32 $0x300, s3  }
0x41f: {  	p0 =	slt.u32 s5, $0x7E0;
	s1 =	smov.u32 s7;
	v0 =	vtrunc.f32 v0;
	v8 =	vmin.f32 v3, $6.553500000e+04;
	v11 =	vld [tilespmem:s8+$0x18000];
	v6 =	vmul.f32 $4.096000000e+03, v6  }
0x420: {  	v4 =	vadd.f32 $8.000000000e+00, v4;
	v3 =	vcvt.f32.s32 v0;
	v9 =	vld.idx.msk [tilespmem:v9+s4+$0x0], $0xffff;
	v0 =	vtrunc.f32 v8;
	[tilespmem:s23+$0x18000] =	vst v1;
	s23 =	smov.u32 s10  }
0x421: {  	v7 =	vmul.f32 $4.096000000e+03, v7;
	v1 =	vcvt.f32.s32 v0;
	[tilespmem:s26+$0x18280] =	vst v14;
	v10 =	vld.idx.msk [tilespmem:v10+s4+$0x0], $0xffff;
	v0 =	vmax.f32 v6, $0.0e+00;
	s26 =	smov.u32 s18;
	s18 =	smov.u32 s6  }
0x422: {  	v4 =	vmul.f32 $4.096000000e+03, v4;
	v6 =	vld [tilespmem:s18+$0x18200];
	[tilespmem:s25+$0x18000] =	vst v5;
	v5 =	vmin.f32 v0, $6.553500000e+04;
	v0 =	vcvt.f32.s32 v2;
	s25 =	smov.u32 s12;
	s12 =	smov.u32 s19  }
0x423: {  	v7 =	vmax.f32 v7, $0.0e+00;
	v12 =	vld [tilespmem:s18+$0x18280];
	v2 =	vadd.f32 $8.000000000e+00, v15;
	v5 =	vtrunc.f32 v5;
	[tilespmem:s22+$0x18000] =	vst v13;
	s22 =	smov.u32 s24;
	s24 =	smov.u32 s28;
	s28 =	smov.u32 s2  }
0x424: {  	v7 =	vmin.f32 v7, $6.553500000e+04;
	s2 =	smov.u32 s29;
	s29 =	smov.u32 s20;
	v14 =	vld.idx.msk [tilespmem:v16+s4+$0x0], $0xffff;
	v8 =	vadd.f32 $8.000000000e+00, v11;
	v15 =	vcvt.f32.s32 v5  }
0x425: {  	v4 =	vmax.f32 v4, $0.0e+00;
	v5 =	vtrunc.f32 v7;
	v2 =	vmul.f32 $4.096000000e+03, v2;
	v13 =	vld [tilespmem:s18+$0x18290]  }
.Ltmp5:
0x426: {  	v4 =	vmin.f32 v4, $6.553500000e+04;
	v5 =	vcvt.f32.s32 v5;
	[tilespmem:s26+$0x18210] =	vst v9;
	v7 =	vld [tilespmem:s12+$0x18000];
	v9 =	vmul.f32 $4.096000000e+03, v8;
	(pc) =	sbr.rel @p0 .LBB2_13-.Ltmp5, $4  }
0x427: {  	s10 =	sor.u32 $0x380, s13;
	s13 =	smov.u32 s3;
	v16 =	vadd.f32 $8.000000000e+00, v6;
	v6 =	vmax.f32 v2, $0.0e+00;
	v8 =	vld.idx.msk [tilespmem:v1+s4+$0x0], $0xffff;
	[tilespmem:s11+$0x18000] =	vst v10;
	v2 =	vtrunc.f32 v4;
	s11 =	smov.u32 s8  }
0x428: {  	v11 =	vadd.f32 $8.000000000e+00, v12;
	v1 =	vmin.f32 v6, $6.553500000e+04;
	v4 =	vmax.f32 v9, $0.0e+00;
	v6 =	vld [tilespmem:s10+$0x18000]  }
0x429: {  	s17 =	sadd.s32 $0x1, s17;
	v12 =	vmul.f32 $4.096000000e+03, v16;
	v1 =	vtrunc.f32 v1;
	v10 =	vmin.f32 v4, $6.553500000e+04;
	v4 =	vld [tilespmem:s28+$0x18000]  }
0x42a: {  	s3 =	sand.u32 $0x3, s17;
	v9 =	vcvt.f32.s32 v1;
	v13 =	vadd.f32 $8.000000000e+00, v13;
	[tilespmem:s26+$0x18200] =	vst v14;
	v10 =	vtrunc.f32 v10;
	v1 =	vld.idx.msk [tilespmem:v15+s4+$0x0], $0xffff  }
0x42b: {  	v12 =	vmax.f32 v12, $0.0e+00  }
0x42c: {  	v12 =	vmin.f32 v12, $6.553500000e+04  }
0x42d: {  	v12 =	vtrunc.f32 v12  }
0x42e: {  	v13 =	vmul.f32 $4.096000000e+03, v13;
	v12 =	vcvt.f32.s32 v12  }
0x42f: {  	v11 =	vmul.f32 $4.096000000e+03, v11  }
0x430: {  	v13 =	vmax.f32 v13, $0.0e+00  }
0x431: {  	v11 =	vmax.f32 v11, $0.0e+00;
	v13 =	vmin.f32 v13, $6.553500000e+04  }
0x432: {  	v11 =	vmin.f32 v11, $6.553500000e+04;
	v13 =	vtrunc.f32 v13  }
0x433: {  	v9 =	vld.idx.msk [tilespmem:v9+s4+$0x0], $0xffff;
	v11 =	vtrunc.f32 v11;
	v13 =	vcvt.f32.s32 v13  }
0x434: {  	v11 =	vcvt.f32.s32 v11;
	v12 =	vld.idx.msk [tilespmem:v12+s4+$0x0], $0xffff;
	_ =	sdelay $0x3  }
0x435: {  	s3 =	sshll.u32 s3, $0x5;
	v3 =	vld.idx.msk [tilespmem:v3+s4+$0x0], $0xffff;
	[tilespmem:s18+$0x18210] =	vst v9  }
0x436: {  	s31 =	sadd.s32 $0x1, s17;
	s3 =	sadd.s32 s3, s0;
	v41 =	vld.idx.msk [tilespmem:v13+s4+$0x0], $0xffff;
	[tilespmem:s18+$0x18200] =	vst v12  }
0x437: {  	v7 =	vadd.f32 $8.000000000e+00, v7;
	s0 =	sand.u32 $0x3, s31;
	s6 =	sadd.s32 $0x10, s3;
	v11 =	vld.idx.msk [tilespmem:v11+s4+$0x0], $0xffff  }
0x438: {  	[tilespmem:s26+$0x18290] =	vst v8;
	s0 =	sshll.u32 s0, $0x5;
	s20 =	sor.u32 $0x300, s6  }
0x439: {  	v7 =	vmul.f32 $4.096000000e+03, v7;
	s5 =	sadd.s32 s0, s1;
	v42 =	vld [tilespmem:s20+$0x18000]  }
0x43a: {  	s8 =	sor.u32 $0x300, s3;
	s7 =	sadd.s32 $0x10, s5;
	[tilespmem:s26+$0x18280] =	vst v3  }
0x43b: {  	v7 =	vmax.f32 v7, $0.0e+00;
	s19 =	sor.u32 $0x300, s7;
	v3 =	vld [tilespmem:s8+$0x18000];
	[tilespmem:s18+$0x18290] =	vst v41  }
0x43c: {  	s1 =	sor.u32 $0x300, s5;
	v7 =	vmin.f32 v7, $6.553500000e+04;
	v44 =	vld [tilespmem:s19+$0x18000];
	[tilespmem:s18+$0x18280] =	vst v11  }
0x43d: {  	v10 =	vcvt.f32.s32 v10;
	v7 =	vtrunc.f32 v7;
	v11 =	vld [tilespmem:s1+$0x18000]  }
0x43e: {  	v7 =	vcvt.f32.s32 v7;
	v43 =	vadd.f32 $8.000000000e+00, v42;
	_ =	sdelay $0x1  }
0x43f: {  	v8 =	vmul.f32 $4.096000000e+03, v43;
	v3 =	vadd.f32 $8.000000000e+00, v3  }
0x440: {  	v9 =	vadd.f32 $8.000000000e+00, v44  }
0x441: {  	v5 =	vld.idx.msk [tilespmem:v5+s4+$0x0], $0xffff;
	v8 =	vmax.f32 v8, $0.0e+00;
	v3 =	vmul.f32 $4.096000000e+03, v3;
	v11 =	vadd.f32 $8.000000000e+00, v11  }
0x442: {  	v10 =	vld.idx.msk [tilespmem:v10+s4+$0x0], $0xffff;
	v8 =	vmin.f32 v8, $6.553500000e+04;
	v9 =	vmul.f32 $4.096000000e+03, v9  }
0x443: {  	v7 =	vld.idx.msk [tilespmem:v7+s4+$0x0], $0xffff;
	v8 =	vtrunc.f32 v8;
	v3 =	vmax.f32 v3, $0.0e+00;
	v11 =	vmul.f32 $4.096000000e+03, v11  }
0x444: {  	v8 =	vcvt.f32.s32 v8;
	v3 =	vmin.f32 v3, $6.553500000e+04;
	v9 =	vmax.f32 v9, $0.0e+00  }
0x445: {  	v3 =	vtrunc.f32 v3;
	v9 =	vmin.f32 v9, $6.553500000e+04;
	v11 =	vmax.f32 v11, $0.0e+00  }
0x446: {  	[tilespmem:s25+$0x18000] =	vst v5;
	v3 =	vcvt.f32.s32 v3;
	v9 =	vtrunc.f32 v9;
	v11 =	vmin.f32 v11, $6.553500000e+04  }
0x447: {  	[tilespmem:s11+$0x18000] =	vst v10;
	v9 =	vcvt.f32.s32 v9;
	v45 =	vtrunc.f32 v11  }
0x448: {  	v47 =	vld [tilespmem:s2+$0x18000];
	[tilespmem:s12+$0x18000] =	vst v7;
	v10 =	vcvt.f32.s32 v45  }
0x449: {  	v7 =	vld [tilespmem:s29+$0x18000]  }
0x44a: {  	s18 =	sor.u32 $0x380, s13;
	v8 =	vld.idx.msk [tilespmem:v8+s4+$0x0], $0xffff  }
0x44b: {  	v6 =	vadd.f32 $8.000000000e+00, v6;
	v46 =	vld [tilespmem:s18+$0x18000]  }
0x44c: {  	v4 =	vadd.f32 $8.000000000e+00, v4;
	v3 =	vld.idx.msk [tilespmem:v3+s4+$0x0], $0xffff  }
0x44d: {  	v6 =	vmul.f32 $4.096000000e+03, v6;
	v48 =	vld.idx.msk [tilespmem:v9+s4+$0x0], $0xffff  }
0x44e: {  	v4 =	vmul.f32 $4.096000000e+03, v4;
	v10 =	vld.idx.msk [tilespmem:v10+s4+$0x0], $0xffff  }
0x44f: {  	v2 =	vcvt.f32.s32 v2;
	v6 =	vmax.f32 v6, $0.0e+00;
	v7 =	vadd.f32 $8.000000000e+00, v7;
	[tilespmem:s20+$0x18000] =	vst v8;
	s20 =	sor.u32 $0x380, s6  }
0x450: {  	v6 =	vmin.f32 v6, $6.553500000e+04;
	v4 =	vmax.f32 v4, $0.0e+00;
	v50 =	vadd.f32 $8.000000000e+00, v47;
	v49 =	vld [tilespmem:s20+$0x18000]  }
0x451: {  	s3 =	sor.u32 $0x380, s3;
	v6 =	vtrunc.f32 v6;
	v5 =	vadd.f32 $8.000000000e+00, v46;
	v7 =	vmul.f32 $4.096000000e+03, v7;
	[tilespmem:s8+$0x18000] =	vst v3  }
0x452: {  	s7 =	sor.u32 $0x380, s7;
	v4 =	vmin.f32 v4, $6.553500000e+04;
	v6 =	vcvt.f32.s32 v6;
	v8 =	vmul.f32 $4.096000000e+03, v50;
	v55 =	vld [tilespmem:s3+$0x18000];
	[tilespmem:s19+$0x18000] =	vst v48  }
0x453: {  	s5 =	sor.u32 $0x380, s5;
	v52 =	vtrunc.f32 v4;
	v5 =	vmul.f32 $4.096000000e+03, v5;
	v7 =	vmax.f32 v7, $0.0e+00;
	v51 =	vld [tilespmem:s7+$0x18000];
	[tilespmem:s1+$0x18000] =	vst v10  }
0x454: {  	v3 =	vcvt.f32.s32 v52;
	v8 =	vmax.f32 v8, $0.0e+00;
	v7 =	vmin.f32 v7, $6.553500000e+04;
	v10 =	vld [tilespmem:s5+$0x18000]  }
0x455: {  	v53 =	vmax.f32 v5, $0.0e+00;
	v8 =	vmin.f32 v8, $6.553500000e+04;
	v54 =	vadd.f32 $8.000000000e+00, v49  }
0x456: {  	v7 =	vtrunc.f32 v7;
	v4 =	vmin.f32 v53, $6.553500000e+04;
	v8 =	vtrunc.f32 v8  }
0x457: {  	v7 =	vcvt.f32.s32 v7;
	v5 =	vmul.f32 $4.096000000e+03, v54;
	v9 =	vadd.f32 $8.000000000e+00, v55  }
0x458: {  	v4 =	vtrunc.f32 v4;
	v8 =	vcvt.f32.s32 v8;
	v11 =	vadd.f32 $8.000000000e+00, v51  }
0x459: {  	v5 =	vmax.f32 v5, $0.0e+00;
	v9 =	vmul.f32 $4.096000000e+03, v9;
	v10 =	vadd.f32 $8.000000000e+00, v10  }
0x45a: {  	v4 =	vcvt.f32.s32 v4;
	v5 =	vmin.f32 v5, $6.553500000e+04;
	v11 =	vmul.f32 $4.096000000e+03, v11  }
0x45b: {  	v5 =	vtrunc.f32 v5;
	v9 =	vmax.f32 v9, $0.0e+00;
	v10 =	vmul.f32 $4.096000000e+03, v10  }
0x45c: {  	v0 =	vld.idx.msk [tilespmem:v0+s4+$0x0], $0xffff;
	v5 =	vcvt.f32.s32 v5;
	v9 =	vmin.f32 v9, $6.553500000e+04;
	v11 =	vmax.f32 v11, $0.0e+00  }
0x45d: {  	v2 =	vld.idx.msk [tilespmem:v2+s4+$0x0], $0xffff;
	v9 =	vtrunc.f32 v9;
	v11 =	vmin.f32 v11, $6.553500000e+04;
	v10 =	vmax.f32 v10, $0.0e+00  }
0x45e: {  	v6 =	vld.idx.msk [tilespmem:v6+s4+$0x0], $0xffff;
	v9 =	vcvt.f32.s32 v9;
	v11 =	vtrunc.f32 v11;
	v10 =	vmin.f32 v10, $6.553500000e+04  }
0x45f: {  	v56 =	vld.idx.msk [tilespmem:v3+s4+$0x0], $0xffff;
	v11 =	vcvt.f32.s32 v11;
	v10 =	vtrunc.f32 v10  }
0x460: {  	[tilespmem:s23+$0x18000] =	vst v1;
	v61 =	vld.idx.msk [tilespmem:v7+s4+$0x0], $0xffff;
	v57 =	vcvt.f32.s32 v10  }
0x461: {  	[tilespmem:s22+$0x18000] =	vst v0;
	v59 =	vld.idx.msk [tilespmem:v8+s4+$0x0], $0xffff  }
0x462: {  	[tilespmem:s24+$0x18000] =	vst v2;
	v4 =	vld.idx.msk [tilespmem:v4+s4+$0x0], $0xffff  }
0x463: {  	[tilespmem:s10+$0x18000] =	vst v6;
	v58 =	vld.idx.msk [tilespmem:v5+s4+$0x0], $0xffff  }
0x464: {  	[tilespmem:s28+$0x18000] =	vst v56;
	v62 =	vld.idx.msk [tilespmem:v9+s4+$0x0], $0xffff  }
0x465: {  	[tilespmem:s29+$0x18000] =	vst v61;
	v60 =	vld.idx.msk [tilespmem:v11+s4+$0x0], $0xffff  }
0x466: {  	[tilespmem:s2+$0x18000] =	vst v59;
	v63 =	vld.idx.msk [tilespmem:v57+s4+$0x0], $0xffff  }
0x467: {  	[tilespmem:s18+$0x18000] =	vst v4  }
0x468: {  	[tilespmem:s20+$0x18000] =	vst v58  }
0x469: {  	[tilespmem:s3+$0x18000] =	vst v62  }
0x46a: {  	[tilespmem:s7+$0x18000] =	vst v60  }
0x46b: {  	s0 =	sadd.s32 s15, s9;
	s23 =	simm.s32 $0x18200;
	[tilespmem:s5+$0x18000] =	vst v63  }
0x46c: {  	[hbm4b:s0+s4] =	stream.linear.scatter [tilespmem:s23], [sflag:$0x7], $0x200, $0x38;
	[tilespmem:$0x1C000] =	vst v63  }
0x46d: {  	s25 =	simm.s32 $0x18600;
	s24 =	sadd.s32 $0x80, s0  }
0x46e: {  	[hbm4b:s24+s4] =	stream.linear.scatter [tilespmem:s25], [sflag:$0x7], $0x200, $0x38;
	[tilespmem:$0x1C000] =	vst v63  }
0x46f: {  	s26 =	sadd.s32 $0x100, s0;
	s28 =	simm.s32 $0x18A00  }
0x470: {  	[hbm4b:s26+s4] =	stream.linear.scatter [tilespmem:s28], [sflag:$0x7], $0x200, $0x38;
	[tilespmem:$0x1C000] =	vst v63  }
0x471: {  	s31 =	simm.s32 $0x18E00;
	s29 =	sadd.s32 $0x180, s0  }
0x472: {  	[hbm4b:s29+s4] =	stream.linear.scatter [tilespmem:s31], [sflag:$0x7], $0x200, $0x38;
	[tilespmem:$0x1C000] =	vst v63  }
0x473: {  	s2 =	sadd.s32 $0x200, s0;
	s3 =	simm.s32 $0x19200  }
0x474: {  	[hbm4b:s2+s4] =	stream.linear.scatter [tilespmem:s3], [sflag:$0x7], $0x200, $0x38;
	[tilespmem:$0x1C000] =	vst v63  }
0x475: {  	s6 =	simm.s32 $0x19600;
	s5 =	sadd.s32 $0x280, s0  }
0x476: {  	[hbm4b:s5+s4] =	stream.linear.scatter [tilespmem:s6], [sflag:$0x7], $0x200, $0x38;
	[tilespmem:$0x1C000] =	vst v63  }
0x477: {  	s8 =	simm.s32 $0x19A00;
	s7 =	sadd.s32 $0x300, s0  }
0x478: {  	[hbm4b:s7+s4] =	stream.linear.scatter [tilespmem:s8], [sflag:$0x7], $0x200, $0x38;
	[tilespmem:$0x1C000] =	vst v63  }
0x479: {  	s11 =	simm.s32 $0x19E00;
	s10 =	sadd.s32 $0x380, s0  }
0x47a: {  	[hbm4b:s10+s4] =	stream.linear.scatter [tilespmem:s11], [sflag:$0x7], $0x200, $0x38;
	[tilespmem:$0x1C000] =	vst v63  }
0x47b: {  	s12 =	sadd.s32 $0x400, s0;
	s13 =	simm.s32 $0x1A200  }
0x47c: {  	[hbm4b:s12+s4] =	stream.linear.scatter [tilespmem:s13], [sflag:$0x7], $0x200, $0x38;
	[tilespmem:$0x1C000] =	vst v63  }
0x47d: {  	s17 =	simm.s32 $0x1A600;
	s15 =	sadd.s32 $0x480, s0  }
0x47e: {  	[hbm4b:s15+s4] =	stream.linear.scatter [tilespmem:s17], [sflag:$0x7], $0x200, $0x38;
	[tilespmem:$0x1C000] =	vst v63  }
0x47f: {  	s19 =	simm.s32 $0x1AA00;
	s18 =	sadd.s32 $0x500, s0  }
0x480: {  	[hbm4b:s18+s4] =	stream.linear.scatter [tilespmem:s19], [sflag:$0x7], $0x200, $0x38;
	[tilespmem:$0x1C000] =	vst v63  }
0x481: {  	s22 =	simm.s32 $0x1AE00;
	s20 =	sadd.s32 $0x580, s0  }
0x482: {  	[hbm4b:s20+s4] =	stream.linear.scatter [tilespmem:s22], [sflag:$0x7], $0x200, $0x38;
	[tilespmem:$0x1C000] =	vst v63  }
0x483: {  	s23 =	sadd.s32 $0x600, s0;
	s24 =	simm.s32 $0x1B200  }
0x484: {  	[hbm4b:s23+s4] =	stream.linear.scatter [tilespmem:s24], [sflag:$0x7], $0x200, $0x38;
	[tilespmem:$0x1C000] =	vst v63  }
0x485: {  	p0 =	seq.s32 s14, $0x14;
	s25 =	sadd.s32 $0x680, s0;
	s26 =	simm.s32 $0x1B600  }
0x486: {  	[hbm4b:s25+s4] =	stream.linear.scatter [tilespmem:s26], [sflag:$0x7], $0x200, $0x38;
	[tilespmem:$0x1C000] =	vst v63  }
.Ltmp6:
0x487: {  	_ = 	snop;
	(pc) =	sbr.rel @p0 .LBB2_16-.Ltmp6, $4  }
0x488: {  	s28 =	sadd.s32 $0x700, s0;
	s29 =	simm.s32 $0x1BA00  }
0x489: {  	[hbm4b:s28+s4] =	stream.linear.scatter [tilespmem:s29], [sflag:$0x7], $0x200, $0x38;
	[tilespmem:$0x1C000] =	vst v63  }
0x48a: {  	s0 =	sadd.s32 $0x780, s0;
	s31 =	simm.s32 $0x1BE00  }
0x48b: {  	[hbm4b:s0+s4] =	stream.linear.scatter [tilespmem:s31], [sflag:$0x7], $0x200, $0x38;
	[tilespmem:$0x1C000] =	vst v63  }
0x48c: {  	s1 =	simm.s32 $0x6  }
0x48d: {  	_ =	swait.ge [sflag:s1], $0x4000  }
.Ltmp7:
0x48e: {  	s0 =	rddreg [dreg:$0xb];
	[sflag:s1] =	ssyncset.done $0x0;
	(pc) =	sbr.rel .LBB2_2-.Ltmp7, $4  }
0x48f: {  	s0 =	sadd.s32 s21, s0;
	[sflag:s1] =	ssyncadd.s32 $0xFFFFC000  }
0x490: {  	s0 =	sshll.u32 s0, $0xB;
	s1 =	rddreg [dreg:$0x0]  }
0x491: {  	s19 =	simm.s32 $0x14000;
	s14 =	sadd.s32 $0x1, s14;
	s0 =	sadd.s32 s1, s0  }
0x492: {  	[tilespmem:s19], [sflag:$0x3] =	stream.linear.gather [hbm4b:s0+s4], $0x4000, $0x38;
	[tilespmem:$0x1C000] =	vst v63  }
.LBB2_16:
0x493: {  	s2 =	simm.s32 $0x2  }
0x494: {  	s0 =	simm.s32 $0x0;
	s1 =	simm.s32 $0x0;
	_ =	swait.ge [sflag:s2], $0x4000  }
0x495: {  	s1 =	sand.u32 $0x60, s1;
	s0 =	sand.u32 $0x3C00, s0;
	[sflag:s2] =	ssyncset.done $0x0  }
0x496: {  	s21 =	sor.u32 s1, s0;
	[sflag:s2] =	ssyncadd.s32 $0xFFFFC000  }
0x497: {  	v0 =	vld [tilespmem:s21+$0x10080]  }
0x498: {  	s23 =	simm.s32 $0x20;
	s24 =	simm.s32 $0x100;
	v1 =	vld [tilespmem:s21+$0x10000]  }
0x499: {  	s0 =	sand.u32 $0x60, s23;
	s1 =	sand.u32 $0x3C00, s24;
	v2 =	vld [tilespmem:s21+$0x10010]  }
0x49a: {  	s15 =	sor.u32 s0, s1;
	v3 =	vld [tilespmem:s21+$0x10090]  }
0x49b: {  	v4 =	vld [tilespmem:s15+$0x10000]  }
0x49c: {  	v5 =	vld [tilespmem:s15+$0x10080]  }
0x49d: {  	v6 =	vld [tilespmem:s15+$0x10010]  }
0x49e: {  	v7 =	vld [tilespmem:s21+$0x10110]  }
0x49f: {  	v8 =	vld [tilespmem:s21+$0x10100]  }
0x4a0: {  	v11 =	vld [tilespmem:s21+$0x10180]  }
0x4a1: {  	v12 =	vld [tilespmem:s15+$0x10090]  }
0x4a2: {  	s25 =	simm.s32 $0x40;
	s26 =	simm.s32 $0x200;
	v13 =	vld [tilespmem:s21+$0x10190]  }
0x4a3: {  	s0 =	sand.u32 $0x60, s25;
	s1 =	sand.u32 $0x3C00, s26;
	v15 =	vld [tilespmem:s15+$0x10110];
	v0 =	vadd.f32 $8.000000000e+00, v0;
	v1 =	vadd.f32 $8.000000000e+00, v1  }
0x4a4: {  	s14 =	sor.u32 s0, s1;
	v18 =	vld [tilespmem:s15+$0x10180];
	v2 =	vadd.f32 $8.000000000e+00, v2;
	v3 =	vadd.f32 $8.000000000e+00, v3  }
0x4a5: {  	v9 =	vld [tilespmem:s14+$0x10000];
	v4 =	vadd.f32 $8.000000000e+00, v4;
	v5 =	vadd.f32 $8.000000000e+00, v5  }
0x4a6: {  	v10 =	vld [tilespmem:s14+$0x10080];
	v6 =	vadd.f32 $8.000000000e+00, v6;
	v7 =	vadd.f32 $8.000000000e+00, v7  }
0x4a7: {  	v14 =	vld [tilespmem:s14+$0x10010];
	v8 =	vadd.f32 $8.000000000e+00, v8;
	v12 =	vadd.f32 $8.000000000e+00, v12  }
0x4a8: {  	v13 =	vadd.f32 $8.000000000e+00, v13;
	v11 =	vadd.f32 $8.000000000e+00, v11  }
0x4a9: {  	v15 =	vadd.f32 $8.000000000e+00, v15;
	v18 =	vadd.f32 $8.000000000e+00, v18  }
0x4aa: {  	v9 =	vadd.f32 $8.000000000e+00, v9;
	v0 =	vmul.f32 $4.096000000e+03, v0;
	v2 =	vmul.f32 $4.096000000e+03, v2  }
0x4ab: {  	s28 =	simm.s32 $0x60;
	s29 =	simm.s32 $0x300;
	v10 =	vadd.f32 $8.000000000e+00, v10;
	v1 =	vmul.f32 $4.096000000e+03, v1;
	v3 =	vmul.f32 $4.096000000e+03, v3  }
0x4ac: {  	s0 =	sand.u32 $0x60, s28;
	s1 =	sand.u32 $0x3C00, s29;
	v14 =	vadd.f32 $8.000000000e+00, v14;
	v5 =	vmul.f32 $4.096000000e+03, v5;
	v6 =	vmul.f32 $4.096000000e+03, v6  }
0x4ad: {  	s22 =	sor.u32 s0, s1;
	v4 =	vmul.f32 $4.096000000e+03, v4;
	v7 =	vmul.f32 $4.096000000e+03, v7;
	v1 =	vmax.f32 v1, $0.0e+00  }
0x4ae: {  	v16 =	vld [tilespmem:s22+$0x10080];
	v8 =	vmul.f32 $4.096000000e+03, v8;
	v2 =	vmax.f32 v2, $0.0e+00;
	v1 =	vmin.f32 v1, $6.553500000e+04  }
0x4af: {  	v12 =	vmul.f32 $4.096000000e+03, v12;
	v2 =	vmin.f32 v2, $6.553500000e+04;
	v1 =	vtrunc.f32 v1  }
0x4b0: {  	v6 =	vmax.f32 v6, $0.0e+00;
	v2 =	vtrunc.f32 v2;
	v1 =	vcvt.f32.s32 v1  }
0x4b1: {  	v13 =	vmul.f32 $4.096000000e+03, v13;
	v6 =	vmin.f32 v6, $6.553500000e+04;
	v2 =	vcvt.f32.s32 v2  }
0x4b2: {  	v15 =	vmul.f32 $4.096000000e+03, v15;
	v4 =	vmax.f32 v4, $0.0e+00;
	v6 =	vtrunc.f32 v6  }
0x4b3: {  	v16 =	vadd.f32 $8.000000000e+00, v16;
	v4 =	vmin.f32 v4, $6.553500000e+04;
	v6 =	vcvt.f32.s32 v6  }
0x4b4: {  	v11 =	vmul.f32 $4.096000000e+03, v11;
	v3 =	vmax.f32 v3, $0.0e+00;
	v4 =	vtrunc.f32 v4  }
0x4b5: {  	v9 =	vmul.f32 $4.096000000e+03, v9;
	v3 =	vmin.f32 v3, $6.553500000e+04;
	v4 =	vcvt.f32.s32 v4  }
0x4b6: {  	v0 =	vmax.f32 v0, $0.0e+00;
	v5 =	vmax.f32 v5, $0.0e+00;
	v3 =	vtrunc.f32 v3;
	v1 =	vld.idx.msk [tilespmem:v1+s4+$0x0], $0xffff  }
0x4b7: {  	v7 =	vmax.f32 v7, $0.0e+00;
	v8 =	vmax.f32 v8, $0.0e+00;
	v3 =	vcvt.f32.s32 v3;
	v2 =	vld.idx.msk [tilespmem:v2+s4+$0x0], $0xffff  }
0x4b8: {  	v20 =	vld [tilespmem:s22+$0x10010];
	v13 =	vmax.f32 v13, $0.0e+00;
	v16 =	vmul.f32 $4.096000000e+03, v16;
	v0 =	vmin.f32 v0, $6.553500000e+04  }
0x4b9: {  	v5 =	vmin.f32 v5, $6.553500000e+04;
	v7 =	vmin.f32 v7, $6.553500000e+04;
	v0 =	vtrunc.f32 v0;
	v6 =	vld.idx.msk [tilespmem:v6+s4+$0x0], $0xffff  }
0x4ba: {  	v17 =	vld [tilespmem:s15+$0x10190];
	v15 =	vmax.f32 v15, $0.0e+00;
	v5 =	vtrunc.f32 v5;
	v7 =	vtrunc.f32 v7  }
0x4bb: {  	v8 =	vmin.f32 v8, $6.553500000e+04;
	v0 =	vcvt.f32.s32 v0;
	v7 =	vcvt.f32.s32 v7;
	v4 =	vld.idx.msk [tilespmem:v4+s4+$0x0], $0xffff;
	[tilespmem:s21+$0x10000] =	vst v1  }
0x4bc: {  	v9 =	vmax.f32 v9, $0.0e+00;
	v1 =	vcvt.f32.s32 v5;
	v5 =	vld [tilespmem:s15+$0x10100];
	[tilespmem:s21+$0x10010] =	vst v2;
	v2 =	vtrunc.f32 v8  }
0x4bd: {  	v8 =	vmul.f32 $4.096000000e+03, v10;
	v10 =	vmax.f32 v12, $0.0e+00;
	v12 =	vmul.f32 $4.096000000e+03, v14;
	v3 =	vld.idx.msk [tilespmem:v3+s4+$0x0], $0xffff  }
0x4be: {  	[tilespmem:s15+$0x10010] =	vst v6;
	v6 =	vadd.f32 $8.000000000e+00, v20;
	v10 =	vmin.f32 v10, $6.553500000e+04;
	v2 =	vcvt.f32.s32 v2  }
0x4bf: {  	v19 =	vld [tilespmem:s14+$0x10090];
	v8 =	vmax.f32 v8, $0.0e+00;
	v10 =	vtrunc.f32 v10;
	v12 =	vmax.f32 v12, $0.0e+00  }
0x4c0: {  	v23 =	vld [tilespmem:s14+$0x10190];
	v20 =	vmul.f32 $4.096000000e+03, v6;
	v8 =	vmin.f32 v8, $6.553500000e+04;
	v12 =	vmin.f32 v12, $6.553500000e+04  }
0x4c1: {  	[tilespmem:s15+$0x10000] =	vst v4;
	v0 =	vld.idx.msk [tilespmem:v0+s4+$0x0], $0xffff;
	v10 =	vcvt.f32.s32 v10;
	v12 =	vtrunc.f32 v12;
	v5 =	vadd.f32 $8.000000000e+00, v5  }
0x4c2: {  	v8 =	vtrunc.f32 v8;
	[tilespmem:s21+$0x10090] =	vst v3;
	v3 =	vmin.f32 v9, $6.553500000e+04;
	v21 =	vld.idx.msk [tilespmem:v1+s4+$0x0], $0xffff;
	v1 =	vadd.f32 $8.000000000e+00, v17  }
0x4c3: {  	v14 =	vld [tilespmem:s22+$0x10000];
	v9 =	vmin.f32 v15, $6.553500000e+04;
	v17 =	vcvt.f32.s32 v8;
	v5 =	vmul.f32 $4.096000000e+03, v5  }
0x4c4: {  	v16 =	vmax.f32 v16, $0.0e+00;
	v6 =	vld [tilespmem:s14+$0x10180];
	v3 =	vtrunc.f32 v3;
	v9 =	vtrunc.f32 v9  }
0x4c5: {  	v8 =	vld [tilespmem:s14+$0x10110];
	v3 =	vcvt.f32.s32 v3;
	v4 =	vmax.f32 v5, $0.0e+00;
	v5 =	vmax.f32 v11, $0.0e+00  }
0x4c6: {  	v1 =	vmul.f32 $4.096000000e+03, v1;
	v11 =	vld.idx.msk [tilespmem:v7+s4+$0x0], $0xffff;
	v7 =	vadd.f32 $8.000000000e+00, v19;
	v5 =	vmin.f32 v5, $6.553500000e+04  }
0x4c7: {  	s2 =	simm.s32 $0x400;
	s0 =	simm.s32 $0x80;
	v16 =	vmin.f32 v16, $6.553500000e+04;
	v15 =	vld [tilespmem:s14+$0x10100];
	[tilespmem:s21+$0x10080] =	vst v0;
	v9 =	vcvt.f32.s32 v9;
	v5 =	vtrunc.f32 v5  }
0x4c8: {  	s3 =	sand.u32 $0x3C00, s2;
	s31 =	sand.u32 $0x60, s0;
	v14 =	vadd.f32 $8.000000000e+00, v14;
	v2 =	vld.idx.msk [tilespmem:v2+s4+$0x0], $0xffff;
	v0 =	vmul.f32 $4.096000000e+03, v7;
	v7 =	vcvt.f32.s32 v12  }
0x4c9: {  	s23 =	sor.u32 s31, s3;
	v10 =	vld.idx.msk [tilespmem:v10+s4+$0x0], $0xffff;
	v4 =	vmin.f32 v4, $6.553500000e+04;
	v12 =	vcvt.f32.s32 v5;
	v5 =	vmin.f32 v13, $6.553500000e+04  }
0x4ca: {  	v4 =	vtrunc.f32 v4;
	v13 =	vld [tilespmem:s23+$0x10080];
	v19 =	vmax.f32 v0, $0.0e+00;
	v5 =	vtrunc.f32 v5  }
0x4cb: {  	v0 =	vcvt.f32.s32 v4;
	v4 =	vld [tilespmem:s23+$0x10000];
	v19 =	vmin.f32 v19, $6.553500000e+04;
	v22 =	vcvt.f32.s32 v5  }
0x4cc: {  	v5 =	vmax.f32 v20, $0.0e+00;
	v20 =	vld.idx.msk [tilespmem:v3+s4+$0x0], $0xffff;
	v3 =	vadd.f32 $8.000000000e+00, v8;
	v19 =	vtrunc.f32 v19  }
0x4cd: {  	[tilespmem:s21+$0x10100] =	vst v2;
	v2 =	vmin.f32 v5, $6.553500000e+04;
	v5 =	vcvt.f32.s32 v19;
	v19 =	vmul.f32 $4.096000000e+03, v14;
	v14 =	vld [tilespmem:s22+$0x10090]  }
0x4ce: {  	v63 =	vmul.f32 $4.096000000e+03, v18;
	v16 =	vtrunc.f32 v16;
	v15 =	vadd.f32 $8.000000000e+00, v15;
	v8 =	vld.idx.msk [tilespmem:v7+s4+$0x0], $0xffff  }
0x4cf: {  	[tilespmem:s15+$0x10090] =	vst v10;
	v10 =	vadd.f32 $8.000000000e+00, v23;
	v24 =	vmul.f32 $4.096000000e+03, v3;
	v7 =	vmax.f32 v1, $0.0e+00;
	v3 =	vld.idx.msk [tilespmem:v12+s4+$0x0], $0xffff  }
0x4d0: {  	[tilespmem:s21+$0x10110] =	vst v11;
	v11 =	vadd.f32 $8.000000000e+00, v13;
	v13 =	vld [tilespmem:s23+$0x10010];
	v12 =	vtrunc.f32 v2;
	v2 =	vmul.f32 $4.096000000e+03, v15  }
0x4d1: {  	v1 =	vadd.f32 $8.000000000e+00, v4;
	v15 =	vmax.f32 v24, $0.0e+00;
	v19 =	vmax.f32 v19, $0.0e+00;
	[tilespmem:s14+$0x10000] =	vst v20;
	v4 =	vld.idx.msk [tilespmem:v22+s4+$0x0], $0xffff  }
0x4d2: {  	[tilespmem:s15+$0x10080] =	vst v21;
	v19 =	vmin.f32 v19, $6.553500000e+04;
	v18 =	vmax.f32 v2, $0.0e+00;
	v2 =	vld.idx.msk [tilespmem:v17+s4+$0x0], $0xffff;
	v17 =	vmax.f32 v63, $0.0e+00  }
.LBB2_17:
0x4d3: {  	s0 =	sadd.s32 $0x20, s0;
	s2 =	sadd.s32 $0x100, s2;
	v19 =	vtrunc.f32 v19;
	v18 =	vmin.f32 v18, $6.553500000e+04;
	[tilespmem:s14+$0x10010] =	vst v8;
	v8 =	vmin.f32 v15, $6.553500000e+04;
	v9 =	vld.idx.msk [tilespmem:v9+s4+$0x0], $0xffff  }
0x4d4: {  	v20 =	vcvt.f32.s32 v16;
	v16 =	vmin.f32 v17, $6.553500000e+04;
	s1 =	sand.u32 $0x60, s0;
	s3 =	sand.u32 $0x3C00, s2;
	v14 =	vadd.f32 $8.000000000e+00, v14;
	v15 =	vld [tilespmem:s22+$0x10110];
	[tilespmem:s21+$0x10180] =	vst v3  }
0x4d5: {  	p0 =	slt.u32 s0, $0x7E0;
	v3 =	vcvt.f32.s32 v19;
	v19 =	vadd.f32 $8.000000000e+00, v6;
	v6 =	vtrunc.f32 v16;
	s1 =	sor.u32 s1, s3;
	v17 =	vld [tilespmem:s22+$0x10100]  }
0x4d6: {  	v16 =	vtrunc.f32 v18;
	v13 =	vadd.f32 $8.000000000e+00, v13;
	v14 =	vmul.f32 $4.096000000e+03, v14;
	v5 =	vld.idx.msk [tilespmem:v5+s4+$0x0], $0xffff;
	[tilespmem:s21+$0x10190] =	vst v4;
	s21 =	smov.u32 s15;
	s15 =	smov.u32 s14;
	s14 =	smov.u32 s22  }
0x4d7: {  	v18 =	vcvt.f32.s32 v6;
	v6 =	vmin.f32 v7, $6.553500000e+04;
	v4 =	vcvt.f32.s32 v12;
	s22 =	smov.u32 s23;
	s23 =	smov.u32 s1;
	v12 =	vld.idx.msk [tilespmem:v0+s4+$0x0], $0xffff  }
0x4d8: {  	v7 =	vmul.f32 $4.096000000e+03, v11;
	v0 =	vcvt.f32.s32 v16;
	v21 =	vld [tilespmem:s23+$0x10080];
	v11 =	vmax.f32 v14, $0.0e+00  }
0x4d9: {  	v13 =	vmul.f32 $4.096000000e+03, v13;
	v14 =	vld [tilespmem:s23+$0x10000];
	v11 =	vmin.f32 v11, $6.553500000e+04;
	[tilespmem:s15+$0x10080] =	vst v2;
	v2 =	vtrunc.f32 v6  }
0x4da: {  	v7 =	vmax.f32 v7, $0.0e+00;
	v6 =	vld [tilespmem:s14+$0x10180];
	v11 =	vtrunc.f32 v11;
	[tilespmem:s21+$0x10110] =	vst v9;
	v2 =	vcvt.f32.s32 v2  }
0x4db: {  	v16 =	vmin.f32 v7, $6.553500000e+04;
	v7 =	vmax.f32 v13, $0.0e+00;
	v22 =	vld.idx.msk [tilespmem:v3+s4+$0x0], $0xffff;
	v3 =	vmul.f32 $4.096000000e+03, v10  }
0x4dc: {  	v13 =	vadd.f32 $8.000000000e+00, v15;
	v9 =	vtrunc.f32 v8;
	v10 =	vadd.f32 $8.000000000e+00, v17;
	v17 =	vld [tilespmem:s14+$0x10190];
	[tilespmem:s15+$0x10090] =	vst v5  }
0x4dd: {  	v15 =	vmin.f32 v7, $6.553500000e+04;
	v9 =	vcvt.f32.s32 v9;
	v5 =	vcvt.f32.s32 v11;
	v8 =	vld.idx.msk [tilespmem:v4+s4+$0x0], $0xffff;
	[tilespmem:s21+$0x10100] =	vst v12  }
.Ltmp8:
0x4de: {  	v23 =	vmul.f32 $4.096000000e+03, v1;
	v4 =	vmul.f32 $4.096000000e+03, v13;
	v7 =	vmax.f32 v3, $0.0e+00;
	v3 =	vld.idx.msk [tilespmem:v18+s4+$0x0], $0xffff;
	(pc) =	sbr.rel @p0 .LBB2_17-.Ltmp8, $4  }
0x4df: {  	v12 =	vtrunc.f32 v15;
	v10 =	vmul.f32 $4.096000000e+03, v10;
	v1 =	vadd.f32 $8.000000000e+00, v14;
	v14 =	vld [tilespmem:s22+$0x10090]  }
0x4e0: {  	v11 =	vadd.f32 $8.000000000e+00, v21;
	v21 =	vmul.f32 $4.096000000e+03, v19;
	v15 =	vmax.f32 v4, $0.0e+00;
	v4 =	vld.idx.msk [tilespmem:v2+s4+$0x0], $0xffff  }
0x4e1: {  	v16 =	vtrunc.f32 v16;
	v18 =	vmax.f32 v10, $0.0e+00;
	v2 =	vmax.f32 v23, $0.0e+00;
	v13 =	vld [tilespmem:s23+$0x10010];
	[tilespmem:s14+$0x10000] =	vst v22  }
0x4e2: {  	v19 =	vmin.f32 v2, $6.553500000e+04;
	v10 =	vadd.f32 $8.000000000e+00, v17;
	v17 =	vmax.f32 v21, $0.0e+00;
	v2 =	vld.idx.msk [tilespmem:v20+s4+$0x0], $0xffff  }
0x4e3: {  	v19 =	vtrunc.f32 v19  }
0x4e4: {  	v18 =	vmin.f32 v18, $6.553500000e+04;
	v16 =	vcvt.f32.s32 v16;
	v12 =	vcvt.f32.s32 v12  }
0x4e5: {  	v17 =	vmin.f32 v17, $6.553500000e+04;
	v11 =	vmul.f32 $4.096000000e+03, v11;
	v1 =	vmul.f32 $4.096000000e+03, v1  }
0x4e6: {  	v7 =	vmin.f32 v7, $6.553500000e+04;
	v19 =	vcvt.f32.s32 v19;
	v17 =	vtrunc.f32 v17  }
0x4e7: {  	v15 =	vmin.f32 v15, $6.553500000e+04;
	v18 =	vtrunc.f32 v18;
	v7 =	vtrunc.f32 v7  }
0x4e8: {  	v6 =	vadd.f32 $8.000000000e+00, v6;
	v20 =	vld [tilespmem:s22+$0x10100];
	v10 =	vmul.f32 $4.096000000e+03, v10;
	v15 =	vtrunc.f32 v15  }
0x4e9: {  	v22 =	vld [tilespmem:s23+$0x10090];
	v14 =	vadd.f32 $8.000000000e+00, v14;
	v17 =	vcvt.f32.s32 v17;
	v18 =	vcvt.f32.s32 v18  }
0x4ea: {  	[tilespmem:s14+$0x10010] =	vst v8;
	v8 =	vld.idx.msk [tilespmem:v9+s4+$0x0], $0xffff;
	v11 =	vmax.f32 v11, $0.0e+00;
	v7 =	vcvt.f32.s32 v7;
	v6 =	vmul.f32 $4.096000000e+03, v6  }
0x4eb: {  	v25 =	vld [tilespmem:s22+$0x10190];
	v1 =	vmax.f32 v1, $0.0e+00;
	v14 =	vmul.f32 $4.096000000e+03, v14;
	v13 =	vadd.f32 $8.000000000e+00, v13  }
0x4ec: {  	v11 =	vmin.f32 v11, $6.553500000e+04;
	v10 =	vmax.f32 v10, $0.0e+00;
	v1 =	vmin.f32 v1, $6.553500000e+04  }
0x4ed: {  	v21 =	vld [tilespmem:s22+$0x10110];
	v11 =	vtrunc.f32 v11;
	v6 =	vmax.f32 v6, $0.0e+00;
	v1 =	vtrunc.f32 v1  }
0x4ee: {  	v55 =	vld [tilespmem:s22+$0x10180];
	v14 =	vmax.f32 v14, $0.0e+00;
	v13 =	vmul.f32 $4.096000000e+03, v13;
	v20 =	vadd.f32 $8.000000000e+00, v20  }
0x4ef: {  	v0 =	vld.idx.msk [tilespmem:v0+s4+$0x0], $0xffff;
	v22 =	vadd.f32 $8.000000000e+00, v22;
	v11 =	vcvt.f32.s32 v11;
	v1 =	vcvt.f32.s32 v1  }
0x4f0: {  	v23 =	vld [tilespmem:s23+$0x10110];
	v6 =	vmin.f32 v6, $6.553500000e+04;
	[tilespmem:s15+$0x10110] =	vst v8;
	v8 =	vadd.f32 $8.000000000e+00, v25;
	v14 =	vmin.f32 v14, $6.553500000e+04  }
0x4f1: {  	v24 =	vld [tilespmem:s23+$0x10100];
	v6 =	vtrunc.f32 v6;
	v14 =	vtrunc.f32 v14;
	v13 =	vmax.f32 v13, $0.0e+00  }
0x4f2: {  	v5 =	vld.idx.msk [tilespmem:v5+s4+$0x0], $0xffff;
	v20 =	vmul.f32 $4.096000000e+03, v20;
	v22 =	vmul.f32 $4.096000000e+03, v22;
	v9 =	vmin.f32 v13, $6.553500000e+04  }
0x4f3: {  	v56 =	vld [tilespmem:s23+$0x10180];
	v59 =	vadd.f32 $8.000000000e+00, v55;
	v6 =	vcvt.f32.s32 v6;
	v9 =	vtrunc.f32 v9  }
0x4f4: {  	v58 =	vld [tilespmem:s23+$0x10190];
	v21 =	vadd.f32 $8.000000000e+00, v21;
	v8 =	vmul.f32 $4.096000000e+03, v8;
	v9 =	vcvt.f32.s32 v9  }
0x4f5: {  	[tilespmem:s21+$0x10180] =	vst v3;
	v57 =	vadd.f32 $8.000000000e+00, v23;
	v19 =	vld.idx.msk [tilespmem:v19+s4+$0x0], $0xffff;
	v60 =	vmul.f32 $4.096000000e+03, v59;
	v13 =	vcvt.f32.s32 v15  }
0x4f6: {  	[tilespmem:s15+$0x10100] =	vst v0;
	v3 =	vld.idx.msk [tilespmem:v12+s4+$0x0], $0xffff;
	v15 =	vmul.f32 $4.096000000e+03, v21;
	v20 =	vmax.f32 v20, $0.0e+00;
	v12 =	vmax.f32 v22, $0.0e+00  }
0x4f7: {  	[tilespmem:s14+$0x10090] =	vst v5;
	v14 =	vcvt.f32.s32 v14;
	v5 =	vld.idx.msk [tilespmem:v17+s4+$0x0], $0xffff;
	v20 =	vmin.f32 v20, $6.553500000e+04;
	v12 =	vmin.f32 v12, $6.553500000e+04  }
0x4f8: {  	[tilespmem:s14+$0x10080] =	vst v2;
	v7 =	vld.idx.msk [tilespmem:v7+s4+$0x0], $0xffff;
	v15 =	vmax.f32 v15, $0.0e+00;
	v2 =	vtrunc.f32 v12;
	v12 =	vadd.f32 $8.000000000e+00, v24  }
0x4f9: {  	[tilespmem:s21+$0x10190] =	vst v4;
	v20 =	vtrunc.f32 v20;
	v1 =	vld.idx.msk [tilespmem:v1+s4+$0x0], $0xffff;
	v0 =	vmin.f32 v15, $6.553500000e+04;
	v15 =	vmul.f32 $4.096000000e+03, v57  }
0x4fa: {  	v10 =	vmin.f32 v10, $6.553500000e+04;
	v2 =	vcvt.f32.s32 v2;
	[tilespmem:s22+$0x10000] =	vst v19;
	v12 =	vmul.f32 $4.096000000e+03, v12;
	v9 =	vld.idx.msk [tilespmem:v9+s4+$0x0], $0xffff  }
0x4fb: {  	[tilespmem:s22+$0x10010] =	vst v3;
	v4 =	vcvt.f32.s32 v20;
	v0 =	vtrunc.f32 v0;
	v3 =	vld.idx.msk [tilespmem:v16+s4+$0x0], $0xffff;
	v16 =	vmax.f32 v60, $0.0e+00  }
0x4fc: {  	v0 =	vcvt.f32.s32 v0;
	[tilespmem:s15+$0x10180] =	vst v5;
	v5 =	vmin.f32 v16, $6.553500000e+04;
	v12 =	vmax.f32 v12, $0.0e+00  }
0x4fd: {  	v15 =	vmax.f32 v15, $0.0e+00;
	v14 =	vld.idx.msk [tilespmem:v14+s4+$0x0], $0xffff;
	v5 =	vtrunc.f32 v5;
	v12 =	vmin.f32 v12, $6.553500000e+04  }
0x4fe: {  	[tilespmem:s23+$0x10000] =	vst v1;
	v1 =	vmin.f32 v15, $6.553500000e+04;
	v15 =	vadd.f32 $8.000000000e+00, v56;
	v12 =	vtrunc.f32 v12  }
0x4ff: {  	v61 =	vadd.f32 $8.000000000e+00, v58;
	v11 =	vld.idx.msk [tilespmem:v11+s4+$0x0], $0xffff;
	v1 =	vtrunc.f32 v1;
	[tilespmem:s23+$0x10010] =	vst v9;
	v9 =	vcvt.f32.s32 v12  }
0x500: {  	v8 =	vmax.f32 v8, $0.0e+00;
	[tilespmem:s15+$0x10190] =	vst v7;
	v1 =	vcvt.f32.s32 v1;
	v12 =	vmul.f32 $4.096000000e+03, v15;
	v2 =	vld.idx.msk [tilespmem:v2+s4+$0x0], $0xffff  }
0x501: {  	v7 =	vld.idx.msk [tilespmem:v18+s4+$0x0], $0xffff;
	[tilespmem:s22+$0x10080] =	vst v3;
	v3 =	vcvt.f32.s32 v5;
	v5 =	vmin.f32 v8, $6.553500000e+04;
	v15 =	vmul.f32 $4.096000000e+03, v61  }
0x502: {  	v10 =	vtrunc.f32 v10;
	[tilespmem:s22+$0x10090] =	vst v14;
	v4 =	vld.idx.msk [tilespmem:v4+s4+$0x0], $0xffff;
	v5 =	vtrunc.f32 v5;
	v8 =	vmax.f32 v12, $0.0e+00  }
0x503: {  	v0 =	vld.idx.msk [tilespmem:v0+s4+$0x0], $0xffff;
	v5 =	vcvt.f32.s32 v5;
	v12 =	vmax.f32 v15, $0.0e+00;
	v8 =	vmin.f32 v8, $6.553500000e+04  }
0x504: {  	v10 =	vcvt.f32.s32 v10;
	v13 =	vld.idx.msk [tilespmem:v13+s4+$0x0], $0xffff;
	[tilespmem:s23+$0x10080] =	vst v11;
	v11 =	vmin.f32 v12, $6.553500000e+04;
	v8 =	vtrunc.f32 v8  }
0x505: {  	v8 =	vcvt.f32.s32 v8;
	[tilespmem:s23+$0x10090] =	vst v2;
	v2 =	vld.idx.msk [tilespmem:v9+s4+$0x0], $0xffff;
	v9 =	vtrunc.f32 v11  }
0x506: {  	[tilespmem:s14+$0x10100] =	vst v7;
	v1 =	vld.idx.msk [tilespmem:v1+s4+$0x0], $0xffff;
	v7 =	vcvt.f32.s32 v9  }
0x507: {  	v6 =	vld.idx.msk [tilespmem:v6+s4+$0x0], $0xffff;
	[tilespmem:s22+$0x10100] =	vst v4  }
0x508: {  	[tilespmem:s22+$0x10110] =	vst v0;
	v0 =	vld.idx.msk [tilespmem:v3+s4+$0x0], $0xffff  }
0x509: {  	[tilespmem:s14+$0x10110] =	vst v13;
	v3 =	vld.idx.msk [tilespmem:v5+s4+$0x0], $0xffff  }
0x50a: {  	v9 =	vld.idx.msk [tilespmem:v10+s4+$0x0], $0xffff;
	[tilespmem:s23+$0x10100] =	vst v2  }
0x50b: {  	[tilespmem:s23+$0x10110] =	vst v1;
	v1 =	vld.idx.msk [tilespmem:v8+s4+$0x0], $0xffff  }
0x50c: {  	[tilespmem:s14+$0x10180] =	vst v6;
	v2 =	vld.idx.msk [tilespmem:v7+s4+$0x0], $0xffff  }
0x50d: {  	[tilespmem:s22+$0x10180] =	vst v0  }
0x50e: {  	[tilespmem:s22+$0x10190] =	vst v3  }
0x50f: {  	[tilespmem:s14+$0x10190] =	vst v9  }
0x510: {  	[tilespmem:s23+$0x10180] =	vst v1  }
0x511: {  	[tilespmem:s23+$0x10190] =	vst v2  }
0x512: {  	s0 =	simm.s32 $0x0;
	s2 =	rddreg [dreg:$0xc]  }
0x513: {  	[hbm4b:s2+s0] =	stream.linear.scatter [tilespmem:s30], [sflag:$0x5], $0x200, $0x38;
	[tilespmem:$0x1C000] =	vst v63  }
0x514: {  	s3 =	simm.s32 $0x10400;
	s1 =	sadd.s32 $0x80, s2  }
0x515: {  	[hbm4b:s1+s0] =	stream.linear.scatter [tilespmem:s3], [sflag:$0x5], $0x200, $0x38;
	[tilespmem:$0x1C000] =	vst v63  }
0x516: {  	s10 =	simm.s32 $0x10800;
	s8 =	sadd.s32 $0x100, s2  }
0x517: {  	[hbm4b:s8+s0] =	stream.linear.scatter [tilespmem:s10], [sflag:$0x5], $0x200, $0x38;
	[tilespmem:$0x1C000] =	vst v63  }
0x518: {  	s12 =	simm.s32 $0x10C00;
	s11 =	sadd.s32 $0x180, s2  }
0x519: {  	[hbm4b:s11+s0] =	stream.linear.scatter [tilespmem:s12], [sflag:$0x5], $0x200, $0x38;
	[tilespmem:$0x1C000] =	vst v63  }
0x51a: {  	s14 =	simm.s32 $0x11000;
	s13 =	sadd.s32 $0x200, s2  }
0x51b: {  	[hbm4b:s13+s0] =	stream.linear.scatter [tilespmem:s14], [sflag:$0x5], $0x200, $0x38;
	[tilespmem:$0x1C000] =	vst v63  }
0x51c: {  	s17 =	simm.s32 $0x11400;
	s15 =	sadd.s32 $0x280, s2  }
0x51d: {  	[hbm4b:s15+s0] =	stream.linear.scatter [tilespmem:s17], [sflag:$0x5], $0x200, $0x38;
	[tilespmem:$0x1C000] =	vst v63  }
0x51e: {  	s19 =	simm.s32 $0x11800;
	s18 =	sadd.s32 $0x300, s2  }
0x51f: {  	[hbm4b:s18+s0] =	stream.linear.scatter [tilespmem:s19], [sflag:$0x5], $0x200, $0x38;
	[tilespmem:$0x1C000] =	vst v63  }
0x520: {  	s21 =	simm.s32 $0x11C00;
	s20 =	sadd.s32 $0x380, s2  }
0x521: {  	[hbm4b:s20+s0] =	stream.linear.scatter [tilespmem:s21], [sflag:$0x5], $0x200, $0x38;
	[tilespmem:$0x1C000] =	vst v63  }
0x522: {  	s23 =	simm.s32 $0x12000;
	s22 =	sadd.s32 $0x400, s2  }
0x523: {  	[hbm4b:s22+s0] =	stream.linear.scatter [tilespmem:s23], [sflag:$0x5], $0x200, $0x38;
	[tilespmem:$0x1C000] =	vst v63  }
0x524: {  	s25 =	simm.s32 $0x12400;
	s24 =	sadd.s32 $0x480, s2  }
0x525: {  	[hbm4b:s24+s0] =	stream.linear.scatter [tilespmem:s25], [sflag:$0x5], $0x200, $0x38;
	[tilespmem:$0x1C000] =	vst v63  }
0x526: {  	s28 =	simm.s32 $0x12800;
	s26 =	sadd.s32 $0x500, s2  }
0x527: {  	[hbm4b:s26+s0] =	stream.linear.scatter [tilespmem:s28], [sflag:$0x5], $0x200, $0x38;
	[tilespmem:$0x1C000] =	vst v63  }
0x528: {  	s31 =	simm.s32 $0x12C00;
	s29 =	sadd.s32 $0x580, s2  }
0x529: {  	[hbm4b:s29+s0] =	stream.linear.scatter [tilespmem:s31], [sflag:$0x5], $0x200, $0x38;
	[tilespmem:$0x1C000] =	vst v63  }
0x52a: {  	s5 =	simm.s32 $0x13000;
	s7 =	simm.s32 $0x13400;
	s3 =	sadd.s32 $0x600, s2  }
0x52b: {  	[hbm4b:s3+s0] =	stream.linear.scatter [tilespmem:s5], [sflag:$0x5], $0x200, $0x38;
	[tilespmem:$0x1C000] =	vst v63  }
0x52c: {  	s6 =	sadd.s32 $0x680, s2;
	s8 =	sadd.s32 $0x700, s2;
	s13 =	simm.s32 $0x0  }
0x52d: {  	[hbm4b:s6+s0] =	stream.linear.scatter [tilespmem:s7], [sflag:$0x5], $0x200, $0x38;
	[tilespmem:$0x1C000] =	vst v63  }
0x52e: {  	s10 =	simm.s32 $0x13800;
	s14 =	sand.u32 $0x3C00, s0;
	s1 =	sand.u32 $0x60, s13  }
0x52f: {  	[hbm4b:s8+s0] =	stream.linear.scatter [tilespmem:s10], [sflag:$0x5], $0x200, $0x38;
	[tilespmem:$0x1C000] =	vst v63  }
0x530: {  	s11 =	sadd.s32 $0x780, s2;
	s12 =	simm.s32 $0x13C00;
	s2 =	sor.u32 s1, s14  }
0x531: {  	[hbm4b:s11+s0] =	stream.linear.scatter [tilespmem:s12], [sflag:$0x5], $0x200, $0x38;
	[tilespmem:$0x1C000] =	vst v63  }
0x532: {  	v0 =	vld [tilespmem:s2+$0x10210];
	_ =	sdelay $0x4  }
0x533: {  	v0 =	vadd.f32 $8.000000000e+00, v0  }
0x534: {  	v1 =	vld [tilespmem:s2+$0x10290]  }
0x535: {  	v2 =	vld [tilespmem:s2+$0x10200];
	v0 =	vmul.f32 $4.096000000e+03, v0;
	_ =	sdelay $0x1  }
0x536: {  	v0 =	vmax.f32 v0, $0.0e+00  }
0x537: {  	v0 =	vmin.f32 v0, $6.553500000e+04  }
0x538: {  	s15 =	simm.s32 $0x20;
	s17 =	simm.s32 $0x100;
	v1 =	vadd.f32 $8.000000000e+00, v1;
	v0 =	vtrunc.f32 v0  }
0x539: {  	s1 =	sand.u32 $0x60, s15;
	s3 =	sand.u32 $0x3C00, s17;
	v2 =	vadd.f32 $8.000000000e+00, v2;
	v0 =	vcvt.f32.s32 v0  }
0x53a: {  	s1 =	sor.u32 s1, s3;
	v1 =	vmul.f32 $4.096000000e+03, v1  }
0x53b: {  	v3 =	vld [tilespmem:s1+$0x10210];
	v2 =	vmul.f32 $4.096000000e+03, v2  }
0x53c: {  	v4 =	vld [tilespmem:s2+$0x10280];
	v1 =	vmax.f32 v1, $0.0e+00  }
0x53d: {  	v5 =	vld [tilespmem:s1+$0x10290];
	v2 =	vmax.f32 v2, $0.0e+00;
	v1 =	vmin.f32 v1, $6.553500000e+04  }
0x53e: {  	v6 =	vld [tilespmem:s1+$0x10200];
	v2 =	vmin.f32 v2, $6.553500000e+04;
	v1 =	vtrunc.f32 v1  }
0x53f: {  	v2 =	vtrunc.f32 v2;
	v1 =	vcvt.f32.s32 v1;
	v0 =	vld.idx.msk [tilespmem:v0+s4+$0x0], $0xffff  }
0x540: {  	v3 =	vadd.f32 $8.000000000e+00, v3;
	v2 =	vcvt.f32.s32 v2;
	_ =	sdelay $0x1  }
0x541: {  	v4 =	vadd.f32 $8.000000000e+00, v4;
	v3 =	vmul.f32 $4.096000000e+03, v3  }
0x542: {  	v6 =	vadd.f32 $8.000000000e+00, v6  }
0x543: {  	[tilespmem:s2+$0x10210] =	vst v0;
	v0 =	vmax.f32 v3, $0.0e+00;
	v3 =	vmul.f32 $4.096000000e+03, v4;
	v4 =	vadd.f32 $8.000000000e+00, v5;
	v5 =	vld [tilespmem:s1+$0x10280]  }
0x544: {  	s18 =	simm.s32 $0x40;
	s5 =	simm.s32 $0x200;
	v1 =	vld.idx.msk [tilespmem:v1+s4+$0x0], $0xffff;
	v0 =	vmin.f32 v0, $6.553500000e+04  }
0x545: {  	s3 =	sand.u32 $0x60, s18;
	s5 =	sand.u32 $0x3C00, s5;
	s0 =	sand.u32 $0x3, s0;
	v6 =	vmul.f32 $4.096000000e+03, v6;
	v2 =	vld.idx.msk [tilespmem:v2+s4+$0x0], $0xffff;
	v0 =	vtrunc.f32 v0;
	v3 =	vmax.f32 v3, $0.0e+00  }
0x546: {  	s13 =	sor.u32 s3, s5;
	s0 =	sshll.u32 s0, $0x5;
	v0 =	vcvt.f32.s32 v0;
	v3 =	vmin.f32 v3, $6.553500000e+04  }
0x547: {  	v7 =	vld [tilespmem:s13+$0x10210];
	s0 =	sadd.s32 $0x0, s0;
	v6 =	vmax.f32 v6, $0.0e+00;
	v4 =	vmul.f32 $4.096000000e+03, v4;
	v3 =	vtrunc.f32 v3  }
0x548: {  	s10 =	sadd.s32 $0x10, s0;
	v6 =	vmin.f32 v6, $6.553500000e+04;
	v3 =	vcvt.f32.s32 v3;
	v5 =	vadd.f32 $8.000000000e+00, v5  }
0x549: {  	s12 =	sor.u32 $0x300, s10;
	v6 =	vtrunc.f32 v6;
	v4 =	vmax.f32 v4, $0.0e+00;
	[tilespmem:s2+$0x10290] =	vst v1  }
0x54a: {  	[tilespmem:s2+$0x10200] =	vst v2;
	v1 =	vmin.f32 v4, $6.553500000e+04;
	v4 =	vld [tilespmem:s12+$0x10000];
	v2 =	vmul.f32 $4.096000000e+03, v5;
	v5 =	vcvt.f32.s32 v6  }
0x54b: {  	v8 =	vld [tilespmem:s13+$0x10200];
	v1 =	vtrunc.f32 v1  }
0x54c: {  	v6 =	vadd.f32 $8.000000000e+00, v7;
	v1 =	vcvt.f32.s32 v1;
	v0 =	vld.idx.msk [tilespmem:v0+s4+$0x0], $0xffff  }
0x54d: {  	v2 =	vmax.f32 v2, $0.0e+00  }
0x54e: {  	v6 =	vmul.f32 $4.096000000e+03, v6;
	v2 =	vmin.f32 v2, $6.553500000e+04;
	v3 =	vld.idx.msk [tilespmem:v3+s4+$0x0], $0xffff  }
0x54f: {  	v7 =	vld [tilespmem:s13+$0x10290];
	v2 =	vtrunc.f32 v2;
	v4 =	vadd.f32 $8.000000000e+00, v4  }
0x550: {  	s6 =	simm.s32 $0x300;
	v6 =	vmax.f32 v6, $0.0e+00;
	v2 =	vcvt.f32.s32 v2;
	v5 =	vld.idx.msk [tilespmem:v5+s4+$0x0], $0xffff  }
0x551: {  	s21 =	simm.s32 $0x60;
	v6 =	vmin.f32 v6, $6.553500000e+04;
	[tilespmem:s1+$0x10210] =	vst v0;
	v0 =	vmul.f32 $4.096000000e+03, v4;
	v4 =	vadd.f32 $8.000000000e+00, v8;
	v8 =	vld [tilespmem:s13+$0x10280]  }
0x552: {  	s19 =	simm.s32 $0x1;
	s22 =	sand.u32 $0x60, s21;
	s23 =	sand.u32 $0x3C00, s6;
	v6 =	vtrunc.f32 v6;
	v1 =	vld.idx.msk [tilespmem:v1+s4+$0x0], $0xffff  }
0x553: {  	s3 =	sand.u32 $0x3, s19;
	s5 =	sor.u32 s22, s23;
	v0 =	vmax.f32 v0, $0.0e+00;
	[tilespmem:s2+$0x10280] =	vst v3;
	v3 =	vcvt.f32.s32 v6  }
0x554: {  	s3 =	sshll.u32 s3, $0x5;
	v9 =	vld [tilespmem:s5+$0x10210];
	s20 =	sor.u32 $0x300, s0;
	v4 =	vmul.f32 $4.096000000e+03, v4;
	v6 =	vadd.f32 $8.000000000e+00, v7;
	v0 =	vmin.f32 v0, $6.553500000e+04  }
0x555: {  	s11 =	sadd.s32 $0x100, s3;
	v7 =	vld [tilespmem:s20+$0x10000];
	v0 =	vtrunc.f32 v0  }
0x556: {  	s3 =	sadd.s32 $0x10, s11;
	v4 =	vmax.f32 v4, $0.0e+00;
	v6 =	vmul.f32 $4.096000000e+03, v6;
	[tilespmem:s1+$0x10200] =	vst v5;
	v0 =	vcvt.f32.s32 v0  }
0x557: {  	s24 =	sor.u32 $0x300, s3;
	v8 =	vadd.f32 $8.000000000e+00, v8;
	v2 =	vld.idx.msk [tilespmem:v2+s4+$0x0], $0xffff;
	[tilespmem:s1+$0x10290] =	vst v1;
	v1 =	vmin.f32 v4, $6.553500000e+04  }
0x558: {  	v5 =	vmax.f32 v6, $0.0e+00;
	v4 =	vld [tilespmem:s24+$0x10000];
	v1 =	vtrunc.f32 v1  }
0x559: {  	v5 =	vmin.f32 v5, $6.553500000e+04;
	v6 =	vmul.f32 $4.096000000e+03, v8;
	v1 =	vcvt.f32.s32 v1;
	v3 =	vld.idx.msk [tilespmem:v3+s4+$0x0], $0xffff  }
0x55a: {  	v8 =	vadd.f32 $8.000000000e+00, v9;
	v9 =	vld [tilespmem:s5+$0x10200];
	v5 =	vtrunc.f32 v5;
	v7 =	vadd.f32 $8.000000000e+00, v7  }
0x55b: {  	v10 =	vld [tilespmem:s5+$0x10280];
	v5 =	vcvt.f32.s32 v5  }
0x55c: {  	v6 =	vmax.f32 v6, $0.0e+00;
	v8 =	vmul.f32 $4.096000000e+03, v8;
	v7 =	vmul.f32 $4.096000000e+03, v7;
	v0 =	vld.idx.msk [tilespmem:v0+s4+$0x0], $0xffff  }
0x55d: {  	v11 =	vld [tilespmem:s5+$0x10290];
	s7 =	sor.u32 $0x300, s11;
	v6 =	vmin.f32 v6, $6.553500000e+04;
	[tilespmem:s1+$0x10280] =	vst v2;
	v4 =	vadd.f32 $8.000000000e+00, v4  }
0x55e: {  	v6 =	vtrunc.f32 v6;
	v2 =	vmax.f32 v7, $0.0e+00;
	v7 =	vmax.f32 v8, $0.0e+00;
	[tilespmem:s13+$0x10210] =	vst v3;
	v3 =	vld [tilespmem:s7+$0x10000]  }
0x55f: {  	v8 =	vadd.f32 $8.000000000e+00, v9;
	v2 =	vmin.f32 v2, $6.553500000e+04;
	v4 =	vmul.f32 $4.096000000e+03, v4;
	v1 =	vld.idx.msk [tilespmem:v1+s4+$0x0], $0xffff  }
0x560: {  	s26 =	simm.s32 $0x2;
	s28 =	simm.s32 $0x80;
	s29 =	simm.s32 $0x400;
	v6 =	vcvt.f32.s32 v6;
	v7 =	vmin.f32 v7, $6.553500000e+04;
	v2 =	vtrunc.f32 v2  }
0x561: {  	s6 =	sand.u32 $0x3C00, s29;
	s8 =	sand.u32 $0x60, s28;
	s10 =	sor.u32 $0x380, s10;
	v8 =	vmul.f32 $4.096000000e+03, v8;
	v5 =	vld.idx.msk [tilespmem:v5+s4+$0x0], $0xffff;
	v2 =	vcvt.f32.s32 v2;
	v4 =	vmax.f32 v4, $0.0e+00;
	[tilespmem:s12+$0x10000] =	vst v0  }
0x562: {  	s1 =	sand.u32 $0x3, s26;
	v0 =	vtrunc.f32 v7;
	v7 =	vadd.f32 $8.000000000e+00, v10;
	s12 =	sor.u32 s8, s6;
	v4 =	vmin.f32 v4, $6.553500000e+04;
	v9 =	vld [tilespmem:s10+$0x10000]  }
0x563: {  	s1 =	sshll.u32 s1, $0x5;
	v10 =	vadd.f32 $8.000000000e+00, v11;
	v0 =	vcvt.f32.s32 v0;
	v11 =	vld [tilespmem:s12+$0x10200];
	v4 =	vtrunc.f32 v4  }
0x564: {  	s2 =	sadd.s32 $0x200, s1;
	v12 =	vld [tilespmem:s12+$0x10280];
	v7 =	vmul.f32 $4.096000000e+03, v7;
	v3 =	vadd.f32 $8.000000000e+00, v3;
	[tilespmem:s13+$0x10200] =	vst v1;
	v1 =	vmax.f32 v8, $0.0e+00  }
0x565: {  	s18 =	sadd.s32 $0x10, s2;
	v4 =	vcvt.f32.s32 v4;
	v8 =	vmul.f32 $4.096000000e+03, v10;
	v10 =	vld [tilespmem:s12+$0x10210];
	v1 =	vmin.f32 v1, $6.553500000e+04  }
0x566: {  	s31 =	sor.u32 $0x300, s18;
	v6 =	vld.idx.msk [tilespmem:v6+s4+$0x0], $0xffff;
	[tilespmem:s13+$0x10290] =	vst v5;
	v7 =	vmax.f32 v7, $0.0e+00;
	v3 =	vmul.f32 $4.096000000e+03, v3;
	v1 =	vtrunc.f32 v1  }
0x567: {  	v8 =	vmax.f32 v8, $0.0e+00;
	v5 =	vadd.f32 $8.000000000e+00, v9;
	v9 =	vld [tilespmem:s31+$0x10000];
	v1 =	vcvt.f32.s32 v1  }
0x568: {  	v7 =	vmin.f32 v7, $6.553500000e+04;
	v2 =	vld.idx.msk [tilespmem:v2+s4+$0x0], $0xffff;
	v8 =	vmin.f32 v8, $6.553500000e+04  }
0x569: {  	v7 =	vtrunc.f32 v7;
	v3 =	vmax.f32 v3, $0.0e+00;
	v0 =	vld.idx.msk [tilespmem:v0+s4+$0x0], $0xffff;
	v8 =	vtrunc.f32 v8  }
0x56a: {  	v11 =	vadd.f32 $8.000000000e+00, v11;
	v5 =	vmul.f32 $4.096000000e+03, v5;
	v8 =	vcvt.f32.s32 v8  }
0x56b: {  	v7 =	vcvt.f32.s32 v7;
	v3 =	vmin.f32 v3, $6.553500000e+04;
	v10 =	vadd.f32 $8.000000000e+00, v10;
	v4 =	vld.idx.msk [tilespmem:v4+s4+$0x0], $0xffff  }
0x56c: {  	v13 =	vld [tilespmem:s12+$0x10290];
	v3 =	vtrunc.f32 v3;
	[tilespmem:s13+$0x10280] =	vst v6;
	v5 =	vmax.f32 v5, $0.0e+00;
	v9 =	vadd.f32 $8.000000000e+00, v9  }
0x56d: {  	s14 =	sor.u32 $0x380, s0;
	v3 =	vcvt.f32.s32 v3;
	v10 =	vmul.f32 $4.096000000e+03, v10;
	[tilespmem:s20+$0x10000] =	vst v2;
	v5 =	vmin.f32 v5, $6.553500000e+04;
	v1 =	vld.idx.msk [tilespmem:v1+s4+$0x0], $0xffff  }
0x56e: {  	s25 =	sor.u32 $0x300, s2;
	v5 =	vtrunc.f32 v5;
	[tilespmem:s5+$0x10210] =	vst v0;
	v0 =	vadd.f32 $8.000000000e+00, v12;
	v12 =	vld [tilespmem:s14+$0x10000];
	v6 =	vmul.f32 $4.096000000e+03, v9  }
0x56f: {  	s0 =	simm.s32 $0x500;
	v11 =	vmul.f32 $4.096000000e+03, v11;
	s13 =	simm.s32 $0xA0;
	v10 =	vmax.f32 v10, $0.0e+00;
	v5 =	vcvt.f32.s32 v5;
	v9 =	vld [tilespmem:s25+$0x10000]  }
0x570: {  	s17 =	sor.u32 $0x380, s3;
	s15 =	sand.u32 $0x3C00, s0;
	s3 =	sand.u32 $0x60, s13;
	[tilespmem:s24+$0x10000] =	vst v4;
	v4 =	vmin.f32 v10, $6.553500000e+04;
	v8 =	vld.idx.msk [tilespmem:v8+s4+$0x0], $0xffff;
	v0 =	vmul.f32 $4.096000000e+03, v0;
	v6 =	vmax.f32 v6, $0.0e+00  }
0x571: {  	s8 =	simm.s32 $0x3;
	v11 =	vmax.f32 v11, $0.0e+00;
	s23 =	sor.u32 s3, s15;
	v10 =	vld [tilespmem:s17+$0x10000];
	v4 =	vtrunc.f32 v4;
	v6 =	vmin.f32 v6, $6.553500000e+04  }
0x572: {  	s1 =	sand.u32 $0x3, s8;
	v14 =	vld [tilespmem:s23+$0x10280];
	v2 =	vcvt.f32.s32 v4;
	v4 =	vadd.f32 $8.000000000e+00, v13;
	v0 =	vmax.f32 v0, $0.0e+00  }
0x573: {  	s1 =	sshll.u32 s1, $0x5;
	v3 =	vld.idx.msk [tilespmem:v3+s4+$0x0], $0xffff;
	v6 =	vtrunc.f32 v6;
	v0 =	vmin.f32 v0, $6.553500000e+04;
	v12 =	vadd.f32 $8.000000000e+00, v12  }
0x574: {  	s1 =	sadd.s32 $0x300, s1;
	v13 =	vld [tilespmem:s23+$0x10200];
	v6 =	vcvt.f32.s32 v6;
	v4 =	vmul.f32 $4.096000000e+03, v4;
	v9 =	vadd.f32 $8.000000000e+00, v9  }
0x575: {  	s24 =	sadd.s32 $0x10, s1;
	[tilespmem:s5+$0x10200] =	vst v1;
	v0 =	vtrunc.f32 v0;
	v1 =	vld.idx.msk [tilespmem:v5+s4+$0x0], $0xffff;
	v5 =	vmin.f32 v11, $6.553500000e+04;
	v12 =	vmul.f32 $4.096000000e+03, v12  }
0x576: {  	s19 =	sor.u32 $0x300, s24;
	v11 =	vld [tilespmem:s23+$0x10210];
	[tilespmem:s5+$0x10290] =	vst v8;
	v5 =	vtrunc.f32 v5;
	v10 =	vadd.f32 $8.000000000e+00, v10;
	v4 =	vmax.f32 v4, $0.0e+00  }
0x577: {  	v8 =	vld [tilespmem:s19+$0x10000];
	v9 =	vmul.f32 $4.096000000e+03, v9;
	v5 =	vcvt.f32.s32 v5;
	v4 =	vmin.f32 v4, $6.553500000e+04  }
0x578: {  	v7 =	vld.idx.msk [tilespmem:v7+s4+$0x0], $0xffff;
	v10 =	vmul.f32 $4.096000000e+03, v10;
	v4 =	vtrunc.f32 v4  }
0x579: {  	v0 =	vcvt.f32.s32 v0;
	v2 =	vld.idx.msk [tilespmem:v2+s4+$0x0], $0xffff;
	v4 =	vcvt.f32.s32 v4  }
0x57a: {  	v12 =	vmax.f32 v12, $0.0e+00;
	v9 =	vmax.f32 v9, $0.0e+00;
	v6 =	vld.idx.msk [tilespmem:v6+s4+$0x0], $0xffff;
	v10 =	vmax.f32 v10, $0.0e+00  }
0x57b: {  	v9 =	vmin.f32 v9, $6.553500000e+04;
	v11 =	vadd.f32 $8.000000000e+00, v11;
	v10 =	vmin.f32 v10, $6.553500000e+04  }
0x57c: {  	v15 =	vld [tilespmem:s23+$0x10290];
	[tilespmem:s7+$0x10000] =	vst v3;
	v9 =	vtrunc.f32 v9;
	v8 =	vadd.f32 $8.000000000e+00, v8;
	v10 =	vtrunc.f32 v10  }
0x57d: {  	s22 =	sor.u32 $0x300, s1;
	v13 =	vadd.f32 $8.000000000e+00, v13;
	[tilespmem:s5+$0x10280] =	vst v7;
	v11 =	vmul.f32 $4.096000000e+03, v11;
	v10 =	vcvt.f32.s32 v10;
	v5 =	vld.idx.msk [tilespmem:v5+s4+$0x0], $0xffff  }
0x57e: {  	v7 =	vmul.f32 $4.096000000e+03, v8;
	v8 =	vcvt.f32.s32 v9;
	v9 =	vmin.f32 v12, $6.553500000e+04;
	v12 =	vld [tilespmem:s22+$0x10000];
	[tilespmem:s12+$0x10210] =	vst v2  }
0x57f: {  	s15 =	sor.u32 $0x380, s18;
	v2 =	vadd.f32 $8.000000000e+00, v14;
	v11 =	vmax.f32 v11, $0.0e+00;
	[tilespmem:s31+$0x10000] =	vst v6;
	v6 =	vtrunc.f32 v9;
	v3 =	vld.idx.msk [tilespmem:v4+s4+$0x0], $0xffff  }
0x580: {  	v9 =	vmin.f32 v11, $6.553500000e+04;
	v7 =	vmax.f32 v7, $0.0e+00;
	v4 =	vmul.f32 $4.096000000e+03, v13;
	v11 =	vld [tilespmem:s15+$0x10000]  }
0x581: {  	s21 =	sor.u32 $0x380, s11;
	s20 =	simm.s32 $0x4;
	v2 =	vmul.f32 $4.096000000e+03, v2;
	v9 =	vtrunc.f32 v9;
	v7 =	vmin.f32 v7, $6.553500000e+04  }
0x582: {  	s26 =	sand.u32 $0x3, s20;
	v14 =	vadd.f32 $8.000000000e+00, v15;
	v13 =	vld [tilespmem:s21+$0x10000];
	v9 =	vcvt.f32.s32 v9;
	v7 =	vtrunc.f32 v7  }
0x583: {  	s6 =	sshll.u32 s26, $0x5;
	s7 =	simm.s32 $0x600;
	s5 =	simm.s32 $0xC0;
	v4 =	vmax.f32 v4, $0.0e+00;
	[tilespmem:s12+$0x10200] =	vst v5;
	v5 =	vcvt.f32.s32 v7;
	v12 =	vadd.f32 $8.000000000e+00, v12;
	v10 =	vld.idx.msk [tilespmem:v10+s4+$0x0], $0xffff  }
0x584: {  	s29 =	sand.u32 $0x3C00, s7;
	s28 =	sand.u32 $0x60, s5;
	s31 =	sadd.s32 $0x400, s6;
	v2 =	vmax.f32 v2, $0.0e+00;
	v7 =	vld.idx.msk [tilespmem:v0+s4+$0x0], $0xffff;
	v0 =	vmin.f32 v4, $6.553500000e+04;
	v4 =	vmul.f32 $4.096000000e+03, v14  }
0x585: {  	s18 =	sor.u32 s28, s29;
	s13 =	sadd.s32 $0x10, s31;
	v14 =	vld.idx.msk [tilespmem:v8+s4+$0x0], $0xffff;
	v0 =	vtrunc.f32 v0;
	v12 =	vmul.f32 $4.096000000e+03, v12;
	v8 =	vadd.f32 $8.000000000e+00, v11  }
0x586: {  	s11 =	sor.u32 $0x300, s13;
	[tilespmem:s12+$0x10290] =	vst v3;
	v11 =	vld [tilespmem:s18+$0x10210];
	v15 =	vcvt.f32.s32 v0;
	v0 =	vmin.f32 v2, $6.553500000e+04;
	v2 =	vmax.f32 v4, $0.0e+00  }
0x587: {  	v4 =	vld [tilespmem:s11+$0x10000];
	v0 =	vtrunc.f32 v0;
	v2 =	vmin.f32 v2, $6.553500000e+04;
	v8 =	vmul.f32 $4.096000000e+03, v8  }
0x588: {  	v3 =	vcvt.f32.s32 v0;
	v9 =	vld.idx.msk [tilespmem:v9+s4+$0x0], $0xffff;
	v0 =	vtrunc.f32 v2;
	v2 =	vadd.f32 $8.000000000e+00, v13  }
0x589: {  	v13 =	vcvt.f32.s32 v0;
	v62 =	vld.idx.msk [tilespmem:v5+s4+$0x0], $0xffff;
	v0 =	vmax.f32 v8, $0.0e+00  }
0x58a: {  	v12 =	vmax.f32 v12, $0.0e+00;
	v8 =	vld [tilespmem:s18+$0x10200];
	v2 =	vmul.f32 $4.096000000e+03, v2;
	v5 =	vmin.f32 v0, $6.553500000e+04  }
0x58b: {  	v0 =	vcvt.f32.s32 v6;
	v6 =	vld [tilespmem:s18+$0x10280];
	v11 =	vadd.f32 $8.000000000e+00, v11;
	v5 =	vtrunc.f32 v5  }
0x58c: {  	[tilespmem:s10+$0x10000] =	vst v1;
	v12 =	vmin.f32 v12, $6.553500000e+04;
	v4 =	vadd.f32 $8.000000000e+00, v4;
	v1 =	vld.idx.msk [tilespmem:v15+s4+$0x0], $0xffff;
	v15 =	vcvt.f32.s32 v5  }
0x58d: {  	v63 =	vld [tilespmem:s18+$0x10290];
	[tilespmem:s12+$0x10280] =	vst v7;
	s12 =	sor.u32 $0x300, s31;
	v2 =	vmax.f32 v2, $0.0e+00;
	v11 =	vmul.f32 $4.096000000e+03, v11;
	v5 =	vtrunc.f32 v12  }
0x58e: {  	v7 =	vld [tilespmem:s12+$0x10000];
	[tilespmem:s23+$0x10210] =	vst v9;
	v4 =	vmul.f32 $4.096000000e+03, v4;
	v2 =	vmin.f32 v2, $6.553500000e+04;
	v5 =	vcvt.f32.s32 v5  }
0x58f: {  	s10 =	sor.u32 $0x380, s24;
	[tilespmem:s19+$0x10000] =	vst v62;
	v2 =	vtrunc.f32 v2;
	v9 =	vadd.f32 $8.000000000e+00, v8;
	v12 =	vmax.f32 v11, $0.0e+00;
	v8 =	vld.idx.msk [tilespmem:v13+s4+$0x0], $0xffff  }
0x590: {  	s24 =	sor.u32 $0x380, s2;
	[tilespmem:s25+$0x10000] =	vst v14;
	v4 =	vmax.f32 v4, $0.0e+00;
	v11 =	vadd.f32 $8.000000000e+00, v6;
	v13 =	vmin.f32 v12, $6.553500000e+04;
	v6 =	vld [tilespmem:s10+$0x10000]  }
0x591: {  	s2 =	sor.u32 $0x380, s1;
	[tilespmem:s17+$0x10000] =	vst v10;
	s17 =	simm.s32 $0x5;
	v10 =	vmin.f32 v4, $6.553500000e+04;
	v4 =	vld [tilespmem:s24+$0x10000];
	v12 =	vmul.f32 $4.096000000e+03, v9;
	v9 =	vtrunc.f32 v13  }
0x592: {  	s1 =	simm.s32 $0x600;
	s25 =	sor.u32 $0x380, s31;
	s3 =	sand.u32 $0x3, s17;
	v13 =	vadd.f32 $8.000000000e+00, v63;
	[tilespmem:s23+$0x10200] =	vst v1;
	v10 =	vtrunc.f32 v10;
	v9 =	vcvt.f32.s32 v9;
	v1 =	vld.idx.msk [tilespmem:v15+s4+$0x0], $0xffff  }
.LBB2_19:
0x593: {  	s5 =	sadd.s32 $0x20, s5;
	v12 =	vmax.f32 v12, $0.0e+00;
	v11 =	vmul.f32 $4.096000000e+03, v11;
	s7 =	sadd.s32 $0x100, s7;
	s3 =	sshll.u32 s3, $0x5;
	v14 =	vld.idx.msk [tilespmem:v3+s4+$0x0], $0xffff;
	v10 =	vcvt.f32.s32 v10  }
0x594: {  	v7 =	vadd.f32 $8.000000000e+00, v7;
	s6 =	sand.u32 $0x60, s5;
	s8 =	sand.u32 $0x3C00, s7;
	v3 =	vmin.f32 v12, $6.553500000e+04;
	v12 =	vmul.f32 $4.096000000e+03, v13;
	s0 =	sadd.s32 s3, s0;
	v5 =	vld.idx.msk [tilespmem:v5+s4+$0x0], $0xffff  }
0x595: {  	s6 =	sor.u32 s6, s8;
	v3 =	vtrunc.f32 v3;
	v11 =	vmax.f32 v11, $0.0e+00;
	s19 =	sor.u32 $0x300, s0;
	s3 =	sadd.s32 $0x10, s0;
	v6 =	vadd.f32 $8.000000000e+00, v6;
	v13 =	vld.idx.msk [tilespmem:v0+s4+$0x0], $0xffff  }
0x596: {  	s20 =	sor.u32 $0x380, s0;
	s0 =	smov.u32 s1;
	v15 =	vld [tilespmem:s6+$0x10210];
	v16 =	vcvt.f32.s32 v3;
	v0 =	vmin.f32 v11, $6.553500000e+04;
	v3 =	vmax.f32 v12, $0.0e+00;
	[tilespmem:s23+$0x10290] =	vst v8;
	s8 =	sor.u32 $0x300, s3  }
0x597: {  	p0 =	slt.u32 s5, $0x7E0;
	s1 =	smov.u32 s7;
	v0 =	vtrunc.f32 v0;
	v8 =	vmin.f32 v3, $6.553500000e+04;
	v11 =	vld [tilespmem:s8+$0x10000];
	v6 =	vmul.f32 $4.096000000e+03, v6  }
0x598: {  	v4 =	vadd.f32 $8.000000000e+00, v4;
	v3 =	vcvt.f32.s32 v0;
	v9 =	vld.idx.msk [tilespmem:v9+s4+$0x0], $0xffff;
	v0 =	vtrunc.f32 v8;
	[tilespmem:s15+$0x10000] =	vst v1;
	s15 =	smov.u32 s10  }
0x599: {  	v7 =	vmul.f32 $4.096000000e+03, v7;
	v1 =	vcvt.f32.s32 v0;
	[tilespmem:s23+$0x10280] =	vst v14;
	v10 =	vld.idx.msk [tilespmem:v10+s4+$0x0], $0xffff;
	v0 =	vmax.f32 v6, $0.0e+00;
	s23 =	smov.u32 s18;
	s18 =	smov.u32 s6  }
0x59a: {  	v4 =	vmul.f32 $4.096000000e+03, v4;
	v6 =	vld [tilespmem:s18+$0x10200];
	[tilespmem:s22+$0x10000] =	vst v5;
	v5 =	vmin.f32 v0, $6.553500000e+04;
	v0 =	vcvt.f32.s32 v2;
	s22 =	smov.u32 s12;
	s12 =	smov.u32 s19  }
0x59b: {  	v7 =	vmax.f32 v7, $0.0e+00;
	v12 =	vld [tilespmem:s18+$0x10280];
	v2 =	vadd.f32 $8.000000000e+00, v15;
	v5 =	vtrunc.f32 v5;
	[tilespmem:s14+$0x10000] =	vst v13;
	s14 =	smov.u32 s21;
	s21 =	smov.u32 s24;
	s24 =	smov.u32 s2  }
0x59c: {  	v7 =	vmin.f32 v7, $6.553500000e+04;
	s2 =	smov.u32 s25;
	s25 =	smov.u32 s20;
	v14 =	vld.idx.msk [tilespmem:v16+s4+$0x0], $0xffff;
	v8 =	vadd.f32 $8.000000000e+00, v11;
	v15 =	vcvt.f32.s32 v5  }
0x59d: {  	v4 =	vmax.f32 v4, $0.0e+00;
	v5 =	vtrunc.f32 v7;
	v2 =	vmul.f32 $4.096000000e+03, v2;
	v13 =	vld [tilespmem:s18+$0x10290]  }
.Ltmp9:
0x59e: {  	v4 =	vmin.f32 v4, $6.553500000e+04;
	v5 =	vcvt.f32.s32 v5;
	[tilespmem:s23+$0x10210] =	vst v9;
	v7 =	vld [tilespmem:s12+$0x10000];
	v9 =	vmul.f32 $4.096000000e+03, v8;
	(pc) =	sbr.rel @p0 .LBB2_19-.Ltmp9, $4  }
0x59f: {  	s10 =	sor.u32 $0x380, s13;
	s13 =	smov.u32 s3;
	v16 =	vadd.f32 $8.000000000e+00, v6;
	v6 =	vmax.f32 v2, $0.0e+00;
	v8 =	vld.idx.msk [tilespmem:v1+s4+$0x0], $0xffff;
	[tilespmem:s11+$0x10000] =	vst v10;
	v2 =	vtrunc.f32 v4;
	s11 =	smov.u32 s8  }
0x5a0: {  	v11 =	vadd.f32 $8.000000000e+00, v12;
	v1 =	vmin.f32 v6, $6.553500000e+04;
	v4 =	vmax.f32 v9, $0.0e+00;
	v6 =	vld [tilespmem:s10+$0x10000]  }
0x5a1: {  	s17 =	sadd.s32 $0x1, s17;
	v12 =	vmul.f32 $4.096000000e+03, v16;
	v1 =	vtrunc.f32 v1;
	v10 =	vmin.f32 v4, $6.553500000e+04;
	v4 =	vld [tilespmem:s24+$0x10000]  }
0x5a2: {  	s3 =	sand.u32 $0x3, s17;
	v9 =	vcvt.f32.s32 v1;
	v13 =	vadd.f32 $8.000000000e+00, v13;
	[tilespmem:s23+$0x10200] =	vst v14;
	v10 =	vtrunc.f32 v10;
	v1 =	vld.idx.msk [tilespmem:v15+s4+$0x0], $0xffff  }
0x5a3: {  	v12 =	vmax.f32 v12, $0.0e+00  }
0x5a4: {  	v12 =	vmin.f32 v12, $6.553500000e+04  }
0x5a5: {  	v12 =	vtrunc.f32 v12  }
0x5a6: {  	v13 =	vmul.f32 $4.096000000e+03, v13;
	v12 =	vcvt.f32.s32 v12  }
0x5a7: {  	v11 =	vmul.f32 $4.096000000e+03, v11  }
0x5a8: {  	v13 =	vmax.f32 v13, $0.0e+00  }
0x5a9: {  	v11 =	vmax.f32 v11, $0.0e+00;
	v13 =	vmin.f32 v13, $6.553500000e+04  }
0x5aa: {  	v11 =	vmin.f32 v11, $6.553500000e+04;
	v13 =	vtrunc.f32 v13  }
0x5ab: {  	v9 =	vld.idx.msk [tilespmem:v9+s4+$0x0], $0xffff;
	v11 =	vtrunc.f32 v11;
	v13 =	vcvt.f32.s32 v13  }
0x5ac: {  	v11 =	vcvt.f32.s32 v11;
	v12 =	vld.idx.msk [tilespmem:v12+s4+$0x0], $0xffff;
	_ =	sdelay $0x3  }
0x5ad: {  	s3 =	sshll.u32 s3, $0x5;
	v3 =	vld.idx.msk [tilespmem:v3+s4+$0x0], $0xffff;
	[tilespmem:s18+$0x10210] =	vst v9  }
0x5ae: {  	s31 =	sadd.s32 $0x1, s17;
	s3 =	sadd.s32 s3, s0;
	v41 =	vld.idx.msk [tilespmem:v13+s4+$0x0], $0xffff;
	[tilespmem:s18+$0x10200] =	vst v12  }
0x5af: {  	s0 =	sand.u32 $0x3, s31;
	s6 =	sadd.s32 $0x10, s3;
	v11 =	vld.idx.msk [tilespmem:v11+s4+$0x0], $0xffff  }
0x5b0: {  	[tilespmem:s23+$0x10290] =	vst v8;
	s0 =	sshll.u32 s0, $0x5;
	s20 =	sor.u32 $0x300, s6  }
0x5b1: {  	v7 =	vadd.f32 $8.000000000e+00, v7;
	s5 =	sadd.s32 s0, s1;
	v42 =	vld [tilespmem:s20+$0x10000]  }
0x5b2: {  	s8 =	sor.u32 $0x300, s3;
	s7 =	sadd.s32 $0x10, s5;
	[tilespmem:s23+$0x10280] =	vst v3  }
0x5b3: {  	v7 =	vmul.f32 $4.096000000e+03, v7;
	s19 =	sor.u32 $0x300, s7;
	v3 =	vld [tilespmem:s8+$0x10000];
	[tilespmem:s18+$0x10290] =	vst v41  }
0x5b4: {  	v10 =	vcvt.f32.s32 v10;
	s1 =	sor.u32 $0x300, s5;
	v44 =	vld [tilespmem:s19+$0x10000];
	[tilespmem:s18+$0x10280] =	vst v11  }
0x5b5: {  	v7 =	vmax.f32 v7, $0.0e+00;
	v11 =	vld [tilespmem:s1+$0x10000]  }
0x5b6: {  	v7 =	vmin.f32 v7, $6.553500000e+04;
	v43 =	vadd.f32 $8.000000000e+00, v42  }
0x5b7: {  	v7 =	vtrunc.f32 v7  }
0x5b8: {  	v7 =	vcvt.f32.s32 v7;
	v8 =	vmul.f32 $4.096000000e+03, v43;
	v3 =	vadd.f32 $8.000000000e+00, v3  }
0x5b9: {  	v9 =	vadd.f32 $8.000000000e+00, v44  }
0x5ba: {  	v10 =	vld.idx.msk [tilespmem:v10+s4+$0x0], $0xffff;
	v8 =	vmax.f32 v8, $0.0e+00;
	v3 =	vmul.f32 $4.096000000e+03, v3;
	v11 =	vadd.f32 $8.000000000e+00, v11  }
0x5bb: {  	v8 =	vmin.f32 v8, $6.553500000e+04;
	v9 =	vmul.f32 $4.096000000e+03, v9  }
0x5bc: {  	v5 =	vld.idx.msk [tilespmem:v5+s4+$0x0], $0xffff;
	v8 =	vtrunc.f32 v8;
	v3 =	vmax.f32 v3, $0.0e+00;
	v11 =	vmul.f32 $4.096000000e+03, v11  }
0x5bd: {  	v8 =	vcvt.f32.s32 v8;
	v3 =	vmin.f32 v3, $6.553500000e+04;
	v9 =	vmax.f32 v9, $0.0e+00  }
0x5be: {  	v7 =	vld.idx.msk [tilespmem:v7+s4+$0x0], $0xffff;
	v3 =	vtrunc.f32 v3;
	v9 =	vmin.f32 v9, $6.553500000e+04;
	v11 =	vmax.f32 v11, $0.0e+00  }
0x5bf: {  	s13 =	sor.u32 $0x380, s13;
	[tilespmem:s11+$0x10000] =	vst v10;
	v3 =	vcvt.f32.s32 v3;
	v9 =	vtrunc.f32 v9;
	v11 =	vmin.f32 v11, $6.553500000e+04  }
0x5c0: {  	v46 =	vld [tilespmem:s13+$0x10000];
	v9 =	vcvt.f32.s32 v9;
	v45 =	vtrunc.f32 v11  }
0x5c1: {  	[tilespmem:s22+$0x10000] =	vst v5;
	v10 =	vcvt.f32.s32 v45  }
0x5c2: {  	v47 =	vld [tilespmem:s2+$0x10000]  }
0x5c3: {  	v4 =	vadd.f32 $8.000000000e+00, v4;
	[tilespmem:s12+$0x10000] =	vst v7;
	v8 =	vld.idx.msk [tilespmem:v8+s4+$0x0], $0xffff  }
0x5c4: {  	v6 =	vadd.f32 $8.000000000e+00, v6;
	v7 =	vld [tilespmem:s25+$0x10000]  }
0x5c5: {  	v4 =	vmul.f32 $4.096000000e+03, v4;
	v5 =	vadd.f32 $8.000000000e+00, v46;
	v3 =	vld.idx.msk [tilespmem:v3+s4+$0x0], $0xffff  }
0x5c6: {  	v6 =	vmul.f32 $4.096000000e+03, v6;
	v48 =	vld.idx.msk [tilespmem:v9+s4+$0x0], $0xffff  }
0x5c7: {  	v4 =	vmax.f32 v4, $0.0e+00;
	v5 =	vmul.f32 $4.096000000e+03, v5;
	v10 =	vld.idx.msk [tilespmem:v10+s4+$0x0], $0xffff  }
0x5c8: {  	v2 =	vcvt.f32.s32 v2;
	v6 =	vmax.f32 v6, $0.0e+00;
	v4 =	vmin.f32 v4, $6.553500000e+04;
	s18 =	sor.u32 $0x380, s6;
	[tilespmem:s20+$0x10000] =	vst v8  }
0x5c9: {  	v6 =	vmin.f32 v6, $6.553500000e+04;
	v52 =	vtrunc.f32 v4;
	v53 =	vmax.f32 v5, $0.0e+00;
	v49 =	vld [tilespmem:s18+$0x10000]  }
0x5ca: {  	s3 =	sor.u32 $0x380, s3;
	v50 =	vadd.f32 $8.000000000e+00, v47;
	v4 =	vmin.f32 v53, $6.553500000e+04;
	v7 =	vadd.f32 $8.000000000e+00, v7;
	[tilespmem:s8+$0x10000] =	vst v3  }
0x5cb: {  	s7 =	sor.u32 $0x380, s7;
	v6 =	vtrunc.f32 v6;
	v4 =	vtrunc.f32 v4;
	v55 =	vld [tilespmem:s3+$0x10000];
	[tilespmem:s19+$0x10000] =	vst v48  }
0x5cc: {  	s5 =	sor.u32 $0x380, s5;
	v7 =	vmul.f32 $4.096000000e+03, v7;
	v8 =	vmul.f32 $4.096000000e+03, v50;
	v51 =	vld [tilespmem:s7+$0x10000];
	[tilespmem:s1+$0x10000] =	vst v10  }
0x5cd: {  	v6 =	vcvt.f32.s32 v6;
	v4 =	vcvt.f32.s32 v4;
	v10 =	vld [tilespmem:s5+$0x10000]  }
0x5ce: {  	v7 =	vmax.f32 v7, $0.0e+00;
	v8 =	vmax.f32 v8, $0.0e+00;
	v54 =	vadd.f32 $8.000000000e+00, v49  }
0x5cf: {  	v3 =	vcvt.f32.s32 v52;
	v7 =	vmin.f32 v7, $6.553500000e+04;
	v8 =	vmin.f32 v8, $6.553500000e+04  }
0x5d0: {  	v7 =	vtrunc.f32 v7;
	v5 =	vmul.f32 $4.096000000e+03, v54;
	v9 =	vadd.f32 $8.000000000e+00, v55  }
0x5d1: {  	v8 =	vtrunc.f32 v8;
	v7 =	vcvt.f32.s32 v7;
	v11 =	vadd.f32 $8.000000000e+00, v51  }
0x5d2: {  	v5 =	vmax.f32 v5, $0.0e+00;
	v9 =	vmul.f32 $4.096000000e+03, v9;
	v10 =	vadd.f32 $8.000000000e+00, v10  }
0x5d3: {  	v8 =	vcvt.f32.s32 v8;
	v5 =	vmin.f32 v5, $6.553500000e+04;
	v11 =	vmul.f32 $4.096000000e+03, v11  }
0x5d4: {  	v5 =	vtrunc.f32 v5;
	v9 =	vmax.f32 v9, $0.0e+00;
	v10 =	vmul.f32 $4.096000000e+03, v10  }
0x5d5: {  	v0 =	vld.idx.msk [tilespmem:v0+s4+$0x0], $0xffff;
	v5 =	vcvt.f32.s32 v5;
	v9 =	vmin.f32 v9, $6.553500000e+04;
	v11 =	vmax.f32 v11, $0.0e+00  }
0x5d6: {  	v2 =	vld.idx.msk [tilespmem:v2+s4+$0x0], $0xffff;
	v9 =	vtrunc.f32 v9;
	v11 =	vmin.f32 v11, $6.553500000e+04;
	v10 =	vmax.f32 v10, $0.0e+00  }
0x5d7: {  	v6 =	vld.idx.msk [tilespmem:v6+s4+$0x0], $0xffff;
	v9 =	vcvt.f32.s32 v9;
	v11 =	vtrunc.f32 v11;
	v10 =	vmin.f32 v10, $6.553500000e+04  }
0x5d8: {  	v4 =	vld.idx.msk [tilespmem:v4+s4+$0x0], $0xffff;
	v11 =	vcvt.f32.s32 v11;
	v10 =	vtrunc.f32 v10  }
0x5d9: {  	[tilespmem:s15+$0x10000] =	vst v1;
	v56 =	vld.idx.msk [tilespmem:v3+s4+$0x0], $0xffff;
	v57 =	vcvt.f32.s32 v10  }
0x5da: {  	[tilespmem:s14+$0x10000] =	vst v0;
	v61 =	vld.idx.msk [tilespmem:v7+s4+$0x0], $0xffff  }
0x5db: {  	[tilespmem:s21+$0x10000] =	vst v2;
	v59 =	vld.idx.msk [tilespmem:v8+s4+$0x0], $0xffff  }
0x5dc: {  	[tilespmem:s10+$0x10000] =	vst v6;
	v58 =	vld.idx.msk [tilespmem:v5+s4+$0x0], $0xffff  }
0x5dd: {  	[tilespmem:s13+$0x10000] =	vst v4;
	v62 =	vld.idx.msk [tilespmem:v9+s4+$0x0], $0xffff  }
0x5de: {  	[tilespmem:s24+$0x10000] =	vst v56;
	v60 =	vld.idx.msk [tilespmem:v11+s4+$0x0], $0xffff  }
0x5df: {  	[tilespmem:s25+$0x10000] =	vst v61;
	v63 =	vld.idx.msk [tilespmem:v57+s4+$0x0], $0xffff  }
0x5e0: {  	[tilespmem:s2+$0x10000] =	vst v59  }
0x5e1: {  	[tilespmem:s18+$0x10000] =	vst v58  }
0x5e2: {  	[tilespmem:s3+$0x10000] =	vst v62  }
0x5e3: {  	[tilespmem:s7+$0x10000] =	vst v60  }
0x5e4: {  	[tilespmem:s5+$0x10000] =	vst v63  }
0x5e5: {  	s19 =	simm.s32 $0x10200;
	s1 =	rddreg [dreg:$0xd]  }
0x5e6: {  	[hbm4b:s1+s4] =	stream.linear.scatter [tilespmem:s19], [sflag:$0x5], $0x200, $0x38;
	[tilespmem:$0x1C000] =	vst v63  }
0x5e7: {  	s21 =	simm.s32 $0x10600;
	s20 =	sadd.s32 $0x80, s1  }
0x5e8: {  	[hbm4b:s20+s4] =	stream.linear.scatter [tilespmem:s21], [sflag:$0x5], $0x200, $0x38;
	[tilespmem:$0x1C000] =	vst v63  }
0x5e9: {  	s23 =	simm.s32 $0x10A00;
	s22 =	sadd.s32 $0x100, s1  }
0x5ea: {  	[hbm4b:s22+s4] =	stream.linear.scatter [tilespmem:s23], [sflag:$0x5], $0x200, $0x38;
	[tilespmem:$0x1C000] =	vst v63  }
0x5eb: {  	s25 =	simm.s32 $0x10E00;
	s24 =	sadd.s32 $0x180, s1  }
0x5ec: {  	[hbm4b:s24+s4] =	stream.linear.scatter [tilespmem:s25], [sflag:$0x5], $0x200, $0x38;
	[tilespmem:$0x1C000] =	vst v63  }
0x5ed: {  	s28 =	simm.s32 $0x11200;
	s26 =	sadd.s32 $0x200, s1  }
0x5ee: {  	[hbm4b:s26+s4] =	stream.linear.scatter [tilespmem:s28], [sflag:$0x5], $0x200, $0x38;
	[tilespmem:$0x1C000] =	vst v63  }
0x5ef: {  	s31 =	simm.s32 $0x11600;
	s29 =	sadd.s32 $0x280, s1  }
0x5f0: {  	[hbm4b:s29+s4] =	stream.linear.scatter [tilespmem:s31], [sflag:$0x5], $0x200, $0x38;
	[tilespmem:$0x1C000] =	vst v63  }
0x5f1: {  	s5 =	simm.s32 $0x11A00;
	s3 =	sadd.s32 $0x300, s1  }
0x5f2: {  	[hbm4b:s3+s4] =	stream.linear.scatter [tilespmem:s5], [sflag:$0x5], $0x200, $0x38;
	[tilespmem:$0x1C000] =	vst v63  }
0x5f3: {  	s7 =	simm.s32 $0x11E00;
	s6 =	sadd.s32 $0x380, s1  }
0x5f4: {  	[hbm4b:s6+s4] =	stream.linear.scatter [tilespmem:s7], [sflag:$0x5], $0x200, $0x38;
	[tilespmem:$0x1C000] =	vst v63  }
0x5f5: {  	s10 =	simm.s32 $0x12200;
	s8 =	sadd.s32 $0x400, s1  }
0x5f6: {  	[hbm4b:s8+s4] =	stream.linear.scatter [tilespmem:s10], [sflag:$0x5], $0x200, $0x38;
	[tilespmem:$0x1C000] =	vst v63  }
0x5f7: {  	s12 =	simm.s32 $0x12600;
	s11 =	sadd.s32 $0x480, s1  }
0x5f8: {  	[hbm4b:s11+s4] =	stream.linear.scatter [tilespmem:s12], [sflag:$0x5], $0x200, $0x38;
	[tilespmem:$0x1C000] =	vst v63  }
0x5f9: {  	s14 =	simm.s32 $0x12A00;
	s13 =	sadd.s32 $0x500, s1  }
0x5fa: {  	[hbm4b:s13+s4] =	stream.linear.scatter [tilespmem:s14], [sflag:$0x5], $0x200, $0x38;
	[tilespmem:$0x1C000] =	vst v63  }
0x5fb: {  	s17 =	simm.s32 $0x12E00;
	s15 =	sadd.s32 $0x580, s1  }
0x5fc: {  	[hbm4b:s15+s4] =	stream.linear.scatter [tilespmem:s17], [sflag:$0x5], $0x200, $0x38;
	[tilespmem:$0x1C000] =	vst v63  }
0x5fd: {  	s18 =	sadd.s32 $0x600, s1;
	s19 =	simm.s32 $0x13200  }
0x5fe: {  	[hbm4b:s18+s4] =	stream.linear.scatter [tilespmem:s19], [sflag:$0x5], $0x200, $0x38;
	[tilespmem:$0x1C000] =	vst v63  }
0x5ff: {  	s20 =	sadd.s32 $0x680, s1;
	s21 =	simm.s32 $0x13600  }
0x600: {  	[hbm4b:s20+s4] =	stream.linear.scatter [tilespmem:s21], [sflag:$0x5], $0x200, $0x38;
	[tilespmem:$0x1C000] =	vst v63  }
0x601: {  	s22 =	sadd.s32 $0x700, s1;
	s23 =	simm.s32 $0x13A00  }
0x602: {  	[hbm4b:s22+s4] =	stream.linear.scatter [tilespmem:s23], [sflag:$0x5], $0x200, $0x38;
	[tilespmem:$0x1C000] =	vst v63  }
0x603: {  	s24 =	sadd.s32 $0x780, s1;
	s25 =	simm.s32 $0x13E00  }
0x604: {  	[hbm4b:s24+s4] =	stream.linear.scatter [tilespmem:s25], [sflag:$0x5], $0x200, $0x38;
	[tilespmem:$0x1C000] =	vst v63  }
0x605: {  	_ =	swait.ge [sflag:s16], $0x4000  }
0x606: {  	[sflag:s16] =	ssyncset.done $0x0  }
0x607: {  	s26 =	simm.s32 $0x6;
	[sflag:s16] =	ssyncadd.s32 $0xFFFFC000  }
0x608: {  	_ =	swait.ge [sflag:s26], $0x4000  }
0x609: {  	[sflag:s26] =	ssyncset.done $0x0  }
0x60a: {  	s28 =	simm.s32 $0x7;
	[sflag:s26] =	ssyncadd.s32 $0xFFFFC000  }
0x60b: {  	_ =	swait.ge [sflag:s28], $0x4000  }
0x60c: {  	s29 =	rddreg [dreg:$0xf]  }
0x60d: {  	s31 =	rddreg [dreg:$0xe];
	s2 =	sadd.s32 $0x1, s29  }
0x60e: {  	p0 =	sne.s32 s2, s31  }
.Ltmp10:
0x60f: {  	_ = 	snop;
	(pc) =	sbr.rel @p0 .LBB2_1-.Ltmp10, $3  }
0x610: {  	_ =	sdelay $0x1  }
0x611: {  	[sflag:s28] =	ssyncset.done $0x0  }
0x612: {  	s19 =	simm.s32 $0x14000;
	[sflag:s28] =	ssyncadd.s32 $0xFFFFC000  }
0x613: {  	_ =	sfence.sel $0x180000  }
0x614: {  	[bflag:$0x0] =	sbarrier.arrive $0xFFFF  }
0x615: {  	_ =	strace $0x90000047  }
0x616: {  	s0 =	stileid.u32;
	[bflag:$0x2] =	sbarrier.arrive $0xFFFF  }
0x617: {  	p0 =	sne.s32 s0, $0x0;
	s0 =	rddreg [dreg:$0x3]  }
0x618: {  	s0 =	sadd.s32 @!p0 $0x100000, s0  }
0x619: {  	[sflag:s0] =	ssyncadd.tile.s32 @!p0 $0x1;
	_ =	shalt  }
.Lfunc_end2:
_tile_overlayer_lowered:
.L_overlay_start_2:
0x61a: {  	(tag) =	ssettag $0x2  }
0x61b: {  	s0 =	rddreg [dreg:$0x0];
	s2 =	stileid.u32  }
0x61c: {  	s1 =	rddreg [dreg:$0x1];
	p0 =	sne.s32 s2, $0x0  }
0x61d: {  	s3 =	rddreg [dreg:$0x2];
	[bflag:$0x3] =	sbarrier.arrive $0xFFFF;
	s2 =	simm.s32 @!p0 $0x1C08  }
0x61e: {  	[timem:s3], [sflag:s2] =	dma.local @!p0 [hbm:s0], s1  }
0x61f: {  	s0 =	simm.s32 @!p0 $0x8  }
0x620: {  	_ =	swait.ge @!p0 [sflag:s0], s1  }
0x621: {  	s1 =	ssub.s32 @!p0 $0x0, s1;
	[sflag:s0] =	ssyncset.done @!p0 $0x0  }
0x622: {  	[sflag:s0] =	ssyncadd.s32 @!p0 s1  }
0x623: {  	[bflag:$0x3] =	sbarrier.arrive $0xFFFF  }
0x624: {  	_ =	shalt  }

</sc_bundles>
